<compile_context>
chip_gen: v7x
topology: tpu7x:2x2x1
jax: 0.10.2.dev20260603
libtpu: 0.0.44.dev20260713+nightly
codegen_flags: <defaults>
</compile_context>

<pallas_src>
import functools

import jax
import jax.numpy as jnp
from jax import lax
from jax.experimental import pallas as pl
from jax.experimental.pallas import tpu as pltpu
from jax.experimental.pallas import tpu_sc as plsc

_PCT = 95
_MIN_SCALE = 1e-06
_MAX_SCALE = 1000000.0
_INF_BITS = 0x7F800000

_N = 128 * 8192
_NS = 16
_L = 16
_PER_T = _N // _NS
_VECS = _PER_T // _L


def _tc1_body(x_ref, p_ref, s_ref):
    x = x_ref[:]
    a = jnp.abs(x)
    mask = a > 1e-08
    n0 = jnp.sum(mask.astype(jnp.int32))
    n0f = n0.astype(jnp.float32)
    s = jnp.sum(jnp.where(mask, a, 0.0))
    mean = s / jnp.maximum(n0f, 1.0)
    d = a - mean
    ss = jnp.sum(jnp.where(mask, d * d, 0.0))
    var = ss / jnp.maximum(n0f - 1.0, 1.0)
    std = jnp.sqrt(var)
    refined = mask & (jnp.abs(d) <= 3.0 * std)
    nr = jnp.sum(refined.astype(jnp.int32))
    use_refined = (n0 > 10) & (nr > 0)
    n = jnp.where(use_refined, nr, n0)
    k = jnp.clip((_PCT * n) // 100, 0, n - 1)
    r = k + 1
    sel = (refined & use_refined) | (mask & jnp.logical_not(use_refined))
    bits = lax.bitcast_convert_type(a, jnp.int32)
    p_ref[:] = jnp.where(sel, bits, _INF_BITS)
    cols = lax.broadcasted_iota(jnp.int32, (8, 128), 1)
    s_ref[:] = jnp.where(
        cols < 16, r, jnp.where(cols < 32, n, jnp.where(cols < 48, n0, 0))
    )


def _tc2_body(x_ref, a_ref, s_ref, o_ref):
    ans = a_ref[0]
    n = s_ref[16]
    n0 = s_ref[32]
    val = lax.bitcast_convert_type(ans, jnp.float32)
    val = jnp.where(n == 0, 1.0, val)
    value = jnp.clip(val, _MIN_SCALE, _MAX_SCALE)
    value = jnp.where(n0 == 0, 1.0, value)
    value = jnp.clip(value, _MIN_SCALE, _MAX_SCALE)
    o_ref[:] = x_ref[:] / (value + 1e-08)


def _cum_search(ghist_v, cums_ref, tmpa_v, tmpb_v, r_spl, nb):
    nchunk = nb // _L

    @plsc.parallel_loop(0, nchunk, unroll=8)
    def _(j):
        cums_ref[pl.ds(j * _L, _L)] = plsc.cumsum(ghist_v[pl.ds(j * _L, _L)])

    lane = lax.broadcasted_iota(jnp.int32, (_L,), 0)
    zero = jnp.zeros((_L,), jnp.int32)

    def group(g, carry):
        gtot, cfound, cprefix = carry
        idx = g * (_L * _L) + lane * _L + (_L - 1)
        totals = plsc.load_gather(cums_ref, [idx])
        gcs = plsc.cumsum(totals) + gtot
        ge = gcs >= r_spl
        anyv = plsc.all_reduce_population_count(ge)
        ffs = jnp.minimum(plsc.all_reduce_ffs(ge), _L - 1)
        tmpa_v[...] = gcs - totals
        pref = plsc.load_gather(tmpa_v, [ffs])
        tmpb_v[...] = gcs
        gtot_new = plsc.load_gather(tmpb_v, [jnp.full((_L,), _L - 1, jnp.int32)])
        newly = (cfound < 0) & (anyv > 0)
        cfound = jnp.where(newly, g * _L + ffs, cfound)
        cprefix = jnp.where(newly, pref, cprefix)
        return (gtot_new, cfound, cprefix)

    init = (zero, zero - 1, zero)
    _, cfound, cprefix = lax.fori_loop(0, nchunk // _L, group, init)
    c = jnp.max(jnp.maximum(cfound, 0))
    cs = cums_ref[pl.ds(c * _L, _L)] + cprefix
    h = ghist_v[pl.ds(c * _L, _L)]
    ge = cs >= r_spl
    ffs = jnp.minimum(plsc.all_reduce_ffs(ge), _L - 1)
    tmpa_v[...] = cs - h
    cbel = plsc.load_gather(tmpa_v, [ffs])
    return c * _L + ffs, cbel


_SKEW = 2081
_ROW = 2080
_DUMMY = 2064


def _zero_hist(h_ref, nb):
    zero = jnp.zeros((_L,), jnp.int32)
    for row in range(_NS):

        @plsc.parallel_loop(0, nb // _L, unroll=8)
        def _(col, row=row):
            h_ref[pl.ds(row * _SKEW + col * _L, _L)] = zero


def _hist_round(p_v, h_ref, rowbuf_v, sh_ref, shg_ref, ghist_v, tmpa_v,
                tmpb_v, sid, r_spl, nb, bin_fn, mask_fn):
    _zero_hist(h_ref, nb)
    lane_off = lax.broadcasted_iota(jnp.int32, (_L,), 0) * _SKEW
    ones = jnp.ones((_L,), jnp.int32)

    @plsc.parallel_loop(0, _VECS, unroll=16)
    def _(i):
        v = p_v[pl.ds(i * _L, _L)]
        bins = jnp.where(mask_fn(v), bin_fn(v), _DUMMY)
        plsc.addupdate_scatter(h_ref, [lane_off + bins], ones)

    @plsc.parallel_loop(0, nb // _L, unroll=4)
    def _(j):
        acc = jnp.zeros((_L,), jnp.int32)
        for row in range(_NS):
            acc = acc + h_ref[pl.ds(row * _SKEW + j * _L, _L)]
        rowbuf_v[pl.ds(j * _L, _L)] = acc

    pltpu.sync_copy(rowbuf_v.at[pl.ds(0, nb)], sh_ref.at[pl.ds(sid * nb, nb)])
    plsc.subcore_barrier()

    sb = nb // _NS
    for row in range(_NS):
        pltpu.sync_copy(
            sh_ref.at[pl.ds(row * nb + sid * sb, sb)],
            h_ref.at[pl.ds(row * _ROW, sb)],
        )

    @plsc.parallel_loop(0, sb // _L, unroll=4)
    def _(j):
        acc = jnp.zeros((_L,), jnp.int32)
        for row in range(_NS):
            acc = acc + h_ref[pl.ds(row * _ROW + j * _L, _L)]
        rowbuf_v[pl.ds(j * _L, _L)] = acc

    pltpu.sync_copy(rowbuf_v.at[pl.ds(0, sb)], shg_ref.at[pl.ds(sid * sb, sb)])
    plsc.subcore_barrier()
    pltpu.sync_copy(shg_ref.at[pl.ds(0, nb)], ghist_v.at[pl.ds(0, nb)])

    return _cum_search(ghist_v, h_ref, tmpa_v, tmpb_v, r_spl, nb)


def _sc_select_make():
    mesh = plsc.VectorSubcoreMesh(
        core_axis_name="c", subcore_axis_name="s", num_cores=2, num_subcores=_NS
    )

    @functools.partial(
        pl.kernel,
        out_type=jax.ShapeDtypeStruct((_L,), jnp.int32),
        mesh=mesh,
        compiler_params=pltpu.CompilerParams(needs_layout_passes=False),
        scratch_types=dict(
            p_v=pltpu.VMEM((_PER_T,), jnp.int32),
            h_v=pltpu.VMEM((_NS * _ROW,), jnp.int32),
            rowbuf_v=pltpu.VMEM((2048,), jnp.int32),
            ghist_v=pltpu.VMEM((2048,), jnp.int32),
            r_v=pltpu.VMEM((3 * _L,), jnp.int32),
            tmpa_v=pltpu.VMEM((_L,), jnp.int32),
            tmpb_v=pltpu.VMEM((_L,), jnp.int32),
            out_v=pltpu.VMEM((_L,), jnp.int32),
            sh_a=pltpu.VMEM_SHARED((_NS * 1024,), jnp.int32),
            sh_g=pltpu.VMEM_SHARED((2048,), jnp.int32),
            sh_b=pltpu.VMEM_SHARED((_NS * 2048,), jnp.int32),
            sh_c=pltpu.VMEM_SHARED((_NS * 1024,), jnp.int32),
        ),
    )
    def sc_select(p_hbm, st_hbm, ans_hbm, *, p_v, h_v, rowbuf_v, ghist_v,
                  r_v, tmpa_v, tmpb_v, out_v, sh_a, sh_b, sh_c, sh_g):
        cid = lax.axis_index("c")
        sid = lax.axis_index("s")
        pltpu.sync_copy(p_hbm.at[pl.ds(sid * _PER_T, _PER_T)], p_v)
        pltpu.sync_copy(st_hbm.at[pl.ds(0, 3 * _L)], r_v)
        r1 = r_v[pl.ds(0, _L)]

        b1, cb1 = _hist_round(
            p_v, h_v, rowbuf_v, sh_a, sh_g, ghist_v, tmpa_v, tmpb_v, sid,
            r1, 1024,
            lambda v: lax.shift_right_logical(v, 21),
            lambda v: jnp.ones((_L,), jnp.bool_),
        )
        r2 = r1 - cb1

        b2, cb2 = _hist_round(
            p_v, h_v, rowbuf_v, sh_b, sh_g, ghist_v, tmpa_v, tmpb_v, sid,
            r2, 2048,
            lambda v: lax.shift_right_logical(v, 10) & 0x7FF,
            lambda v: lax.shift_right_logical(v, 21) == b1,
        )
        r3 = r2 - cb2
        pre2 = (b1 << 11) | b2

        b3, _ = _hist_round(
            p_v, h_v, rowbuf_v, sh_c, sh_g, ghist_v, tmpa_v, tmpb_v, sid,
            r3, 1024,
            lambda v: v & 0x3FF,
            lambda v: lax.shift_right_logical(v, 10) == pre2,
        )

        ans = (b1 << 21) | (b2 << 10) | b3

        @pl.when((cid == 0) & (sid == 0))
        def _():
            out_v[...] = ans
            pltpu.sync_copy(out_v, ans_hbm)

    return sc_select


def kernel(x):
    p, stats = pl.pallas_call(
        _tc1_body,
        out_shape=(
            jax.ShapeDtypeStruct(x.shape, jnp.int32),
            jax.ShapeDtypeStruct((8, 128), jnp.int32),
        ),
    )(x)
    st_flat = stats.reshape(-1)
    ansv = _sc_select_make()(p.reshape(-1), st_flat)
    return pl.pallas_call(
        _tc2_body,
        out_shape=jax.ShapeDtypeStruct(x.shape, x.dtype),
        in_specs=[
            pl.BlockSpec(memory_space=pltpu.VMEM),
            pl.BlockSpec(memory_space=pltpu.SMEM),
            pl.BlockSpec(memory_space=pltpu.SMEM),
        ],
        out_specs=pl.BlockSpec(memory_space=pltpu.VMEM),
    )(x, ansv, st_flat)

# --- scband reference (transcript-rebuilt; emitter-appended) ---
"""Pipeline reference for scband-improved-running-scale-10746008175546 (READ-ONLY COPY).

The authoritative reference and input builder live on the scoring server;
editing this copy changes nothing except your own understanding.
"""

import jax, jax.numpy as jnp
import numpy as np

PERCENTILE = 95.0
MIN_SCALE = 1e-06
MAX_SCALE = 1000000.0


def _compute_percentile(flat_x, mask):
    n0 = mask.sum()
    mean_val = jnp.mean(flat_x, where=mask)
    std_val = jnp.std(flat_x, ddof=1, where=mask)  # torch.std is unbiased by default
    refined = mask & (jnp.abs(flat_x - mean_val) <= 3 * std_val)
    nr = refined.sum()
    use_refined = (n0 > 10) & (nr > 0)
    sel = jnp.where(use_refined, refined, mask)
    n = jnp.where(use_refined, nr, n0)
    k = (int(PERCENTILE) * n) // 100
    k = jnp.clip(k, 0, n - 1)
    sorted_x = jnp.sort(jnp.where(sel, flat_x, jnp.inf))
    val = sorted_x[k]
    return jnp.where(n == 0, jnp.asarray(1.0, dtype=flat_x.dtype), val)


def _compute_scale(x):
    # Mirrors update() on the first call (_update_count == 0): _value <- current_scale.
    abs_x = jnp.abs(x).reshape(-1)
    valid_mask = abs_x > 1e-08
    valid_count = valid_mask.sum()
    current_scale = _compute_percentile(abs_x, valid_mask)
    clipped = jnp.clip(current_scale, MIN_SCALE, MAX_SCALE)
    # update() early-returns when no valid entries; buffer stays at its initial value 1.0
    value = jnp.where(valid_count == 0, jnp.asarray(1.0, dtype=x.dtype), clipped)
    # __call__ clamps the buffer value again before dividing
    return jnp.clip(value, MIN_SCALE, MAX_SCALE)


def setup_inputs(seed: int = 0) -> dict:
    key = jax.random.key(seed)
    x = jax.random.normal(key, (128, 8192), dtype=jnp.float32)
    return {"x": x}


def reference(x):
    scale_value = _compute_scale(x)
    return x / (scale_value + 1e-08)

if __name__ == "__main__":
    import jax
    _d = setup_inputs()
    print(jax.jit(kernel)(*tuple(_d.values())))

</pallas_src>

<mosaic_0001>
#map = affine_map<(d0, d1) -> (0)>
module attributes {stable_mosaic.version = 14 : i64} {
  func.func @sc_select(%arg0: i32, %arg1: i32, %arg2: memref<1048576xi32, #tpu.memory_space<hbm>>, %arg3: memref<1024xi32, #tpu.memory_space<hbm>>, %arg4: memref<16xi32, #tpu.memory_space<hbm>>, %arg5: memref<2048xi32, #tpu.memory_space<vmem>>, %arg6: memref<33280xi32, #tpu.memory_space<vmem>>, %arg7: memref<16xi32, #tpu.memory_space<vmem>>, %arg8: memref<65536xi32, #tpu.memory_space<vmem>>, %arg9: memref<48xi32, #tpu.memory_space<vmem>>, %arg10: memref<2048xi32, #tpu.memory_space<vmem>>, %arg11: memref<16384xi32, #tpu.memory_space<vmem_shared>>, %arg12: memref<32768xi32, #tpu.memory_space<vmem_shared>>, %arg13: memref<16384xi32, #tpu.memory_space<vmem_shared>>, %arg14: memref<2048xi32, #tpu.memory_space<vmem_shared>>, %arg15: memref<16xi32, #tpu.memory_space<vmem>>, %arg16: memref<16xi32, #tpu.memory_space<vmem>>) attributes {dimension_semantics = [#tpu.dimension_semantics<core_parallel>, #tpu.dimension_semantics<subcore_parallel>], iteration_bounds = array<i64: 2, 16>, scalar_prefetch = 0 : i64, scratch_operands = 12 : i64, tpu.core_type = #tpu.core_type<sc_vector_subcore>, window_params = [{transform_indices = #map}, {transform_indices = #map}, {transform_indices = #map}]} {
    %mul3A = arith.constant 65536 : i32
    %mul3A_0 = arith.muli %arg1, %mul3A : i32
    "tpu.region"() ({
      %run_scoped3A = tpu.sem_alloc : memref<!tpu.dma_semaphore, #tpu.memory_space<semaphore_mem>>
      %dma_start3A = tpu.memref_slice %arg2[%mul3A_0] : memref<1048576xi32, #tpu.memory_space<hbm>> -> memref<65536xi32, #tpu.memory_space<hbm>>
      %dma_start3A_553 = tpu.memref_slice %arg2[%mul3A_0] : memref<1048576xi32, #tpu.memory_space<hbm>> -> memref<65536xi32, #tpu.memory_space<hbm>>
      tpu.enqueue_dma source(%dma_start3A_553 : memref<65536xi32, #tpu.memory_space<hbm>>) target(%arg8 : memref<65536xi32, #tpu.memory_space<vmem>>) target_semaphore(%run_scoped3A : memref<!tpu.dma_semaphore, #tpu.memory_space<semaphore_mem>>)
      %dma_wait3A = tpu.memref_slice %arg2[%mul3A_0] : memref<1048576xi32, #tpu.memory_space<hbm>> -> memref<65536xi32, #tpu.memory_space<hbm>>
      %dma_wait3A_554 = tpu.memref_slice %arg2[%mul3A_0] : memref<1048576xi32, #tpu.memory_space<hbm>> -> memref<65536xi32, #tpu.memory_space<hbm>>
      tpu.wait_dma2 semaphore(%run_scoped3A : memref<!tpu.dma_semaphore, #tpu.memory_space<semaphore_mem>>) src(%dma_wait3A_554 : memref<65536xi32, #tpu.memory_space<hbm>>) dst(%arg8 : memref<65536xi32, #tpu.memory_space<vmem>>)
      tpu.yield
    }) : () -> ()
    "tpu.region"() ({
      %run_scoped3A = tpu.sem_alloc : memref<!tpu.dma_semaphore, #tpu.memory_space<semaphore_mem>>
      %dma_start3A = arith.constant 0 : i32
      %dma_start3A_553 = tpu.memref_slice %arg3[%dma_start3A] : memref<1024xi32, #tpu.memory_space<hbm>> -> memref<48xi32, #tpu.memory_space<hbm>>
      %dma_start3A_554 = arith.constant 0 : i32
      %dma_start3A_555 = tpu.memref_slice %arg3[%dma_start3A_554] : memref<1024xi32, #tpu.memory_space<hbm>> -> memref<48xi32, #tpu.memory_space<hbm>>
      tpu.enqueue_dma source(%dma_start3A_555 : memref<48xi32, #tpu.memory_space<hbm>>) target(%arg9 : memref<48xi32, #tpu.memory_space<vmem>>) target_semaphore(%run_scoped3A : memref<!tpu.dma_semaphore, #tpu.memory_space<semaphore_mem>>)
      %dma_wait3A = arith.constant 0 : i32
      %dma_wait3A_556 = tpu.memref_slice %arg3[%dma_wait3A] : memref<1024xi32, #tpu.memory_space<hbm>> -> memref<48xi32, #tpu.memory_space<hbm>>
      %dma_wait3A_557 = arith.constant 0 : i32
      %dma_wait3A_558 = tpu.memref_slice %arg3[%dma_wait3A_557] : memref<1024xi32, #tpu.memory_space<hbm>> -> memref<48xi32, #tpu.memory_space<hbm>>
      tpu.wait_dma2 semaphore(%run_scoped3A : memref<!tpu.dma_semaphore, #tpu.memory_space<semaphore_mem>>) src(%dma_wait3A_558 : memref<48xi32, #tpu.memory_space<hbm>>) dst(%arg9 : memref<48xi32, #tpu.memory_space<vmem>>)
      tpu.yield
    }) : () -> ()
    %get3A = arith.constant 0 : index
    %get3A_1 = tpu.vector_load %arg9[%get3A] {strides = array<i32>} : memref<48xi32, #tpu.memory_space<vmem>>, vector<16xi32>,
    %broadcast_in_dim3A = arith.constant 0 : i32
    %broadcast_in_dim3A_2 = vector.broadcast %broadcast_in_dim3A : i32 to vector<16xi32>
    %parallel_loop3A = arith.constant 0 : i32
    %parallel_loop3A_3 = arith.constant 64 : i32
    %parallel_loop3A_4 = arith.constant 1 : i32
    scf.for %parallel_loop3A_553 = %parallel_loop3A to %parallel_loop3A_3 step %parallel_loop3A_4  : i32 {
      %parallel_loop3A_554 = arith.constant 16 : i32
      %parallel_loop3A_555 = arith.muli %parallel_loop3A_553, %parallel_loop3A_554 : i32
      %parallel_loop3A_556 = arith.constant 0 : i32
      %parallel_loop3A_557 = arith.addi %parallel_loop3A_556, %parallel_loop3A_555 : i32
      %parallel_loop3A_558 = arith.index_cast %parallel_loop3A_557 : i32 to index
      %parallel_loop3A_559 = tpu.vector_load %arg6[%parallel_loop3A_558] {strides = array<i32>} : memref<33280xi32, #tpu.memory_space<vmem>>, vector<16xi32>,
      tpu.vector_store %arg6[%parallel_loop3A_558], %broadcast_in_dim3A_2 {strides = array<i32>} : memref<33280xi32, #tpu.memory_space<vmem>>, vector<16xi32>,
    } {sc.loop_unroll_factor = 8 : i64, sc.parallel_access}
    %parallel_loop3A_5 = arith.constant 0 : i32
    %parallel_loop3A_6 = arith.constant 64 : i32
    %parallel_loop3A_7 = arith.constant 1 : i32
    scf.for %parallel_loop3A_553 = %parallel_loop3A_5 to %parallel_loop3A_6 step %parallel_loop3A_7  : i32 {
      %parallel_loop3A_554 = arith.constant 16 : i32
      %parallel_loop3A_555 = arith.muli %parallel_loop3A_553, %parallel_loop3A_554 : i32
      %parallel_loop3A_556 = arith.constant 2081 : i32
      %parallel_loop3A_557 = arith.addi %parallel_loop3A_556, %parallel_loop3A_555 : i32
      %parallel_loop3A_558 = arith.index_cast %parallel_loop3A_557 : i32 to index
      %parallel_loop3A_559 = tpu.vector_load %arg6[%parallel_loop3A_558] {strides = array<i32>} : memref<33280xi32, #tpu.memory_space<vmem>>, vector<16xi32>,
      tpu.vector_store %arg6[%parallel_loop3A_558], %broadcast_in_dim3A_2 {strides = array<i32>} : memref<33280xi32, #tpu.memory_space<vmem>>, vector<16xi32>,
    } {sc.loop_unroll_factor = 8 : i64, sc.parallel_access}
    %parallel_loop3A_8 = arith.constant 0 : i32
    %parallel_loop3A_9 = arith.constant 64 : i32
    %parallel_loop3A_10 = arith.constant 1 : i32
    scf.for %parallel_loop3A_553 = %parallel_loop3A_8 to %parallel_loop3A_9 step %parallel_loop3A_10  : i32 {
      %parallel_loop3A_554 = arith.constant 16 : i32
      %parallel_loop3A_555 = arith.muli %parallel_loop3A_553, %parallel_loop3A_554 : i32
      %parallel_loop3A_556 = arith.constant 4162 : i32
      %parallel_loop3A_557 = arith.addi %parallel_loop3A_556, %parallel_loop3A_555 : i32
      %parallel_loop3A_558 = arith.index_cast %parallel_loop3A_557 : i32 to index
      %parallel_loop3A_559 = tpu.vector_load %arg6[%parallel_loop3A_558] {strides = array<i32>} : memref<33280xi32, #tpu.memory_space<vmem>>, vector<16xi32>,
      tpu.vector_store %arg6[%parallel_loop3A_558], %broadcast_in_dim3A_2 {strides = array<i32>} : memref<33280xi32, #tpu.memory_space<vmem>>, vector<16xi32>,
    } {sc.loop_unroll_factor = 8 : i64, sc.parallel_access}
    %parallel_loop3A_11 = arith.constant 0 : i32
    %parallel_loop3A_12 = arith.constant 64 : i32
    %parallel_loop3A_13 = arith.constant 1 : i32
    scf.for %parallel_loop3A_553 = %parallel_loop3A_11 to %parallel_loop3A_12 step %parallel_loop3A_13  : i32 {
      %parallel_loop3A_554 = arith.constant 16 : i32
      %parallel_loop3A_555 = arith.muli %parallel_loop3A_553, %parallel_loop3A_554 : i32
      %parallel_loop3A_556 = arith.constant 6243 : i32
      %parallel_loop3A_557 = arith.addi %parallel_loop3A_556, %parallel_loop3A_555 : i32
      %parallel_loop3A_558 = arith.index_cast %parallel_loop3A_557 : i32 to index
      %parallel_loop3A_559 = tpu.vector_load %arg6[%parallel_loop3A_558] {strides = array<i32>} : memref<33280xi32, #tpu.memory_space<vmem>>, vector<16xi32>,
      tpu.vector_store %arg6[%parallel_loop3A_558], %broadcast_in_dim3A_2 {strides = array<i32>} : memref<33280xi32, #tpu.memory_space<vmem>>, vector<16xi32>,
    } {sc.loop_unroll_factor = 8 : i64, sc.parallel_access}
    %parallel_loop3A_14 = arith.constant 0 : i32
    %parallel_loop3A_15 = arith.constant 64 : i32
    %parallel_loop3A_16 = arith.constant 1 : i32
    scf.for %parallel_loop3A_553 = %parallel_loop3A_14 to %parallel_loop3A_15 step %parallel_loop3A_16  : i32 {
      %parallel_loop3A_554 = arith.constant 16 : i32
      %parallel_loop3A_555 = arith.muli %parallel_loop3A_553, %parallel_loop3A_554 : i32
      %parallel_loop3A_556 = arith.constant 8324 : i32
      %parallel_loop3A_557 = arith.addi %parallel_loop3A_556, %parallel_loop3A_555 : i32
      %parallel_loop3A_558 = arith.index_cast %parallel_loop3A_557 : i32 to index
      %parallel_loop3A_559 = tpu.vector_load %arg6[%parallel_loop3A_558] {strides = array<i32>} : memref<33280xi32, #tpu.memory_space<vmem>>, vector<16xi32>,
      tpu.vector_store %arg6[%parallel_loop3A_558], %broadcast_in_dim3A_2 {strides = array<i32>} : memref<33280xi32, #tpu.memory_space<vmem>>, vector<16xi32>,
    } {sc.loop_unroll_factor = 8 : i64, sc.parallel_access}
    %parallel_loop3A_17 = arith.constant 0 : i32
    %parallel_loop3A_18 = arith.constant 64 : i32
    %parallel_loop3A_19 = arith.constant 1 : i32
    scf.for %parallel_loop3A_553 = %parallel_loop3A_17 to %parallel_loop3A_18 step %parallel_loop3A_19  : i32 {
      %parallel_loop3A_554 = arith.constant 16 : i32
      %parallel_loop3A_555 = arith.muli %parallel_loop3A_553, %parallel_loop3A_554 : i32
      %parallel_loop3A_556 = arith.constant 10405 : i32
      %parallel_loop3A_557 = arith.addi %parallel_loop3A_556, %parallel_loop3A_555 : i32
      %parallel_loop3A_558 = arith.index_cast %parallel_loop3A_557 : i32 to index
      %parallel_loop3A_559 = tpu.vector_load %arg6[%parallel_loop3A_558] {strides = array<i32>} : memref<33280xi32, #tpu.memory_space<vmem>>, vector<16xi32>,
      tpu.vector_store %arg6[%parallel_loop3A_558], %broadcast_in_dim3A_2 {strides = array<i32>} : memref<33280xi32, #tpu.memory_space<vmem>>, vector<16xi32>,
    } {sc.loop_unroll_factor = 8 : i64, sc.parallel_access}
    %parallel_loop3A_20 = arith.constant 0 : i32
    %parallel_loop3A_21 = arith.constant 64 : i32
    %parallel_loop3A_22 = arith.constant 1 : i32
    scf.for %parallel_loop3A_553 = %parallel_loop3A_20 to %parallel_loop3A_21 step %parallel_loop3A_22  : i32 {
      %parallel_loop3A_554 = arith.constant 16 : i32
      %parallel_loop3A_555 = arith.muli %parallel_loop3A_553, %parallel_loop3A_554 : i32
      %parallel_loop3A_556 = arith.constant 12486 : i32
      %parallel_loop3A_557 = arith.addi %parallel_loop3A_556, %parallel_loop3A_555 : i32
      %parallel_loop3A_558 = arith.index_cast %parallel_loop3A_557 : i32 to index
      %parallel_loop3A_559 = tpu.vector_load %arg6[%parallel_loop3A_558] {strides = array<i32>} : memref<33280xi32, #tpu.memory_space<vmem>>, vector<16xi32>,
      tpu.vector_store %arg6[%parallel_loop3A_558], %broadcast_in_dim3A_2 {strides = array<i32>} : memref<33280xi32, #tpu.memory_space<vmem>>, vector<16xi32>,
    } {sc.loop_unroll_factor = 8 : i64, sc.parallel_access}
    %parallel_loop3A_23 = arith.constant 0 : i32
    %parallel_loop3A_24 = arith.constant 64 : i32
    %parallel_loop3A_25 = arith.constant 1 : i32
    scf.for %parallel_loop3A_553 = %parallel_loop3A_23 to %parallel_loop3A_24 step %parallel_loop3A_25  : i32 {
      %parallel_loop3A_554 = arith.constant 16 : i32
      %parallel_loop3A_555 = arith.muli %parallel_loop3A_553, %parallel_loop3A_554 : i32
      %parallel_loop3A_556 = arith.constant 14567 : i32
      %parallel_loop3A_557 = arith.addi %parallel_loop3A_556, %parallel_loop3A_555 : i32
      %parallel_loop3A_558 = arith.index_cast %parallel_loop3A_557 : i32 to index
      %parallel_loop3A_559 = tpu.vector_load %arg6[%parallel_loop3A_558] {strides = array<i32>} : memref<33280xi32, #tpu.memory_space<vmem>>, vector<16xi32>,
      tpu.vector_store %arg6[%parallel_loop3A_558], %broadcast_in_dim3A_2 {strides = array<i32>} : memref<33280xi32, #tpu.memory_space<vmem>>, vector<16xi32>,
    } {sc.loop_unroll_factor = 8 : i64, sc.parallel_access}
    %parallel_loop3A_26 = arith.constant 0 : i32
    %parallel_loop3A_27 = arith.constant 64 : i32
    %parallel_loop3A_28 = arith.constant 1 : i32
    scf.for %parallel_loop3A_553 = %parallel_loop3A_26 to %parallel_loop3A_27 step %parallel_loop3A_28  : i32 {
      %parallel_loop3A_554 = arith.constant 16 : i32
      %parallel_loop3A_555 = arith.muli %parallel_loop3A_553, %parallel_loop3A_554 : i32
      %parallel_loop3A_556 = arith.constant 16648 : i32
      %parallel_loop3A_557 = arith.addi %parallel_loop3A_556, %parallel_loop3A_555 : i32
      %parallel_loop3A_558 = arith.index_cast %parallel_loop3A_557 : i32 to index
      %parallel_loop3A_559 = tpu.vector_load %arg6[%parallel_loop3A_558] {strides = array<i32>} : memref<33280xi32, #tpu.memory_space<vmem>>, vector<16xi32>,
      tpu.vector_store %arg6[%parallel_loop3A_558], %broadcast_in_dim3A_2 {strides = array<i32>} : memref<33280xi32, #tpu.memory_space<vmem>>, vector<16xi32>,
    } {sc.loop_unroll_factor = 8 : i64, sc.parallel_access}
    %parallel_loop3A_29 = arith.constant 0 : i32
    %parallel_loop3A_30 = arith.constant 64 : i32
    %parallel_loop3A_31 = arith.constant 1 : i32
    scf.for %parallel_loop3A_553 = %parallel_loop3A_29 to %parallel_loop3A_30 step %parallel_loop3A_31  : i32 {
      %parallel_loop3A_554 = arith.constant 16 : i32
      %parallel_loop3A_555 = arith.muli %parallel_loop3A_553, %parallel_loop3A_554 : i32
      %parallel_loop3A_556 = arith.constant 18729 : i32
      %parallel_loop3A_557 = arith.addi %parallel_loop3A_556, %parallel_loop3A_555 : i32
      %parallel_loop3A_558 = arith.index_cast %parallel_loop3A_557 : i32 to index
      %parallel_loop3A_559 = tpu.vector_load %arg6[%parallel_loop3A_558] {strides = array<i32>} : memref<33280xi32, #tpu.memory_space<vmem>>, vector<16xi32>,
      tpu.vector_store %arg6[%parallel_loop3A_558], %broadcast_in_dim3A_2 {strides = array<i32>} : memref<33280xi32, #tpu.memory_space<vmem>>, vector<16xi32>,
    } {sc.loop_unroll_factor = 8 : i64, sc.parallel_access}
    %parallel_loop3A_32 = arith.constant 0 : i32
    %parallel_loop3A_33 = arith.constant 64 : i32
    %parallel_loop3A_34 = arith.constant 1 : i32
    scf.for %parallel_loop3A_553 = %parallel_loop3A_32 to %parallel_loop3A_33 step %parallel_loop3A_34  : i32 {
      %parallel_loop3A_554 = arith.constant 16 : i32
      %parallel_loop3A_555 = arith.muli %parallel_loop3A_553, %parallel_loop3A_554 : i32
      %parallel_loop3A_556 = arith.constant 20810 : i32
      %parallel_loop3A_557 = arith.addi %parallel_loop3A_556, %parallel_loop3A_555 : i32
      %parallel_loop3A_558 = arith.index_cast %parallel_loop3A_557 : i32 to index
      %parallel_loop3A_559 = tpu.vector_load %arg6[%parallel_loop3A_558] {strides = array<i32>} : memref<33280xi32, #tpu.memory_space<vmem>>, vector<16xi32>,
      tpu.vector_store %arg6[%parallel_loop3A_558], %broadcast_in_dim3A_2 {strides = array<i32>} : memref<33280xi32, #tpu.memory_space<vmem>>, vector<16xi32>,
    } {sc.loop_unroll_factor = 8 : i64, sc.parallel_access}
    %parallel_loop3A_35 = arith.constant 0 : i32
    %parallel_loop3A_36 = arith.constant 64 : i32
    %parallel_loop3A_37 = arith.constant 1 : i32
    scf.for %parallel_loop3A_553 = %parallel_loop3A_35 to %parallel_loop3A_36 step %parallel_loop3A_37  : i32 {
      %parallel_loop3A_554 = arith.constant 16 : i32
      %parallel_loop3A_555 = arith.muli %parallel_loop3A_553, %parallel_loop3A_554 : i32
      %parallel_loop3A_556 = arith.constant 22891 : i32
      %parallel_loop3A_557 = arith.addi %parallel_loop3A_556, %parallel_loop3A_555 : i32
      %parallel_loop3A_558 = arith.index_cast %parallel_loop3A_557 : i32 to index
      %parallel_loop3A_559 = tpu.vector_load %arg6[%parallel_loop3A_558] {strides = array<i32>} : memref<33280xi32, #tpu.memory_space<vmem>>, vector<16xi32>,
      tpu.vector_store %arg6[%parallel_loop3A_558], %broadcast_in_dim3A_2 {strides = array<i32>} : memref<33280xi32, #tpu.memory_space<vmem>>, vector<16xi32>,
    } {sc.loop_unroll_factor = 8 : i64, sc.parallel_access}
    %parallel_loop3A_38 = arith.constant 0 : i32
    %parallel_loop3A_39 = arith.constant 64 : i32
    %parallel_loop3A_40 = arith.constant 1 : i32
    scf.for %parallel_loop3A_553 = %parallel_loop3A_38 to %parallel_loop3A_39 step %parallel_loop3A_40  : i32 {
      %parallel_loop3A_554 = arith.constant 16 : i32
      %parallel_loop3A_555 = arith.muli %parallel_loop3A_553, %parallel_loop3A_554 : i32
      %parallel_loop3A_556 = arith.constant 24972 : i32
      %parallel_loop3A_557 = arith.addi %parallel_loop3A_556, %parallel_loop3A_555 : i32
      %parallel_loop3A_558 = arith.index_cast %parallel_loop3A_557 : i32 to index
      %parallel_loop3A_559 = tpu.vector_load %arg6[%parallel_loop3A_558] {strides = array<i32>} : memref<33280xi32, #tpu.memory_space<vmem>>, vector<16xi32>,
      tpu.vector_store %arg6[%parallel_loop3A_558], %broadcast_in_dim3A_2 {strides = array<i32>} : memref<33280xi32, #tpu.memory_space<vmem>>, vector<16xi32>,
    } {sc.loop_unroll_factor = 8 : i64, sc.parallel_access}
    %parallel_loop3A_41 = arith.constant 0 : i32
    %parallel_loop3A_42 = arith.constant 64 : i32
    %parallel_loop3A_43 = arith.constant 1 : i32
    scf.for %parallel_loop3A_553 = %parallel_loop3A_41 to %parallel_loop3A_42 step %parallel_loop3A_43  : i32 {
      %parallel_loop3A_554 = arith.constant 16 : i32
      %parallel_loop3A_555 = arith.muli %parallel_loop3A_553, %parallel_loop3A_554 : i32
      %parallel_loop3A_556 = arith.constant 27053 : i32
      %parallel_loop3A_557 = arith.addi %parallel_loop3A_556, %parallel_loop3A_555 : i32
      %parallel_loop3A_558 = arith.index_cast %parallel_loop3A_557 : i32 to index
      %parallel_loop3A_559 = tpu.vector_load %arg6[%parallel_loop3A_558] {strides = array<i32>} : memref<33280xi32, #tpu.memory_space<vmem>>, vector<16xi32>,
      tpu.vector_store %arg6[%parallel_loop3A_558], %broadcast_in_dim3A_2 {strides = array<i32>} : memref<33280xi32, #tpu.memory_space<vmem>>, vector<16xi32>,
    } {sc.loop_unroll_factor = 8 : i64, sc.parallel_access}
    %parallel_loop3A_44 = arith.constant 0 : i32
    %parallel_loop3A_45 = arith.constant 64 : i32
    %parallel_loop3A_46 = arith.constant 1 : i32
    scf.for %parallel_loop3A_553 = %parallel_loop3A_44 to %parallel_loop3A_45 step %parallel_loop3A_46  : i32 {
      %parallel_loop3A_554 = arith.constant 16 : i32
      %parallel_loop3A_555 = arith.muli %parallel_loop3A_553, %parallel_loop3A_554 : i32
      %parallel_loop3A_556 = arith.constant 29134 : i32
      %parallel_loop3A_557 = arith.addi %parallel_loop3A_556, %parallel_loop3A_555 : i32
      %parallel_loop3A_558 = arith.index_cast %parallel_loop3A_557 : i32 to index
      %parallel_loop3A_559 = tpu.vector_load %arg6[%parallel_loop3A_558] {strides = array<i32>} : memref<33280xi32, #tpu.memory_space<vmem>>, vector<16xi32>,
      tpu.vector_store %arg6[%parallel_loop3A_558], %broadcast_in_dim3A_2 {strides = array<i32>} : memref<33280xi32, #tpu.memory_space<vmem>>, vector<16xi32>,
    } {sc.loop_unroll_factor = 8 : i64, sc.parallel_access}
    %parallel_loop3A_47 = arith.constant 0 : i32
    %parallel_loop3A_48 = arith.constant 64 : i32
    %parallel_loop3A_49 = arith.constant 1 : i32
    scf.for %parallel_loop3A_553 = %parallel_loop3A_47 to %parallel_loop3A_48 step %parallel_loop3A_49  : i32 {
      %parallel_loop3A_554 = arith.constant 16 : i32
      %parallel_loop3A_555 = arith.muli %parallel_loop3A_553, %parallel_loop3A_554 : i32
      %parallel_loop3A_556 = arith.constant 31215 : i32
      %parallel_loop3A_557 = arith.addi %parallel_loop3A_556, %parallel_loop3A_555 : i32
      %parallel_loop3A_558 = arith.index_cast %parallel_loop3A_557 : i32 to index
      %parallel_loop3A_559 = tpu.vector_load %arg6[%parallel_loop3A_558] {strides = array<i32>} : memref<33280xi32, #tpu.memory_space<vmem>>, vector<16xi32>,
      tpu.vector_store %arg6[%parallel_loop3A_558], %broadcast_in_dim3A_2 {strides = array<i32>} : memref<33280xi32, #tpu.memory_space<vmem>>, vector<16xi32>,
    } {sc.loop_unroll_factor = 8 : i64, sc.parallel_access}
    %iota3A = tpu.iota {dimensions = array<i32: 0>} : vector<16xi32>
    %mul3A_50 = arith.constant 2081 : i32
    %mul3A_51 = vector.broadcast %mul3A_50 : i32 to vector<16xi32>
    %mul3A_52 = arith.muli %iota3A, %mul3A_51 : vector<16xi32>
    %broadcast_in_dim3A_53 = arith.constant 1 : i32
    %broadcast_in_dim3A_54 = vector.broadcast %broadcast_in_dim3A_53 : i32 to vector<16xi32>
    %parallel_loop3A_55 = arith.constant 0 : i32
    %parallel_loop3A_56 = arith.constant 4096 : i32
    %parallel_loop3A_57 = arith.constant 1 : i32
    scf.for %parallel_loop3A_553 = %parallel_loop3A_55 to %parallel_loop3A_56 step %parallel_loop3A_57  : i32 {
      %parallel_loop3A_554 = arith.constant 16 : i32
      %parallel_loop3A_555 = arith.muli %parallel_loop3A_553, %parallel_loop3A_554 : i32
      %parallel_loop3A_556 = arith.index_cast %parallel_loop3A_555 : i32 to index
      %parallel_loop3A_557 = tpu.vector_load %arg8[%parallel_loop3A_556] {strides = array<i32>} : memref<65536xi32, #tpu.memory_space<vmem>>, vector<16xi32>,
      %parallel_loop3A_558 = arith.constant true
      %parallel_loop3A_559 = vector.broadcast %parallel_loop3A_558 : i1 to vector<16xi1>
      %parallel_loop3A_560 = arith.constant 21 : i32
      %parallel_loop3A_561 = vector.broadcast %parallel_loop3A_560 : i32 to vector<16xi32>
      %parallel_loop3A_562 = arith.shrui %parallel_loop3A_557, %parallel_loop3A_561 : vector<16xi32>
      %parallel_loop3A_563 = arith.constant 2064 : i32
      %parallel_loop3A_564 = vector.broadcast %parallel_loop3A_563 : i32 to vector<16xi32>
      %parallel_loop3A_565 = arith.select %parallel_loop3A_559, %parallel_loop3A_562, %parallel_loop3A_564 : vector<16xi1>, vector<16xi32>
      %parallel_loop3A_566 = arith.addi %mul3A_52, %parallel_loop3A_565 : vector<16xi32>
      tpu.vector_store_idx %arg6[%parallel_loop3A_566], %broadcast_in_dim3A_54 {add = true} : memref<33280xi32, #tpu.memory_space<vmem>>[vector<16xi32>], vector<16xi32>,
    } {sc.loop_unroll_factor = 16 : i64, sc.parallel_access}
    %parallel_loop3A_58 = arith.constant 0 : i32
    %parallel_loop3A_59 = arith.constant 64 : i32
    %parallel_loop3A_60 = arith.constant 1 : i32
    scf.for %parallel_loop3A_553 = %parallel_loop3A_58 to %parallel_loop3A_59 step %parallel_loop3A_60  : i32 {
      %parallel_loop3A_554 = arith.constant 0 : i32
      %parallel_loop3A_555 = vector.broadcast %parallel_loop3A_554 : i32 to vector<16xi32>
      %parallel_loop3A_556 = arith.constant 16 : i32
      %parallel_loop3A_557 = arith.muli %parallel_loop3A_553, %parallel_loop3A_556 : i32
      %parallel_loop3A_558 = arith.constant 0 : i32
      %parallel_loop3A_559 = arith.addi %parallel_loop3A_558, %parallel_loop3A_557 : i32
      %parallel_loop3A_560 = arith.index_cast %parallel_loop3A_559 : i32 to index
      %parallel_loop3A_561 = tpu.vector_load %arg6[%parallel_loop3A_560] {strides = array<i32>} : memref<33280xi32, #tpu.memory_space<vmem>>, vector<16xi32>,
      %parallel_loop3A_562 = arith.addi %parallel_loop3A_555, %parallel_loop3A_561 : vector<16xi32>
      %parallel_loop3A_563 = arith.constant 16 : i32
      %parallel_loop3A_564 = arith.muli %parallel_loop3A_553, %parallel_loop3A_563 : i32
      %parallel_loop3A_565 = arith.constant 2081 : i32
      %parallel_loop3A_566 = arith.addi %parallel_loop3A_565, %parallel_loop3A_564 : i32
      %parallel_loop3A_567 = arith.index_cast %parallel_loop3A_566 : i32 to index
      %parallel_loop3A_568 = tpu.vector_load %arg6[%parallel_loop3A_567] {strides = array<i32>} : memref<33280xi32, #tpu.memory_space<vmem>>, vector<16xi32>,
      %parallel_loop3A_569 = arith.addi %parallel_loop3A_562, %parallel_loop3A_568 : vector<16xi32>
      %parallel_loop3A_570 = arith.constant 16 : i32
      %parallel_loop3A_571 = arith.muli %parallel_loop3A_553, %parallel_loop3A_570 : i32
      %parallel_loop3A_572 = arith.constant 4162 : i32
      %parallel_loop3A_573 = arith.addi %parallel_loop3A_572, %parallel_loop3A_571 : i32
      %parallel_loop3A_574 = arith.index_cast %parallel_loop3A_573 : i32 to index
      %parallel_loop3A_575 = tpu.vector_load %arg6[%parallel_loop3A_574] {strides = array<i32>} : memref<33280xi32, #tpu.memory_space<vmem>>, vector<16xi32>,
      %parallel_loop3A_576 = arith.addi %parallel_loop3A_569, %parallel_loop3A_575 : vector<16xi32>
      %parallel_loop3A_577 = arith.constant 16 : i32
      %parallel_loop3A_578 = arith.muli %parallel_loop3A_553, %parallel_loop3A_577 : i32
      %parallel_loop3A_579 = arith.constant 6243 : i32
      %parallel_loop3A_580 = arith.addi %parallel_loop3A_579, %parallel_loop3A_578 : i32
      %parallel_loop3A_581 = arith.index_cast %parallel_loop3A_580 : i32 to index
      %parallel_loop3A_582 = tpu.vector_load %arg6[%parallel_loop3A_581] {strides = array<i32>} : memref<33280xi32, #tpu.memory_space<vmem>>, vector<16xi32>,
      %parallel_loop3A_583 = arith.addi %parallel_loop3A_576, %parallel_loop3A_582 : vector<16xi32>
      %parallel_loop3A_584 = arith.constant 16 : i32
      %parallel_loop3A_585 = arith.muli %parallel_loop3A_553, %parallel_loop3A_584 : i32
      %parallel_loop3A_586 = arith.constant 8324 : i32
      %parallel_loop3A_587 = arith.addi %parallel_loop3A_586, %parallel_loop3A_585 : i32
      %parallel_loop3A_588 = arith.index_cast %parallel_loop3A_587 : i32 to index
      %parallel_loop3A_589 = tpu.vector_load %arg6[%parallel_loop3A_588] {strides = array<i32>} : memref<33280xi32, #tpu.memory_space<vmem>>, vector<16xi32>,
      %parallel_loop3A_590 = arith.addi %parallel_loop3A_583, %parallel_loop3A_589 : vector<16xi32>
      %parallel_loop3A_591 = arith.constant 16 : i32
      %parallel_loop3A_592 = arith.muli %parallel_loop3A_553, %parallel_loop3A_591 : i32
      %parallel_loop3A_593 = arith.constant 10405 : i32
      %parallel_loop3A_594 = arith.addi %parallel_loop3A_593, %parallel_loop3A_592 : i32
      %parallel_loop3A_595 = arith.index_cast %parallel_loop3A_594 : i32 to index
      %parallel_loop3A_596 = tpu.vector_load %arg6[%parallel_loop3A_595] {strides = array<i32>} : memref<33280xi32, #tpu.memory_space<vmem>>, vector<16xi32>,
      %parallel_loop3A_597 = arith.addi %parallel_loop3A_590, %parallel_loop3A_596 : vector<16xi32>
      %parallel_loop3A_598 = arith.constant 16 : i32
      %parallel_loop3A_599 = arith.muli %parallel_loop3A_553, %parallel_loop3A_598 : i32
      %parallel_loop3A_600 = arith.constant 12486 : i32
      %parallel_loop3A_601 = arith.addi %parallel_loop3A_600, %parallel_loop3A_599 : i32
      %parallel_loop3A_602 = arith.index_cast %parallel_loop3A_601 : i32 to index
      %parallel_loop3A_603 = tpu.vector_load %arg6[%parallel_loop3A_602] {strides = array<i32>} : memref<33280xi32, #tpu.memory_space<vmem>>, vector<16xi32>,
      %parallel_loop3A_604 = arith.addi %parallel_loop3A_597, %parallel_loop3A_603 : vector<16xi32>
      %parallel_loop3A_605 = arith.constant 16 : i32
      %parallel_loop3A_606 = arith.muli %parallel_loop3A_553, %parallel_loop3A_605 : i32
      %parallel_loop3A_607 = arith.constant 14567 : i32
      %parallel_loop3A_608 = arith.addi %parallel_loop3A_607, %parallel_loop3A_606 : i32
      %parallel_loop3A_609 = arith.index_cast %parallel_loop3A_608 : i32 to index
      %parallel_loop3A_610 = tpu.vector_load %arg6[%parallel_loop3A_609] {strides = array<i32>} : memref<33280xi32, #tpu.memory_space<vmem>>, vector<16xi32>,
      %parallel_loop3A_611 = arith.addi %parallel_loop3A_604, %parallel_loop3A_610 : vector<16xi32>
      %parallel_loop3A_612 = arith.constant 16 : i32
      %parallel_loop3A_613 = arith.muli %parallel_loop3A_553, %parallel_loop3A_612 : i32
      %parallel_loop3A_614 = arith.constant 16648 : i32
      %parallel_loop3A_615 = arith.addi %parallel_loop3A_614, %parallel_loop3A_613 : i32
      %parallel_loop3A_616 = arith.index_cast %parallel_loop3A_615 : i32 to index
      %parallel_loop3A_617 = tpu.vector_load %arg6[%parallel_loop3A_616] {strides = array<i32>} : memref<33280xi32, #tpu.memory_space<vmem>>, vector<16xi32>,
      %parallel_loop3A_618 = arith.addi %parallel_loop3A_611, %parallel_loop3A_617 : vector<16xi32>
      %parallel_loop3A_619 = arith.constant 16 : i32
      %parallel_loop3A_620 = arith.muli %parallel_loop3A_553, %parallel_loop3A_619 : i32
      %parallel_loop3A_621 = arith.constant 18729 : i32
      %parallel_loop3A_622 = arith.addi %parallel_loop3A_621, %parallel_loop3A_620 : i32
      %parallel_loop3A_623 = arith.index_cast %parallel_loop3A_622 : i32 to index
      %parallel_loop3A_624 = tpu.vector_load %arg6[%parallel_loop3A_623] {strides = array<i32>} : memref<33280xi32, #tpu.memory_space<vmem>>, vector<16xi32>,
      %parallel_loop3A_625 = arith.addi %parallel_loop3A_618, %parallel_loop3A_624 : vector<16xi32>
      %parallel_loop3A_626 = arith.constant 16 : i32
      %parallel_loop3A_627 = arith.muli %parallel_loop3A_553, %parallel_loop3A_626 : i32
      %parallel_loop3A_628 = arith.constant 20810 : i32
      %parallel_loop3A_629 = arith.addi %parallel_loop3A_628, %parallel_loop3A_627 : i32
      %parallel_loop3A_630 = arith.index_cast %parallel_loop3A_629 : i32 to index
      %parallel_loop3A_631 = tpu.vector_load %arg6[%parallel_loop3A_630] {strides = array<i32>} : memref<33280xi32, #tpu.memory_space<vmem>>, vector<16xi32>,
      %parallel_loop3A_632 = arith.addi %parallel_loop3A_625, %parallel_loop3A_631 : vector<16xi32>
      %parallel_loop3A_633 = arith.constant 16 : i32
      %parallel_loop3A_634 = arith.muli %parallel_loop3A_553, %parallel_loop3A_633 : i32
      %parallel_loop3A_635 = arith.constant 22891 : i32
      %parallel_loop3A_636 = arith.addi %parallel_loop3A_635, %parallel_loop3A_634 : i32
      %parallel_loop3A_637 = arith.index_cast %parallel_loop3A_636 : i32 to index
      %parallel_loop3A_638 = tpu.vector_load %arg6[%parallel_loop3A_637] {strides = array<i32>} : memref<33280xi32, #tpu.memory_space<vmem>>, vector<16xi32>,
      %parallel_loop3A_639 = arith.addi %parallel_loop3A_632, %parallel_loop3A_638 : vector<16xi32>
      %parallel_loop3A_640 = arith.constant 16 : i32
      %parallel_loop3A_641 = arith.muli %parallel_loop3A_553, %parallel_loop3A_640 : i32
      %parallel_loop3A_642 = arith.constant 24972 : i32
      %parallel_loop3A_643 = arith.addi %parallel_loop3A_642, %parallel_loop3A_641 : i32
      %parallel_loop3A_644 = arith.index_cast %parallel_loop3A_643 : i32 to index
      %parallel_loop3A_645 = tpu.vector_load %arg6[%parallel_loop3A_644] {strides = array<i32>} : memref<33280xi32, #tpu.memory_space<vmem>>, vector<16xi32>,
      %parallel_loop3A_646 = arith.addi %parallel_loop3A_639, %parallel_loop3A_645 : vector<16xi32>
      %parallel_loop3A_647 = arith.constant 16 : i32
      %parallel_loop3A_648 = arith.muli %parallel_loop3A_553, %parallel_loop3A_647 : i32
      %parallel_loop3A_649 = arith.constant 27053 : i32
      %parallel_loop3A_650 = arith.addi %parallel_loop3A_649, %parallel_loop3A_648 : i32
      %parallel_loop3A_651 = arith.index_cast %parallel_loop3A_650 : i32 to index
      %parallel_loop3A_652 = tpu.vector_load %arg6[%parallel_loop3A_651] {strides = array<i32>} : memref<33280xi32, #tpu.memory_space<vmem>>, vector<16xi32>,
      %parallel_loop3A_653 = arith.addi %parallel_loop3A_646, %parallel_loop3A_652 : vector<16xi32>
      %parallel_loop3A_654 = arith.constant 16 : i32
      %parallel_loop3A_655 = arith.muli %parallel_loop3A_553, %parallel_loop3A_654 : i32
      %parallel_loop3A_656 = arith.constant 29134 : i32
      %parallel_loop3A_657 = arith.addi %parallel_loop3A_656, %parallel_loop3A_655 : i32
      %parallel_loop3A_658 = arith.index_cast %parallel_loop3A_657 : i32 to index
      %parallel_loop3A_659 = tpu.vector_load %arg6[%parallel_loop3A_658] {strides = array<i32>} : memref<33280xi32, #tpu.memory_space<vmem>>, vector<16xi32>,
      %parallel_loop3A_660 = arith.addi %parallel_loop3A_653, %parallel_loop3A_659 : vector<16xi32>
      %parallel_loop3A_661 = arith.constant 16 : i32
      %parallel_loop3A_662 = arith.muli %parallel_loop3A_553, %parallel_loop3A_661 : i32
      %parallel_loop3A_663 = arith.constant 31215 : i32
      %parallel_loop3A_664 = arith.addi %parallel_loop3A_663, %parallel_loop3A_662 : i32
      %parallel_loop3A_665 = arith.index_cast %parallel_loop3A_664 : i32 to index
      %parallel_loop3A_666 = tpu.vector_load %arg6[%parallel_loop3A_665] {strides = array<i32>} : memref<33280xi32, #tpu.memory_space<vmem>>, vector<16xi32>,
      %parallel_loop3A_667 = arith.addi %parallel_loop3A_660, %parallel_loop3A_666 : vector<16xi32>
      %parallel_loop3A_668 = arith.constant 16 : i32
      %parallel_loop3A_669 = arith.muli %parallel_loop3A_553, %parallel_loop3A_668 : i32
      %parallel_loop3A_670 = arith.index_cast %parallel_loop3A_669 : i32 to index
      %parallel_loop3A_671 = tpu.vector_load %arg10[%parallel_loop3A_670] {strides = array<i32>} : memref<2048xi32, #tpu.memory_space<vmem>>, vector<16xi32>,
      tpu.vector_store %arg10[%parallel_loop3A_670], %parallel_loop3A_667 {strides = array<i32>} : memref<2048xi32, #tpu.memory_space<vmem>>, vector<16xi32>,
    } {sc.loop_unroll_factor = 4 : i64, sc.parallel_access}
    %mul3A_61 = arith.constant 1024 : i32
    %mul3A_62 = arith.muli %arg1, %mul3A_61 : i32
    "tpu.region"() ({
      %run_scoped3A = tpu.sem_alloc : memref<!tpu.dma_semaphore, #tpu.memory_space<semaphore_mem>>
      %dma_start3A = arith.constant 0 : i32
      %dma_start3A_553 = tpu.memref_slice %arg10[%dma_start3A] : memref<2048xi32, #tpu.memory_space<vmem>> -> memref<1024xi32, #tpu.memory_space<vmem>>
      %dma_start3A_554 = tpu.memref_slice %arg11[%mul3A_62] : memref<16384xi32, #tpu.memory_space<vmem_shared>> -> memref<1024xi32, #tpu.memory_space<vmem_shared>>
      %dma_start3A_555 = tpu.memref_slice %arg11[%mul3A_62] : memref<16384xi32, #tpu.memory_space<vmem_shared>> -> memref<1024xi32, #tpu.memory_space<vmem_shared>>
      %dma_start3A_556 = arith.constant 0 : i32
      %dma_start3A_557 = tpu.memref_slice %arg10[%dma_start3A_556] : memref<2048xi32, #tpu.memory_space<vmem>> -> memref<1024xi32, #tpu.memory_space<vmem>>
      tpu.enqueue_dma source(%dma_start3A_557 : memref<1024xi32, #tpu.memory_space<vmem>>) target(%dma_start3A_555 : memref<1024xi32, #tpu.memory_space<vmem_shared>>) target_semaphore(%run_scoped3A : memref<!tpu.dma_semaphore, #tpu.memory_space<semaphore_mem>>)
      %dma_wait3A = arith.constant 0 : i32
      %dma_wait3A_558 = tpu.memref_slice %arg10[%dma_wait3A] : memref<2048xi32, #tpu.memory_space<vmem>> -> memref<1024xi32, #tpu.memory_space<vmem>>
      %dma_wait3A_559 = tpu.memref_slice %arg11[%mul3A_62] : memref<16384xi32, #tpu.memory_space<vmem_shared>> -> memref<1024xi32, #tpu.memory_space<vmem_shared>>
      %dma_wait3A_560 = tpu.memref_slice %arg11[%mul3A_62] : memref<16384xi32, #tpu.memory_space<vmem_shared>> -> memref<1024xi32, #tpu.memory_space<vmem_shared>>
      %dma_wait3A_561 = arith.constant 0 : i32
      %dma_wait3A_562 = tpu.memref_slice %arg10[%dma_wait3A_561] : memref<2048xi32, #tpu.memory_space<vmem>> -> memref<1024xi32, #tpu.memory_space<vmem>>
      tpu.wait_dma2 semaphore(%run_scoped3A : memref<!tpu.dma_semaphore, #tpu.memory_space<semaphore_mem>>) src(%dma_wait3A_562 : memref<1024xi32, #tpu.memory_space<vmem>>) dst(%dma_wait3A_560 : memref<1024xi32, #tpu.memory_space<vmem_shared>>)
      tpu.yield
    }) : () -> ()
    %barrier3A = arith.constant 0 : index
    tpu.barrier barrier_id(%barrier3A)
    %mul3A_63 = arith.constant 64 : i32
    %mul3A_64 = arith.muli %arg1, %mul3A_63 : i32
    %add3A = arith.constant 0 : i32
    %add3A_65 = arith.addi %add3A, %mul3A_64 : i32
    "tpu.region"() ({
      %run_scoped3A = tpu.sem_alloc : memref<!tpu.dma_semaphore, #tpu.memory_space<semaphore_mem>>
      %dma_start3A = arith.constant 0 : i32
      %dma_start3A_553 = tpu.memref_slice %arg6[%dma_start3A] : memref<33280xi32, #tpu.memory_space<vmem>> -> memref<64xi32, #tpu.memory_space<vmem>>
      %dma_start3A_554 = tpu.memref_slice %arg11[%add3A_65] : memref<16384xi32, #tpu.memory_space<vmem_shared>> -> memref<64xi32, #tpu.memory_space<vmem_shared>>
      %dma_start3A_555 = arith.constant 0 : i32
      %dma_start3A_556 = tpu.memref_slice %arg6[%dma_start3A_555] : memref<33280xi32, #tpu.memory_space<vmem>> -> memref<64xi32, #tpu.memory_space<vmem>>
      %dma_start3A_557 = tpu.memref_slice %arg11[%add3A_65] : memref<16384xi32, #tpu.memory_space<vmem_shared>> -> memref<64xi32, #tpu.memory_space<vmem_shared>>
      tpu.enqueue_dma source(%dma_start3A_557 : memref<64xi32, #tpu.memory_space<vmem_shared>>) target(%dma_start3A_556 : memref<64xi32, #tpu.memory_space<vmem>>) target_semaphore(%run_scoped3A : memref<!tpu.dma_semaphore, #tpu.memory_space<semaphore_mem>>)
      %dma_wait3A = arith.constant 0 : i32
      %dma_wait3A_558 = tpu.memref_slice %arg6[%dma_wait3A] : memref<33280xi32, #tpu.memory_space<vmem>> -> memref<64xi32, #tpu.memory_space<vmem>>
      %dma_wait3A_559 = tpu.memref_slice %arg11[%add3A_65] : memref<16384xi32, #tpu.memory_space<vmem_shared>> -> memref<64xi32, #tpu.memory_space<vmem_shared>>
      %dma_wait3A_560 = arith.constant 0 : i32
      %dma_wait3A_561 = tpu.memref_slice %arg6[%dma_wait3A_560] : memref<33280xi32, #tpu.memory_space<vmem>> -> memref<64xi32, #tpu.memory_space<vmem>>
      %dma_wait3A_562 = tpu.memref_slice %arg11[%add3A_65] : memref<16384xi32, #tpu.memory_space<vmem_shared>> -> memref<64xi32, #tpu.memory_space<vmem_shared>>
      tpu.wait_dma2 semaphore(%run_scoped3A : memref<!tpu.dma_semaphore, #tpu.memory_space<semaphore_mem>>) src(%dma_wait3A_562 : memref<64xi32, #tpu.memory_space<vmem_shared>>) dst(%dma_wait3A_561 : memref<64xi32, #tpu.memory_space<vmem>>)
      tpu.yield
    }) : () -> ()
    %mul3A_66 = arith.constant 64 : i32
    %mul3A_67 = arith.muli %arg1, %mul3A_66 : i32
    %add3A_68 = arith.constant 1024 : i32
    %add3A_69 = arith.addi %add3A_68, %mul3A_67 : i32
    "tpu.region"() ({
      %run_scoped3A = tpu.sem_alloc : memref<!tpu.dma_semaphore, #tpu.memory_space<semaphore_mem>>
      %dma_start3A = arith.constant 2080 : i32
      %dma_start3A_553 = tpu.memref_slice %arg6[%dma_start3A] : memref<33280xi32, #tpu.memory_space<vmem>> -> memref<64xi32, #tpu.memory_space<vmem>>
      %dma_start3A_554 = tpu.memref_slice %arg11[%add3A_69] : memref<16384xi32, #tpu.memory_space<vmem_shared>> -> memref<64xi32, #tpu.memory_space<vmem_shared>>
      %dma_start3A_555 = arith.constant 2080 : i32
      %dma_start3A_556 = tpu.memref_slice %arg6[%dma_start3A_555] : memref<33280xi32, #tpu.memory_space<vmem>> -> memref<64xi32, #tpu.memory_space<vmem>>
      %dma_start3A_557 = tpu.memref_slice %arg11[%add3A_69] : memref<16384xi32, #tpu.memory_space<vmem_shared>> -> memref<64xi32, #tpu.memory_space<vmem_shared>>
      tpu.enqueue_dma source(%dma_start3A_557 : memref<64xi32, #tpu.memory_space<vmem_shared>>) target(%dma_start3A_556 : memref<64xi32, #tpu.memory_space<vmem>>) target_semaphore(%run_scoped3A : memref<!tpu.dma_semaphore, #tpu.memory_space<semaphore_mem>>)
      %dma_wait3A = arith.constant 2080 : i32
      %dma_wait3A_558 = tpu.memref_slice %arg6[%dma_wait3A] : memref<33280xi32, #tpu.memory_space<vmem>> -> memref<64xi32, #tpu.memory_space<vmem>>
      %dma_wait3A_559 = tpu.memref_slice %arg11[%add3A_69] : memref<16384xi32, #tpu.memory_space<vmem_shared>> -> memref<64xi32, #tpu.memory_space<vmem_shared>>
      %dma_wait3A_560 = arith.constant 2080 : i32
      %dma_wait3A_561 = tpu.memref_slice %arg6[%dma_wait3A_560] : memref<33280xi32, #tpu.memory_space<vmem>> -> memref<64xi32, #tpu.memory_space<vmem>>
      %dma_wait3A_562 = tpu.memref_slice %arg11[%add3A_69] : memref<16384xi32, #tpu.memory_space<vmem_shared>> -> memref<64xi32, #tpu.memory_space<vmem_shared>>
      tpu.wait_dma2 semaphore(%run_scoped3A : memref<!tpu.dma_semaphore, #tpu.memory_space<semaphore_mem>>) src(%dma_wait3A_562 : memref<64xi32, #tpu.memory_space<vmem_shared>>) dst(%dma_wait3A_561 : memref<64xi32, #tpu.memory_space<vmem>>)
      tpu.yield
    }) : () -> ()
    %mul3A_70 = arith.constant 64 : i32
    %mul3A_71 = arith.muli %arg1, %mul3A_70 : i32
    %add3A_72 = arith.constant 2048 : i32
    %add3A_73 = arith.addi %add3A_72, %mul3A_71 : i32
    "tpu.region"() ({
      %run_scoped3A = tpu.sem_alloc : memref<!tpu.dma_semaphore, #tpu.memory_space<semaphore_mem>>
      %dma_start3A = arith.constant 4160 : i32
      %dma_start3A_553 = tpu.memref_slice %arg6[%dma_start3A] : memref<33280xi32, #tpu.memory_space<vmem>> -> memref<64xi32, #tpu.memory_space<vmem>>
      %dma_start3A_554 = tpu.memref_slice %arg11[%add3A_73] : memref<16384xi32, #tpu.memory_space<vmem_shared>> -> memref<64xi32, #tpu.memory_space<vmem_shared>>
      %dma_start3A_555 = arith.constant 4160 : i32
      %dma_start3A_556 = tpu.memref_slice %arg6[%dma_start3A_555] : memref<33280xi32, #tpu.memory_space<vmem>> -> memref<64xi32, #tpu.memory_space<vmem>>
      %dma_start3A_557 = tpu.memref_slice %arg11[%add3A_73] : memref<16384xi32, #tpu.memory_space<vmem_shared>> -> memref<64xi32, #tpu.memory_space<vmem_shared>>
      tpu.enqueue_dma source(%dma_start3A_557 : memref<64xi32, #tpu.memory_space<vmem_shared>>) target(%dma_start3A_556 : memref<64xi32, #tpu.memory_space<vmem>>) target_semaphore(%run_scoped3A : memref<!tpu.dma_semaphore, #tpu.memory_space<semaphore_mem>>)
      %dma_wait3A = arith.constant 4160 : i32
      %dma_wait3A_558 = tpu.memref_slice %arg6[%dma_wait3A] : memref<33280xi32, #tpu.memory_space<vmem>> -> memref<64xi32, #tpu.memory_space<vmem>>
      %dma_wait3A_559 = tpu.memref_slice %arg11[%add3A_73] : memref<16384xi32, #tpu.memory_space<vmem_shared>> -> memref<64xi32, #tpu.memory_space<vmem_shared>>
      %dma_wait3A_560 = arith.constant 4160 : i32
      %dma_wait3A_561 = tpu.memref_slice %arg6[%dma_wait3A_560] : memref<33280xi32, #tpu.memory_space<vmem>> -> memref<64xi32, #tpu.memory_space<vmem>>
      %dma_wait3A_562 = tpu.memref_slice %arg11[%add3A_73] : memref<16384xi32, #tpu.memory_space<vmem_shared>> -> memref<64xi32, #tpu.memory_space<vmem_shared>>
      tpu.wait_dma2 semaphore(%run_scoped3A : memref<!tpu.dma_semaphore, #tpu.memory_space<semaphore_mem>>) src(%dma_wait3A_562 : memref<64xi32, #tpu.memory_space<vmem_shared>>) dst(%dma_wait3A_561 : memref<64xi32, #tpu.memory_space<vmem>>)
      tpu.yield
    }) : () -> ()
    %mul3A_74 = arith.constant 64 : i32
    %mul3A_75 = arith.muli %arg1, %mul3A_74 : i32
    %add3A_76 = arith.constant 3072 : i32
    %add3A_77 = arith.addi %add3A_76, %mul3A_75 : i32
    "tpu.region"() ({
      %run_scoped3A = tpu.sem_alloc : memref<!tpu.dma_semaphore, #tpu.memory_space<semaphore_mem>>
      %dma_start3A = arith.constant 6240 : i32
      %dma_start3A_553 = tpu.memref_slice %arg6[%dma_start3A] : memref<33280xi32, #tpu.memory_space<vmem>> -> memref<64xi32, #tpu.memory_space<vmem>>
      %dma_start3A_554 = tpu.memref_slice %arg11[%add3A_77] : memref<16384xi32, #tpu.memory_space<vmem_shared>> -> memref<64xi32, #tpu.memory_space<vmem_shared>>
      %dma_start3A_555 = arith.constant 6240 : i32
      %dma_start3A_556 = tpu.memref_slice %arg6[%dma_start3A_555] : memref<33280xi32, #tpu.memory_space<vmem>> -> memref<64xi32, #tpu.memory_space<vmem>>
      %dma_start3A_557 = tpu.memref_slice %arg11[%add3A_77] : memref<16384xi32, #tpu.memory_space<vmem_shared>> -> memref<64xi32, #tpu.memory_space<vmem_shared>>
      tpu.enqueue_dma source(%dma_start3A_557 : memref<64xi32, #tpu.memory_space<vmem_shared>>) target(%dma_start3A_556 : memref<64xi32, #tpu.memory_space<vmem>>) target_semaphore(%run_scoped3A : memref<!tpu.dma_semaphore, #tpu.memory_space<semaphore_mem>>)
      %dma_wait3A = arith.constant 6240 : i32
      %dma_wait3A_558 = tpu.memref_slice %arg6[%dma_wait3A] : memref<33280xi32, #tpu.memory_space<vmem>> -> memref<64xi32, #tpu.memory_space<vmem>>
      %dma_wait3A_559 = tpu.memref_slice %arg11[%add3A_77] : memref<16384xi32, #tpu.memory_space<vmem_shared>> -> memref<64xi32, #tpu.memory_space<vmem_shared>>
      %dma_wait3A_560 = arith.constant 6240 : i32
      %dma_wait3A_561 = tpu.memref_slice %arg6[%dma_wait3A_560] : memref<33280xi32, #tpu.memory_space<vmem>> -> memref<64xi32, #tpu.memory_space<vmem>>
      %dma_wait3A_562 = tpu.memref_slice %arg11[%add3A_77] : memref<16384xi32, #tpu.memory_space<vmem_shared>> -> memref<64xi32, #tpu.memory_space<vmem_shared>>
      tpu.wait_dma2 semaphore(%run_scoped3A : memref<!tpu.dma_semaphore, #tpu.memory_space<semaphore_mem>>) src(%dma_wait3A_562 : memref<64xi32, #tpu.memory_space<vmem_shared>>) dst(%dma_wait3A_561 : memref<64xi32, #tpu.memory_space<vmem>>)
      tpu.yield
    }) : () -> ()
    %mul3A_78 = arith.constant 64 : i32
    %mul3A_79 = arith.muli %arg1, %mul3A_78 : i32
    %add3A_80 = arith.constant 4096 : i32
    %add3A_81 = arith.addi %add3A_80, %mul3A_79 : i32
    "tpu.region"() ({
      %run_scoped3A = tpu.sem_alloc : memref<!tpu.dma_semaphore, #tpu.memory_space<semaphore_mem>>
      %dma_start3A = arith.constant 8320 : i32
      %dma_start3A_553 = tpu.memref_slice %arg6[%dma_start3A] : memref<33280xi32, #tpu.memory_space<vmem>> -> memref<64xi32, #tpu.memory_space<vmem>>
      %dma_start3A_554 = tpu.memref_slice %arg11[%add3A_81] : memref<16384xi32, #tpu.memory_space<vmem_shared>> -> memref<64xi32, #tpu.memory_space<vmem_shared>>
      %dma_start3A_555 = arith.constant 8320 : i32
      %dma_start3A_556 = tpu.memref_slice %arg6[%dma_start3A_555] : memref<33280xi32, #tpu.memory_space<vmem>> -> memref<64xi32, #tpu.memory_space<vmem>>
      %dma_start3A_557 = tpu.memref_slice %arg11[%add3A_81] : memref<16384xi32, #tpu.memory_space<vmem_shared>> -> memref<64xi32, #tpu.memory_space<vmem_shared>>
      tpu.enqueue_dma source(%dma_start3A_557 : memref<64xi32, #tpu.memory_space<vmem_shared>>) target(%dma_start3A_556 : memref<64xi32, #tpu.memory_space<vmem>>) target_semaphore(%run_scoped3A : memref<!tpu.dma_semaphore, #tpu.memory_space<semaphore_mem>>)
      %dma_wait3A = arith.constant 8320 : i32
      %dma_wait3A_558 = tpu.memref_slice %arg6[%dma_wait3A] : memref<33280xi32, #tpu.memory_space<vmem>> -> memref<64xi32, #tpu.memory_space<vmem>>
      %dma_wait3A_559 = tpu.memref_slice %arg11[%add3A_81] : memref<16384xi32, #tpu.memory_space<vmem_shared>> -> memref<64xi32, #tpu.memory_space<vmem_shared>>
      %dma_wait3A_560 = arith.constant 8320 : i32
      %dma_wait3A_561 = tpu.memref_slice %arg6[%dma_wait3A_560] : memref<33280xi32, #tpu.memory_space<vmem>> -> memref<64xi32, #tpu.memory_space<vmem>>
      %dma_wait3A_562 = tpu.memref_slice %arg11[%add3A_81] : memref<16384xi32, #tpu.memory_space<vmem_shared>> -> memref<64xi32, #tpu.memory_space<vmem_shared>>
      tpu.wait_dma2 semaphore(%run_scoped3A : memref<!tpu.dma_semaphore, #tpu.memory_space<semaphore_mem>>) src(%dma_wait3A_562 : memref<64xi32, #tpu.memory_space<vmem_shared>>) dst(%dma_wait3A_561 : memref<64xi32, #tpu.memory_space<vmem>>)
      tpu.yield
    }) : () -> ()
    %mul3A_82 = arith.constant 64 : i32
    %mul3A_83 = arith.muli %arg1, %mul3A_82 : i32
    %add3A_84 = arith.constant 5120 : i32
    %add3A_85 = arith.addi %add3A_84, %mul3A_83 : i32
    "tpu.region"() ({
      %run_scoped3A = tpu.sem_alloc : memref<!tpu.dma_semaphore, #tpu.memory_space<semaphore_mem>>
      %dma_start3A = arith.constant 10400 : i32
      %dma_start3A_553 = tpu.memref_slice %arg6[%dma_start3A] : memref<33280xi32, #tpu.memory_space<vmem>> -> memref<64xi32, #tpu.memory_space<vmem>>
      %dma_start3A_554 = tpu.memref_slice %arg11[%add3A_85] : memref<16384xi32, #tpu.memory_space<vmem_shared>> -> memref<64xi32, #tpu.memory_space<vmem_shared>>
      %dma_start3A_555 = arith.constant 10400 : i32
      %dma_start3A_556 = tpu.memref_slice %arg6[%dma_start3A_555] : memref<33280xi32, #tpu.memory_space<vmem>> -> memref<64xi32, #tpu.memory_space<vmem>>
      %dma_start3A_557 = tpu.memref_slice %arg11[%add3A_85] : memref<16384xi32, #tpu.memory_space<vmem_shared>> -> memref<64xi32, #tpu.memory_space<vmem_shared>>
      tpu.enqueue_dma source(%dma_start3A_557 : memref<64xi32, #tpu.memory_space<vmem_shared>>) target(%dma_start3A_556 : memref<64xi32, #tpu.memory_space<vmem>>) target_semaphore(%run_scoped3A : memref<!tpu.dma_semaphore, #tpu.memory_space<semaphore_mem>>)
      %dma_wait3A = arith.constant 10400 : i32
      %dma_wait3A_558 = tpu.memref_slice %arg6[%dma_wait3A] : memref<33280xi32, #tpu.memory_space<vmem>> -> memref<64xi32, #tpu.memory_space<vmem>>
      %dma_wait3A_559 = tpu.memref_slice %arg11[%add3A_85] : memref<16384xi32, #tpu.memory_space<vmem_shared>> -> memref<64xi32, #tpu.memory_space<vmem_shared>>
      %dma_wait3A_560 = arith.constant 10400 : i32
      %dma_wait3A_561 = tpu.memref_slice %arg6[%dma_wait3A_560] : memref<33280xi32, #tpu.memory_space<vmem>> -> memref<64xi32, #tpu.memory_space<vmem>>
      %dma_wait3A_562 = tpu.memref_slice %arg11[%add3A_85] : memref<16384xi32, #tpu.memory_space<vmem_shared>> -> memref<64xi32, #tpu.memory_space<vmem_shared>>
      tpu.wait_dma2 semaphore(%run_scoped3A : memref<!tpu.dma_semaphore, #tpu.memory_space<semaphore_mem>>) src(%dma_wait3A_562 : memref<64xi32, #tpu.memory_space<vmem_shared>>) dst(%dma_wait3A_561 : memref<64xi32, #tpu.memory_space<vmem>>)
      tpu.yield
    }) : () -> ()
    %mul3A_86 = arith.constant 64 : i32
    %mul3A_87 = arith.muli %arg1, %mul3A_86 : i32
    %add3A_88 = arith.constant 6144 : i32
    %add3A_89 = arith.addi %add3A_88, %mul3A_87 : i32
    "tpu.region"() ({
      %run_scoped3A = tpu.sem_alloc : memref<!tpu.dma_semaphore, #tpu.memory_space<semaphore_mem>>
      %dma_start3A = arith.constant 12480 : i32
      %dma_start3A_553 = tpu.memref_slice %arg6[%dma_start3A] : memref<33280xi32, #tpu.memory_space<vmem>> -> memref<64xi32, #tpu.memory_space<vmem>>
      %dma_start3A_554 = tpu.memref_slice %arg11[%add3A_89] : memref<16384xi32, #tpu.memory_space<vmem_shared>> -> memref<64xi32, #tpu.memory_space<vmem_shared>>
      %dma_start3A_555 = arith.constant 12480 : i32
      %dma_start3A_556 = tpu.memref_slice %arg6[%dma_start3A_555] : memref<33280xi32, #tpu.memory_space<vmem>> -> memref<64xi32, #tpu.memory_space<vmem>>
      %dma_start3A_557 = tpu.memref_slice %arg11[%add3A_89] : memref<16384xi32, #tpu.memory_space<vmem_shared>> -> memref<64xi32, #tpu.memory_space<vmem_shared>>
      tpu.enqueue_dma source(%dma_start3A_557 : memref<64xi32, #tpu.memory_space<vmem_shared>>) target(%dma_start3A_556 : memref<64xi32, #tpu.memory_space<vmem>>) target_semaphore(%run_scoped3A : memref<!tpu.dma_semaphore, #tpu.memory_space<semaphore_mem>>)
      %dma_wait3A = arith.constant 12480 : i32
      %dma_wait3A_558 = tpu.memref_slice %arg6[%dma_wait3A] : memref<33280xi32, #tpu.memory_space<vmem>> -> memref<64xi32, #tpu.memory_space<vmem>>
      %dma_wait3A_559 = tpu.memref_slice %arg11[%add3A_89] : memref<16384xi32, #tpu.memory_space<vmem_shared>> -> memref<64xi32, #tpu.memory_space<vmem_shared>>
      %dma_wait3A_560 = arith.constant 12480 : i32
      %dma_wait3A_561 = tpu.memref_slice %arg6[%dma_wait3A_560] : memref<33280xi32, #tpu.memory_space<vmem>> -> memref<64xi32, #tpu.memory_space<vmem>>
      %dma_wait3A_562 = tpu.memref_slice %arg11[%add3A_89] : memref<16384xi32, #tpu.memory_space<vmem_shared>> -> memref<64xi32, #tpu.memory_space<vmem_shared>>
      tpu.wait_dma2 semaphore(%run_scoped3A : memref<!tpu.dma_semaphore, #tpu.memory_space<semaphore_mem>>) src(%dma_wait3A_562 : memref<64xi32, #tpu.memory_space<vmem_shared>>) dst(%dma_wait3A_561 : memref<64xi32, #tpu.memory_space<vmem>>)
      tpu.yield
    }) : () -> ()
    %mul3A_90 = arith.constant 64 : i32
    %mul3A_91 = arith.muli %arg1, %mul3A_90 : i32
    %add3A_92 = arith.constant 7168 : i32
    %add3A_93 = arith.addi %add3A_92, %mul3A_91 : i32
    "tpu.region"() ({
      %run_scoped3A = tpu.sem_alloc : memref<!tpu.dma_semaphore, #tpu.memory_space<semaphore_mem>>
      %dma_start3A = arith.constant 14560 : i32
      %dma_start3A_553 = tpu.memref_slice %arg6[%dma_start3A] : memref<33280xi32, #tpu.memory_space<vmem>> -> memref<64xi32, #tpu.memory_space<vmem>>
      %dma_start3A_554 = tpu.memref_slice %arg11[%add3A_93] : memref<16384xi32, #tpu.memory_space<vmem_shared>> -> memref<64xi32, #tpu.memory_space<vmem_shared>>
      %dma_start3A_555 = arith.constant 14560 : i32
      %dma_start3A_556 = tpu.memref_slice %arg6[%dma_start3A_555] : memref<33280xi32, #tpu.memory_space<vmem>> -> memref<64xi32, #tpu.memory_space<vmem>>
      %dma_start3A_557 = tpu.memref_slice %arg11[%add3A_93] : memref<16384xi32, #tpu.memory_space<vmem_shared>> -> memref<64xi32, #tpu.memory_space<vmem_shared>>
      tpu.enqueue_dma source(%dma_start3A_557 : memref<64xi32, #tpu.memory_space<vmem_shared>>) target(%dma_start3A_556 : memref<64xi32, #tpu.memory_space<vmem>>) target_semaphore(%run_scoped3A : memref<!tpu.dma_semaphore, #tpu.memory_space<semaphore_mem>>)
      %dma_wait3A = arith.constant 14560 : i32
      %dma_wait3A_558 = tpu.memref_slice %arg6[%dma_wait3A] : memref<33280xi32, #tpu.memory_space<vmem>> -> memref<64xi32, #tpu.memory_space<vmem>>
      %dma_wait3A_559 = tpu.memref_slice %arg11[%add3A_93] : memref<16384xi32, #tpu.memory_space<vmem_shared>> -> memref<64xi32, #tpu.memory_space<vmem_shared>>
      %dma_wait3A_560 = arith.constant 14560 : i32
      %dma_wait3A_561 = tpu.memref_slice %arg6[%dma_wait3A_560] : memref<33280xi32, #tpu.memory_space<vmem>> -> memref<64xi32, #tpu.memory_space<vmem>>
      %dma_wait3A_562 = tpu.memref_slice %arg11[%add3A_93] : memref<16384xi32, #tpu.memory_space<vmem_shared>> -> memref<64xi32, #tpu.memory_space<vmem_shared>>
      tpu.wait_dma2 semaphore(%run_scoped3A : memref<!tpu.dma_semaphore, #tpu.memory_space<semaphore_mem>>) src(%dma_wait3A_562 : memref<64xi32, #tpu.memory_space<vmem_shared>>) dst(%dma_wait3A_561 : memref<64xi32, #tpu.memory_space<vmem>>)
      tpu.yield
    }) : () -> ()
    %mul3A_94 = arith.constant 64 : i32
    %mul3A_95 = arith.muli %arg1, %mul3A_94 : i32
    %add3A_96 = arith.constant 8192 : i32
    %add3A_97 = arith.addi %add3A_96, %mul3A_95 : i32
    "tpu.region"() ({
      %run_scoped3A = tpu.sem_alloc : memref<!tpu.dma_semaphore, #tpu.memory_space<semaphore_mem>>
      %dma_start3A = arith.constant 16640 : i32
      %dma_start3A_553 = tpu.memref_slice %arg6[%dma_start3A] : memref<33280xi32, #tpu.memory_space<vmem>> -> memref<64xi32, #tpu.memory_space<vmem>>
      %dma_start3A_554 = tpu.memref_slice %arg11[%add3A_97] : memref<16384xi32, #tpu.memory_space<vmem_shared>> -> memref<64xi32, #tpu.memory_space<vmem_shared>>
      %dma_start3A_555 = arith.constant 16640 : i32
      %dma_start3A_556 = tpu.memref_slice %arg6[%dma_start3A_555] : memref<33280xi32, #tpu.memory_space<vmem>> -> memref<64xi32, #tpu.memory_space<vmem>>
      %dma_start3A_557 = tpu.memref_slice %arg11[%add3A_97] : memref<16384xi32, #tpu.memory_space<vmem_shared>> -> memref<64xi32, #tpu.memory_space<vmem_shared>>
      tpu.enqueue_dma source(%dma_start3A_557 : memref<64xi32, #tpu.memory_space<vmem_shared>>) target(%dma_start3A_556 : memref<64xi32, #tpu.memory_space<vmem>>) target_semaphore(%run_scoped3A : memref<!tpu.dma_semaphore, #tpu.memory_space<semaphore_mem>>)
      %dma_wait3A = arith.constant 16640 : i32
      %dma_wait3A_558 = tpu.memref_slice %arg6[%dma_wait3A] : memref<33280xi32, #tpu.memory_space<vmem>> -> memref<64xi32, #tpu.memory_space<vmem>>
      %dma_wait3A_559 = tpu.memref_slice %arg11[%add3A_97] : memref<16384xi32, #tpu.memory_space<vmem_shared>> -> memref<64xi32, #tpu.memory_space<vmem_shared>>
      %dma_wait3A_560 = arith.constant 16640 : i32
      %dma_wait3A_561 = tpu.memref_slice %arg6[%dma_wait3A_560] : memref<33280xi32, #tpu.memory_space<vmem>> -> memref<64xi32, #tpu.memory_space<vmem>>
      %dma_wait3A_562 = tpu.memref_slice %arg11[%add3A_97] : memref<16384xi32, #tpu.memory_space<vmem_shared>> -> memref<64xi32, #tpu.memory_space<vmem_shared>>
      tpu.wait_dma2 semaphore(%run_scoped3A : memref<!tpu.dma_semaphore, #tpu.memory_space<semaphore_mem>>) src(%dma_wait3A_562 : memref<64xi32, #tpu.memory_space<vmem_shared>>) dst(%dma_wait3A_561 : memref<64xi32, #tpu.memory_space<vmem>>)
      tpu.yield
    }) : () -> ()
    %mul3A_98 = arith.constant 64 : i32
    %mul3A_99 = arith.muli %arg1, %mul3A_98 : i32
    %add3A_100 = arith.constant 9216 : i32
    %add3A_101 = arith.addi %add3A_100, %mul3A_99 : i32
    "tpu.region"() ({
      %run_scoped3A = tpu.sem_alloc : memref<!tpu.dma_semaphore, #tpu.memory_space<semaphore_mem>>
      %dma_start3A = arith.constant 18720 : i32
      %dma_start3A_553 = tpu.memref_slice %arg6[%dma_start3A] : memref<33280xi32, #tpu.memory_space<vmem>> -> memref<64xi32, #tpu.memory_space<vmem>>
      %dma_start3A_554 = tpu.memref_slice %arg11[%add3A_101] : memref<16384xi32, #tpu.memory_space<vmem_shared>> -> memref<64xi32, #tpu.memory_space<vmem_shared>>
      %dma_start3A_555 = arith.constant 18720 : i32
      %dma_start3A_556 = tpu.memref_slice %arg6[%dma_start3A_555] : memref<33280xi32, #tpu.memory_space<vmem>> -> memref<64xi32, #tpu.memory_space<vmem>>
      %dma_start3A_557 = tpu.memref_slice %arg11[%add3A_101] : memref<16384xi32, #tpu.memory_space<vmem_shared>> -> memref<64xi32, #tpu.memory_space<vmem_shared>>
      tpu.enqueue_dma source(%dma_start3A_557 : memref<64xi32, #tpu.memory_space<vmem_shared>>) target(%dma_start3A_556 : memref<64xi32, #tpu.memory_space<vmem>>) target_semaphore(%run_scoped3A : memref<!tpu.dma_semaphore, #tpu.memory_space<semaphore_mem>>)
      %dma_wait3A = arith.constant 18720 : i32
      %dma_wait3A_558 = tpu.memref_slice %arg6[%dma_wait3A] : memref<33280xi32, #tpu.memory_space<vmem>> -> memref<64xi32, #tpu.memory_space<vmem>>
      %dma_wait3A_559 = tpu.memref_slice %arg11[%add3A_101] : memref<16384xi32, #tpu.memory_space<vmem_shared>> -> memref<64xi32, #tpu.memory_space<vmem_shared>>
      %dma_wait3A_560 = arith.constant 18720 : i32
      %dma_wait3A_561 = tpu.memref_slice %arg6[%dma_wait3A_560] : memref<33280xi32, #tpu.memory_space<vmem>> -> memref<64xi32, #tpu.memory_space<vmem>>
      %dma_wait3A_562 = tpu.memref_slice %arg11[%add3A_101] : memref<16384xi32, #tpu.memory_space<vmem_shared>> -> memref<64xi32, #tpu.memory_space<vmem_shared>>
      tpu.wait_dma2 semaphore(%run_scoped3A : memref<!tpu.dma_semaphore, #tpu.memory_space<semaphore_mem>>) src(%dma_wait3A_562 : memref<64xi32, #tpu.memory_space<vmem_shared>>) dst(%dma_wait3A_561 : memref<64xi32, #tpu.memory_space<vmem>>)
      tpu.yield
    }) : () -> ()
    %mul3A_102 = arith.constant 64 : i32
    %mul3A_103 = arith.muli %arg1, %mul3A_102 : i32
    %add3A_104 = arith.constant 10240 : i32
    %add3A_105 = arith.addi %add3A_104, %mul3A_103 : i32
    "tpu.region"() ({
      %run_scoped3A = tpu.sem_alloc : memref<!tpu.dma_semaphore, #tpu.memory_space<semaphore_mem>>
      %dma_start3A = arith.constant 20800 : i32
      %dma_start3A_553 = tpu.memref_slice %arg6[%dma_start3A] : memref<33280xi32, #tpu.memory_space<vmem>> -> memref<64xi32, #tpu.memory_space<vmem>>
      %dma_start3A_554 = tpu.memref_slice %arg11[%add3A_105] : memref<16384xi32, #tpu.memory_space<vmem_shared>> -> memref<64xi32, #tpu.memory_space<vmem_shared>>
      %dma_start3A_555 = arith.constant 20800 : i32
      %dma_start3A_556 = tpu.memref_slice %arg6[%dma_start3A_555] : memref<33280xi32, #tpu.memory_space<vmem>> -> memref<64xi32, #tpu.memory_space<vmem>>
      %dma_start3A_557 = tpu.memref_slice %arg11[%add3A_105] : memref<16384xi32, #tpu.memory_space<vmem_shared>> -> memref<64xi32, #tpu.memory_space<vmem_shared>>
      tpu.enqueue_dma source(%dma_start3A_557 : memref<64xi32, #tpu.memory_space<vmem_shared>>) target(%dma_start3A_556 : memref<64xi32, #tpu.memory_space<vmem>>) target_semaphore(%run_scoped3A : memref<!tpu.dma_semaphore, #tpu.memory_space<semaphore_mem>>)
      %dma_wait3A = arith.constant 20800 : i32
      %dma_wait3A_558 = tpu.memref_slice %arg6[%dma_wait3A] : memref<33280xi32, #tpu.memory_space<vmem>> -> memref<64xi32, #tpu.memory_space<vmem>>
      %dma_wait3A_559 = tpu.memref_slice %arg11[%add3A_105] : memref<16384xi32, #tpu.memory_space<vmem_shared>> -> memref<64xi32, #tpu.memory_space<vmem_shared>>
      %dma_wait3A_560 = arith.constant 20800 : i32
      %dma_wait3A_561 = tpu.memref_slice %arg6[%dma_wait3A_560] : memref<33280xi32, #tpu.memory_space<vmem>> -> memref<64xi32, #tpu.memory_space<vmem>>
      %dma_wait3A_562 = tpu.memref_slice %arg11[%add3A_105] : memref<16384xi32, #tpu.memory_space<vmem_shared>> -> memref<64xi32, #tpu.memory_space<vmem_shared>>
      tpu.wait_dma2 semaphore(%run_scoped3A : memref<!tpu.dma_semaphore, #tpu.memory_space<semaphore_mem>>) src(%dma_wait3A_562 : memref<64xi32, #tpu.memory_space<vmem_shared>>) dst(%dma_wait3A_561 : memref<64xi32, #tpu.memory_space<vmem>>)
      tpu.yield
    }) : () -> ()
    %mul3A_106 = arith.constant 64 : i32
    %mul3A_107 = arith.muli %arg1, %mul3A_106 : i32
    %add3A_108 = arith.constant 11264 : i32
    %add3A_109 = arith.addi %add3A_108, %mul3A_107 : i32
    "tpu.region"() ({
      %run_scoped3A = tpu.sem_alloc : memref<!tpu.dma_semaphore, #tpu.memory_space<semaphore_mem>>
      %dma_start3A = arith.constant 22880 : i32
      %dma_start3A_553 = tpu.memref_slice %arg6[%dma_start3A] : memref<33280xi32, #tpu.memory_space<vmem>> -> memref<64xi32, #tpu.memory_space<vmem>>
      %dma_start3A_554 = tpu.memref_slice %arg11[%add3A_109] : memref<16384xi32, #tpu.memory_space<vmem_shared>> -> memref<64xi32, #tpu.memory_space<vmem_shared>>
      %dma_start3A_555 = arith.constant 22880 : i32
      %dma_start3A_556 = tpu.memref_slice %arg6[%dma_start3A_555] : memref<33280xi32, #tpu.memory_space<vmem>> -> memref<64xi32, #tpu.memory_space<vmem>>
      %dma_start3A_557 = tpu.memref_slice %arg11[%add3A_109] : memref<16384xi32, #tpu.memory_space<vmem_shared>> -> memref<64xi32, #tpu.memory_space<vmem_shared>>
      tpu.enqueue_dma source(%dma_start3A_557 : memref<64xi32, #tpu.memory_space<vmem_shared>>) target(%dma_start3A_556 : memref<64xi32, #tpu.memory_space<vmem>>) target_semaphore(%run_scoped3A : memref<!tpu.dma_semaphore, #tpu.memory_space<semaphore_mem>>)
      %dma_wait3A = arith.constant 22880 : i32
      %dma_wait3A_558 = tpu.memref_slice %arg6[%dma_wait3A] : memref<33280xi32, #tpu.memory_space<vmem>> -> memref<64xi32, #tpu.memory_space<vmem>>
      %dma_wait3A_559 = tpu.memref_slice %arg11[%add3A_109] : memref<16384xi32, #tpu.memory_space<vmem_shared>> -> memref<64xi32, #tpu.memory_space<vmem_shared>>
      %dma_wait3A_560 = arith.constant 22880 : i32
      %dma_wait3A_561 = tpu.memref_slice %arg6[%dma_wait3A_560] : memref<33280xi32, #tpu.memory_space<vmem>> -> memref<64xi32, #tpu.memory_space<vmem>>
      %dma_wait3A_562 = tpu.memref_slice %arg11[%add3A_109] : memref<16384xi32, #tpu.memory_space<vmem_shared>> -> memref<64xi32, #tpu.memory_space<vmem_shared>>
      tpu.wait_dma2 semaphore(%run_scoped3A : memref<!tpu.dma_semaphore, #tpu.memory_space<semaphore_mem>>) src(%dma_wait3A_562 : memref<64xi32, #tpu.memory_space<vmem_shared>>) dst(%dma_wait3A_561 : memref<64xi32, #tpu.memory_space<vmem>>)
      tpu.yield
    }) : () -> ()
    %mul3A_110 = arith.constant 64 : i32
    %mul3A_111 = arith.muli %arg1, %mul3A_110 : i32
    %add3A_112 = arith.constant 12288 : i32
    %add3A_113 = arith.addi %add3A_112, %mul3A_111 : i32
    "tpu.region"() ({
      %run_scoped3A = tpu.sem_alloc : memref<!tpu.dma_semaphore, #tpu.memory_space<semaphore_mem>>
      %dma_start3A = arith.constant 24960 : i32
      %dma_start3A_553 = tpu.memref_slice %arg6[%dma_start3A] : memref<33280xi32, #tpu.memory_space<vmem>> -> memref<64xi32, #tpu.memory_space<vmem>>
      %dma_start3A_554 = tpu.memref_slice %arg11[%add3A_113] : memref<16384xi32, #tpu.memory_space<vmem_shared>> -> memref<64xi32, #tpu.memory_space<vmem_shared>>
      %dma_start3A_555 = arith.constant 24960 : i32
      %dma_start3A_556 = tpu.memref_slice %arg6[%dma_start3A_555] : memref<33280xi32, #tpu.memory_space<vmem>> -> memref<64xi32, #tpu.memory_space<vmem>>
      %dma_start3A_557 = tpu.memref_slice %arg11[%add3A_113] : memref<16384xi32, #tpu.memory_space<vmem_shared>> -> memref<64xi32, #tpu.memory_space<vmem_shared>>
      tpu.enqueue_dma source(%dma_start3A_557 : memref<64xi32, #tpu.memory_space<vmem_shared>>) target(%dma_start3A_556 : memref<64xi32, #tpu.memory_space<vmem>>) target_semaphore(%run_scoped3A : memref<!tpu.dma_semaphore, #tpu.memory_space<semaphore_mem>>)
      %dma_wait3A = arith.constant 24960 : i32
      %dma_wait3A_558 = tpu.memref_slice %arg6[%dma_wait3A] : memref<33280xi32, #tpu.memory_space<vmem>> -> memref<64xi32, #tpu.memory_space<vmem>>
      %dma_wait3A_559 = tpu.memref_slice %arg11[%add3A_113] : memref<16384xi32, #tpu.memory_space<vmem_shared>> -> memref<64xi32, #tpu.memory_space<vmem_shared>>
      %dma_wait3A_560 = arith.constant 24960 : i32
      %dma_wait3A_561 = tpu.memref_slice %arg6[%dma_wait3A_560] : memref<33280xi32, #tpu.memory_space<vmem>> -> memref<64xi32, #tpu.memory_space<vmem>>
      %dma_wait3A_562 = tpu.memref_slice %arg11[%add3A_113] : memref<16384xi32, #tpu.memory_space<vmem_shared>> -> memref<64xi32, #tpu.memory_space<vmem_shared>>
      tpu.wait_dma2 semaphore(%run_scoped3A : memref<!tpu.dma_semaphore, #tpu.memory_space<semaphore_mem>>) src(%dma_wait3A_562 : memref<64xi32, #tpu.memory_space<vmem_shared>>) dst(%dma_wait3A_561 : memref<64xi32, #tpu.memory_space<vmem>>)
      tpu.yield
    }) : () -> ()
    %mul3A_114 = arith.constant 64 : i32
    %mul3A_115 = arith.muli %arg1, %mul3A_114 : i32
    %add3A_116 = arith.constant 13312 : i32
    %add3A_117 = arith.addi %add3A_116, %mul3A_115 : i32
    "tpu.region"() ({
      %run_scoped3A = tpu.sem_alloc : memref<!tpu.dma_semaphore, #tpu.memory_space<semaphore_mem>>
      %dma_start3A = arith.constant 27040 : i32
      %dma_start3A_553 = tpu.memref_slice %arg6[%dma_start3A] : memref<33280xi32, #tpu.memory_space<vmem>> -> memref<64xi32, #tpu.memory_space<vmem>>
      %dma_start3A_554 = tpu.memref_slice %arg11[%add3A_117] : memref<16384xi32, #tpu.memory_space<vmem_shared>> -> memref<64xi32, #tpu.memory_space<vmem_shared>>
      %dma_start3A_555 = arith.constant 27040 : i32
      %dma_start3A_556 = tpu.memref_slice %arg6[%dma_start3A_555] : memref<33280xi32, #tpu.memory_space<vmem>> -> memref<64xi32, #tpu.memory_space<vmem>>
      %dma_start3A_557 = tpu.memref_slice %arg11[%add3A_117] : memref<16384xi32, #tpu.memory_space<vmem_shared>> -> memref<64xi32, #tpu.memory_space<vmem_shared>>
      tpu.enqueue_dma source(%dma_start3A_557 : memref<64xi32, #tpu.memory_space<vmem_shared>>) target(%dma_start3A_556 : memref<64xi32, #tpu.memory_space<vmem>>) target_semaphore(%run_scoped3A : memref<!tpu.dma_semaphore, #tpu.memory_space<semaphore_mem>>)
      %dma_wait3A = arith.constant 27040 : i32
      %dma_wait3A_558 = tpu.memref_slice %arg6[%dma_wait3A] : memref<33280xi32, #tpu.memory_space<vmem>> -> memref<64xi32, #tpu.memory_space<vmem>>
      %dma_wait3A_559 = tpu.memref_slice %arg11[%add3A_117] : memref<16384xi32, #tpu.memory_space<vmem_shared>> -> memref<64xi32, #tpu.memory_space<vmem_shared>>
      %dma_wait3A_560 = arith.constant 27040 : i32
      %dma_wait3A_561 = tpu.memref_slice %arg6[%dma_wait3A_560] : memref<33280xi32, #tpu.memory_space<vmem>> -> memref<64xi32, #tpu.memory_space<vmem>>
      %dma_wait3A_562 = tpu.memref_slice %arg11[%add3A_117] : memref<16384xi32, #tpu.memory_space<vmem_shared>> -> memref<64xi32, #tpu.memory_space<vmem_shared>>
      tpu.wait_dma2 semaphore(%run_scoped3A : memref<!tpu.dma_semaphore, #tpu.memory_space<semaphore_mem>>) src(%dma_wait3A_562 : memref<64xi32, #tpu.memory_space<vmem_shared>>) dst(%dma_wait3A_561 : memref<64xi32, #tpu.memory_space<vmem>>)
      tpu.yield
    }) : () -> ()
    %mul3A_118 = arith.constant 64 : i32
    %mul3A_119 = arith.muli %arg1, %mul3A_118 : i32
    %add3A_120 = arith.constant 14336 : i32
    %add3A_121 = arith.addi %add3A_120, %mul3A_119 : i32
    "tpu.region"() ({
      %run_scoped3A = tpu.sem_alloc : memref<!tpu.dma_semaphore, #tpu.memory_space<semaphore_mem>>
      %dma_start3A = arith.constant 29120 : i32
      %dma_start3A_553 = tpu.memref_slice %arg6[%dma_start3A] : memref<33280xi32, #tpu.memory_space<vmem>> -> memref<64xi32, #tpu.memory_space<vmem>>
      %dma_start3A_554 = tpu.memref_slice %arg11[%add3A_121] : memref<16384xi32, #tpu.memory_space<vmem_shared>> -> memref<64xi32, #tpu.memory_space<vmem_shared>>
      %dma_start3A_555 = arith.constant 29120 : i32
      %dma_start3A_556 = tpu.memref_slice %arg6[%dma_start3A_555] : memref<33280xi32, #tpu.memory_space<vmem>> -> memref<64xi32, #tpu.memory_space<vmem>>
      %dma_start3A_557 = tpu.memref_slice %arg11[%add3A_121] : memref<16384xi32, #tpu.memory_space<vmem_shared>> -> memref<64xi32, #tpu.memory_space<vmem_shared>>
      tpu.enqueue_dma source(%dma_start3A_557 : memref<64xi32, #tpu.memory_space<vmem_shared>>) target(%dma_start3A_556 : memref<64xi32, #tpu.memory_space<vmem>>) target_semaphore(%run_scoped3A : memref<!tpu.dma_semaphore, #tpu.memory_space<semaphore_mem>>)
      %dma_wait3A = arith.constant 29120 : i32
      %dma_wait3A_558 = tpu.memref_slice %arg6[%dma_wait3A] : memref<33280xi32, #tpu.memory_space<vmem>> -> memref<64xi32, #tpu.memory_space<vmem>>
      %dma_wait3A_559 = tpu.memref_slice %arg11[%add3A_121] : memref<16384xi32, #tpu.memory_space<vmem_shared>> -> memref<64xi32, #tpu.memory_space<vmem_shared>>
      %dma_wait3A_560 = arith.constant 29120 : i32
      %dma_wait3A_561 = tpu.memref_slice %arg6[%dma_wait3A_560] : memref<33280xi32, #tpu.memory_space<vmem>> -> memref<64xi32, #tpu.memory_space<vmem>>
      %dma_wait3A_562 = tpu.memref_slice %arg11[%add3A_121] : memref<16384xi32, #tpu.memory_space<vmem_shared>> -> memref<64xi32, #tpu.memory_space<vmem_shared>>
      tpu.wait_dma2 semaphore(%run_scoped3A : memref<!tpu.dma_semaphore, #tpu.memory_space<semaphore_mem>>) src(%dma_wait3A_562 : memref<64xi32, #tpu.memory_space<vmem_shared>>) dst(%dma_wait3A_561 : memref<64xi32, #tpu.memory_space<vmem>>)
      tpu.yield
    }) : () -> ()
    %mul3A_122 = arith.constant 64 : i32
    %mul3A_123 = arith.muli %arg1, %mul3A_122 : i32
    %add3A_124 = arith.constant 15360 : i32
    %add3A_125 = arith.addi %add3A_124, %mul3A_123 : i32
    "tpu.region"() ({
      %run_scoped3A = tpu.sem_alloc : memref<!tpu.dma_semaphore, #tpu.memory_space<semaphore_mem>>
      %dma_start3A = arith.constant 31200 : i32
      %dma_start3A_553 = tpu.memref_slice %arg6[%dma_start3A] : memref<33280xi32, #tpu.memory_space<vmem>> -> memref<64xi32, #tpu.memory_space<vmem>>
      %dma_start3A_554 = tpu.memref_slice %arg11[%add3A_125] : memref<16384xi32, #tpu.memory_space<vmem_shared>> -> memref<64xi32, #tpu.memory_space<vmem_shared>>
      %dma_start3A_555 = arith.constant 31200 : i32
      %dma_start3A_556 = tpu.memref_slice %arg6[%dma_start3A_555] : memref<33280xi32, #tpu.memory_space<vmem>> -> memref<64xi32, #tpu.memory_space<vmem>>
      %dma_start3A_557 = tpu.memref_slice %arg11[%add3A_125] : memref<16384xi32, #tpu.memory_space<vmem_shared>> -> memref<64xi32, #tpu.memory_space<vmem_shared>>
      tpu.enqueue_dma source(%dma_start3A_557 : memref<64xi32, #tpu.memory_space<vmem_shared>>) target(%dma_start3A_556 : memref<64xi32, #tpu.memory_space<vmem>>) target_semaphore(%run_scoped3A : memref<!tpu.dma_semaphore, #tpu.memory_space<semaphore_mem>>)
      %dma_wait3A = arith.constant 31200 : i32
      %dma_wait3A_558 = tpu.memref_slice %arg6[%dma_wait3A] : memref<33280xi32, #tpu.memory_space<vmem>> -> memref<64xi32, #tpu.memory_space<vmem>>
      %dma_wait3A_559 = tpu.memref_slice %arg11[%add3A_125] : memref<16384xi32, #tpu.memory_space<vmem_shared>> -> memref<64xi32, #tpu.memory_space<vmem_shared>>
      %dma_wait3A_560 = arith.constant 31200 : i32
      %dma_wait3A_561 = tpu.memref_slice %arg6[%dma_wait3A_560] : memref<33280xi32, #tpu.memory_space<vmem>> -> memref<64xi32, #tpu.memory_space<vmem>>
      %dma_wait3A_562 = tpu.memref_slice %arg11[%add3A_125] : memref<16384xi32, #tpu.memory_space<vmem_shared>> -> memref<64xi32, #tpu.memory_space<vmem_shared>>
      tpu.wait_dma2 semaphore(%run_scoped3A : memref<!tpu.dma_semaphore, #tpu.memory_space<semaphore_mem>>) src(%dma_wait3A_562 : memref<64xi32, #tpu.memory_space<vmem_shared>>) dst(%dma_wait3A_561 : memref<64xi32, #tpu.memory_space<vmem>>)
      tpu.yield
    }) : () -> ()
    %parallel_loop3A_126 = arith.constant 0 : i32
    %parallel_loop3A_127 = arith.constant 4 : i32
    %parallel_loop3A_128 = arith.constant 1 : i32
    scf.for %parallel_loop3A_553 = %parallel_loop3A_126 to %parallel_loop3A_127 step %parallel_loop3A_128  : i32 {
      %parallel_loop3A_554 = arith.constant 0 : i32
      %parallel_loop3A_555 = vector.broadcast %parallel_loop3A_554 : i32 to vector<16xi32>
      %parallel_loop3A_556 = arith.constant 16 : i32
      %parallel_loop3A_557 = arith.muli %parallel_loop3A_553, %parallel_loop3A_556 : i32
      %parallel_loop3A_558 = arith.constant 0 : i32
      %parallel_loop3A_559 = arith.addi %parallel_loop3A_558, %parallel_loop3A_557 : i32
      %parallel_loop3A_560 = arith.index_cast %parallel_loop3A_559 : i32 to index
      %parallel_loop3A_561 = tpu.vector_load %arg6[%parallel_loop3A_560] {strides = array<i32>} : memref<33280xi32, #tpu.memory_space<vmem>>, vector<16xi32>,
      %parallel_loop3A_562 = arith.addi %parallel_loop3A_555, %parallel_loop3A_561 : vector<16xi32>
      %parallel_loop3A_563 = arith.constant 16 : i32
      %parallel_loop3A_564 = arith.muli %parallel_loop3A_553, %parallel_loop3A_563 : i32
      %parallel_loop3A_565 = arith.constant 2080 : i32
      %parallel_loop3A_566 = arith.addi %parallel_loop3A_565, %parallel_loop3A_564 : i32
      %parallel_loop3A_567 = arith.index_cast %parallel_loop3A_566 : i32 to index
      %parallel_loop3A_568 = tpu.vector_load %arg6[%parallel_loop3A_567] {strides = array<i32>} : memref<33280xi32, #tpu.memory_space<vmem>>, vector<16xi32>,
      %parallel_loop3A_569 = arith.addi %parallel_loop3A_562, %parallel_loop3A_568 : vector<16xi32>
      %parallel_loop3A_570 = arith.constant 16 : i32
      %parallel_loop3A_571 = arith.muli %parallel_loop3A_553, %parallel_loop3A_570 : i32
      %parallel_loop3A_572 = arith.constant 4160 : i32
      %parallel_loop3A_573 = arith.addi %parallel_loop3A_572, %parallel_loop3A_571 : i32
      %parallel_loop3A_574 = arith.index_cast %parallel_loop3A_573 : i32 to index
      %parallel_loop3A_575 = tpu.vector_load %arg6[%parallel_loop3A_574] {strides = array<i32>} : memref<33280xi32, #tpu.memory_space<vmem>>, vector<16xi32>,
      %parallel_loop3A_576 = arith.addi %parallel_loop3A_569, %parallel_loop3A_575 : vector<16xi32>
      %parallel_loop3A_577 = arith.constant 16 : i32
      %parallel_loop3A_578 = arith.muli %parallel_loop3A_553, %parallel_loop3A_577 : i32
      %parallel_loop3A_579 = arith.constant 6240 : i32
      %parallel_loop3A_580 = arith.addi %parallel_loop3A_579, %parallel_loop3A_578 : i32
      %parallel_loop3A_581 = arith.index_cast %parallel_loop3A_580 : i32 to index
      %parallel_loop3A_582 = tpu.vector_load %arg6[%parallel_loop3A_581] {strides = array<i32>} : memref<33280xi32, #tpu.memory_space<vmem>>, vector<16xi32>,
      %parallel_loop3A_583 = arith.addi %parallel_loop3A_576, %parallel_loop3A_582 : vector<16xi32>
      %parallel_loop3A_584 = arith.constant 16 : i32
      %parallel_loop3A_585 = arith.muli %parallel_loop3A_553, %parallel_loop3A_584 : i32
      %parallel_loop3A_586 = arith.constant 8320 : i32
      %parallel_loop3A_587 = arith.addi %parallel_loop3A_586, %parallel_loop3A_585 : i32
      %parallel_loop3A_588 = arith.index_cast %parallel_loop3A_587 : i32 to index
      %parallel_loop3A_589 = tpu.vector_load %arg6[%parallel_loop3A_588] {strides = array<i32>} : memref<33280xi32, #tpu.memory_space<vmem>>, vector<16xi32>,
      %parallel_loop3A_590 = arith.addi %parallel_loop3A_583, %parallel_loop3A_589 : vector<16xi32>
      %parallel_loop3A_591 = arith.constant 16 : i32
      %parallel_loop3A_592 = arith.muli %parallel_loop3A_553, %parallel_loop3A_591 : i32
      %parallel_loop3A_593 = arith.constant 10400 : i32
      %parallel_loop3A_594 = arith.addi %parallel_loop3A_593, %parallel_loop3A_592 : i32
      %parallel_loop3A_595 = arith.index_cast %parallel_loop3A_594 : i32 to index
      %parallel_loop3A_596 = tpu.vector_load %arg6[%parallel_loop3A_595] {strides = array<i32>} : memref<33280xi32, #tpu.memory_space<vmem>>, vector<16xi32>,
      %parallel_loop3A_597 = arith.addi %parallel_loop3A_590, %parallel_loop3A_596 : vector<16xi32>
      %parallel_loop3A_598 = arith.constant 16 : i32
      %parallel_loop3A_599 = arith.muli %parallel_loop3A_553, %parallel_loop3A_598 : i32
      %parallel_loop3A_600 = arith.constant 12480 : i32
      %parallel_loop3A_601 = arith.addi %parallel_loop3A_600, %parallel_loop3A_599 : i32
      %parallel_loop3A_602 = arith.index_cast %parallel_loop3A_601 : i32 to index
      %parallel_loop3A_603 = tpu.vector_load %arg6[%parallel_loop3A_602] {strides = array<i32>} : memref<33280xi32, #tpu.memory_space<vmem>>, vector<16xi32>,
      %parallel_loop3A_604 = arith.addi %parallel_loop3A_597, %parallel_loop3A_603 : vector<16xi32>
      %parallel_loop3A_605 = arith.constant 16 : i32
      %parallel_loop3A_606 = arith.muli %parallel_loop3A_553, %parallel_loop3A_605 : i32
      %parallel_loop3A_607 = arith.constant 14560 : i32
      %parallel_loop3A_608 = arith.addi %parallel_loop3A_607, %parallel_loop3A_606 : i32
      %parallel_loop3A_609 = arith.index_cast %parallel_loop3A_608 : i32 to index
      %parallel_loop3A_610 = tpu.vector_load %arg6[%parallel_loop3A_609] {strides = array<i32>} : memref<33280xi32, #tpu.memory_space<vmem>>, vector<16xi32>,
      %parallel_loop3A_611 = arith.addi %parallel_loop3A_604, %parallel_loop3A_610 : vector<16xi32>
      %parallel_loop3A_612 = arith.constant 16 : i32
      %parallel_loop3A_613 = arith.muli %parallel_loop3A_553, %parallel_loop3A_612 : i32
      %parallel_loop3A_614 = arith.constant 16640 : i32
      %parallel_loop3A_615 = arith.addi %parallel_loop3A_614, %parallel_loop3A_613 : i32
      %parallel_loop3A_616 = arith.index_cast %parallel_loop3A_615 : i32 to index
      %parallel_loop3A_617 = tpu.vector_load %arg6[%parallel_loop3A_616] {strides = array<i32>} : memref<33280xi32, #tpu.memory_space<vmem>>, vector<16xi32>,
      %parallel_loop3A_618 = arith.addi %parallel_loop3A_611, %parallel_loop3A_617 : vector<16xi32>
      %parallel_loop3A_619 = arith.constant 16 : i32
      %parallel_loop3A_620 = arith.muli %parallel_loop3A_553, %parallel_loop3A_619 : i32
      %parallel_loop3A_621 = arith.constant 18720 : i32
      %parallel_loop3A_622 = arith.addi %parallel_loop3A_621, %parallel_loop3A_620 : i32
      %parallel_loop3A_623 = arith.index_cast %parallel_loop3A_622 : i32 to index
      %parallel_loop3A_624 = tpu.vector_load %arg6[%parallel_loop3A_623] {strides = array<i32>} : memref<33280xi32, #tpu.memory_space<vmem>>, vector<16xi32>,
      %parallel_loop3A_625 = arith.addi %parallel_loop3A_618, %parallel_loop3A_624 : vector<16xi32>
      %parallel_loop3A_626 = arith.constant 16 : i32
      %parallel_loop3A_627 = arith.muli %parallel_loop3A_553, %parallel_loop3A_626 : i32
      %parallel_loop3A_628 = arith.constant 20800 : i32
      %parallel_loop3A_629 = arith.addi %parallel_loop3A_628, %parallel_loop3A_627 : i32
      %parallel_loop3A_630 = arith.index_cast %parallel_loop3A_629 : i32 to index
      %parallel_loop3A_631 = tpu.vector_load %arg6[%parallel_loop3A_630] {strides = array<i32>} : memref<33280xi32, #tpu.memory_space<vmem>>, vector<16xi32>,
      %parallel_loop3A_632 = arith.addi %parallel_loop3A_625, %parallel_loop3A_631 : vector<16xi32>
      %parallel_loop3A_633 = arith.constant 16 : i32
      %parallel_loop3A_634 = arith.muli %parallel_loop3A_553, %parallel_loop3A_633 : i32
      %parallel_loop3A_635 = arith.constant 22880 : i32
      %parallel_loop3A_636 = arith.addi %parallel_loop3A_635, %parallel_loop3A_634 : i32
      %parallel_loop3A_637 = arith.index_cast %parallel_loop3A_636 : i32 to index
      %parallel_loop3A_638 = tpu.vector_load %arg6[%parallel_loop3A_637] {strides = array<i32>} : memref<33280xi32, #tpu.memory_space<vmem>>, vector<16xi32>,
      %parallel_loop3A_639 = arith.addi %parallel_loop3A_632, %parallel_loop3A_638 : vector<16xi32>
      %parallel_loop3A_640 = arith.constant 16 : i32
      %parallel_loop3A_641 = arith.muli %parallel_loop3A_553, %parallel_loop3A_640 : i32
      %parallel_loop3A_642 = arith.constant 24960 : i32
      %parallel_loop3A_643 = arith.addi %parallel_loop3A_642, %parallel_loop3A_641 : i32
      %parallel_loop3A_644 = arith.index_cast %parallel_loop3A_643 : i32 to index
      %parallel_loop3A_645 = tpu.vector_load %arg6[%parallel_loop3A_644] {strides = array<i32>} : memref<33280xi32, #tpu.memory_space<vmem>>, vector<16xi32>,
      %parallel_loop3A_646 = arith.addi %parallel_loop3A_639, %parallel_loop3A_645 : vector<16xi32>
      %parallel_loop3A_647 = arith.constant 16 : i32
      %parallel_loop3A_648 = arith.muli %parallel_loop3A_553, %parallel_loop3A_647 : i32
      %parallel_loop3A_649 = arith.constant 27040 : i32
      %parallel_loop3A_650 = arith.addi %parallel_loop3A_649, %parallel_loop3A_648 : i32
      %parallel_loop3A_651 = arith.index_cast %parallel_loop3A_650 : i32 to index
      %parallel_loop3A_652 = tpu.vector_load %arg6[%parallel_loop3A_651] {strides = array<i32>} : memref<33280xi32, #tpu.memory_space<vmem>>, vector<16xi32>,
      %parallel_loop3A_653 = arith.addi %parallel_loop3A_646, %parallel_loop3A_652 : vector<16xi32>
      %parallel_loop3A_654 = arith.constant 16 : i32
      %parallel_loop3A_655 = arith.muli %parallel_loop3A_553, %parallel_loop3A_654 : i32
      %parallel_loop3A_656 = arith.constant 29120 : i32
      %parallel_loop3A_657 = arith.addi %parallel_loop3A_656, %parallel_loop3A_655 : i32
      %parallel_loop3A_658 = arith.index_cast %parallel_loop3A_657 : i32 to index
      %parallel_loop3A_659 = tpu.vector_load %arg6[%parallel_loop3A_658] {strides = array<i32>} : memref<33280xi32, #tpu.memory_space<vmem>>, vector<16xi32>,
      %parallel_loop3A_660 = arith.addi %parallel_loop3A_653, %parallel_loop3A_659 : vector<16xi32>
      %parallel_loop3A_661 = arith.constant 16 : i32
      %parallel_loop3A_662 = arith.muli %parallel_loop3A_553, %parallel_loop3A_661 : i32
      %parallel_loop3A_663 = arith.constant 31200 : i32
      %parallel_loop3A_664 = arith.addi %parallel_loop3A_663, %parallel_loop3A_662 : i32
      %parallel_loop3A_665 = arith.index_cast %parallel_loop3A_664 : i32 to index
      %parallel_loop3A_666 = tpu.vector_load %arg6[%parallel_loop3A_665] {strides = array<i32>} : memref<33280xi32, #tpu.memory_space<vmem>>, vector<16xi32>,
      %parallel_loop3A_667 = arith.addi %parallel_loop3A_660, %parallel_loop3A_666 : vector<16xi32>
      %parallel_loop3A_668 = arith.constant 16 : i32
      %parallel_loop3A_669 = arith.muli %parallel_loop3A_553, %parallel_loop3A_668 : i32
      %parallel_loop3A_670 = arith.index_cast %parallel_loop3A_669 : i32 to index
      %parallel_loop3A_671 = tpu.vector_load %arg10[%parallel_loop3A_670] {strides = array<i32>} : memref<2048xi32, #tpu.memory_space<vmem>>, vector<16xi32>,
      tpu.vector_store %arg10[%parallel_loop3A_670], %parallel_loop3A_667 {strides = array<i32>} : memref<2048xi32, #tpu.memory_space<vmem>>, vector<16xi32>,
    } {sc.loop_unroll_factor = 4 : i64, sc.parallel_access}
    %mul3A_129 = arith.constant 64 : i32
    %mul3A_130 = arith.muli %arg1, %mul3A_129 : i32
    "tpu.region"() ({
      %run_scoped3A = tpu.sem_alloc : memref<!tpu.dma_semaphore, #tpu.memory_space<semaphore_mem>>
      %dma_start3A = arith.constant 0 : i32
      %dma_start3A_553 = tpu.memref_slice %arg10[%dma_start3A] : memref<2048xi32, #tpu.memory_space<vmem>> -> memref<64xi32, #tpu.memory_space<vmem>>
      %dma_start3A_554 = tpu.memref_slice %arg14[%mul3A_130] : memref<2048xi32, #tpu.memory_space<vmem_shared>> -> memref<64xi32, #tpu.memory_space<vmem_shared>>
      %dma_start3A_555 = tpu.memref_slice %arg14[%mul3A_130] : memref<2048xi32, #tpu.memory_space<vmem_shared>> -> memref<64xi32, #tpu.memory_space<vmem_shared>>
      %dma_start3A_556 = arith.constant 0 : i32
      %dma_start3A_557 = tpu.memref_slice %arg10[%dma_start3A_556] : memref<2048xi32, #tpu.memory_space<vmem>> -> memref<64xi32, #tpu.memory_space<vmem>>
      tpu.enqueue_dma source(%dma_start3A_557 : memref<64xi32, #tpu.memory_space<vmem>>) target(%dma_start3A_555 : memref<64xi32, #tpu.memory_space<vmem_shared>>) target_semaphore(%run_scoped3A : memref<!tpu.dma_semaphore, #tpu.memory_space<semaphore_mem>>)
      %dma_wait3A = arith.constant 0 : i32
      %dma_wait3A_558 = tpu.memref_slice %arg10[%dma_wait3A] : memref<2048xi32, #tpu.memory_space<vmem>> -> memref<64xi32, #tpu.memory_space<vmem>>
      %dma_wait3A_559 = tpu.memref_slice %arg14[%mul3A_130] : memref<2048xi32, #tpu.memory_space<vmem_shared>> -> memref<64xi32, #tpu.memory_space<vmem_shared>>
      %dma_wait3A_560 = tpu.memref_slice %arg14[%mul3A_130] : memref<2048xi32, #tpu.memory_space<vmem_shared>> -> memref<64xi32, #tpu.memory_space<vmem_shared>>
      %dma_wait3A_561 = arith.constant 0 : i32
      %dma_wait3A_562 = tpu.memref_slice %arg10[%dma_wait3A_561] : memref<2048xi32, #tpu.memory_space<vmem>> -> memref<64xi32, #tpu.memory_space<vmem>>
      tpu.wait_dma2 semaphore(%run_scoped3A : memref<!tpu.dma_semaphore, #tpu.memory_space<semaphore_mem>>) src(%dma_wait3A_562 : memref<64xi32, #tpu.memory_space<vmem>>) dst(%dma_wait3A_560 : memref<64xi32, #tpu.memory_space<vmem_shared>>)
      tpu.yield
    }) : () -> ()
    %barrier3A_131 = arith.constant 0 : index
    tpu.barrier barrier_id(%barrier3A_131)
    "tpu.region"() ({
      %run_scoped3A = tpu.sem_alloc : memref<!tpu.dma_semaphore, #tpu.memory_space<semaphore_mem>>
      %dma_start3A = arith.constant 0 : i32
      %dma_start3A_553 = tpu.memref_slice %arg5[%dma_start3A] : memref<2048xi32, #tpu.memory_space<vmem>> -> memref<1024xi32, #tpu.memory_space<vmem>>
      %dma_start3A_554 = arith.constant 0 : i32
      %dma_start3A_555 = tpu.memref_slice %arg14[%dma_start3A_554] : memref<2048xi32, #tpu.memory_space<vmem_shared>> -> memref<1024xi32, #tpu.memory_space<vmem_shared>>
      %dma_start3A_556 = arith.constant 0 : i32
      %dma_start3A_557 = tpu.memref_slice %arg5[%dma_start3A_556] : memref<2048xi32, #tpu.memory_space<vmem>> -> memref<1024xi32, #tpu.memory_space<vmem>>
      %dma_start3A_558 = arith.constant 0 : i32
      %dma_start3A_559 = tpu.memref_slice %arg14[%dma_start3A_558] : memref<2048xi32, #tpu.memory_space<vmem_shared>> -> memref<1024xi32, #tpu.memory_space<vmem_shared>>
      tpu.enqueue_dma source(%dma_start3A_559 : memref<1024xi32, #tpu.memory_space<vmem_shared>>) target(%dma_start3A_557 : memref<1024xi32, #tpu.memory_space<vmem>>) target_semaphore(%run_scoped3A : memref<!tpu.dma_semaphore, #tpu.memory_space<semaphore_mem>>)
      %dma_wait3A = arith.constant 0 : i32
      %dma_wait3A_560 = tpu.memref_slice %arg5[%dma_wait3A] : memref<2048xi32, #tpu.memory_space<vmem>> -> memref<1024xi32, #tpu.memory_space<vmem>>
      %dma_wait3A_561 = arith.constant 0 : i32
      %dma_wait3A_562 = tpu.memref_slice %arg14[%dma_wait3A_561] : memref<2048xi32, #tpu.memory_space<vmem_shared>> -> memref<1024xi32, #tpu.memory_space<vmem_shared>>
      %dma_wait3A_563 = arith.constant 0 : i32
      %dma_wait3A_564 = tpu.memref_slice %arg5[%dma_wait3A_563] : memref<2048xi32, #tpu.memory_space<vmem>> -> memref<1024xi32, #tpu.memory_space<vmem>>
      %dma_wait3A_565 = arith.constant 0 : i32
      %dma_wait3A_566 = tpu.memref_slice %arg14[%dma_wait3A_565] : memref<2048xi32, #tpu.memory_space<vmem_shared>> -> memref<1024xi32, #tpu.memory_space<vmem_shared>>
      tpu.wait_dma2 semaphore(%run_scoped3A : memref<!tpu.dma_semaphore, #tpu.memory_space<semaphore_mem>>) src(%dma_wait3A_566 : memref<1024xi32, #tpu.memory_space<vmem_shared>>) dst(%dma_wait3A_564 : memref<1024xi32, #tpu.memory_space<vmem>>)
      tpu.yield
    }) : () -> ()
    %parallel_loop3A_132 = arith.constant 0 : i32
    %parallel_loop3A_133 = arith.constant 64 : i32
    %parallel_loop3A_134 = arith.constant 1 : i32
    scf.for %parallel_loop3A_553 = %parallel_loop3A_132 to %parallel_loop3A_133 step %parallel_loop3A_134  : i32 {
      %parallel_loop3A_554 = arith.constant 16 : i32
      %parallel_loop3A_555 = arith.muli %parallel_loop3A_553, %parallel_loop3A_554 : i32
      %parallel_loop3A_556 = arith.index_cast %parallel_loop3A_555 : i32 to index
      %parallel_loop3A_557 = tpu.vector_load %arg5[%parallel_loop3A_556] {strides = array<i32>} : memref<2048xi32, #tpu.memory_space<vmem>>, vector<16xi32>,
      %parallel_loop3A_558 = arith.constant true
      %parallel_loop3A_559 = vector.broadcast %parallel_loop3A_558 : i1 to vector<16xi1>
      %parallel_loop3A_560 = tpu.scan <sum>, %parallel_loop3A_557 masked %parallel_loop3A_559 : vector<16xi32>, vector<16xi1> -> vector<16xi32>
      %parallel_loop3A_561 = arith.constant 16 : i32
      %parallel_loop3A_562 = arith.muli %parallel_loop3A_553, %parallel_loop3A_561 : i32
      %parallel_loop3A_563 = arith.index_cast %parallel_loop3A_562 : i32 to index
      %parallel_loop3A_564 = tpu.vector_load %arg6[%parallel_loop3A_563] {strides = array<i32>} : memref<33280xi32, #tpu.memory_space<vmem>>, vector<16xi32>,
      tpu.vector_store %arg6[%parallel_loop3A_563], %parallel_loop3A_560 {strides = array<i32>} : memref<33280xi32, #tpu.memory_space<vmem>>, vector<16xi32>,
    } {sc.loop_unroll_factor = 8 : i64, sc.parallel_access}
    %iota3A_135 = tpu.iota {dimensions = array<i32: 0>} : vector<16xi32>
    %broadcast_in_dim3A_136 = arith.constant 0 : i32
    %broadcast_in_dim3A_137 = vector.broadcast %broadcast_in_dim3A_136 : i32 to vector<16xi32>
    %sub3A = arith.constant 1 : i32
    %sub3A_138 = vector.broadcast %sub3A : i32 to vector<16xi32>
    %sub3A_139 = arith.subi %broadcast_in_dim3A_137, %sub3A_138 : vector<16xi32>
    %scan3A = arith.constant 0 : i32
    %scan3A_140 = arith.constant 4 : i32
    %scan3A_141 = arith.addi %scan3A, %scan3A_140 : i32
    %scan3A_142 = arith.constant 1 : i32
    %scan3A_143:3 = scf.for %scan3A_553 = %scan3A to %scan3A_141 step %scan3A_142 iter_args(%scan3A_554 = %broadcast_in_dim3A_137, %scan3A_555 = %sub3A_139, %scan3A_556 = %broadcast_in_dim3A_137) -> (vector<16xi32>, vector<16xi32>, vector<16xi32>)  : i32 {
      %mul3A_557 = arith.constant 256 : i32
      %mul3A_558 = arith.muli %scan3A_553, %mul3A_557 : i32
      %mul3A_559 = arith.constant 16 : i32
      %mul3A_560 = vector.broadcast %mul3A_559 : i32 to vector<16xi32>
      %mul3A_561 = arith.muli %iota3A_135, %mul3A_560 : vector<16xi32>
      %add3A_562 = vector.broadcast %mul3A_558 : i32 to vector<16xi32>
      %add3A_563 = arith.addi %add3A_562, %mul3A_561 : vector<16xi32>
      %add3A_564 = arith.constant 15 : i32
      %add3A_565 = vector.broadcast %add3A_564 : i32 to vector<16xi32>
      %add3A_566 = arith.addi %add3A_563, %add3A_565 : vector<16xi32>
      %gather3A_567 = tpu.vector_load_idx %arg6[%add3A_566] : memref<33280xi32, #tpu.memory_space<vmem>>[vector<16xi32>], vector<16xi32>,
      %broadcast_in_dim3A_568 = arith.constant true
      %broadcast_in_dim3A_569 = vector.broadcast %broadcast_in_dim3A_568 : i1 to vector<16xi1>
      %masked_cumsum3A = tpu.scan <sum>, %gather3A_567 masked %broadcast_in_dim3A_569 : vector<16xi32>, vector<16xi1> -> vector<16xi32>
      %add3A_570 = arith.addi %masked_cumsum3A, %scan3A_554 : vector<16xi32>
      %ge3A_571 = arith.cmpi sge, %add3A_570, %get3A_1 : vector<16xi32>
      %all_reduce_population_count3A = tpu.all_reduce %ge3A_571 {dim = 0 : i64, kind = #tpu.reduction_kind<sum>} : vector<16xi1> -> vector<16xi32>
      %all_reduce_ffs3A_572 = tpu.all_reduce %ge3A_571 {dim = 0 : i64, kind = #tpu.reduction_kind<find_first_set>} : vector<16xi1> -> vector<16xi32>
      %min3A_573 = arith.constant 15 : i32
      %min3A_574 = vector.broadcast %min3A_573 : i32 to vector<16xi32>
      %min3A_575 = arith.minsi %all_reduce_ffs3A_572, %min3A_574 : vector<16xi32>
      %sub3A_576 = arith.subi %add3A_570, %gather3A_567 : vector<16xi32>
      %swap3A_577 = arith.constant 0 : index
      %swap3A_578 = tpu.vector_load %arg15[%swap3A_577] {strides = array<i32>} : memref<16xi32, #tpu.memory_space<vmem>>, vector<16xi32>,
      tpu.vector_store %arg15[%swap3A_577], %sub3A_576 {strides = array<i32>} : memref<16xi32, #tpu.memory_space<vmem>>, vector<16xi32>,
      %gather3A_579 = tpu.vector_load_idx %arg15[%min3A_575] : memref<16xi32, #tpu.memory_space<vmem>>[vector<16xi32>], vector<16xi32>,
      %swap3A_580 = arith.constant 0 : index
      %swap3A_581 = tpu.vector_load %arg16[%swap3A_580] {strides = array<i32>} : memref<16xi32, #tpu.memory_space<vmem>>, vector<16xi32>,
      tpu.vector_store %arg16[%swap3A_580], %add3A_570 {strides = array<i32>} : memref<16xi32, #tpu.memory_space<vmem>>, vector<16xi32>,
      %broadcast_in_dim3A_582 = arith.constant 15 : i32
      %broadcast_in_dim3A_583 = vector.broadcast %broadcast_in_dim3A_582 : i32 to vector<16xi32>
      %gather3A_584 = tpu.vector_load_idx %arg16[%broadcast_in_dim3A_583] : memref<16xi32, #tpu.memory_space<vmem>>[vector<16xi32>], vector<16xi32>,
      %lt3A = arith.constant 0 : i32
      %lt3A_585 = vector.broadcast %lt3A : i32 to vector<16xi32>
      %lt3A_586 = arith.cmpi slt, %scan3A_555, %lt3A_585 : vector<16xi32>
      %gt3A = arith.constant 0 : i32
      %gt3A_587 = vector.broadcast %gt3A : i32 to vector<16xi32>
      %gt3A_588 = arith.cmpi sgt, %all_reduce_population_count3A, %gt3A_587 : vector<16xi32>
      %and3A_589 = arith.andi %lt3A_586, %gt3A_588 : vector<16xi1>
      %mul3A_590 = arith.constant 16 : i32
      %mul3A_591 = arith.muli %scan3A_553, %mul3A_590 : i32
      %add3A_592 = vector.broadcast %mul3A_591 : i32 to vector<16xi32>
      %add3A_593 = arith.addi %add3A_592, %min3A_575 : vector<16xi32>
      %select_n3A = arith.select %and3A_589, %add3A_593, %scan3A_555 : vector<16xi1>, vector<16xi32>
      %select_n3A_594 = arith.select %and3A_589, %gather3A_579, %scan3A_556 : vector<16xi1>, vector<16xi32>
      scf.yield %gather3A_584, %select_n3A, %select_n3A_594 : vector<16xi32>, vector<16xi32>, vector<16xi32>
    }
    %scan3A_144 = arith.constant 4 : i32
    %max3A = arith.constant 0 : i32
    %max3A_145 = vector.broadcast %max3A : i32 to vector<16xi32>
    %max3A_146 = arith.maxsi %scan3A_143#1, %max3A_145 : vector<16xi32>
    %reduce_max3A = arith.constant true
    %reduce_max3A_147 = vector.broadcast %reduce_max3A : i1 to vector<16xi1>
    %reduce_max3A_148 = arith.constant -2147483648 : i32
    %reduce_max3A_149 = vector.broadcast %reduce_max3A_148 : i32 to vector<16xi32>
    %reduce_max3A_150 = arith.xori %max3A_146, %reduce_max3A_149 : vector<16xi32>
    %reduce_max3A_151 = tpu.scan <max>, %reduce_max3A_150 masked %reduce_max3A_147 : vector<16xi32>, vector<16xi1> -> vector<16xi32>
    %reduce_max3A_152 = arith.xori %reduce_max3A_151, %reduce_max3A_149 : vector<16xi32>
    %reduce_max3A_153 = vector.extract %reduce_max3A_152[15] : i32 from vector<16xi32>
    %mul3A_154 = arith.constant 16 : i32
    %mul3A_155 = arith.muli %reduce_max3A_153, %mul3A_154 : i32
    %get3A_156 = arith.index_cast %mul3A_155 : i32 to index
    %get3A_157 = tpu.vector_load %arg6[%get3A_156] {strides = array<i32>} : memref<33280xi32, #tpu.memory_space<vmem>>, vector<16xi32>,
    %add3A_158 = arith.addi %get3A_157, %scan3A_143#2 : vector<16xi32>
    %mul3A_159 = arith.constant 16 : i32
    %mul3A_160 = arith.muli %reduce_max3A_153, %mul3A_159 : i32
    %get3A_161 = arith.index_cast %mul3A_160 : i32 to index
    %get3A_162 = tpu.vector_load %arg5[%get3A_161] {strides = array<i32>} : memref<2048xi32, #tpu.memory_space<vmem>>, vector<16xi32>,
    %ge3A = arith.cmpi sge, %add3A_158, %get3A_1 : vector<16xi32>
    %all_reduce_ffs3A = tpu.all_reduce %ge3A {dim = 0 : i64, kind = #tpu.reduction_kind<find_first_set>} : vector<16xi1> -> vector<16xi32>
    %min3A = arith.constant 15 : i32
    %min3A_163 = vector.broadcast %min3A : i32 to vector<16xi32>
    %min3A_164 = arith.minsi %all_reduce_ffs3A, %min3A_163 : vector<16xi32>
    %sub3A_165 = arith.subi %add3A_158, %get3A_162 : vector<16xi32>
    %swap3A = arith.constant 0 : index
    %swap3A_166 = tpu.vector_load %arg15[%swap3A] {strides = array<i32>} : memref<16xi32, #tpu.memory_space<vmem>>, vector<16xi32>,
    tpu.vector_store %arg15[%swap3A], %sub3A_165 {strides = array<i32>} : memref<16xi32, #tpu.memory_space<vmem>>, vector<16xi32>,
    %gather3A = tpu.vector_load_idx %arg15[%min3A_164] : memref<16xi32, #tpu.memory_space<vmem>>[vector<16xi32>], vector<16xi32>,
    %mul3A_167 = arith.constant 16 : i32
    %mul3A_168 = arith.muli %reduce_max3A_153, %mul3A_167 : i32
    %add3A_169 = vector.broadcast %mul3A_168 : i32 to vector<16xi32>
    %add3A_170 = arith.addi %add3A_169, %min3A_164 : vector<16xi32>
    %sub3A_171 = arith.subi %get3A_1, %gather3A : vector<16xi32>
    %broadcast_in_dim3A_172 = arith.constant 0 : i32
    %broadcast_in_dim3A_173 = vector.broadcast %broadcast_in_dim3A_172 : i32 to vector<16xi32>
    %parallel_loop3A_174 = arith.constant 0 : i32
    %parallel_loop3A_175 = arith.constant 128 : i32
    %parallel_loop3A_176 = arith.constant 1 : i32
    scf.for %parallel_loop3A_553 = %parallel_loop3A_174 to %parallel_loop3A_175 step %parallel_loop3A_176  : i32 {
      %parallel_loop3A_554 = arith.constant 16 : i32
      %parallel_loop3A_555 = arith.muli %parallel_loop3A_553, %parallel_loop3A_554 : i32
      %parallel_loop3A_556 = arith.constant 0 : i32
      %parallel_loop3A_557 = arith.addi %parallel_loop3A_556, %parallel_loop3A_555 : i32
      %parallel_loop3A_558 = arith.index_cast %parallel_loop3A_557 : i32 to index
      %parallel_loop3A_559 = tpu.vector_load %arg6[%parallel_loop3A_558] {strides = array<i32>} : memref<33280xi32, #tpu.memory_space<vmem>>, vector<16xi32>,
      tpu.vector_store %arg6[%parallel_loop3A_558], %broadcast_in_dim3A_173 {strides = array<i32>} : memref<33280xi32, #tpu.memory_space<vmem>>, vector<16xi32>,
    } {sc.loop_unroll_factor = 8 : i64, sc.parallel_access}
    %parallel_loop3A_177 = arith.constant 0 : i32
    %parallel_loop3A_178 = arith.constant 128 : i32
    %parallel_loop3A_179 = arith.constant 1 : i32
    scf.for %parallel_loop3A_553 = %parallel_loop3A_177 to %parallel_loop3A_178 step %parallel_loop3A_179  : i32 {
      %parallel_loop3A_554 = arith.constant 16 : i32
      %parallel_loop3A_555 = arith.muli %parallel_loop3A_553, %parallel_loop3A_554 : i32
      %parallel_loop3A_556 = arith.constant 2081 : i32
      %parallel_loop3A_557 = arith.addi %parallel_loop3A_556, %parallel_loop3A_555 : i32
      %parallel_loop3A_558 = arith.index_cast %parallel_loop3A_557 : i32 to index
      %parallel_loop3A_559 = tpu.vector_load %arg6[%parallel_loop3A_558] {strides = array<i32>} : memref<33280xi32, #tpu.memory_space<vmem>>, vector<16xi32>,
      tpu.vector_store %arg6[%parallel_loop3A_558], %broadcast_in_dim3A_173 {strides = array<i32>} : memref<33280xi32, #tpu.memory_space<vmem>>, vector<16xi32>,
    } {sc.loop_unroll_factor = 8 : i64, sc.parallel_access}
    %parallel_loop3A_180 = arith.constant 0 : i32
    %parallel_loop3A_181 = arith.constant 128 : i32
    %parallel_loop3A_182 = arith.constant 1 : i32
    scf.for %parallel_loop3A_553 = %parallel_loop3A_180 to %parallel_loop3A_181 step %parallel_loop3A_182  : i32 {
      %parallel_loop3A_554 = arith.constant 16 : i32
      %parallel_loop3A_555 = arith.muli %parallel_loop3A_553, %parallel_loop3A_554 : i32
      %parallel_loop3A_556 = arith.constant 4162 : i32
      %parallel_loop3A_557 = arith.addi %parallel_loop3A_556, %parallel_loop3A_555 : i32
      %parallel_loop3A_558 = arith.index_cast %parallel_loop3A_557 : i32 to index
      %parallel_loop3A_559 = tpu.vector_load %arg6[%parallel_loop3A_558] {strides = array<i32>} : memref<33280xi32, #tpu.memory_space<vmem>>, vector<16xi32>,
      tpu.vector_store %arg6[%parallel_loop3A_558], %broadcast_in_dim3A_173 {strides = array<i32>} : memref<33280xi32, #tpu.memory_space<vmem>>, vector<16xi32>,
    } {sc.loop_unroll_factor = 8 : i64, sc.parallel_access}
    %parallel_loop3A_183 = arith.constant 0 : i32
    %parallel_loop3A_184 = arith.constant 128 : i32
    %parallel_loop3A_185 = arith.constant 1 : i32
    scf.for %parallel_loop3A_553 = %parallel_loop3A_183 to %parallel_loop3A_184 step %parallel_loop3A_185  : i32 {
      %parallel_loop3A_554 = arith.constant 16 : i32
      %parallel_loop3A_555 = arith.muli %parallel_loop3A_553, %parallel_loop3A_554 : i32
      %parallel_loop3A_556 = arith.constant 6243 : i32
      %parallel_loop3A_557 = arith.addi %parallel_loop3A_556, %parallel_loop3A_555 : i32
      %parallel_loop3A_558 = arith.index_cast %parallel_loop3A_557 : i32 to index
      %parallel_loop3A_559 = tpu.vector_load %arg6[%parallel_loop3A_558] {strides = array<i32>} : memref<33280xi32, #tpu.memory_space<vmem>>, vector<16xi32>,
      tpu.vector_store %arg6[%parallel_loop3A_558], %broadcast_in_dim3A_173 {strides = array<i32>} : memref<33280xi32, #tpu.memory_space<vmem>>, vector<16xi32>,
    } {sc.loop_unroll_factor = 8 : i64, sc.parallel_access}
    %parallel_loop3A_186 = arith.constant 0 : i32
    %parallel_loop3A_187 = arith.constant 128 : i32
    %parallel_loop3A_188 = arith.constant 1 : i32
    scf.for %parallel_loop3A_553 = %parallel_loop3A_186 to %parallel_loop3A_187 step %parallel_loop3A_188  : i32 {
      %parallel_loop3A_554 = arith.constant 16 : i32
      %parallel_loop3A_555 = arith.muli %parallel_loop3A_553, %parallel_loop3A_554 : i32
      %parallel_loop3A_556 = arith.constant 8324 : i32
      %parallel_loop3A_557 = arith.addi %parallel_loop3A_556, %parallel_loop3A_555 : i32
      %parallel_loop3A_558 = arith.index_cast %parallel_loop3A_557 : i32 to index
      %parallel_loop3A_559 = tpu.vector_load %arg6[%parallel_loop3A_558] {strides = array<i32>} : memref<33280xi32, #tpu.memory_space<vmem>>, vector<16xi32>,
      tpu.vector_store %arg6[%parallel_loop3A_558], %broadcast_in_dim3A_173 {strides = array<i32>} : memref<33280xi32, #tpu.memory_space<vmem>>, vector<16xi32>,
    } {sc.loop_unroll_factor = 8 : i64, sc.parallel_access}
    %parallel_loop3A_189 = arith.constant 0 : i32
    %parallel_loop3A_190 = arith.constant 128 : i32
    %parallel_loop3A_191 = arith.constant 1 : i32
    scf.for %parallel_loop3A_553 = %parallel_loop3A_189 to %parallel_loop3A_190 step %parallel_loop3A_191  : i32 {
      %parallel_loop3A_554 = arith.constant 16 : i32
      %parallel_loop3A_555 = arith.muli %parallel_loop3A_553, %parallel_loop3A_554 : i32
      %parallel_loop3A_556 = arith.constant 10405 : i32
      %parallel_loop3A_557 = arith.addi %parallel_loop3A_556, %parallel_loop3A_555 : i32
      %parallel_loop3A_558 = arith.index_cast %parallel_loop3A_557 : i32 to index
      %parallel_loop3A_559 = tpu.vector_load %arg6[%parallel_loop3A_558] {strides = array<i32>} : memref<33280xi32, #tpu.memory_space<vmem>>, vector<16xi32>,
      tpu.vector_store %arg6[%parallel_loop3A_558], %broadcast_in_dim3A_173 {strides = array<i32>} : memref<33280xi32, #tpu.memory_space<vmem>>, vector<16xi32>,
    } {sc.loop_unroll_factor = 8 : i64, sc.parallel_access}
    %parallel_loop3A_192 = arith.constant 0 : i32
    %parallel_loop3A_193 = arith.constant 128 : i32
    %parallel_loop3A_194 = arith.constant 1 : i32
    scf.for %parallel_loop3A_553 = %parallel_loop3A_192 to %parallel_loop3A_193 step %parallel_loop3A_194  : i32 {
      %parallel_loop3A_554 = arith.constant 16 : i32
      %parallel_loop3A_555 = arith.muli %parallel_loop3A_553, %parallel_loop3A_554 : i32
      %parallel_loop3A_556 = arith.constant 12486 : i32
      %parallel_loop3A_557 = arith.addi %parallel_loop3A_556, %parallel_loop3A_555 : i32
      %parallel_loop3A_558 = arith.index_cast %parallel_loop3A_557 : i32 to index
      %parallel_loop3A_559 = tpu.vector_load %arg6[%parallel_loop3A_558] {strides = array<i32>} : memref<33280xi32, #tpu.memory_space<vmem>>, vector<16xi32>,
      tpu.vector_store %arg6[%parallel_loop3A_558], %broadcast_in_dim3A_173 {strides = array<i32>} : memref<33280xi32, #tpu.memory_space<vmem>>, vector<16xi32>,
    } {sc.loop_unroll_factor = 8 : i64, sc.parallel_access}
    %parallel_loop3A_195 = arith.constant 0 : i32
    %parallel_loop3A_196 = arith.constant 128 : i32
    %parallel_loop3A_197 = arith.constant 1 : i32
    scf.for %parallel_loop3A_553 = %parallel_loop3A_195 to %parallel_loop3A_196 step %parallel_loop3A_197  : i32 {
      %parallel_loop3A_554 = arith.constant 16 : i32
      %parallel_loop3A_555 = arith.muli %parallel_loop3A_553, %parallel_loop3A_554 : i32
      %parallel_loop3A_556 = arith.constant 14567 : i32
      %parallel_loop3A_557 = arith.addi %parallel_loop3A_556, %parallel_loop3A_555 : i32
      %parallel_loop3A_558 = arith.index_cast %parallel_loop3A_557 : i32 to index
      %parallel_loop3A_559 = tpu.vector_load %arg6[%parallel_loop3A_558] {strides = array<i32>} : memref<33280xi32, #tpu.memory_space<vmem>>, vector<16xi32>,
      tpu.vector_store %arg6[%parallel_loop3A_558], %broadcast_in_dim3A_173 {strides = array<i32>} : memref<33280xi32, #tpu.memory_space<vmem>>, vector<16xi32>,
    } {sc.loop_unroll_factor = 8 : i64, sc.parallel_access}
    %parallel_loop3A_198 = arith.constant 0 : i32
    %parallel_loop3A_199 = arith.constant 128 : i32
    %parallel_loop3A_200 = arith.constant 1 : i32
    scf.for %parallel_loop3A_553 = %parallel_loop3A_198 to %parallel_loop3A_199 step %parallel_loop3A_200  : i32 {
      %parallel_loop3A_554 = arith.constant 16 : i32
      %parallel_loop3A_555 = arith.muli %parallel_loop3A_553, %parallel_loop3A_554 : i32
      %parallel_loop3A_556 = arith.constant 16648 : i32
      %parallel_loop3A_557 = arith.addi %parallel_loop3A_556, %parallel_loop3A_555 : i32
      %parallel_loop3A_558 = arith.index_cast %parallel_loop3A_557 : i32 to index
      %parallel_loop3A_559 = tpu.vector_load %arg6[%parallel_loop3A_558] {strides = array<i32>} : memref<33280xi32, #tpu.memory_space<vmem>>, vector<16xi32>,
      tpu.vector_store %arg6[%parallel_loop3A_558], %broadcast_in_dim3A_173 {strides = array<i32>} : memref<33280xi32, #tpu.memory_space<vmem>>, vector<16xi32>,
    } {sc.loop_unroll_factor = 8 : i64, sc.parallel_access}
    %parallel_loop3A_201 = arith.constant 0 : i32
    %parallel_loop3A_202 = arith.constant 128 : i32
    %parallel_loop3A_203 = arith.constant 1 : i32
    scf.for %parallel_loop3A_553 = %parallel_loop3A_201 to %parallel_loop3A_202 step %parallel_loop3A_203  : i32 {
      %parallel_loop3A_554 = arith.constant 16 : i32
      %parallel_loop3A_555 = arith.muli %parallel_loop3A_553, %parallel_loop3A_554 : i32
      %parallel_loop3A_556 = arith.constant 18729 : i32
      %parallel_loop3A_557 = arith.addi %parallel_loop3A_556, %parallel_loop3A_555 : i32
      %parallel_loop3A_558 = arith.index_cast %parallel_loop3A_557 : i32 to index
      %parallel_loop3A_559 = tpu.vector_load %arg6[%parallel_loop3A_558] {strides = array<i32>} : memref<33280xi32, #tpu.memory_space<vmem>>, vector<16xi32>,
      tpu.vector_store %arg6[%parallel_loop3A_558], %broadcast_in_dim3A_173 {strides = array<i32>} : memref<33280xi32, #tpu.memory_space<vmem>>, vector<16xi32>,
    } {sc.loop_unroll_factor = 8 : i64, sc.parallel_access}
    %parallel_loop3A_204 = arith.constant 0 : i32
    %parallel_loop3A_205 = arith.constant 128 : i32
    %parallel_loop3A_206 = arith.constant 1 : i32
    scf.for %parallel_loop3A_553 = %parallel_loop3A_204 to %parallel_loop3A_205 step %parallel_loop3A_206  : i32 {
      %parallel_loop3A_554 = arith.constant 16 : i32
      %parallel_loop3A_555 = arith.muli %parallel_loop3A_553, %parallel_loop3A_554 : i32
      %parallel_loop3A_556 = arith.constant 20810 : i32
      %parallel_loop3A_557 = arith.addi %parallel_loop3A_556, %parallel_loop3A_555 : i32
      %parallel_loop3A_558 = arith.index_cast %parallel_loop3A_557 : i32 to index
      %parallel_loop3A_559 = tpu.vector_load %arg6[%parallel_loop3A_558] {strides = array<i32>} : memref<33280xi32, #tpu.memory_space<vmem>>, vector<16xi32>,
      tpu.vector_store %arg6[%parallel_loop3A_558], %broadcast_in_dim3A_173 {strides = array<i32>} : memref<33280xi32, #tpu.memory_space<vmem>>, vector<16xi32>,
    } {sc.loop_unroll_factor = 8 : i64, sc.parallel_access}
    %parallel_loop3A_207 = arith.constant 0 : i32
    %parallel_loop3A_208 = arith.constant 128 : i32
    %parallel_loop3A_209 = arith.constant 1 : i32
    scf.for %parallel_loop3A_553 = %parallel_loop3A_207 to %parallel_loop3A_208 step %parallel_loop3A_209  : i32 {
      %parallel_loop3A_554 = arith.constant 16 : i32
      %parallel_loop3A_555 = arith.muli %parallel_loop3A_553, %parallel_loop3A_554 : i32
      %parallel_loop3A_556 = arith.constant 22891 : i32
      %parallel_loop3A_557 = arith.addi %parallel_loop3A_556, %parallel_loop3A_555 : i32
      %parallel_loop3A_558 = arith.index_cast %parallel_loop3A_557 : i32 to index
      %parallel_loop3A_559 = tpu.vector_load %arg6[%parallel_loop3A_558] {strides = array<i32>} : memref<33280xi32, #tpu.memory_space<vmem>>, vector<16xi32>,
      tpu.vector_store %arg6[%parallel_loop3A_558], %broadcast_in_dim3A_173 {strides = array<i32>} : memref<33280xi32, #tpu.memory_space<vmem>>, vector<16xi32>,
    } {sc.loop_unroll_factor = 8 : i64, sc.parallel_access}
    %parallel_loop3A_210 = arith.constant 0 : i32
    %parallel_loop3A_211 = arith.constant 128 : i32
    %parallel_loop3A_212 = arith.constant 1 : i32
    scf.for %parallel_loop3A_553 = %parallel_loop3A_210 to %parallel_loop3A_211 step %parallel_loop3A_212  : i32 {
      %parallel_loop3A_554 = arith.constant 16 : i32
      %parallel_loop3A_555 = arith.muli %parallel_loop3A_553, %parallel_loop3A_554 : i32
      %parallel_loop3A_556 = arith.constant 24972 : i32
      %parallel_loop3A_557 = arith.addi %parallel_loop3A_556, %parallel_loop3A_555 : i32
      %parallel_loop3A_558 = arith.index_cast %parallel_loop3A_557 : i32 to index
      %parallel_loop3A_559 = tpu.vector_load %arg6[%parallel_loop3A_558] {strides = array<i32>} : memref<33280xi32, #tpu.memory_space<vmem>>, vector<16xi32>,
      tpu.vector_store %arg6[%parallel_loop3A_558], %broadcast_in_dim3A_173 {strides = array<i32>} : memref<33280xi32, #tpu.memory_space<vmem>>, vector<16xi32>,
    } {sc.loop_unroll_factor = 8 : i64, sc.parallel_access}
    %parallel_loop3A_213 = arith.constant 0 : i32
    %parallel_loop3A_214 = arith.constant 128 : i32
    %parallel_loop3A_215 = arith.constant 1 : i32
    scf.for %parallel_loop3A_553 = %parallel_loop3A_213 to %parallel_loop3A_214 step %parallel_loop3A_215  : i32 {
      %parallel_loop3A_554 = arith.constant 16 : i32
      %parallel_loop3A_555 = arith.muli %parallel_loop3A_553, %parallel_loop3A_554 : i32
      %parallel_loop3A_556 = arith.constant 27053 : i32
      %parallel_loop3A_557 = arith.addi %parallel_loop3A_556, %parallel_loop3A_555 : i32
      %parallel_loop3A_558 = arith.index_cast %parallel_loop3A_557 : i32 to index
      %parallel_loop3A_559 = tpu.vector_load %arg6[%parallel_loop3A_558] {strides = array<i32>} : memref<33280xi32, #tpu.memory_space<vmem>>, vector<16xi32>,
      tpu.vector_store %arg6[%parallel_loop3A_558], %broadcast_in_dim3A_173 {strides = array<i32>} : memref<33280xi32, #tpu.memory_space<vmem>>, vector<16xi32>,
    } {sc.loop_unroll_factor = 8 : i64, sc.parallel_access}
    %parallel_loop3A_216 = arith.constant 0 : i32
    %parallel_loop3A_217 = arith.constant 128 : i32
    %parallel_loop3A_218 = arith.constant 1 : i32
    scf.for %parallel_loop3A_553 = %parallel_loop3A_216 to %parallel_loop3A_217 step %parallel_loop3A_218  : i32 {
      %parallel_loop3A_554 = arith.constant 16 : i32
      %parallel_loop3A_555 = arith.muli %parallel_loop3A_553, %parallel_loop3A_554 : i32
      %parallel_loop3A_556 = arith.constant 29134 : i32
      %parallel_loop3A_557 = arith.addi %parallel_loop3A_556, %parallel_loop3A_555 : i32
      %parallel_loop3A_558 = arith.index_cast %parallel_loop3A_557 : i32 to index
      %parallel_loop3A_559 = tpu.vector_load %arg6[%parallel_loop3A_558] {strides = array<i32>} : memref<33280xi32, #tpu.memory_space<vmem>>, vector<16xi32>,
      tpu.vector_store %arg6[%parallel_loop3A_558], %broadcast_in_dim3A_173 {strides = array<i32>} : memref<33280xi32, #tpu.memory_space<vmem>>, vector<16xi32>,
    } {sc.loop_unroll_factor = 8 : i64, sc.parallel_access}
    %parallel_loop3A_219 = arith.constant 0 : i32
    %parallel_loop3A_220 = arith.constant 128 : i32
    %parallel_loop3A_221 = arith.constant 1 : i32
    scf.for %parallel_loop3A_553 = %parallel_loop3A_219 to %parallel_loop3A_220 step %parallel_loop3A_221  : i32 {
      %parallel_loop3A_554 = arith.constant 16 : i32
      %parallel_loop3A_555 = arith.muli %parallel_loop3A_553, %parallel_loop3A_554 : i32
      %parallel_loop3A_556 = arith.constant 31215 : i32
      %parallel_loop3A_557 = arith.addi %parallel_loop3A_556, %parallel_loop3A_555 : i32
      %parallel_loop3A_558 = arith.index_cast %parallel_loop3A_557 : i32 to index
      %parallel_loop3A_559 = tpu.vector_load %arg6[%parallel_loop3A_558] {strides = array<i32>} : memref<33280xi32, #tpu.memory_space<vmem>>, vector<16xi32>,
      tpu.vector_store %arg6[%parallel_loop3A_558], %broadcast_in_dim3A_173 {strides = array<i32>} : memref<33280xi32, #tpu.memory_space<vmem>>, vector<16xi32>,
    } {sc.loop_unroll_factor = 8 : i64, sc.parallel_access}
    %iota3A_222 = tpu.iota {dimensions = array<i32: 0>} : vector<16xi32>
    %mul3A_223 = arith.constant 2081 : i32
    %mul3A_224 = vector.broadcast %mul3A_223 : i32 to vector<16xi32>
    %mul3A_225 = arith.muli %iota3A_222, %mul3A_224 : vector<16xi32>
    %broadcast_in_dim3A_226 = arith.constant 1 : i32
    %broadcast_in_dim3A_227 = vector.broadcast %broadcast_in_dim3A_226 : i32 to vector<16xi32>
    %parallel_loop3A_228 = arith.constant 0 : i32
    %parallel_loop3A_229 = arith.constant 4096 : i32
    %parallel_loop3A_230 = arith.constant 1 : i32
    scf.for %parallel_loop3A_553 = %parallel_loop3A_228 to %parallel_loop3A_229 step %parallel_loop3A_230  : i32 {
      %parallel_loop3A_554 = arith.constant 16 : i32
      %parallel_loop3A_555 = arith.muli %parallel_loop3A_553, %parallel_loop3A_554 : i32
      %parallel_loop3A_556 = arith.index_cast %parallel_loop3A_555 : i32 to index
      %parallel_loop3A_557 = tpu.vector_load %arg8[%parallel_loop3A_556] {strides = array<i32>} : memref<65536xi32, #tpu.memory_space<vmem>>, vector<16xi32>,
      %parallel_loop3A_558 = arith.constant 21 : i32
      %parallel_loop3A_559 = vector.broadcast %parallel_loop3A_558 : i32 to vector<16xi32>
      %parallel_loop3A_560 = arith.shrui %parallel_loop3A_557, %parallel_loop3A_559 : vector<16xi32>
      %parallel_loop3A_561 = arith.cmpi eq, %parallel_loop3A_560, %add3A_170 : vector<16xi32>
      %parallel_loop3A_562 = arith.constant 10 : i32
      %parallel_loop3A_563 = vector.broadcast %parallel_loop3A_562 : i32 to vector<16xi32>
      %parallel_loop3A_564 = arith.shrui %parallel_loop3A_557, %parallel_loop3A_563 : vector<16xi32>
      %parallel_loop3A_565 = arith.constant 2047 : i32
      %parallel_loop3A_566 = vector.broadcast %parallel_loop3A_565 : i32 to vector<16xi32>
      %parallel_loop3A_567 = arith.andi %parallel_loop3A_564, %parallel_loop3A_566 : vector<16xi32>
      %parallel_loop3A_568 = arith.constant 2064 : i32
      %parallel_loop3A_569 = vector.broadcast %parallel_loop3A_568 : i32 to vector<16xi32>
      %parallel_loop3A_570 = arith.select %parallel_loop3A_561, %parallel_loop3A_567, %parallel_loop3A_569 : vector<16xi1>, vector<16xi32>
      %parallel_loop3A_571 = arith.addi %mul3A_225, %parallel_loop3A_570 : vector<16xi32>
      tpu.vector_store_idx %arg6[%parallel_loop3A_571], %broadcast_in_dim3A_227 {add = true} : memref<33280xi32, #tpu.memory_space<vmem>>[vector<16xi32>], vector<16xi32>,
    } {sc.loop_unroll_factor = 16 : i64, sc.parallel_access}
    %parallel_loop3A_231 = arith.constant 0 : i32
    %parallel_loop3A_232 = arith.constant 128 : i32
    %parallel_loop3A_233 = arith.constant 1 : i32
    scf.for %parallel_loop3A_553 = %parallel_loop3A_231 to %parallel_loop3A_232 step %parallel_loop3A_233  : i32 {
      %parallel_loop3A_554 = arith.constant 0 : i32
      %parallel_loop3A_555 = vector.broadcast %parallel_loop3A_554 : i32 to vector<16xi32>
      %parallel_loop3A_556 = arith.constant 16 : i32
      %parallel_loop3A_557 = arith.muli %parallel_loop3A_553, %parallel_loop3A_556 : i32
      %parallel_loop3A_558 = arith.constant 0 : i32
      %parallel_loop3A_559 = arith.addi %parallel_loop3A_558, %parallel_loop3A_557 : i32
      %parallel_loop3A_560 = arith.index_cast %parallel_loop3A_559 : i32 to index
      %parallel_loop3A_561 = tpu.vector_load %arg6[%parallel_loop3A_560] {strides = array<i32>} : memref<33280xi32, #tpu.memory_space<vmem>>, vector<16xi32>,
      %parallel_loop3A_562 = arith.addi %parallel_loop3A_555, %parallel_loop3A_561 : vector<16xi32>
      %parallel_loop3A_563 = arith.constant 16 : i32
      %parallel_loop3A_564 = arith.muli %parallel_loop3A_553, %parallel_loop3A_563 : i32
      %parallel_loop3A_565 = arith.constant 2081 : i32
      %parallel_loop3A_566 = arith.addi %parallel_loop3A_565, %parallel_loop3A_564 : i32
      %parallel_loop3A_567 = arith.index_cast %parallel_loop3A_566 : i32 to index
      %parallel_loop3A_568 = tpu.vector_load %arg6[%parallel_loop3A_567] {strides = array<i32>} : memref<33280xi32, #tpu.memory_space<vmem>>, vector<16xi32>,
      %parallel_loop3A_569 = arith.addi %parallel_loop3A_562, %parallel_loop3A_568 : vector<16xi32>
      %parallel_loop3A_570 = arith.constant 16 : i32
      %parallel_loop3A_571 = arith.muli %parallel_loop3A_553, %parallel_loop3A_570 : i32
      %parallel_loop3A_572 = arith.constant 4162 : i32
      %parallel_loop3A_573 = arith.addi %parallel_loop3A_572, %parallel_loop3A_571 : i32
      %parallel_loop3A_574 = arith.index_cast %parallel_loop3A_573 : i32 to index
      %parallel_loop3A_575 = tpu.vector_load %arg6[%parallel_loop3A_574] {strides = array<i32>} : memref<33280xi32, #tpu.memory_space<vmem>>, vector<16xi32>,
      %parallel_loop3A_576 = arith.addi %parallel_loop3A_569, %parallel_loop3A_575 : vector<16xi32>
      %parallel_loop3A_577 = arith.constant 16 : i32
      %parallel_loop3A_578 = arith.muli %parallel_loop3A_553, %parallel_loop3A_577 : i32
      %parallel_loop3A_579 = arith.constant 6243 : i32
      %parallel_loop3A_580 = arith.addi %parallel_loop3A_579, %parallel_loop3A_578 : i32
      %parallel_loop3A_581 = arith.index_cast %parallel_loop3A_580 : i32 to index
      %parallel_loop3A_582 = tpu.vector_load %arg6[%parallel_loop3A_581] {strides = array<i32>} : memref<33280xi32, #tpu.memory_space<vmem>>, vector<16xi32>,
      %parallel_loop3A_583 = arith.addi %parallel_loop3A_576, %parallel_loop3A_582 : vector<16xi32>
      %parallel_loop3A_584 = arith.constant 16 : i32
      %parallel_loop3A_585 = arith.muli %parallel_loop3A_553, %parallel_loop3A_584 : i32
      %parallel_loop3A_586 = arith.constant 8324 : i32
      %parallel_loop3A_587 = arith.addi %parallel_loop3A_586, %parallel_loop3A_585 : i32
      %parallel_loop3A_588 = arith.index_cast %parallel_loop3A_587 : i32 to index
      %parallel_loop3A_589 = tpu.vector_load %arg6[%parallel_loop3A_588] {strides = array<i32>} : memref<33280xi32, #tpu.memory_space<vmem>>, vector<16xi32>,
      %parallel_loop3A_590 = arith.addi %parallel_loop3A_583, %parallel_loop3A_589 : vector<16xi32>
      %parallel_loop3A_591 = arith.constant 16 : i32
      %parallel_loop3A_592 = arith.muli %parallel_loop3A_553, %parallel_loop3A_591 : i32
      %parallel_loop3A_593 = arith.constant 10405 : i32
      %parallel_loop3A_594 = arith.addi %parallel_loop3A_593, %parallel_loop3A_592 : i32
      %parallel_loop3A_595 = arith.index_cast %parallel_loop3A_594 : i32 to index
      %parallel_loop3A_596 = tpu.vector_load %arg6[%parallel_loop3A_595] {strides = array<i32>} : memref<33280xi32, #tpu.memory_space<vmem>>, vector<16xi32>,
      %parallel_loop3A_597 = arith.addi %parallel_loop3A_590, %parallel_loop3A_596 : vector<16xi32>
      %parallel_loop3A_598 = arith.constant 16 : i32
      %parallel_loop3A_599 = arith.muli %parallel_loop3A_553, %parallel_loop3A_598 : i32
      %parallel_loop3A_600 = arith.constant 12486 : i32
      %parallel_loop3A_601 = arith.addi %parallel_loop3A_600, %parallel_loop3A_599 : i32
      %parallel_loop3A_602 = arith.index_cast %parallel_loop3A_601 : i32 to index
      %parallel_loop3A_603 = tpu.vector_load %arg6[%parallel_loop3A_602] {strides = array<i32>} : memref<33280xi32, #tpu.memory_space<vmem>>, vector<16xi32>,
      %parallel_loop3A_604 = arith.addi %parallel_loop3A_597, %parallel_loop3A_603 : vector<16xi32>
      %parallel_loop3A_605 = arith.constant 16 : i32
      %parallel_loop3A_606 = arith.muli %parallel_loop3A_553, %parallel_loop3A_605 : i32
      %parallel_loop3A_607 = arith.constant 14567 : i32
      %parallel_loop3A_608 = arith.addi %parallel_loop3A_607, %parallel_loop3A_606 : i32
      %parallel_loop3A_609 = arith.index_cast %parallel_loop3A_608 : i32 to index
      %parallel_loop3A_610 = tpu.vector_load %arg6[%parallel_loop3A_609] {strides = array<i32>} : memref<33280xi32, #tpu.memory_space<vmem>>, vector<16xi32>,
      %parallel_loop3A_611 = arith.addi %parallel_loop3A_604, %parallel_loop3A_610 : vector<16xi32>
      %parallel_loop3A_612 = arith.constant 16 : i32
      %parallel_loop3A_613 = arith.muli %parallel_loop3A_553, %parallel_loop3A_612 : i32
      %parallel_loop3A_614 = arith.constant 16648 : i32
      %parallel_loop3A_615 = arith.addi %parallel_loop3A_614, %parallel_loop3A_613 : i32
      %parallel_loop3A_616 = arith.index_cast %parallel_loop3A_615 : i32 to index
      %parallel_loop3A_617 = tpu.vector_load %arg6[%parallel_loop3A_616] {strides = array<i32>} : memref<33280xi32, #tpu.memory_space<vmem>>, vector<16xi32>,
      %parallel_loop3A_618 = arith.addi %parallel_loop3A_611, %parallel_loop3A_617 : vector<16xi32>
      %parallel_loop3A_619 = arith.constant 16 : i32
      %parallel_loop3A_620 = arith.muli %parallel_loop3A_553, %parallel_loop3A_619 : i32
      %parallel_loop3A_621 = arith.constant 18729 : i32
      %parallel_loop3A_622 = arith.addi %parallel_loop3A_621, %parallel_loop3A_620 : i32
      %parallel_loop3A_623 = arith.index_cast %parallel_loop3A_622 : i32 to index
      %parallel_loop3A_624 = tpu.vector_load %arg6[%parallel_loop3A_623] {strides = array<i32>} : memref<33280xi32, #tpu.memory_space<vmem>>, vector<16xi32>,
      %parallel_loop3A_625 = arith.addi %parallel_loop3A_618, %parallel_loop3A_624 : vector<16xi32>
      %parallel_loop3A_626 = arith.constant 16 : i32
      %parallel_loop3A_627 = arith.muli %parallel_loop3A_553, %parallel_loop3A_626 : i32
      %parallel_loop3A_628 = arith.constant 20810 : i32
      %parallel_loop3A_629 = arith.addi %parallel_loop3A_628, %parallel_loop3A_627 : i32
      %parallel_loop3A_630 = arith.index_cast %parallel_loop3A_629 : i32 to index
      %parallel_loop3A_631 = tpu.vector_load %arg6[%parallel_loop3A_630] {strides = array<i32>} : memref<33280xi32, #tpu.memory_space<vmem>>, vector<16xi32>,
      %parallel_loop3A_632 = arith.addi %parallel_loop3A_625, %parallel_loop3A_631 : vector<16xi32>
      %parallel_loop3A_633 = arith.constant 16 : i32
      %parallel_loop3A_634 = arith.muli %parallel_loop3A_553, %parallel_loop3A_633 : i32
      %parallel_loop3A_635 = arith.constant 22891 : i32
      %parallel_loop3A_636 = arith.addi %parallel_loop3A_635, %parallel_loop3A_634 : i32
      %parallel_loop3A_637 = arith.index_cast %parallel_loop3A_636 : i32 to index
      %parallel_loop3A_638 = tpu.vector_load %arg6[%parallel_loop3A_637] {strides = array<i32>} : memref<33280xi32, #tpu.memory_space<vmem>>, vector<16xi32>,
      %parallel_loop3A_639 = arith.addi %parallel_loop3A_632, %parallel_loop3A_638 : vector<16xi32>
      %parallel_loop3A_640 = arith.constant 16 : i32
      %parallel_loop3A_641 = arith.muli %parallel_loop3A_553, %parallel_loop3A_640 : i32
      %parallel_loop3A_642 = arith.constant 24972 : i32
      %parallel_loop3A_643 = arith.addi %parallel_loop3A_642, %parallel_loop3A_641 : i32
      %parallel_loop3A_644 = arith.index_cast %parallel_loop3A_643 : i32 to index
      %parallel_loop3A_645 = tpu.vector_load %arg6[%parallel_loop3A_644] {strides = array<i32>} : memref<33280xi32, #tpu.memory_space<vmem>>, vector<16xi32>,
      %parallel_loop3A_646 = arith.addi %parallel_loop3A_639, %parallel_loop3A_645 : vector<16xi32>
      %parallel_loop3A_647 = arith.constant 16 : i32
      %parallel_loop3A_648 = arith.muli %parallel_loop3A_553, %parallel_loop3A_647 : i32
      %parallel_loop3A_649 = arith.constant 27053 : i32
      %parallel_loop3A_650 = arith.addi %parallel_loop3A_649, %parallel_loop3A_648 : i32
      %parallel_loop3A_651 = arith.index_cast %parallel_loop3A_650 : i32 to index
      %parallel_loop3A_652 = tpu.vector_load %arg6[%parallel_loop3A_651] {strides = array<i32>} : memref<33280xi32, #tpu.memory_space<vmem>>, vector<16xi32>,
      %parallel_loop3A_653 = arith.addi %parallel_loop3A_646, %parallel_loop3A_652 : vector<16xi32>
      %parallel_loop3A_654 = arith.constant 16 : i32
      %parallel_loop3A_655 = arith.muli %parallel_loop3A_553, %parallel_loop3A_654 : i32
      %parallel_loop3A_656 = arith.constant 29134 : i32
      %parallel_loop3A_657 = arith.addi %parallel_loop3A_656, %parallel_loop3A_655 : i32
      %parallel_loop3A_658 = arith.index_cast %parallel_loop3A_657 : i32 to index
      %parallel_loop3A_659 = tpu.vector_load %arg6[%parallel_loop3A_658] {strides = array<i32>} : memref<33280xi32, #tpu.memory_space<vmem>>, vector<16xi32>,
      %parallel_loop3A_660 = arith.addi %parallel_loop3A_653, %parallel_loop3A_659 : vector<16xi32>
      %parallel_loop3A_661 = arith.constant 16 : i32
      %parallel_loop3A_662 = arith.muli %parallel_loop3A_553, %parallel_loop3A_661 : i32
      %parallel_loop3A_663 = arith.constant 31215 : i32
      %parallel_loop3A_664 = arith.addi %parallel_loop3A_663, %parallel_loop3A_662 : i32
      %parallel_loop3A_665 = arith.index_cast %parallel_loop3A_664 : i32 to index
      %parallel_loop3A_666 = tpu.vector_load %arg6[%parallel_loop3A_665] {strides = array<i32>} : memref<33280xi32, #tpu.memory_space<vmem>>, vector<16xi32>,
      %parallel_loop3A_667 = arith.addi %parallel_loop3A_660, %parallel_loop3A_666 : vector<16xi32>
      %parallel_loop3A_668 = arith.constant 16 : i32
      %parallel_loop3A_669 = arith.muli %parallel_loop3A_553, %parallel_loop3A_668 : i32
      %parallel_loop3A_670 = arith.index_cast %parallel_loop3A_669 : i32 to index
      %parallel_loop3A_671 = tpu.vector_load %arg10[%parallel_loop3A_670] {strides = array<i32>} : memref<2048xi32, #tpu.memory_space<vmem>>, vector<16xi32>,
      tpu.vector_store %arg10[%parallel_loop3A_670], %parallel_loop3A_667 {strides = array<i32>} : memref<2048xi32, #tpu.memory_space<vmem>>, vector<16xi32>,
    } {sc.loop_unroll_factor = 4 : i64, sc.parallel_access}
    %mul3A_234 = arith.constant 2048 : i32
    %mul3A_235 = arith.muli %arg1, %mul3A_234 : i32
    "tpu.region"() ({
      %run_scoped3A = tpu.sem_alloc : memref<!tpu.dma_semaphore, #tpu.memory_space<semaphore_mem>>
      %dma_start3A = arith.constant 0 : i32
      %dma_start3A_553 = tpu.memref_slice %arg10[%dma_start3A] : memref<2048xi32, #tpu.memory_space<vmem>> -> memref<2048xi32, #tpu.memory_space<vmem>>
      %dma_start3A_554 = tpu.memref_slice %arg12[%mul3A_235] : memref<32768xi32, #tpu.memory_space<vmem_shared>> -> memref<2048xi32, #tpu.memory_space<vmem_shared>>
      %dma_start3A_555 = tpu.memref_slice %arg12[%mul3A_235] : memref<32768xi32, #tpu.memory_space<vmem_shared>> -> memref<2048xi32, #tpu.memory_space<vmem_shared>>
      %dma_start3A_556 = arith.constant 0 : i32
      %dma_start3A_557 = tpu.memref_slice %arg10[%dma_start3A_556] : memref<2048xi32, #tpu.memory_space<vmem>> -> memref<2048xi32, #tpu.memory_space<vmem>>
      tpu.enqueue_dma source(%dma_start3A_557 : memref<2048xi32, #tpu.memory_space<vmem>>) target(%dma_start3A_555 : memref<2048xi32, #tpu.memory_space<vmem_shared>>) target_semaphore(%run_scoped3A : memref<!tpu.dma_semaphore, #tpu.memory_space<semaphore_mem>>)
      %dma_wait3A = arith.constant 0 : i32
      %dma_wait3A_558 = tpu.memref_slice %arg10[%dma_wait3A] : memref<2048xi32, #tpu.memory_space<vmem>> -> memref<2048xi32, #tpu.memory_space<vmem>>
      %dma_wait3A_559 = tpu.memref_slice %arg12[%mul3A_235] : memref<32768xi32, #tpu.memory_space<vmem_shared>> -> memref<2048xi32, #tpu.memory_space<vmem_shared>>
      %dma_wait3A_560 = tpu.memref_slice %arg12[%mul3A_235] : memref<32768xi32, #tpu.memory_space<vmem_shared>> -> memref<2048xi32, #tpu.memory_space<vmem_shared>>
      %dma_wait3A_561 = arith.constant 0 : i32
      %dma_wait3A_562 = tpu.memref_slice %arg10[%dma_wait3A_561] : memref<2048xi32, #tpu.memory_space<vmem>> -> memref<2048xi32, #tpu.memory_space<vmem>>
      tpu.wait_dma2 semaphore(%run_scoped3A : memref<!tpu.dma_semaphore, #tpu.memory_space<semaphore_mem>>) src(%dma_wait3A_562 : memref<2048xi32, #tpu.memory_space<vmem>>) dst(%dma_wait3A_560 : memref<2048xi32, #tpu.memory_space<vmem_shared>>)
      tpu.yield
    }) : () -> ()
    %barrier3A_236 = arith.constant 0 : index
    tpu.barrier barrier_id(%barrier3A_236)
    %mul3A_237 = arith.constant 128 : i32
    %mul3A_238 = arith.muli %arg1, %mul3A_237 : i32
    %add3A_239 = arith.constant 0 : i32
    %add3A_240 = arith.addi %add3A_239, %mul3A_238 : i32
    "tpu.region"() ({
      %run_scoped3A = tpu.sem_alloc : memref<!tpu.dma_semaphore, #tpu.memory_space<semaphore_mem>>
      %dma_start3A = arith.constant 0 : i32
      %dma_start3A_553 = tpu.memref_slice %arg6[%dma_start3A] : memref<33280xi32, #tpu.memory_space<vmem>> -> memref<128xi32, #tpu.memory_space<vmem>>
      %dma_start3A_554 = tpu.memref_slice %arg12[%add3A_240] : memref<32768xi32, #tpu.memory_space<vmem_shared>> -> memref<128xi32, #tpu.memory_space<vmem_shared>>
      %dma_start3A_555 = arith.constant 0 : i32
      %dma_start3A_556 = tpu.memref_slice %arg6[%dma_start3A_555] : memref<33280xi32, #tpu.memory_space<vmem>> -> memref<128xi32, #tpu.memory_space<vmem>>
      %dma_start3A_557 = tpu.memref_slice %arg12[%add3A_240] : memref<32768xi32, #tpu.memory_space<vmem_shared>> -> memref<128xi32, #tpu.memory_space<vmem_shared>>
      tpu.enqueue_dma source(%dma_start3A_557 : memref<128xi32, #tpu.memory_space<vmem_shared>>) target(%dma_start3A_556 : memref<128xi32, #tpu.memory_space<vmem>>) target_semaphore(%run_scoped3A : memref<!tpu.dma_semaphore, #tpu.memory_space<semaphore_mem>>)
      %dma_wait3A = arith.constant 0 : i32
      %dma_wait3A_558 = tpu.memref_slice %arg6[%dma_wait3A] : memref<33280xi32, #tpu.memory_space<vmem>> -> memref<128xi32, #tpu.memory_space<vmem>>
      %dma_wait3A_559 = tpu.memref_slice %arg12[%add3A_240] : memref<32768xi32, #tpu.memory_space<vmem_shared>> -> memref<128xi32, #tpu.memory_space<vmem_shared>>
      %dma_wait3A_560 = arith.constant 0 : i32
      %dma_wait3A_561 = tpu.memref_slice %arg6[%dma_wait3A_560] : memref<33280xi32, #tpu.memory_space<vmem>> -> memref<128xi32, #tpu.memory_space<vmem>>
      %dma_wait3A_562 = tpu.memref_slice %arg12[%add3A_240] : memref<32768xi32, #tpu.memory_space<vmem_shared>> -> memref<128xi32, #tpu.memory_space<vmem_shared>>
      tpu.wait_dma2 semaphore(%run_scoped3A : memref<!tpu.dma_semaphore, #tpu.memory_space<semaphore_mem>>) src(%dma_wait3A_562 : memref<128xi32, #tpu.memory_space<vmem_shared>>) dst(%dma_wait3A_561 : memref<128xi32, #tpu.memory_space<vmem>>)
      tpu.yield
    }) : () -> ()
    %mul3A_241 = arith.constant 128 : i32
    %mul3A_242 = arith.muli %arg1, %mul3A_241 : i32
    %add3A_243 = arith.constant 2048 : i32
    %add3A_244 = arith.addi %add3A_243, %mul3A_242 : i32
    "tpu.region"() ({
      %run_scoped3A = tpu.sem_alloc : memref<!tpu.dma_semaphore, #tpu.memory_space<semaphore_mem>>
      %dma_start3A = arith.constant 2080 : i32
      %dma_start3A_553 = tpu.memref_slice %arg6[%dma_start3A] : memref<33280xi32, #tpu.memory_space<vmem>> -> memref<128xi32, #tpu.memory_space<vmem>>
      %dma_start3A_554 = tpu.memref_slice %arg12[%add3A_244] : memref<32768xi32, #tpu.memory_space<vmem_shared>> -> memref<128xi32, #tpu.memory_space<vmem_shared>>
      %dma_start3A_555 = arith.constant 2080 : i32
      %dma_start3A_556 = tpu.memref_slice %arg6[%dma_start3A_555] : memref<33280xi32, #tpu.memory_space<vmem>> -> memref<128xi32, #tpu.memory_space<vmem>>
      %dma_start3A_557 = tpu.memref_slice %arg12[%add3A_244] : memref<32768xi32, #tpu.memory_space<vmem_shared>> -> memref<128xi32, #tpu.memory_space<vmem_shared>>
      tpu.enqueue_dma source(%dma_start3A_557 : memref<128xi32, #tpu.memory_space<vmem_shared>>) target(%dma_start3A_556 : memref<128xi32, #tpu.memory_space<vmem>>) target_semaphore(%run_scoped3A : memref<!tpu.dma_semaphore, #tpu.memory_space<semaphore_mem>>)
      %dma_wait3A = arith.constant 2080 : i32
      %dma_wait3A_558 = tpu.memref_slice %arg6[%dma_wait3A] : memref<33280xi32, #tpu.memory_space<vmem>> -> memref<128xi32, #tpu.memory_space<vmem>>
      %dma_wait3A_559 = tpu.memref_slice %arg12[%add3A_244] : memref<32768xi32, #tpu.memory_space<vmem_shared>> -> memref<128xi32, #tpu.memory_space<vmem_shared>>
      %dma_wait3A_560 = arith.constant 2080 : i32
      %dma_wait3A_561 = tpu.memref_slice %arg6[%dma_wait3A_560] : memref<33280xi32, #tpu.memory_space<vmem>> -> memref<128xi32, #tpu.memory_space<vmem>>
      %dma_wait3A_562 = tpu.memref_slice %arg12[%add3A_244] : memref<32768xi32, #tpu.memory_space<vmem_shared>> -> memref<128xi32, #tpu.memory_space<vmem_shared>>
      tpu.wait_dma2 semaphore(%run_scoped3A : memref<!tpu.dma_semaphore, #tpu.memory_space<semaphore_mem>>) src(%dma_wait3A_562 : memref<128xi32, #tpu.memory_space<vmem_shared>>) dst(%dma_wait3A_561 : memref<128xi32, #tpu.memory_space<vmem>>)
      tpu.yield
    }) : () -> ()
    %mul3A_245 = arith.constant 128 : i32
    %mul3A_246 = arith.muli %arg1, %mul3A_245 : i32
    %add3A_247 = arith.constant 4096 : i32
    %add3A_248 = arith.addi %add3A_247, %mul3A_246 : i32
    "tpu.region"() ({
      %run_scoped3A = tpu.sem_alloc : memref<!tpu.dma_semaphore, #tpu.memory_space<semaphore_mem>>
      %dma_start3A = arith.constant 4160 : i32
      %dma_start3A_553 = tpu.memref_slice %arg6[%dma_start3A] : memref<33280xi32, #tpu.memory_space<vmem>> -> memref<128xi32, #tpu.memory_space<vmem>>
      %dma_start3A_554 = tpu.memref_slice %arg12[%add3A_248] : memref<32768xi32, #tpu.memory_space<vmem_shared>> -> memref<128xi32, #tpu.memory_space<vmem_shared>>
      %dma_start3A_555 = arith.constant 4160 : i32
      %dma_start3A_556 = tpu.memref_slice %arg6[%dma_start3A_555] : memref<33280xi32, #tpu.memory_space<vmem>> -> memref<128xi32, #tpu.memory_space<vmem>>
      %dma_start3A_557 = tpu.memref_slice %arg12[%add3A_248] : memref<32768xi32, #tpu.memory_space<vmem_shared>> -> memref<128xi32, #tpu.memory_space<vmem_shared>>
      tpu.enqueue_dma source(%dma_start3A_557 : memref<128xi32, #tpu.memory_space<vmem_shared>>) target(%dma_start3A_556 : memref<128xi32, #tpu.memory_space<vmem>>) target_semaphore(%run_scoped3A : memref<!tpu.dma_semaphore, #tpu.memory_space<semaphore_mem>>)
      %dma_wait3A = arith.constant 4160 : i32
      %dma_wait3A_558 = tpu.memref_slice %arg6[%dma_wait3A] : memref<33280xi32, #tpu.memory_space<vmem>> -> memref<128xi32, #tpu.memory_space<vmem>>
      %dma_wait3A_559 = tpu.memref_slice %arg12[%add3A_248] : memref<32768xi32, #tpu.memory_space<vmem_shared>> -> memref<128xi32, #tpu.memory_space<vmem_shared>>
      %dma_wait3A_560 = arith.constant 4160 : i32
      %dma_wait3A_561 = tpu.memref_slice %arg6[%dma_wait3A_560] : memref<33280xi32, #tpu.memory_space<vmem>> -> memref<128xi32, #tpu.memory_space<vmem>>
      %dma_wait3A_562 = tpu.memref_slice %arg12[%add3A_248] : memref<32768xi32, #tpu.memory_space<vmem_shared>> -> memref<128xi32, #tpu.memory_space<vmem_shared>>
      tpu.wait_dma2 semaphore(%run_scoped3A : memref<!tpu.dma_semaphore, #tpu.memory_space<semaphore_mem>>) src(%dma_wait3A_562 : memref<128xi32, #tpu.memory_space<vmem_shared>>) dst(%dma_wait3A_561 : memref<128xi32, #tpu.memory_space<vmem>>)
      tpu.yield
    }) : () -> ()
    %mul3A_249 = arith.constant 128 : i32
    %mul3A_250 = arith.muli %arg1, %mul3A_249 : i32
    %add3A_251 = arith.constant 6144 : i32
    %add3A_252 = arith.addi %add3A_251, %mul3A_250 : i32
    "tpu.region"() ({
      %run_scoped3A = tpu.sem_alloc : memref<!tpu.dma_semaphore, #tpu.memory_space<semaphore_mem>>
      %dma_start3A = arith.constant 6240 : i32
      %dma_start3A_553 = tpu.memref_slice %arg6[%dma_start3A] : memref<33280xi32, #tpu.memory_space<vmem>> -> memref<128xi32, #tpu.memory_space<vmem>>
      %dma_start3A_554 = tpu.memref_slice %arg12[%add3A_252] : memref<32768xi32, #tpu.memory_space<vmem_shared>> -> memref<128xi32, #tpu.memory_space<vmem_shared>>
      %dma_start3A_555 = arith.constant 6240 : i32
      %dma_start3A_556 = tpu.memref_slice %arg6[%dma_start3A_555] : memref<33280xi32, #tpu.memory_space<vmem>> -> memref<128xi32, #tpu.memory_space<vmem>>
      %dma_start3A_557 = tpu.memref_slice %arg12[%add3A_252] : memref<32768xi32, #tpu.memory_space<vmem_shared>> -> memref<128xi32, #tpu.memory_space<vmem_shared>>
      tpu.enqueue_dma source(%dma_start3A_557 : memref<128xi32, #tpu.memory_space<vmem_shared>>) target(%dma_start3A_556 : memref<128xi32, #tpu.memory_space<vmem>>) target_semaphore(%run_scoped3A : memref<!tpu.dma_semaphore, #tpu.memory_space<semaphore_mem>>)
      %dma_wait3A = arith.constant 6240 : i32
      %dma_wait3A_558 = tpu.memref_slice %arg6[%dma_wait3A] : memref<33280xi32, #tpu.memory_space<vmem>> -> memref<128xi32, #tpu.memory_space<vmem>>
      %dma_wait3A_559 = tpu.memref_slice %arg12[%add3A_252] : memref<32768xi32, #tpu.memory_space<vmem_shared>> -> memref<128xi32, #tpu.memory_space<vmem_shared>>
      %dma_wait3A_560 = arith.constant 6240 : i32
      %dma_wait3A_561 = tpu.memref_slice %arg6[%dma_wait3A_560] : memref<33280xi32, #tpu.memory_space<vmem>> -> memref<128xi32, #tpu.memory_space<vmem>>
      %dma_wait3A_562 = tpu.memref_slice %arg12[%add3A_252] : memref<32768xi32, #tpu.memory_space<vmem_shared>> -> memref<128xi32, #tpu.memory_space<vmem_shared>>
      tpu.wait_dma2 semaphore(%run_scoped3A : memref<!tpu.dma_semaphore, #tpu.memory_space<semaphore_mem>>) src(%dma_wait3A_562 : memref<128xi32, #tpu.memory_space<vmem_shared>>) dst(%dma_wait3A_561 : memref<128xi32, #tpu.memory_space<vmem>>)
      tpu.yield
    }) : () -> ()
    %mul3A_253 = arith.constant 128 : i32
    %mul3A_254 = arith.muli %arg1, %mul3A_253 : i32
    %add3A_255 = arith.constant 8192 : i32
    %add3A_256 = arith.addi %add3A_255, %mul3A_254 : i32
    "tpu.region"() ({
      %run_scoped3A = tpu.sem_alloc : memref<!tpu.dma_semaphore, #tpu.memory_space<semaphore_mem>>
      %dma_start3A = arith.constant 8320 : i32
      %dma_start3A_553 = tpu.memref_slice %arg6[%dma_start3A] : memref<33280xi32, #tpu.memory_space<vmem>> -> memref<128xi32, #tpu.memory_space<vmem>>
      %dma_start3A_554 = tpu.memref_slice %arg12[%add3A_256] : memref<32768xi32, #tpu.memory_space<vmem_shared>> -> memref<128xi32, #tpu.memory_space<vmem_shared>>
      %dma_start3A_555 = arith.constant 8320 : i32
      %dma_start3A_556 = tpu.memref_slice %arg6[%dma_start3A_555] : memref<33280xi32, #tpu.memory_space<vmem>> -> memref<128xi32, #tpu.memory_space<vmem>>
      %dma_start3A_557 = tpu.memref_slice %arg12[%add3A_256] : memref<32768xi32, #tpu.memory_space<vmem_shared>> -> memref<128xi32, #tpu.memory_space<vmem_shared>>
      tpu.enqueue_dma source(%dma_start3A_557 : memref<128xi32, #tpu.memory_space<vmem_shared>>) target(%dma_start3A_556 : memref<128xi32, #tpu.memory_space<vmem>>) target_semaphore(%run_scoped3A : memref<!tpu.dma_semaphore, #tpu.memory_space<semaphore_mem>>)
      %dma_wait3A = arith.constant 8320 : i32
      %dma_wait3A_558 = tpu.memref_slice %arg6[%dma_wait3A] : memref<33280xi32, #tpu.memory_space<vmem>> -> memref<128xi32, #tpu.memory_space<vmem>>
      %dma_wait3A_559 = tpu.memref_slice %arg12[%add3A_256] : memref<32768xi32, #tpu.memory_space<vmem_shared>> -> memref<128xi32, #tpu.memory_space<vmem_shared>>
      %dma_wait3A_560 = arith.constant 8320 : i32
      %dma_wait3A_561 = tpu.memref_slice %arg6[%dma_wait3A_560] : memref<33280xi32, #tpu.memory_space<vmem>> -> memref<128xi32, #tpu.memory_space<vmem>>
      %dma_wait3A_562 = tpu.memref_slice %arg12[%add3A_256] : memref<32768xi32, #tpu.memory_space<vmem_shared>> -> memref<128xi32, #tpu.memory_space<vmem_shared>>
      tpu.wait_dma2 semaphore(%run_scoped3A : memref<!tpu.dma_semaphore, #tpu.memory_space<semaphore_mem>>) src(%dma_wait3A_562 : memref<128xi32, #tpu.memory_space<vmem_shared>>) dst(%dma_wait3A_561 : memref<128xi32, #tpu.memory_space<vmem>>)
      tpu.yield
    }) : () -> ()
    %mul3A_257 = arith.constant 128 : i32
    %mul3A_258 = arith.muli %arg1, %mul3A_257 : i32
    %add3A_259 = arith.constant 10240 : i32
    %add3A_260 = arith.addi %add3A_259, %mul3A_258 : i32
    "tpu.region"() ({
      %run_scoped3A = tpu.sem_alloc : memref<!tpu.dma_semaphore, #tpu.memory_space<semaphore_mem>>
      %dma_start3A = arith.constant 10400 : i32
      %dma_start3A_553 = tpu.memref_slice %arg6[%dma_start3A] : memref<33280xi32, #tpu.memory_space<vmem>> -> memref<128xi32, #tpu.memory_space<vmem>>
      %dma_start3A_554 = tpu.memref_slice %arg12[%add3A_260] : memref<32768xi32, #tpu.memory_space<vmem_shared>> -> memref<128xi32, #tpu.memory_space<vmem_shared>>
      %dma_start3A_555 = arith.constant 10400 : i32
      %dma_start3A_556 = tpu.memref_slice %arg6[%dma_start3A_555] : memref<33280xi32, #tpu.memory_space<vmem>> -> memref<128xi32, #tpu.memory_space<vmem>>
      %dma_start3A_557 = tpu.memref_slice %arg12[%add3A_260] : memref<32768xi32, #tpu.memory_space<vmem_shared>> -> memref<128xi32, #tpu.memory_space<vmem_shared>>
      tpu.enqueue_dma source(%dma_start3A_557 : memref<128xi32, #tpu.memory_space<vmem_shared>>) target(%dma_start3A_556 : memref<128xi32, #tpu.memory_space<vmem>>) target_semaphore(%run_scoped3A : memref<!tpu.dma_semaphore, #tpu.memory_space<semaphore_mem>>)
      %dma_wait3A = arith.constant 10400 : i32
      %dma_wait3A_558 = tpu.memref_slice %arg6[%dma_wait3A] : memref<33280xi32, #tpu.memory_space<vmem>> -> memref<128xi32, #tpu.memory_space<vmem>>
      %dma_wait3A_559 = tpu.memref_slice %arg12[%add3A_260] : memref<32768xi32, #tpu.memory_space<vmem_shared>> -> memref<128xi32, #tpu.memory_space<vmem_shared>>
      %dma_wait3A_560 = arith.constant 10400 : i32
      %dma_wait3A_561 = tpu.memref_slice %arg6[%dma_wait3A_560] : memref<33280xi32, #tpu.memory_space<vmem>> -> memref<128xi32, #tpu.memory_space<vmem>>
      %dma_wait3A_562 = tpu.memref_slice %arg12[%add3A_260] : memref<32768xi32, #tpu.memory_space<vmem_shared>> -> memref<128xi32, #tpu.memory_space<vmem_shared>>
      tpu.wait_dma2 semaphore(%run_scoped3A : memref<!tpu.dma_semaphore, #tpu.memory_space<semaphore_mem>>) src(%dma_wait3A_562 : memref<128xi32, #tpu.memory_space<vmem_shared>>) dst(%dma_wait3A_561 : memref<128xi32, #tpu.memory_space<vmem>>)
      tpu.yield
    }) : () -> ()
    %mul3A_261 = arith.constant 128 : i32
    %mul3A_262 = arith.muli %arg1, %mul3A_261 : i32
    %add3A_263 = arith.constant 12288 : i32
    %add3A_264 = arith.addi %add3A_263, %mul3A_262 : i32
    "tpu.region"() ({
      %run_scoped3A = tpu.sem_alloc : memref<!tpu.dma_semaphore, #tpu.memory_space<semaphore_mem>>
      %dma_start3A = arith.constant 12480 : i32
      %dma_start3A_553 = tpu.memref_slice %arg6[%dma_start3A] : memref<33280xi32, #tpu.memory_space<vmem>> -> memref<128xi32, #tpu.memory_space<vmem>>
      %dma_start3A_554 = tpu.memref_slice %arg12[%add3A_264] : memref<32768xi32, #tpu.memory_space<vmem_shared>> -> memref<128xi32, #tpu.memory_space<vmem_shared>>
      %dma_start3A_555 = arith.constant 12480 : i32
      %dma_start3A_556 = tpu.memref_slice %arg6[%dma_start3A_555] : memref<33280xi32, #tpu.memory_space<vmem>> -> memref<128xi32, #tpu.memory_space<vmem>>
      %dma_start3A_557 = tpu.memref_slice %arg12[%add3A_264] : memref<32768xi32, #tpu.memory_space<vmem_shared>> -> memref<128xi32, #tpu.memory_space<vmem_shared>>
      tpu.enqueue_dma source(%dma_start3A_557 : memref<128xi32, #tpu.memory_space<vmem_shared>>) target(%dma_start3A_556 : memref<128xi32, #tpu.memory_space<vmem>>) target_semaphore(%run_scoped3A : memref<!tpu.dma_semaphore, #tpu.memory_space<semaphore_mem>>)
      %dma_wait3A = arith.constant 12480 : i32
      %dma_wait3A_558 = tpu.memref_slice %arg6[%dma_wait3A] : memref<33280xi32, #tpu.memory_space<vmem>> -> memref<128xi32, #tpu.memory_space<vmem>>
      %dma_wait3A_559 = tpu.memref_slice %arg12[%add3A_264] : memref<32768xi32, #tpu.memory_space<vmem_shared>> -> memref<128xi32, #tpu.memory_space<vmem_shared>>
      %dma_wait3A_560 = arith.constant 12480 : i32
      %dma_wait3A_561 = tpu.memref_slice %arg6[%dma_wait3A_560] : memref<33280xi32, #tpu.memory_space<vmem>> -> memref<128xi32, #tpu.memory_space<vmem>>
      %dma_wait3A_562 = tpu.memref_slice %arg12[%add3A_264] : memref<32768xi32, #tpu.memory_space<vmem_shared>> -> memref<128xi32, #tpu.memory_space<vmem_shared>>
      tpu.wait_dma2 semaphore(%run_scoped3A : memref<!tpu.dma_semaphore, #tpu.memory_space<semaphore_mem>>) src(%dma_wait3A_562 : memref<128xi32, #tpu.memory_space<vmem_shared>>) dst(%dma_wait3A_561 : memref<128xi32, #tpu.memory_space<vmem>>)
      tpu.yield
    }) : () -> ()
    %mul3A_265 = arith.constant 128 : i32
    %mul3A_266 = arith.muli %arg1, %mul3A_265 : i32
    %add3A_267 = arith.constant 14336 : i32
    %add3A_268 = arith.addi %add3A_267, %mul3A_266 : i32
    "tpu.region"() ({
      %run_scoped3A = tpu.sem_alloc : memref<!tpu.dma_semaphore, #tpu.memory_space<semaphore_mem>>
      %dma_start3A = arith.constant 14560 : i32
      %dma_start3A_553 = tpu.memref_slice %arg6[%dma_start3A] : memref<33280xi32, #tpu.memory_space<vmem>> -> memref<128xi32, #tpu.memory_space<vmem>>
      %dma_start3A_554 = tpu.memref_slice %arg12[%add3A_268] : memref<32768xi32, #tpu.memory_space<vmem_shared>> -> memref<128xi32, #tpu.memory_space<vmem_shared>>
      %dma_start3A_555 = arith.constant 14560 : i32
      %dma_start3A_556 = tpu.memref_slice %arg6[%dma_start3A_555] : memref<33280xi32, #tpu.memory_space<vmem>> -> memref<128xi32, #tpu.memory_space<vmem>>
      %dma_start3A_557 = tpu.memref_slice %arg12[%add3A_268] : memref<32768xi32, #tpu.memory_space<vmem_shared>> -> memref<128xi32, #tpu.memory_space<vmem_shared>>
      tpu.enqueue_dma source(%dma_start3A_557 : memref<128xi32, #tpu.memory_space<vmem_shared>>) target(%dma_start3A_556 : memref<128xi32, #tpu.memory_space<vmem>>) target_semaphore(%run_scoped3A : memref<!tpu.dma_semaphore, #tpu.memory_space<semaphore_mem>>)
      %dma_wait3A = arith.constant 14560 : i32
      %dma_wait3A_558 = tpu.memref_slice %arg6[%dma_wait3A] : memref<33280xi32, #tpu.memory_space<vmem>> -> memref<128xi32, #tpu.memory_space<vmem>>
      %dma_wait3A_559 = tpu.memref_slice %arg12[%add3A_268] : memref<32768xi32, #tpu.memory_space<vmem_shared>> -> memref<128xi32, #tpu.memory_space<vmem_shared>>
      %dma_wait3A_560 = arith.constant 14560 : i32
      %dma_wait3A_561 = tpu.memref_slice %arg6[%dma_wait3A_560] : memref<33280xi32, #tpu.memory_space<vmem>> -> memref<128xi32, #tpu.memory_space<vmem>>
      %dma_wait3A_562 = tpu.memref_slice %arg12[%add3A_268] : memref<32768xi32, #tpu.memory_space<vmem_shared>> -> memref<128xi32, #tpu.memory_space<vmem_shared>>
      tpu.wait_dma2 semaphore(%run_scoped3A : memref<!tpu.dma_semaphore, #tpu.memory_space<semaphore_mem>>) src(%dma_wait3A_562 : memref<128xi32, #tpu.memory_space<vmem_shared>>) dst(%dma_wait3A_561 : memref<128xi32, #tpu.memory_space<vmem>>)
      tpu.yield
    }) : () -> ()
    %mul3A_269 = arith.constant 128 : i32
    %mul3A_270 = arith.muli %arg1, %mul3A_269 : i32
    %add3A_271 = arith.constant 16384 : i32
    %add3A_272 = arith.addi %add3A_271, %mul3A_270 : i32
    "tpu.region"() ({
      %run_scoped3A = tpu.sem_alloc : memref<!tpu.dma_semaphore, #tpu.memory_space<semaphore_mem>>
      %dma_start3A = arith.constant 16640 : i32
      %dma_start3A_553 = tpu.memref_slice %arg6[%dma_start3A] : memref<33280xi32, #tpu.memory_space<vmem>> -> memref<128xi32, #tpu.memory_space<vmem>>
      %dma_start3A_554 = tpu.memref_slice %arg12[%add3A_272] : memref<32768xi32, #tpu.memory_space<vmem_shared>> -> memref<128xi32, #tpu.memory_space<vmem_shared>>
      %dma_start3A_555 = arith.constant 16640 : i32
      %dma_start3A_556 = tpu.memref_slice %arg6[%dma_start3A_555] : memref<33280xi32, #tpu.memory_space<vmem>> -> memref<128xi32, #tpu.memory_space<vmem>>
      %dma_start3A_557 = tpu.memref_slice %arg12[%add3A_272] : memref<32768xi32, #tpu.memory_space<vmem_shared>> -> memref<128xi32, #tpu.memory_space<vmem_shared>>
      tpu.enqueue_dma source(%dma_start3A_557 : memref<128xi32, #tpu.memory_space<vmem_shared>>) target(%dma_start3A_556 : memref<128xi32, #tpu.memory_space<vmem>>) target_semaphore(%run_scoped3A : memref<!tpu.dma_semaphore, #tpu.memory_space<semaphore_mem>>)
      %dma_wait3A = arith.constant 16640 : i32
      %dma_wait3A_558 = tpu.memref_slice %arg6[%dma_wait3A] : memref<33280xi32, #tpu.memory_space<vmem>> -> memref<128xi32, #tpu.memory_space<vmem>>
      %dma_wait3A_559 = tpu.memref_slice %arg12[%add3A_272] : memref<32768xi32, #tpu.memory_space<vmem_shared>> -> memref<128xi32, #tpu.memory_space<vmem_shared>>
      %dma_wait3A_560 = arith.constant 16640 : i32
      %dma_wait3A_561 = tpu.memref_slice %arg6[%dma_wait3A_560] : memref<33280xi32, #tpu.memory_space<vmem>> -> memref<128xi32, #tpu.memory_space<vmem>>
      %dma_wait3A_562 = tpu.memref_slice %arg12[%add3A_272] : memref<32768xi32, #tpu.memory_space<vmem_shared>> -> memref<128xi32, #tpu.memory_space<vmem_shared>>
      tpu.wait_dma2 semaphore(%run_scoped3A : memref<!tpu.dma_semaphore, #tpu.memory_space<semaphore_mem>>) src(%dma_wait3A_562 : memref<128xi32, #tpu.memory_space<vmem_shared>>) dst(%dma_wait3A_561 : memref<128xi32, #tpu.memory_space<vmem>>)
      tpu.yield
    }) : () -> ()
    %mul3A_273 = arith.constant 128 : i32
    %mul3A_274 = arith.muli %arg1, %mul3A_273 : i32
    %add3A_275 = arith.constant 18432 : i32
    %add3A_276 = arith.addi %add3A_275, %mul3A_274 : i32
    "tpu.region"() ({
      %run_scoped3A = tpu.sem_alloc : memref<!tpu.dma_semaphore, #tpu.memory_space<semaphore_mem>>
      %dma_start3A = arith.constant 18720 : i32
      %dma_start3A_553 = tpu.memref_slice %arg6[%dma_start3A] : memref<33280xi32, #tpu.memory_space<vmem>> -> memref<128xi32, #tpu.memory_space<vmem>>
      %dma_start3A_554 = tpu.memref_slice %arg12[%add3A_276] : memref<32768xi32, #tpu.memory_space<vmem_shared>> -> memref<128xi32, #tpu.memory_space<vmem_shared>>
      %dma_start3A_555 = arith.constant 18720 : i32
      %dma_start3A_556 = tpu.memref_slice %arg6[%dma_start3A_555] : memref<33280xi32, #tpu.memory_space<vmem>> -> memref<128xi32, #tpu.memory_space<vmem>>
      %dma_start3A_557 = tpu.memref_slice %arg12[%add3A_276] : memref<32768xi32, #tpu.memory_space<vmem_shared>> -> memref<128xi32, #tpu.memory_space<vmem_shared>>
      tpu.enqueue_dma source(%dma_start3A_557 : memref<128xi32, #tpu.memory_space<vmem_shared>>) target(%dma_start3A_556 : memref<128xi32, #tpu.memory_space<vmem>>) target_semaphore(%run_scoped3A : memref<!tpu.dma_semaphore, #tpu.memory_space<semaphore_mem>>)
      %dma_wait3A = arith.constant 18720 : i32
      %dma_wait3A_558 = tpu.memref_slice %arg6[%dma_wait3A] : memref<33280xi32, #tpu.memory_space<vmem>> -> memref<128xi32, #tpu.memory_space<vmem>>
      %dma_wait3A_559 = tpu.memref_slice %arg12[%add3A_276] : memref<32768xi32, #tpu.memory_space<vmem_shared>> -> memref<128xi32, #tpu.memory_space<vmem_shared>>
      %dma_wait3A_560 = arith.constant 18720 : i32
      %dma_wait3A_561 = tpu.memref_slice %arg6[%dma_wait3A_560] : memref<33280xi32, #tpu.memory_space<vmem>> -> memref<128xi32, #tpu.memory_space<vmem>>
      %dma_wait3A_562 = tpu.memref_slice %arg12[%add3A_276] : memref<32768xi32, #tpu.memory_space<vmem_shared>> -> memref<128xi32, #tpu.memory_space<vmem_shared>>
      tpu.wait_dma2 semaphore(%run_scoped3A : memref<!tpu.dma_semaphore, #tpu.memory_space<semaphore_mem>>) src(%dma_wait3A_562 : memref<128xi32, #tpu.memory_space<vmem_shared>>) dst(%dma_wait3A_561 : memref<128xi32, #tpu.memory_space<vmem>>)
      tpu.yield
    }) : () -> ()
    %mul3A_277 = arith.constant 128 : i32
    %mul3A_278 = arith.muli %arg1, %mul3A_277 : i32
    %add3A_279 = arith.constant 20480 : i32
    %add3A_280 = arith.addi %add3A_279, %mul3A_278 : i32
    "tpu.region"() ({
      %run_scoped3A = tpu.sem_alloc : memref<!tpu.dma_semaphore, #tpu.memory_space<semaphore_mem>>
      %dma_start3A = arith.constant 20800 : i32
      %dma_start3A_553 = tpu.memref_slice %arg6[%dma_start3A] : memref<33280xi32, #tpu.memory_space<vmem>> -> memref<128xi32, #tpu.memory_space<vmem>>
      %dma_start3A_554 = tpu.memref_slice %arg12[%add3A_280] : memref<32768xi32, #tpu.memory_space<vmem_shared>> -> memref<128xi32, #tpu.memory_space<vmem_shared>>
      %dma_start3A_555 = arith.constant 20800 : i32
      %dma_start3A_556 = tpu.memref_slice %arg6[%dma_start3A_555] : memref<33280xi32, #tpu.memory_space<vmem>> -> memref<128xi32, #tpu.memory_space<vmem>>
      %dma_start3A_557 = tpu.memref_slice %arg12[%add3A_280] : memref<32768xi32, #tpu.memory_space<vmem_shared>> -> memref<128xi32, #tpu.memory_space<vmem_shared>>
      tpu.enqueue_dma source(%dma_start3A_557 : memref<128xi32, #tpu.memory_space<vmem_shared>>) target(%dma_start3A_556 : memref<128xi32, #tpu.memory_space<vmem>>) target_semaphore(%run_scoped3A : memref<!tpu.dma_semaphore, #tpu.memory_space<semaphore_mem>>)
      %dma_wait3A = arith.constant 20800 : i32
      %dma_wait3A_558 = tpu.memref_slice %arg6[%dma_wait3A] : memref<33280xi32, #tpu.memory_space<vmem>> -> memref<128xi32, #tpu.memory_space<vmem>>
      %dma_wait3A_559 = tpu.memref_slice %arg12[%add3A_280] : memref<32768xi32, #tpu.memory_space<vmem_shared>> -> memref<128xi32, #tpu.memory_space<vmem_shared>>
      %dma_wait3A_560 = arith.constant 20800 : i32
      %dma_wait3A_561 = tpu.memref_slice %arg6[%dma_wait3A_560] : memref<33280xi32, #tpu.memory_space<vmem>> -> memref<128xi32, #tpu.memory_space<vmem>>
      %dma_wait3A_562 = tpu.memref_slice %arg12[%add3A_280] : memref<32768xi32, #tpu.memory_space<vmem_shared>> -> memref<128xi32, #tpu.memory_space<vmem_shared>>
      tpu.wait_dma2 semaphore(%run_scoped3A : memref<!tpu.dma_semaphore, #tpu.memory_space<semaphore_mem>>) src(%dma_wait3A_562 : memref<128xi32, #tpu.memory_space<vmem_shared>>) dst(%dma_wait3A_561 : memref<128xi32, #tpu.memory_space<vmem>>)
      tpu.yield
    }) : () -> ()
    %mul3A_281 = arith.constant 128 : i32
    %mul3A_282 = arith.muli %arg1, %mul3A_281 : i32
    %add3A_283 = arith.constant 22528 : i32
    %add3A_284 = arith.addi %add3A_283, %mul3A_282 : i32
    "tpu.region"() ({
      %run_scoped3A = tpu.sem_alloc : memref<!tpu.dma_semaphore, #tpu.memory_space<semaphore_mem>>
      %dma_start3A = arith.constant 22880 : i32
      %dma_start3A_553 = tpu.memref_slice %arg6[%dma_start3A] : memref<33280xi32, #tpu.memory_space<vmem>> -> memref<128xi32, #tpu.memory_space<vmem>>
      %dma_start3A_554 = tpu.memref_slice %arg12[%add3A_284] : memref<32768xi32, #tpu.memory_space<vmem_shared>> -> memref<128xi32, #tpu.memory_space<vmem_shared>>
      %dma_start3A_555 = arith.constant 22880 : i32
      %dma_start3A_556 = tpu.memref_slice %arg6[%dma_start3A_555] : memref<33280xi32, #tpu.memory_space<vmem>> -> memref<128xi32, #tpu.memory_space<vmem>>
      %dma_start3A_557 = tpu.memref_slice %arg12[%add3A_284] : memref<32768xi32, #tpu.memory_space<vmem_shared>> -> memref<128xi32, #tpu.memory_space<vmem_shared>>
      tpu.enqueue_dma source(%dma_start3A_557 : memref<128xi32, #tpu.memory_space<vmem_shared>>) target(%dma_start3A_556 : memref<128xi32, #tpu.memory_space<vmem>>) target_semaphore(%run_scoped3A : memref<!tpu.dma_semaphore, #tpu.memory_space<semaphore_mem>>)
      %dma_wait3A = arith.constant 22880 : i32
      %dma_wait3A_558 = tpu.memref_slice %arg6[%dma_wait3A] : memref<33280xi32, #tpu.memory_space<vmem>> -> memref<128xi32, #tpu.memory_space<vmem>>
      %dma_wait3A_559 = tpu.memref_slice %arg12[%add3A_284] : memref<32768xi32, #tpu.memory_space<vmem_shared>> -> memref<128xi32, #tpu.memory_space<vmem_shared>>
      %dma_wait3A_560 = arith.constant 22880 : i32
      %dma_wait3A_561 = tpu.memref_slice %arg6[%dma_wait3A_560] : memref<33280xi32, #tpu.memory_space<vmem>> -> memref<128xi32, #tpu.memory_space<vmem>>
      %dma_wait3A_562 = tpu.memref_slice %arg12[%add3A_284] : memref<32768xi32, #tpu.memory_space<vmem_shared>> -> memref<128xi32, #tpu.memory_space<vmem_shared>>
      tpu.wait_dma2 semaphore(%run_scoped3A : memref<!tpu.dma_semaphore, #tpu.memory_space<semaphore_mem>>) src(%dma_wait3A_562 : memref<128xi32, #tpu.memory_space<vmem_shared>>) dst(%dma_wait3A_561 : memref<128xi32, #tpu.memory_space<vmem>>)
      tpu.yield
    }) : () -> ()
    %mul3A_285 = arith.constant 128 : i32
    %mul3A_286 = arith.muli %arg1, %mul3A_285 : i32
    %add3A_287 = arith.constant 24576 : i32
    %add3A_288 = arith.addi %add3A_287, %mul3A_286 : i32
    "tpu.region"() ({
      %run_scoped3A = tpu.sem_alloc : memref<!tpu.dma_semaphore, #tpu.memory_space<semaphore_mem>>
      %dma_start3A = arith.constant 24960 : i32
      %dma_start3A_553 = tpu.memref_slice %arg6[%dma_start3A] : memref<33280xi32, #tpu.memory_space<vmem>> -> memref<128xi32, #tpu.memory_space<vmem>>
      %dma_start3A_554 = tpu.memref_slice %arg12[%add3A_288] : memref<32768xi32, #tpu.memory_space<vmem_shared>> -> memref<128xi32, #tpu.memory_space<vmem_shared>>
      %dma_start3A_555 = arith.constant 24960 : i32
      %dma_start3A_556 = tpu.memref_slice %arg6[%dma_start3A_555] : memref<33280xi32, #tpu.memory_space<vmem>> -> memref<128xi32, #tpu.memory_space<vmem>>
      %dma_start3A_557 = tpu.memref_slice %arg12[%add3A_288] : memref<32768xi32, #tpu.memory_space<vmem_shared>> -> memref<128xi32, #tpu.memory_space<vmem_shared>>
      tpu.enqueue_dma source(%dma_start3A_557 : memref<128xi32, #tpu.memory_space<vmem_shared>>) target(%dma_start3A_556 : memref<128xi32, #tpu.memory_space<vmem>>) target_semaphore(%run_scoped3A : memref<!tpu.dma_semaphore, #tpu.memory_space<semaphore_mem>>)
      %dma_wait3A = arith.constant 24960 : i32
      %dma_wait3A_558 = tpu.memref_slice %arg6[%dma_wait3A] : memref<33280xi32, #tpu.memory_space<vmem>> -> memref<128xi32, #tpu.memory_space<vmem>>
      %dma_wait3A_559 = tpu.memref_slice %arg12[%add3A_288] : memref<32768xi32, #tpu.memory_space<vmem_shared>> -> memref<128xi32, #tpu.memory_space<vmem_shared>>
      %dma_wait3A_560 = arith.constant 24960 : i32
      %dma_wait3A_561 = tpu.memref_slice %arg6[%dma_wait3A_560] : memref<33280xi32, #tpu.memory_space<vmem>> -> memref<128xi32, #tpu.memory_space<vmem>>
      %dma_wait3A_562 = tpu.memref_slice %arg12[%add3A_288] : memref<32768xi32, #tpu.memory_space<vmem_shared>> -> memref<128xi32, #tpu.memory_space<vmem_shared>>
      tpu.wait_dma2 semaphore(%run_scoped3A : memref<!tpu.dma_semaphore, #tpu.memory_space<semaphore_mem>>) src(%dma_wait3A_562 : memref<128xi32, #tpu.memory_space<vmem_shared>>) dst(%dma_wait3A_561 : memref<128xi32, #tpu.memory_space<vmem>>)
      tpu.yield
    }) : () -> ()
    %mul3A_289 = arith.constant 128 : i32
    %mul3A_290 = arith.muli %arg1, %mul3A_289 : i32
    %add3A_291 = arith.constant 26624 : i32
    %add3A_292 = arith.addi %add3A_291, %mul3A_290 : i32
    "tpu.region"() ({
      %run_scoped3A = tpu.sem_alloc : memref<!tpu.dma_semaphore, #tpu.memory_space<semaphore_mem>>
      %dma_start3A = arith.constant 27040 : i32
      %dma_start3A_553 = tpu.memref_slice %arg6[%dma_start3A] : memref<33280xi32, #tpu.memory_space<vmem>> -> memref<128xi32, #tpu.memory_space<vmem>>
      %dma_start3A_554 = tpu.memref_slice %arg12[%add3A_292] : memref<32768xi32, #tpu.memory_space<vmem_shared>> -> memref<128xi32, #tpu.memory_space<vmem_shared>>
      %dma_start3A_555 = arith.constant 27040 : i32
      %dma_start3A_556 = tpu.memref_slice %arg6[%dma_start3A_555] : memref<33280xi32, #tpu.memory_space<vmem>> -> memref<128xi32, #tpu.memory_space<vmem>>
      %dma_start3A_557 = tpu.memref_slice %arg12[%add3A_292] : memref<32768xi32, #tpu.memory_space<vmem_shared>> -> memref<128xi32, #tpu.memory_space<vmem_shared>>
      tpu.enqueue_dma source(%dma_start3A_557 : memref<128xi32, #tpu.memory_space<vmem_shared>>) target(%dma_start3A_556 : memref<128xi32, #tpu.memory_space<vmem>>) target_semaphore(%run_scoped3A : memref<!tpu.dma_semaphore, #tpu.memory_space<semaphore_mem>>)
      %dma_wait3A = arith.constant 27040 : i32
      %dma_wait3A_558 = tpu.memref_slice %arg6[%dma_wait3A] : memref<33280xi32, #tpu.memory_space<vmem>> -> memref<128xi32, #tpu.memory_space<vmem>>
      %dma_wait3A_559 = tpu.memref_slice %arg12[%add3A_292] : memref<32768xi32, #tpu.memory_space<vmem_shared>> -> memref<128xi32, #tpu.memory_space<vmem_shared>>
      %dma_wait3A_560 = arith.constant 27040 : i32
      %dma_wait3A_561 = tpu.memref_slice %arg6[%dma_wait3A_560] : memref<33280xi32, #tpu.memory_space<vmem>> -> memref<128xi32, #tpu.memory_space<vmem>>
      %dma_wait3A_562 = tpu.memref_slice %arg12[%add3A_292] : memref<32768xi32, #tpu.memory_space<vmem_shared>> -> memref<128xi32, #tpu.memory_space<vmem_shared>>
      tpu.wait_dma2 semaphore(%run_scoped3A : memref<!tpu.dma_semaphore, #tpu.memory_space<semaphore_mem>>) src(%dma_wait3A_562 : memref<128xi32, #tpu.memory_space<vmem_shared>>) dst(%dma_wait3A_561 : memref<128xi32, #tpu.memory_space<vmem>>)
      tpu.yield
    }) : () -> ()
    %mul3A_293 = arith.constant 128 : i32
    %mul3A_294 = arith.muli %arg1, %mul3A_293 : i32
    %add3A_295 = arith.constant 28672 : i32
    %add3A_296 = arith.addi %add3A_295, %mul3A_294 : i32
    "tpu.region"() ({
      %run_scoped3A = tpu.sem_alloc : memref<!tpu.dma_semaphore, #tpu.memory_space<semaphore_mem>>
      %dma_start3A = arith.constant 29120 : i32
      %dma_start3A_553 = tpu.memref_slice %arg6[%dma_start3A] : memref<33280xi32, #tpu.memory_space<vmem>> -> memref<128xi32, #tpu.memory_space<vmem>>
      %dma_start3A_554 = tpu.memref_slice %arg12[%add3A_296] : memref<32768xi32, #tpu.memory_space<vmem_shared>> -> memref<128xi32, #tpu.memory_space<vmem_shared>>
      %dma_start3A_555 = arith.constant 29120 : i32
      %dma_start3A_556 = tpu.memref_slice %arg6[%dma_start3A_555] : memref<33280xi32, #tpu.memory_space<vmem>> -> memref<128xi32, #tpu.memory_space<vmem>>
      %dma_start3A_557 = tpu.memref_slice %arg12[%add3A_296] : memref<32768xi32, #tpu.memory_space<vmem_shared>> -> memref<128xi32, #tpu.memory_space<vmem_shared>>
      tpu.enqueue_dma source(%dma_start3A_557 : memref<128xi32, #tpu.memory_space<vmem_shared>>) target(%dma_start3A_556 : memref<128xi32, #tpu.memory_space<vmem>>) target_semaphore(%run_scoped3A : memref<!tpu.dma_semaphore, #tpu.memory_space<semaphore_mem>>)
      %dma_wait3A = arith.constant 29120 : i32
      %dma_wait3A_558 = tpu.memref_slice %arg6[%dma_wait3A] : memref<33280xi32, #tpu.memory_space<vmem>> -> memref<128xi32, #tpu.memory_space<vmem>>
      %dma_wait3A_559 = tpu.memref_slice %arg12[%add3A_296] : memref<32768xi32, #tpu.memory_space<vmem_shared>> -> memref<128xi32, #tpu.memory_space<vmem_shared>>
      %dma_wait3A_560 = arith.constant 29120 : i32
      %dma_wait3A_561 = tpu.memref_slice %arg6[%dma_wait3A_560] : memref<33280xi32, #tpu.memory_space<vmem>> -> memref<128xi32, #tpu.memory_space<vmem>>
      %dma_wait3A_562 = tpu.memref_slice %arg12[%add3A_296] : memref<32768xi32, #tpu.memory_space<vmem_shared>> -> memref<128xi32, #tpu.memory_space<vmem_shared>>
      tpu.wait_dma2 semaphore(%run_scoped3A : memref<!tpu.dma_semaphore, #tpu.memory_space<semaphore_mem>>) src(%dma_wait3A_562 : memref<128xi32, #tpu.memory_space<vmem_shared>>) dst(%dma_wait3A_561 : memref<128xi32, #tpu.memory_space<vmem>>)
      tpu.yield
    }) : () -> ()
    %mul3A_297 = arith.constant 128 : i32
    %mul3A_298 = arith.muli %arg1, %mul3A_297 : i32
    %add3A_299 = arith.constant 30720 : i32
    %add3A_300 = arith.addi %add3A_299, %mul3A_298 : i32
    "tpu.region"() ({
      %run_scoped3A = tpu.sem_alloc : memref<!tpu.dma_semaphore, #tpu.memory_space<semaphore_mem>>
      %dma_start3A = arith.constant 31200 : i32
      %dma_start3A_553 = tpu.memref_slice %arg6[%dma_start3A] : memref<33280xi32, #tpu.memory_space<vmem>> -> memref<128xi32, #tpu.memory_space<vmem>>
      %dma_start3A_554 = tpu.memref_slice %arg12[%add3A_300] : memref<32768xi32, #tpu.memory_space<vmem_shared>> -> memref<128xi32, #tpu.memory_space<vmem_shared>>
      %dma_start3A_555 = arith.constant 31200 : i32
      %dma_start3A_556 = tpu.memref_slice %arg6[%dma_start3A_555] : memref<33280xi32, #tpu.memory_space<vmem>> -> memref<128xi32, #tpu.memory_space<vmem>>
      %dma_start3A_557 = tpu.memref_slice %arg12[%add3A_300] : memref<32768xi32, #tpu.memory_space<vmem_shared>> -> memref<128xi32, #tpu.memory_space<vmem_shared>>
      tpu.enqueue_dma source(%dma_start3A_557 : memref<128xi32, #tpu.memory_space<vmem_shared>>) target(%dma_start3A_556 : memref<128xi32, #tpu.memory_space<vmem>>) target_semaphore(%run_scoped3A : memref<!tpu.dma_semaphore, #tpu.memory_space<semaphore_mem>>)
      %dma_wait3A = arith.constant 31200 : i32
      %dma_wait3A_558 = tpu.memref_slice %arg6[%dma_wait3A] : memref<33280xi32, #tpu.memory_space<vmem>> -> memref<128xi32, #tpu.memory_space<vmem>>
      %dma_wait3A_559 = tpu.memref_slice %arg12[%add3A_300] : memref<32768xi32, #tpu.memory_space<vmem_shared>> -> memref<128xi32, #tpu.memory_space<vmem_shared>>
      %dma_wait3A_560 = arith.constant 31200 : i32
      %dma_wait3A_561 = tpu.memref_slice %arg6[%dma_wait3A_560] : memref<33280xi32, #tpu.memory_space<vmem>> -> memref<128xi32, #tpu.memory_space<vmem>>
      %dma_wait3A_562 = tpu.memref_slice %arg12[%add3A_300] : memref<32768xi32, #tpu.memory_space<vmem_shared>> -> memref<128xi32, #tpu.memory_space<vmem_shared>>
      tpu.wait_dma2 semaphore(%run_scoped3A : memref<!tpu.dma_semaphore, #tpu.memory_space<semaphore_mem>>) src(%dma_wait3A_562 : memref<128xi32, #tpu.memory_space<vmem_shared>>) dst(%dma_wait3A_561 : memref<128xi32, #tpu.memory_space<vmem>>)
      tpu.yield
    }) : () -> ()
    %parallel_loop3A_301 = arith.constant 0 : i32
    %parallel_loop3A_302 = arith.constant 8 : i32
    %parallel_loop3A_303 = arith.constant 1 : i32
    scf.for %parallel_loop3A_553 = %parallel_loop3A_301 to %parallel_loop3A_302 step %parallel_loop3A_303  : i32 {
      %parallel_loop3A_554 = arith.constant 0 : i32
      %parallel_loop3A_555 = vector.broadcast %parallel_loop3A_554 : i32 to vector<16xi32>
      %parallel_loop3A_556 = arith.constant 16 : i32
      %parallel_loop3A_557 = arith.muli %parallel_loop3A_553, %parallel_loop3A_556 : i32
      %parallel_loop3A_558 = arith.constant 0 : i32
      %parallel_loop3A_559 = arith.addi %parallel_loop3A_558, %parallel_loop3A_557 : i32
      %parallel_loop3A_560 = arith.index_cast %parallel_loop3A_559 : i32 to index
      %parallel_loop3A_561 = tpu.vector_load %arg6[%parallel_loop3A_560] {strides = array<i32>} : memref<33280xi32, #tpu.memory_space<vmem>>, vector<16xi32>,
      %parallel_loop3A_562 = arith.addi %parallel_loop3A_555, %parallel_loop3A_561 : vector<16xi32>
      %parallel_loop3A_563 = arith.constant 16 : i32
      %parallel_loop3A_564 = arith.muli %parallel_loop3A_553, %parallel_loop3A_563 : i32
      %parallel_loop3A_565 = arith.constant 2080 : i32
      %parallel_loop3A_566 = arith.addi %parallel_loop3A_565, %parallel_loop3A_564 : i32
      %parallel_loop3A_567 = arith.index_cast %parallel_loop3A_566 : i32 to index
      %parallel_loop3A_568 = tpu.vector_load %arg6[%parallel_loop3A_567] {strides = array<i32>} : memref<33280xi32, #tpu.memory_space<vmem>>, vector<16xi32>,
      %parallel_loop3A_569 = arith.addi %parallel_loop3A_562, %parallel_loop3A_568 : vector<16xi32>
      %parallel_loop3A_570 = arith.constant 16 : i32
      %parallel_loop3A_571 = arith.muli %parallel_loop3A_553, %parallel_loop3A_570 : i32
      %parallel_loop3A_572 = arith.constant 4160 : i32
      %parallel_loop3A_573 = arith.addi %parallel_loop3A_572, %parallel_loop3A_571 : i32
      %parallel_loop3A_574 = arith.index_cast %parallel_loop3A_573 : i32 to index
      %parallel_loop3A_575 = tpu.vector_load %arg6[%parallel_loop3A_574] {strides = array<i32>} : memref<33280xi32, #tpu.memory_space<vmem>>, vector<16xi32>,
      %parallel_loop3A_576 = arith.addi %parallel_loop3A_569, %parallel_loop3A_575 : vector<16xi32>
      %parallel_loop3A_577 = arith.constant 16 : i32
      %parallel_loop3A_578 = arith.muli %parallel_loop3A_553, %parallel_loop3A_577 : i32
      %parallel_loop3A_579 = arith.constant 6240 : i32
      %parallel_loop3A_580 = arith.addi %parallel_loop3A_579, %parallel_loop3A_578 : i32
      %parallel_loop3A_581 = arith.index_cast %parallel_loop3A_580 : i32 to index
      %parallel_loop3A_582 = tpu.vector_load %arg6[%parallel_loop3A_581] {strides = array<i32>} : memref<33280xi32, #tpu.memory_space<vmem>>, vector<16xi32>,
      %parallel_loop3A_583 = arith.addi %parallel_loop3A_576, %parallel_loop3A_582 : vector<16xi32>
      %parallel_loop3A_584 = arith.constant 16 : i32
      %parallel_loop3A_585 = arith.muli %parallel_loop3A_553, %parallel_loop3A_584 : i32
      %parallel_loop3A_586 = arith.constant 8320 : i32
      %parallel_loop3A_587 = arith.addi %parallel_loop3A_586, %parallel_loop3A_585 : i32
      %parallel_loop3A_588 = arith.index_cast %parallel_loop3A_587 : i32 to index
      %parallel_loop3A_589 = tpu.vector_load %arg6[%parallel_loop3A_588] {strides = array<i32>} : memref<33280xi32, #tpu.memory_space<vmem>>, vector<16xi32>,
      %parallel_loop3A_590 = arith.addi %parallel_loop3A_583, %parallel_loop3A_589 : vector<16xi32>
      %parallel_loop3A_591 = arith.constant 16 : i32
      %parallel_loop3A_592 = arith.muli %parallel_loop3A_553, %parallel_loop3A_591 : i32
      %parallel_loop3A_593 = arith.constant 10400 : i32
      %parallel_loop3A_594 = arith.addi %parallel_loop3A_593, %parallel_loop3A_592 : i32
      %parallel_loop3A_595 = arith.index_cast %parallel_loop3A_594 : i32 to index
      %parallel_loop3A_596 = tpu.vector_load %arg6[%parallel_loop3A_595] {strides = array<i32>} : memref<33280xi32, #tpu.memory_space<vmem>>, vector<16xi32>,
      %parallel_loop3A_597 = arith.addi %parallel_loop3A_590, %parallel_loop3A_596 : vector<16xi32>
      %parallel_loop3A_598 = arith.constant 16 : i32
      %parallel_loop3A_599 = arith.muli %parallel_loop3A_553, %parallel_loop3A_598 : i32
      %parallel_loop3A_600 = arith.constant 12480 : i32
      %parallel_loop3A_601 = arith.addi %parallel_loop3A_600, %parallel_loop3A_599 : i32
      %parallel_loop3A_602 = arith.index_cast %parallel_loop3A_601 : i32 to index
      %parallel_loop3A_603 = tpu.vector_load %arg6[%parallel_loop3A_602] {strides = array<i32>} : memref<33280xi32, #tpu.memory_space<vmem>>, vector<16xi32>,
      %parallel_loop3A_604 = arith.addi %parallel_loop3A_597, %parallel_loop3A_603 : vector<16xi32>
      %parallel_loop3A_605 = arith.constant 16 : i32
      %parallel_loop3A_606 = arith.muli %parallel_loop3A_553, %parallel_loop3A_605 : i32
      %parallel_loop3A_607 = arith.constant 14560 : i32
      %parallel_loop3A_608 = arith.addi %parallel_loop3A_607, %parallel_loop3A_606 : i32
      %parallel_loop3A_609 = arith.index_cast %parallel_loop3A_608 : i32 to index
      %parallel_loop3A_610 = tpu.vector_load %arg6[%parallel_loop3A_609] {strides = array<i32>} : memref<33280xi32, #tpu.memory_space<vmem>>, vector<16xi32>,
      %parallel_loop3A_611 = arith.addi %parallel_loop3A_604, %parallel_loop3A_610 : vector<16xi32>
      %parallel_loop3A_612 = arith.constant 16 : i32
      %parallel_loop3A_613 = arith.muli %parallel_loop3A_553, %parallel_loop3A_612 : i32
      %parallel_loop3A_614 = arith.constant 16640 : i32
      %parallel_loop3A_615 = arith.addi %parallel_loop3A_614, %parallel_loop3A_613 : i32
      %parallel_loop3A_616 = arith.index_cast %parallel_loop3A_615 : i32 to index
      %parallel_loop3A_617 = tpu.vector_load %arg6[%parallel_loop3A_616] {strides = array<i32>} : memref<33280xi32, #tpu.memory_space<vmem>>, vector<16xi32>,
      %parallel_loop3A_618 = arith.addi %parallel_loop3A_611, %parallel_loop3A_617 : vector<16xi32>
      %parallel_loop3A_619 = arith.constant 16 : i32
      %parallel_loop3A_620 = arith.muli %parallel_loop3A_553, %parallel_loop3A_619 : i32
      %parallel_loop3A_621 = arith.constant 18720 : i32
      %parallel_loop3A_622 = arith.addi %parallel_loop3A_621, %parallel_loop3A_620 : i32
      %parallel_loop3A_623 = arith.index_cast %parallel_loop3A_622 : i32 to index
      %parallel_loop3A_624 = tpu.vector_load %arg6[%parallel_loop3A_623] {strides = array<i32>} : memref<33280xi32, #tpu.memory_space<vmem>>, vector<16xi32>,
      %parallel_loop3A_625 = arith.addi %parallel_loop3A_618, %parallel_loop3A_624 : vector<16xi32>
      %parallel_loop3A_626 = arith.constant 16 : i32
      %parallel_loop3A_627 = arith.muli %parallel_loop3A_553, %parallel_loop3A_626 : i32
      %parallel_loop3A_628 = arith.constant 20800 : i32
      %parallel_loop3A_629 = arith.addi %parallel_loop3A_628, %parallel_loop3A_627 : i32
      %parallel_loop3A_630 = arith.index_cast %parallel_loop3A_629 : i32 to index
      %parallel_loop3A_631 = tpu.vector_load %arg6[%parallel_loop3A_630] {strides = array<i32>} : memref<33280xi32, #tpu.memory_space<vmem>>, vector<16xi32>,
      %parallel_loop3A_632 = arith.addi %parallel_loop3A_625, %parallel_loop3A_631 : vector<16xi32>
      %parallel_loop3A_633 = arith.constant 16 : i32
      %parallel_loop3A_634 = arith.muli %parallel_loop3A_553, %parallel_loop3A_633 : i32
      %parallel_loop3A_635 = arith.constant 22880 : i32
      %parallel_loop3A_636 = arith.addi %parallel_loop3A_635, %parallel_loop3A_634 : i32
      %parallel_loop3A_637 = arith.index_cast %parallel_loop3A_636 : i32 to index
      %parallel_loop3A_638 = tpu.vector_load %arg6[%parallel_loop3A_637] {strides = array<i32>} : memref<33280xi32, #tpu.memory_space<vmem>>, vector<16xi32>,
      %parallel_loop3A_639 = arith.addi %parallel_loop3A_632, %parallel_loop3A_638 : vector<16xi32>
      %parallel_loop3A_640 = arith.constant 16 : i32
      %parallel_loop3A_641 = arith.muli %parallel_loop3A_553, %parallel_loop3A_640 : i32
      %parallel_loop3A_642 = arith.constant 24960 : i32
      %parallel_loop3A_643 = arith.addi %parallel_loop3A_642, %parallel_loop3A_641 : i32
      %parallel_loop3A_644 = arith.index_cast %parallel_loop3A_643 : i32 to index
      %parallel_loop3A_645 = tpu.vector_load %arg6[%parallel_loop3A_644] {strides = array<i32>} : memref<33280xi32, #tpu.memory_space<vmem>>, vector<16xi32>,
      %parallel_loop3A_646 = arith.addi %parallel_loop3A_639, %parallel_loop3A_645 : vector<16xi32>
      %parallel_loop3A_647 = arith.constant 16 : i32
      %parallel_loop3A_648 = arith.muli %parallel_loop3A_553, %parallel_loop3A_647 : i32
      %parallel_loop3A_649 = arith.constant 27040 : i32
      %parallel_loop3A_650 = arith.addi %parallel_loop3A_649, %parallel_loop3A_648 : i32
      %parallel_loop3A_651 = arith.index_cast %parallel_loop3A_650 : i32 to index
      %parallel_loop3A_652 = tpu.vector_load %arg6[%parallel_loop3A_651] {strides = array<i32>} : memref<33280xi32, #tpu.memory_space<vmem>>, vector<16xi32>,
      %parallel_loop3A_653 = arith.addi %parallel_loop3A_646, %parallel_loop3A_652 : vector<16xi32>
      %parallel_loop3A_654 = arith.constant 16 : i32
      %parallel_loop3A_655 = arith.muli %parallel_loop3A_553, %parallel_loop3A_654 : i32
      %parallel_loop3A_656 = arith.constant 29120 : i32
      %parallel_loop3A_657 = arith.addi %parallel_loop3A_656, %parallel_loop3A_655 : i32
      %parallel_loop3A_658 = arith.index_cast %parallel_loop3A_657 : i32 to index
      %parallel_loop3A_659 = tpu.vector_load %arg6[%parallel_loop3A_658] {strides = array<i32>} : memref<33280xi32, #tpu.memory_space<vmem>>, vector<16xi32>,
      %parallel_loop3A_660 = arith.addi %parallel_loop3A_653, %parallel_loop3A_659 : vector<16xi32>
      %parallel_loop3A_661 = arith.constant 16 : i32
      %parallel_loop3A_662 = arith.muli %parallel_loop3A_553, %parallel_loop3A_661 : i32
      %parallel_loop3A_663 = arith.constant 31200 : i32
      %parallel_loop3A_664 = arith.addi %parallel_loop3A_663, %parallel_loop3A_662 : i32
      %parallel_loop3A_665 = arith.index_cast %parallel_loop3A_664 : i32 to index
      %parallel_loop3A_666 = tpu.vector_load %arg6[%parallel_loop3A_665] {strides = array<i32>} : memref<33280xi32, #tpu.memory_space<vmem>>, vector<16xi32>,
      %parallel_loop3A_667 = arith.addi %parallel_loop3A_660, %parallel_loop3A_666 : vector<16xi32>
      %parallel_loop3A_668 = arith.constant 16 : i32
      %parallel_loop3A_669 = arith.muli %parallel_loop3A_553, %parallel_loop3A_668 : i32
      %parallel_loop3A_670 = arith.index_cast %parallel_loop3A_669 : i32 to index
      %parallel_loop3A_671 = tpu.vector_load %arg10[%parallel_loop3A_670] {strides = array<i32>} : memref<2048xi32, #tpu.memory_space<vmem>>, vector<16xi32>,
      tpu.vector_store %arg10[%parallel_loop3A_670], %parallel_loop3A_667 {strides = array<i32>} : memref<2048xi32, #tpu.memory_space<vmem>>, vector<16xi32>,
    } {sc.loop_unroll_factor = 4 : i64, sc.parallel_access}
    %mul3A_304 = arith.constant 128 : i32
    %mul3A_305 = arith.muli %arg1, %mul3A_304 : i32
    "tpu.region"() ({
      %run_scoped3A = tpu.sem_alloc : memref<!tpu.dma_semaphore, #tpu.memory_space<semaphore_mem>>
      %dma_start3A = arith.constant 0 : i32
      %dma_start3A_553 = tpu.memref_slice %arg10[%dma_start3A] : memref<2048xi32, #tpu.memory_space<vmem>> -> memref<128xi32, #tpu.memory_space<vmem>>
      %dma_start3A_554 = tpu.memref_slice %arg14[%mul3A_305] : memref<2048xi32, #tpu.memory_space<vmem_shared>> -> memref<128xi32, #tpu.memory_space<vmem_shared>>
      %dma_start3A_555 = tpu.memref_slice %arg14[%mul3A_305] : memref<2048xi32, #tpu.memory_space<vmem_shared>> -> memref<128xi32, #tpu.memory_space<vmem_shared>>
      %dma_start3A_556 = arith.constant 0 : i32
      %dma_start3A_557 = tpu.memref_slice %arg10[%dma_start3A_556] : memref<2048xi32, #tpu.memory_space<vmem>> -> memref<128xi32, #tpu.memory_space<vmem>>
      tpu.enqueue_dma source(%dma_start3A_557 : memref<128xi32, #tpu.memory_space<vmem>>) target(%dma_start3A_555 : memref<128xi32, #tpu.memory_space<vmem_shared>>) target_semaphore(%run_scoped3A : memref<!tpu.dma_semaphore, #tpu.memory_space<semaphore_mem>>)
      %dma_wait3A = arith.constant 0 : i32
      %dma_wait3A_558 = tpu.memref_slice %arg10[%dma_wait3A] : memref<2048xi32, #tpu.memory_space<vmem>> -> memref<128xi32, #tpu.memory_space<vmem>>
      %dma_wait3A_559 = tpu.memref_slice %arg14[%mul3A_305] : memref<2048xi32, #tpu.memory_space<vmem_shared>> -> memref<128xi32, #tpu.memory_space<vmem_shared>>
      %dma_wait3A_560 = tpu.memref_slice %arg14[%mul3A_305] : memref<2048xi32, #tpu.memory_space<vmem_shared>> -> memref<128xi32, #tpu.memory_space<vmem_shared>>
      %dma_wait3A_561 = arith.constant 0 : i32
      %dma_wait3A_562 = tpu.memref_slice %arg10[%dma_wait3A_561] : memref<2048xi32, #tpu.memory_space<vmem>> -> memref<128xi32, #tpu.memory_space<vmem>>
      tpu.wait_dma2 semaphore(%run_scoped3A : memref<!tpu.dma_semaphore, #tpu.memory_space<semaphore_mem>>) src(%dma_wait3A_562 : memref<128xi32, #tpu.memory_space<vmem>>) dst(%dma_wait3A_560 : memref<128xi32, #tpu.memory_space<vmem_shared>>)
      tpu.yield
    }) : () -> ()
    %barrier3A_306 = arith.constant 0 : index
    tpu.barrier barrier_id(%barrier3A_306)
    "tpu.region"() ({
      %run_scoped3A = tpu.sem_alloc : memref<!tpu.dma_semaphore, #tpu.memory_space<semaphore_mem>>
      %dma_start3A = arith.constant 0 : i32
      %dma_start3A_553 = tpu.memref_slice %arg5[%dma_start3A] : memref<2048xi32, #tpu.memory_space<vmem>> -> memref<2048xi32, #tpu.memory_space<vmem>>
      %dma_start3A_554 = arith.constant 0 : i32
      %dma_start3A_555 = tpu.memref_slice %arg14[%dma_start3A_554] : memref<2048xi32, #tpu.memory_space<vmem_shared>> -> memref<2048xi32, #tpu.memory_space<vmem_shared>>
      %dma_start3A_556 = arith.constant 0 : i32
      %dma_start3A_557 = tpu.memref_slice %arg5[%dma_start3A_556] : memref<2048xi32, #tpu.memory_space<vmem>> -> memref<2048xi32, #tpu.memory_space<vmem>>
      %dma_start3A_558 = arith.constant 0 : i32
      %dma_start3A_559 = tpu.memref_slice %arg14[%dma_start3A_558] : memref<2048xi32, #tpu.memory_space<vmem_shared>> -> memref<2048xi32, #tpu.memory_space<vmem_shared>>
      tpu.enqueue_dma source(%dma_start3A_559 : memref<2048xi32, #tpu.memory_space<vmem_shared>>) target(%dma_start3A_557 : memref<2048xi32, #tpu.memory_space<vmem>>) target_semaphore(%run_scoped3A : memref<!tpu.dma_semaphore, #tpu.memory_space<semaphore_mem>>)
      %dma_wait3A = arith.constant 0 : i32
      %dma_wait3A_560 = tpu.memref_slice %arg5[%dma_wait3A] : memref<2048xi32, #tpu.memory_space<vmem>> -> memref<2048xi32, #tpu.memory_space<vmem>>
      %dma_wait3A_561 = arith.constant 0 : i32
      %dma_wait3A_562 = tpu.memref_slice %arg14[%dma_wait3A_561] : memref<2048xi32, #tpu.memory_space<vmem_shared>> -> memref<2048xi32, #tpu.memory_space<vmem_shared>>
      %dma_wait3A_563 = arith.constant 0 : i32
      %dma_wait3A_564 = tpu.memref_slice %arg5[%dma_wait3A_563] : memref<2048xi32, #tpu.memory_space<vmem>> -> memref<2048xi32, #tpu.memory_space<vmem>>
      %dma_wait3A_565 = arith.constant 0 : i32
      %dma_wait3A_566 = tpu.memref_slice %arg14[%dma_wait3A_565] : memref<2048xi32, #tpu.memory_space<vmem_shared>> -> memref<2048xi32, #tpu.memory_space<vmem_shared>>
      tpu.wait_dma2 semaphore(%run_scoped3A : memref<!tpu.dma_semaphore, #tpu.memory_space<semaphore_mem>>) src(%dma_wait3A_566 : memref<2048xi32, #tpu.memory_space<vmem_shared>>) dst(%dma_wait3A_564 : memref<2048xi32, #tpu.memory_space<vmem>>)
      tpu.yield
    }) : () -> ()
    %parallel_loop3A_307 = arith.constant 0 : i32
    %parallel_loop3A_308 = arith.constant 128 : i32
    %parallel_loop3A_309 = arith.constant 1 : i32
    scf.for %parallel_loop3A_553 = %parallel_loop3A_307 to %parallel_loop3A_308 step %parallel_loop3A_309  : i32 {
      %parallel_loop3A_554 = arith.constant 16 : i32
      %parallel_loop3A_555 = arith.muli %parallel_loop3A_553, %parallel_loop3A_554 : i32
      %parallel_loop3A_556 = arith.index_cast %parallel_loop3A_555 : i32 to index
      %parallel_loop3A_557 = tpu.vector_load %arg5[%parallel_loop3A_556] {strides = array<i32>} : memref<2048xi32, #tpu.memory_space<vmem>>, vector<16xi32>,
      %parallel_loop3A_558 = arith.constant true
      %parallel_loop3A_559 = vector.broadcast %parallel_loop3A_558 : i1 to vector<16xi1>
      %parallel_loop3A_560 = tpu.scan <sum>, %parallel_loop3A_557 masked %parallel_loop3A_559 : vector<16xi32>, vector<16xi1> -> vector<16xi32>
      %parallel_loop3A_561 = arith.constant 16 : i32
      %parallel_loop3A_562 = arith.muli %parallel_loop3A_553, %parallel_loop3A_561 : i32
      %parallel_loop3A_563 = arith.index_cast %parallel_loop3A_562 : i32 to index
      %parallel_loop3A_564 = tpu.vector_load %arg6[%parallel_loop3A_563] {strides = array<i32>} : memref<33280xi32, #tpu.memory_space<vmem>>, vector<16xi32>,
      tpu.vector_store %arg6[%parallel_loop3A_563], %parallel_loop3A_560 {strides = array<i32>} : memref<33280xi32, #tpu.memory_space<vmem>>, vector<16xi32>,
    } {sc.loop_unroll_factor = 8 : i64, sc.parallel_access}
    %iota3A_310 = tpu.iota {dimensions = array<i32: 0>} : vector<16xi32>
    %broadcast_in_dim3A_311 = arith.constant 0 : i32
    %broadcast_in_dim3A_312 = vector.broadcast %broadcast_in_dim3A_311 : i32 to vector<16xi32>
    %sub3A_313 = arith.constant 1 : i32
    %sub3A_314 = vector.broadcast %sub3A_313 : i32 to vector<16xi32>
    %sub3A_315 = arith.subi %broadcast_in_dim3A_312, %sub3A_314 : vector<16xi32>
    %scan3A_316 = arith.constant 0 : i32
    %scan3A_317 = arith.constant 8 : i32
    %scan3A_318 = arith.addi %scan3A_316, %scan3A_317 : i32
    %scan3A_319 = arith.constant 1 : i32
    %scan3A_320:3 = scf.for %scan3A_553 = %scan3A_316 to %scan3A_318 step %scan3A_319 iter_args(%scan3A_554 = %broadcast_in_dim3A_312, %scan3A_555 = %sub3A_315, %scan3A_556 = %broadcast_in_dim3A_312) -> (vector<16xi32>, vector<16xi32>, vector<16xi32>)  : i32 {
      %mul3A_557 = arith.constant 256 : i32
      %mul3A_558 = arith.muli %scan3A_553, %mul3A_557 : i32
      %mul3A_559 = arith.constant 16 : i32
      %mul3A_560 = vector.broadcast %mul3A_559 : i32 to vector<16xi32>
      %mul3A_561 = arith.muli %iota3A_310, %mul3A_560 : vector<16xi32>
      %add3A_562 = vector.broadcast %mul3A_558 : i32 to vector<16xi32>
      %add3A_563 = arith.addi %add3A_562, %mul3A_561 : vector<16xi32>
      %add3A_564 = arith.constant 15 : i32
      %add3A_565 = vector.broadcast %add3A_564 : i32 to vector<16xi32>
      %add3A_566 = arith.addi %add3A_563, %add3A_565 : vector<16xi32>
      %gather3A_567 = tpu.vector_load_idx %arg6[%add3A_566] : memref<33280xi32, #tpu.memory_space<vmem>>[vector<16xi32>], vector<16xi32>,
      %broadcast_in_dim3A_568 = arith.constant true
      %broadcast_in_dim3A_569 = vector.broadcast %broadcast_in_dim3A_568 : i1 to vector<16xi1>
      %masked_cumsum3A = tpu.scan <sum>, %gather3A_567 masked %broadcast_in_dim3A_569 : vector<16xi32>, vector<16xi1> -> vector<16xi32>
      %add3A_570 = arith.addi %masked_cumsum3A, %scan3A_554 : vector<16xi32>
      %ge3A_571 = arith.cmpi sge, %add3A_570, %sub3A_171 : vector<16xi32>
      %all_reduce_population_count3A = tpu.all_reduce %ge3A_571 {dim = 0 : i64, kind = #tpu.reduction_kind<sum>} : vector<16xi1> -> vector<16xi32>
      %all_reduce_ffs3A_572 = tpu.all_reduce %ge3A_571 {dim = 0 : i64, kind = #tpu.reduction_kind<find_first_set>} : vector<16xi1> -> vector<16xi32>
      %min3A_573 = arith.constant 15 : i32
      %min3A_574 = vector.broadcast %min3A_573 : i32 to vector<16xi32>
      %min3A_575 = arith.minsi %all_reduce_ffs3A_572, %min3A_574 : vector<16xi32>
      %sub3A_576 = arith.subi %add3A_570, %gather3A_567 : vector<16xi32>
      %swap3A_577 = arith.constant 0 : index
      %swap3A_578 = tpu.vector_load %arg15[%swap3A_577] {strides = array<i32>} : memref<16xi32, #tpu.memory_space<vmem>>, vector<16xi32>,
      tpu.vector_store %arg15[%swap3A_577], %sub3A_576 {strides = array<i32>} : memref<16xi32, #tpu.memory_space<vmem>>, vector<16xi32>,
      %gather3A_579 = tpu.vector_load_idx %arg15[%min3A_575] : memref<16xi32, #tpu.memory_space<vmem>>[vector<16xi32>], vector<16xi32>,
      %swap3A_580 = arith.constant 0 : index
      %swap3A_581 = tpu.vector_load %arg16[%swap3A_580] {strides = array<i32>} : memref<16xi32, #tpu.memory_space<vmem>>, vector<16xi32>,
      tpu.vector_store %arg16[%swap3A_580], %add3A_570 {strides = array<i32>} : memref<16xi32, #tpu.memory_space<vmem>>, vector<16xi32>,
      %broadcast_in_dim3A_582 = arith.constant 15 : i32
      %broadcast_in_dim3A_583 = vector.broadcast %broadcast_in_dim3A_582 : i32 to vector<16xi32>
      %gather3A_584 = tpu.vector_load_idx %arg16[%broadcast_in_dim3A_583] : memref<16xi32, #tpu.memory_space<vmem>>[vector<16xi32>], vector<16xi32>,
      %lt3A = arith.constant 0 : i32
      %lt3A_585 = vector.broadcast %lt3A : i32 to vector<16xi32>
      %lt3A_586 = arith.cmpi slt, %scan3A_555, %lt3A_585 : vector<16xi32>
      %gt3A = arith.constant 0 : i32
      %gt3A_587 = vector.broadcast %gt3A : i32 to vector<16xi32>
      %gt3A_588 = arith.cmpi sgt, %all_reduce_population_count3A, %gt3A_587 : vector<16xi32>
      %and3A_589 = arith.andi %lt3A_586, %gt3A_588 : vector<16xi1>
      %mul3A_590 = arith.constant 16 : i32
      %mul3A_591 = arith.muli %scan3A_553, %mul3A_590 : i32
      %add3A_592 = vector.broadcast %mul3A_591 : i32 to vector<16xi32>
      %add3A_593 = arith.addi %add3A_592, %min3A_575 : vector<16xi32>
      %select_n3A = arith.select %and3A_589, %add3A_593, %scan3A_555 : vector<16xi1>, vector<16xi32>
      %select_n3A_594 = arith.select %and3A_589, %gather3A_579, %scan3A_556 : vector<16xi1>, vector<16xi32>
      scf.yield %gather3A_584, %select_n3A, %select_n3A_594 : vector<16xi32>, vector<16xi32>, vector<16xi32>
    }
    %scan3A_321 = arith.constant 8 : i32
    %max3A_322 = arith.constant 0 : i32
    %max3A_323 = vector.broadcast %max3A_322 : i32 to vector<16xi32>
    %max3A_324 = arith.maxsi %scan3A_320#1, %max3A_323 : vector<16xi32>
    %reduce_max3A_325 = arith.constant true
    %reduce_max3A_326 = vector.broadcast %reduce_max3A_325 : i1 to vector<16xi1>
    %reduce_max3A_327 = arith.constant -2147483648 : i32
    %reduce_max3A_328 = vector.broadcast %reduce_max3A_327 : i32 to vector<16xi32>
    %reduce_max3A_329 = arith.xori %max3A_324, %reduce_max3A_328 : vector<16xi32>
    %reduce_max3A_330 = tpu.scan <max>, %reduce_max3A_329 masked %reduce_max3A_326 : vector<16xi32>, vector<16xi1> -> vector<16xi32>
    %reduce_max3A_331 = arith.xori %reduce_max3A_330, %reduce_max3A_328 : vector<16xi32>
    %reduce_max3A_332 = vector.extract %reduce_max3A_331[15] : i32 from vector<16xi32>
    %mul3A_333 = arith.constant 16 : i32
    %mul3A_334 = arith.muli %reduce_max3A_332, %mul3A_333 : i32
    %get3A_335 = arith.index_cast %mul3A_334 : i32 to index
    %get3A_336 = tpu.vector_load %arg6[%get3A_335] {strides = array<i32>} : memref<33280xi32, #tpu.memory_space<vmem>>, vector<16xi32>,
    %add3A_337 = arith.addi %get3A_336, %scan3A_320#2 : vector<16xi32>
    %mul3A_338 = arith.constant 16 : i32
    %mul3A_339 = arith.muli %reduce_max3A_332, %mul3A_338 : i32
    %get3A_340 = arith.index_cast %mul3A_339 : i32 to index
    %get3A_341 = tpu.vector_load %arg5[%get3A_340] {strides = array<i32>} : memref<2048xi32, #tpu.memory_space<vmem>>, vector<16xi32>,
    %ge3A_342 = arith.cmpi sge, %add3A_337, %sub3A_171 : vector<16xi32>
    %all_reduce_ffs3A_343 = tpu.all_reduce %ge3A_342 {dim = 0 : i64, kind = #tpu.reduction_kind<find_first_set>} : vector<16xi1> -> vector<16xi32>
    %min3A_344 = arith.constant 15 : i32
    %min3A_345 = vector.broadcast %min3A_344 : i32 to vector<16xi32>
    %min3A_346 = arith.minsi %all_reduce_ffs3A_343, %min3A_345 : vector<16xi32>
    %sub3A_347 = arith.subi %add3A_337, %get3A_341 : vector<16xi32>
    %swap3A_348 = arith.constant 0 : index
    %swap3A_349 = tpu.vector_load %arg15[%swap3A_348] {strides = array<i32>} : memref<16xi32, #tpu.memory_space<vmem>>, vector<16xi32>,
    tpu.vector_store %arg15[%swap3A_348], %sub3A_347 {strides = array<i32>} : memref<16xi32, #tpu.memory_space<vmem>>, vector<16xi32>,
    %gather3A_350 = tpu.vector_load_idx %arg15[%min3A_346] : memref<16xi32, #tpu.memory_space<vmem>>[vector<16xi32>], vector<16xi32>,
    %mul3A_351 = arith.constant 16 : i32
    %mul3A_352 = arith.muli %reduce_max3A_332, %mul3A_351 : i32
    %add3A_353 = vector.broadcast %mul3A_352 : i32 to vector<16xi32>
    %add3A_354 = arith.addi %add3A_353, %min3A_346 : vector<16xi32>
    %sub3A_355 = arith.subi %sub3A_171, %gather3A_350 : vector<16xi32>
    %shift_left3A = arith.constant 11 : i32
    %shift_left3A_356 = vector.broadcast %shift_left3A : i32 to vector<16xi32>
    %shift_left3A_357 = arith.shli %add3A_170, %shift_left3A_356 : vector<16xi32>
    %or3A = arith.ori %shift_left3A_357, %add3A_354 : vector<16xi32>
    %broadcast_in_dim3A_358 = arith.constant 0 : i32
    %broadcast_in_dim3A_359 = vector.broadcast %broadcast_in_dim3A_358 : i32 to vector<16xi32>
    %parallel_loop3A_360 = arith.constant 0 : i32
    %parallel_loop3A_361 = arith.constant 64 : i32
    %parallel_loop3A_362 = arith.constant 1 : i32
    scf.for %parallel_loop3A_553 = %parallel_loop3A_360 to %parallel_loop3A_361 step %parallel_loop3A_362  : i32 {
      %parallel_loop3A_554 = arith.constant 16 : i32
      %parallel_loop3A_555 = arith.muli %parallel_loop3A_553, %parallel_loop3A_554 : i32
      %parallel_loop3A_556 = arith.constant 0 : i32
      %parallel_loop3A_557 = arith.addi %parallel_loop3A_556, %parallel_loop3A_555 : i32
      %parallel_loop3A_558 = arith.index_cast %parallel_loop3A_557 : i32 to index
      %parallel_loop3A_559 = tpu.vector_load %arg6[%parallel_loop3A_558] {strides = array<i32>} : memref<33280xi32, #tpu.memory_space<vmem>>, vector<16xi32>,
      tpu.vector_store %arg6[%parallel_loop3A_558], %broadcast_in_dim3A_359 {strides = array<i32>} : memref<33280xi32, #tpu.memory_space<vmem>>, vector<16xi32>,
    } {sc.loop_unroll_factor = 8 : i64, sc.parallel_access}
    %parallel_loop3A_363 = arith.constant 0 : i32
    %parallel_loop3A_364 = arith.constant 64 : i32
    %parallel_loop3A_365 = arith.constant 1 : i32
    scf.for %parallel_loop3A_553 = %parallel_loop3A_363 to %parallel_loop3A_364 step %parallel_loop3A_365  : i32 {
      %parallel_loop3A_554 = arith.constant 16 : i32
      %parallel_loop3A_555 = arith.muli %parallel_loop3A_553, %parallel_loop3A_554 : i32
      %parallel_loop3A_556 = arith.constant 2081 : i32
      %parallel_loop3A_557 = arith.addi %parallel_loop3A_556, %parallel_loop3A_555 : i32
      %parallel_loop3A_558 = arith.index_cast %parallel_loop3A_557 : i32 to index
      %parallel_loop3A_559 = tpu.vector_load %arg6[%parallel_loop3A_558] {strides = array<i32>} : memref<33280xi32, #tpu.memory_space<vmem>>, vector<16xi32>,
      tpu.vector_store %arg6[%parallel_loop3A_558], %broadcast_in_dim3A_359 {strides = array<i32>} : memref<33280xi32, #tpu.memory_space<vmem>>, vector<16xi32>,
    } {sc.loop_unroll_factor = 8 : i64, sc.parallel_access}
    %parallel_loop3A_366 = arith.constant 0 : i32
    %parallel_loop3A_367 = arith.constant 64 : i32
    %parallel_loop3A_368 = arith.constant 1 : i32
    scf.for %parallel_loop3A_553 = %parallel_loop3A_366 to %parallel_loop3A_367 step %parallel_loop3A_368  : i32 {
      %parallel_loop3A_554 = arith.constant 16 : i32
      %parallel_loop3A_555 = arith.muli %parallel_loop3A_553, %parallel_loop3A_554 : i32
      %parallel_loop3A_556 = arith.constant 4162 : i32
      %parallel_loop3A_557 = arith.addi %parallel_loop3A_556, %parallel_loop3A_555 : i32
      %parallel_loop3A_558 = arith.index_cast %parallel_loop3A_557 : i32 to index
      %parallel_loop3A_559 = tpu.vector_load %arg6[%parallel_loop3A_558] {strides = array<i32>} : memref<33280xi32, #tpu.memory_space<vmem>>, vector<16xi32>,
      tpu.vector_store %arg6[%parallel_loop3A_558], %broadcast_in_dim3A_359 {strides = array<i32>} : memref<33280xi32, #tpu.memory_space<vmem>>, vector<16xi32>,
    } {sc.loop_unroll_factor = 8 : i64, sc.parallel_access}
    %parallel_loop3A_369 = arith.constant 0 : i32
    %parallel_loop3A_370 = arith.constant 64 : i32
    %parallel_loop3A_371 = arith.constant 1 : i32
    scf.for %parallel_loop3A_553 = %parallel_loop3A_369 to %parallel_loop3A_370 step %parallel_loop3A_371  : i32 {
      %parallel_loop3A_554 = arith.constant 16 : i32
      %parallel_loop3A_555 = arith.muli %parallel_loop3A_553, %parallel_loop3A_554 : i32
      %parallel_loop3A_556 = arith.constant 6243 : i32
      %parallel_loop3A_557 = arith.addi %parallel_loop3A_556, %parallel_loop3A_555 : i32
      %parallel_loop3A_558 = arith.index_cast %parallel_loop3A_557 : i32 to index
      %parallel_loop3A_559 = tpu.vector_load %arg6[%parallel_loop3A_558] {strides = array<i32>} : memref<33280xi32, #tpu.memory_space<vmem>>, vector<16xi32>,
      tpu.vector_store %arg6[%parallel_loop3A_558], %broadcast_in_dim3A_359 {strides = array<i32>} : memref<33280xi32, #tpu.memory_space<vmem>>, vector<16xi32>,
    } {sc.loop_unroll_factor = 8 : i64, sc.parallel_access}
    %parallel_loop3A_372 = arith.constant 0 : i32
    %parallel_loop3A_373 = arith.constant 64 : i32
    %parallel_loop3A_374 = arith.constant 1 : i32
    scf.for %parallel_loop3A_553 = %parallel_loop3A_372 to %parallel_loop3A_373 step %parallel_loop3A_374  : i32 {
      %parallel_loop3A_554 = arith.constant 16 : i32
      %parallel_loop3A_555 = arith.muli %parallel_loop3A_553, %parallel_loop3A_554 : i32
      %parallel_loop3A_556 = arith.constant 8324 : i32
      %parallel_loop3A_557 = arith.addi %parallel_loop3A_556, %parallel_loop3A_555 : i32
      %parallel_loop3A_558 = arith.index_cast %parallel_loop3A_557 : i32 to index
      %parallel_loop3A_559 = tpu.vector_load %arg6[%parallel_loop3A_558] {strides = array<i32>} : memref<33280xi32, #tpu.memory_space<vmem>>, vector<16xi32>,
      tpu.vector_store %arg6[%parallel_loop3A_558], %broadcast_in_dim3A_359 {strides = array<i32>} : memref<33280xi32, #tpu.memory_space<vmem>>, vector<16xi32>,
    } {sc.loop_unroll_factor = 8 : i64, sc.parallel_access}
    %parallel_loop3A_375 = arith.constant 0 : i32
    %parallel_loop3A_376 = arith.constant 64 : i32
    %parallel_loop3A_377 = arith.constant 1 : i32
    scf.for %parallel_loop3A_553 = %parallel_loop3A_375 to %parallel_loop3A_376 step %parallel_loop3A_377  : i32 {
      %parallel_loop3A_554 = arith.constant 16 : i32
      %parallel_loop3A_555 = arith.muli %parallel_loop3A_553, %parallel_loop3A_554 : i32
      %parallel_loop3A_556 = arith.constant 10405 : i32
      %parallel_loop3A_557 = arith.addi %parallel_loop3A_556, %parallel_loop3A_555 : i32
      %parallel_loop3A_558 = arith.index_cast %parallel_loop3A_557 : i32 to index
      %parallel_loop3A_559 = tpu.vector_load %arg6[%parallel_loop3A_558] {strides = array<i32>} : memref<33280xi32, #tpu.memory_space<vmem>>, vector<16xi32>,
      tpu.vector_store %arg6[%parallel_loop3A_558], %broadcast_in_dim3A_359 {strides = array<i32>} : memref<33280xi32, #tpu.memory_space<vmem>>, vector<16xi32>,
    } {sc.loop_unroll_factor = 8 : i64, sc.parallel_access}
    %parallel_loop3A_378 = arith.constant 0 : i32
    %parallel_loop3A_379 = arith.constant 64 : i32
    %parallel_loop3A_380 = arith.constant 1 : i32
    scf.for %parallel_loop3A_553 = %parallel_loop3A_378 to %parallel_loop3A_379 step %parallel_loop3A_380  : i32 {
      %parallel_loop3A_554 = arith.constant 16 : i32
      %parallel_loop3A_555 = arith.muli %parallel_loop3A_553, %parallel_loop3A_554 : i32
      %parallel_loop3A_556 = arith.constant 12486 : i32
      %parallel_loop3A_557 = arith.addi %parallel_loop3A_556, %parallel_loop3A_555 : i32
      %parallel_loop3A_558 = arith.index_cast %parallel_loop3A_557 : i32 to index
      %parallel_loop3A_559 = tpu.vector_load %arg6[%parallel_loop3A_558] {strides = array<i32>} : memref<33280xi32, #tpu.memory_space<vmem>>, vector<16xi32>,
      tpu.vector_store %arg6[%parallel_loop3A_558], %broadcast_in_dim3A_359 {strides = array<i32>} : memref<33280xi32, #tpu.memory_space<vmem>>, vector<16xi32>,
    } {sc.loop_unroll_factor = 8 : i64, sc.parallel_access}
    %parallel_loop3A_381 = arith.constant 0 : i32
    %parallel_loop3A_382 = arith.constant 64 : i32
    %parallel_loop3A_383 = arith.constant 1 : i32
    scf.for %parallel_loop3A_553 = %parallel_loop3A_381 to %parallel_loop3A_382 step %parallel_loop3A_383  : i32 {
      %parallel_loop3A_554 = arith.constant 16 : i32
      %parallel_loop3A_555 = arith.muli %parallel_loop3A_553, %parallel_loop3A_554 : i32
      %parallel_loop3A_556 = arith.constant 14567 : i32
      %parallel_loop3A_557 = arith.addi %parallel_loop3A_556, %parallel_loop3A_555 : i32
      %parallel_loop3A_558 = arith.index_cast %parallel_loop3A_557 : i32 to index
      %parallel_loop3A_559 = tpu.vector_load %arg6[%parallel_loop3A_558] {strides = array<i32>} : memref<33280xi32, #tpu.memory_space<vmem>>, vector<16xi32>,
      tpu.vector_store %arg6[%parallel_loop3A_558], %broadcast_in_dim3A_359 {strides = array<i32>} : memref<33280xi32, #tpu.memory_space<vmem>>, vector<16xi32>,
    } {sc.loop_unroll_factor = 8 : i64, sc.parallel_access}
    %parallel_loop3A_384 = arith.constant 0 : i32
    %parallel_loop3A_385 = arith.constant 64 : i32
    %parallel_loop3A_386 = arith.constant 1 : i32
    scf.for %parallel_loop3A_553 = %parallel_loop3A_384 to %parallel_loop3A_385 step %parallel_loop3A_386  : i32 {
      %parallel_loop3A_554 = arith.constant 16 : i32
      %parallel_loop3A_555 = arith.muli %parallel_loop3A_553, %parallel_loop3A_554 : i32
      %parallel_loop3A_556 = arith.constant 16648 : i32
      %parallel_loop3A_557 = arith.addi %parallel_loop3A_556, %parallel_loop3A_555 : i32
      %parallel_loop3A_558 = arith.index_cast %parallel_loop3A_557 : i32 to index
      %parallel_loop3A_559 = tpu.vector_load %arg6[%parallel_loop3A_558] {strides = array<i32>} : memref<33280xi32, #tpu.memory_space<vmem>>, vector<16xi32>,
      tpu.vector_store %arg6[%parallel_loop3A_558], %broadcast_in_dim3A_359 {strides = array<i32>} : memref<33280xi32, #tpu.memory_space<vmem>>, vector<16xi32>,
    } {sc.loop_unroll_factor = 8 : i64, sc.parallel_access}
    %parallel_loop3A_387 = arith.constant 0 : i32
    %parallel_loop3A_388 = arith.constant 64 : i32
    %parallel_loop3A_389 = arith.constant 1 : i32
    scf.for %parallel_loop3A_553 = %parallel_loop3A_387 to %parallel_loop3A_388 step %parallel_loop3A_389  : i32 {
      %parallel_loop3A_554 = arith.constant 16 : i32
      %parallel_loop3A_555 = arith.muli %parallel_loop3A_553, %parallel_loop3A_554 : i32
      %parallel_loop3A_556 = arith.constant 18729 : i32
      %parallel_loop3A_557 = arith.addi %parallel_loop3A_556, %parallel_loop3A_555 : i32
      %parallel_loop3A_558 = arith.index_cast %parallel_loop3A_557 : i32 to index
      %parallel_loop3A_559 = tpu.vector_load %arg6[%parallel_loop3A_558] {strides = array<i32>} : memref<33280xi32, #tpu.memory_space<vmem>>, vector<16xi32>,
      tpu.vector_store %arg6[%parallel_loop3A_558], %broadcast_in_dim3A_359 {strides = array<i32>} : memref<33280xi32, #tpu.memory_space<vmem>>, vector<16xi32>,
    } {sc.loop_unroll_factor = 8 : i64, sc.parallel_access}
    %parallel_loop3A_390 = arith.constant 0 : i32
    %parallel_loop3A_391 = arith.constant 64 : i32
    %parallel_loop3A_392 = arith.constant 1 : i32
    scf.for %parallel_loop3A_553 = %parallel_loop3A_390 to %parallel_loop3A_391 step %parallel_loop3A_392  : i32 {
      %parallel_loop3A_554 = arith.constant 16 : i32
      %parallel_loop3A_555 = arith.muli %parallel_loop3A_553, %parallel_loop3A_554 : i32
      %parallel_loop3A_556 = arith.constant 20810 : i32
      %parallel_loop3A_557 = arith.addi %parallel_loop3A_556, %parallel_loop3A_555 : i32
      %parallel_loop3A_558 = arith.index_cast %parallel_loop3A_557 : i32 to index
      %parallel_loop3A_559 = tpu.vector_load %arg6[%parallel_loop3A_558] {strides = array<i32>} : memref<33280xi32, #tpu.memory_space<vmem>>, vector<16xi32>,
      tpu.vector_store %arg6[%parallel_loop3A_558], %broadcast_in_dim3A_359 {strides = array<i32>} : memref<33280xi32, #tpu.memory_space<vmem>>, vector<16xi32>,
    } {sc.loop_unroll_factor = 8 : i64, sc.parallel_access}
    %parallel_loop3A_393 = arith.constant 0 : i32
    %parallel_loop3A_394 = arith.constant 64 : i32
    %parallel_loop3A_395 = arith.constant 1 : i32
    scf.for %parallel_loop3A_553 = %parallel_loop3A_393 to %parallel_loop3A_394 step %parallel_loop3A_395  : i32 {
      %parallel_loop3A_554 = arith.constant 16 : i32
      %parallel_loop3A_555 = arith.muli %parallel_loop3A_553, %parallel_loop3A_554 : i32
      %parallel_loop3A_556 = arith.constant 22891 : i32
      %parallel_loop3A_557 = arith.addi %parallel_loop3A_556, %parallel_loop3A_555 : i32
      %parallel_loop3A_558 = arith.index_cast %parallel_loop3A_557 : i32 to index
      %parallel_loop3A_559 = tpu.vector_load %arg6[%parallel_loop3A_558] {strides = array<i32>} : memref<33280xi32, #tpu.memory_space<vmem>>, vector<16xi32>,
      tpu.vector_store %arg6[%parallel_loop3A_558], %broadcast_in_dim3A_359 {strides = array<i32>} : memref<33280xi32, #tpu.memory_space<vmem>>, vector<16xi32>,
    } {sc.loop_unroll_factor = 8 : i64, sc.parallel_access}
    %parallel_loop3A_396 = arith.constant 0 : i32
    %parallel_loop3A_397 = arith.constant 64 : i32
    %parallel_loop3A_398 = arith.constant 1 : i32
    scf.for %parallel_loop3A_553 = %parallel_loop3A_396 to %parallel_loop3A_397 step %parallel_loop3A_398  : i32 {
      %parallel_loop3A_554 = arith.constant 16 : i32
      %parallel_loop3A_555 = arith.muli %parallel_loop3A_553, %parallel_loop3A_554 : i32
      %parallel_loop3A_556 = arith.constant 24972 : i32
      %parallel_loop3A_557 = arith.addi %parallel_loop3A_556, %parallel_loop3A_555 : i32
      %parallel_loop3A_558 = arith.index_cast %parallel_loop3A_557 : i32 to index
      %parallel_loop3A_559 = tpu.vector_load %arg6[%parallel_loop3A_558] {strides = array<i32>} : memref<33280xi32, #tpu.memory_space<vmem>>, vector<16xi32>,
      tpu.vector_store %arg6[%parallel_loop3A_558], %broadcast_in_dim3A_359 {strides = array<i32>} : memref<33280xi32, #tpu.memory_space<vmem>>, vector<16xi32>,
    } {sc.loop_unroll_factor = 8 : i64, sc.parallel_access}
    %parallel_loop3A_399 = arith.constant 0 : i32
    %parallel_loop3A_400 = arith.constant 64 : i32
    %parallel_loop3A_401 = arith.constant 1 : i32
    scf.for %parallel_loop3A_553 = %parallel_loop3A_399 to %parallel_loop3A_400 step %parallel_loop3A_401  : i32 {
      %parallel_loop3A_554 = arith.constant 16 : i32
      %parallel_loop3A_555 = arith.muli %parallel_loop3A_553, %parallel_loop3A_554 : i32
      %parallel_loop3A_556 = arith.constant 27053 : i32
      %parallel_loop3A_557 = arith.addi %parallel_loop3A_556, %parallel_loop3A_555 : i32
      %parallel_loop3A_558 = arith.index_cast %parallel_loop3A_557 : i32 to index
      %parallel_loop3A_559 = tpu.vector_load %arg6[%parallel_loop3A_558] {strides = array<i32>} : memref<33280xi32, #tpu.memory_space<vmem>>, vector<16xi32>,
      tpu.vector_store %arg6[%parallel_loop3A_558], %broadcast_in_dim3A_359 {strides = array<i32>} : memref<33280xi32, #tpu.memory_space<vmem>>, vector<16xi32>,
    } {sc.loop_unroll_factor = 8 : i64, sc.parallel_access}
    %parallel_loop3A_402 = arith.constant 0 : i32
    %parallel_loop3A_403 = arith.constant 64 : i32
    %parallel_loop3A_404 = arith.constant 1 : i32
    scf.for %parallel_loop3A_553 = %parallel_loop3A_402 to %parallel_loop3A_403 step %parallel_loop3A_404  : i32 {
      %parallel_loop3A_554 = arith.constant 16 : i32
      %parallel_loop3A_555 = arith.muli %parallel_loop3A_553, %parallel_loop3A_554 : i32
      %parallel_loop3A_556 = arith.constant 29134 : i32
      %parallel_loop3A_557 = arith.addi %parallel_loop3A_556, %parallel_loop3A_555 : i32
      %parallel_loop3A_558 = arith.index_cast %parallel_loop3A_557 : i32 to index
      %parallel_loop3A_559 = tpu.vector_load %arg6[%parallel_loop3A_558] {strides = array<i32>} : memref<33280xi32, #tpu.memory_space<vmem>>, vector<16xi32>,
      tpu.vector_store %arg6[%parallel_loop3A_558], %broadcast_in_dim3A_359 {strides = array<i32>} : memref<33280xi32, #tpu.memory_space<vmem>>, vector<16xi32>,
    } {sc.loop_unroll_factor = 8 : i64, sc.parallel_access}
    %parallel_loop3A_405 = arith.constant 0 : i32
    %parallel_loop3A_406 = arith.constant 64 : i32
    %parallel_loop3A_407 = arith.constant 1 : i32
    scf.for %parallel_loop3A_553 = %parallel_loop3A_405 to %parallel_loop3A_406 step %parallel_loop3A_407  : i32 {
      %parallel_loop3A_554 = arith.constant 16 : i32
      %parallel_loop3A_555 = arith.muli %parallel_loop3A_553, %parallel_loop3A_554 : i32
      %parallel_loop3A_556 = arith.constant 31215 : i32
      %parallel_loop3A_557 = arith.addi %parallel_loop3A_556, %parallel_loop3A_555 : i32
      %parallel_loop3A_558 = arith.index_cast %parallel_loop3A_557 : i32 to index
      %parallel_loop3A_559 = tpu.vector_load %arg6[%parallel_loop3A_558] {strides = array<i32>} : memref<33280xi32, #tpu.memory_space<vmem>>, vector<16xi32>,
      tpu.vector_store %arg6[%parallel_loop3A_558], %broadcast_in_dim3A_359 {strides = array<i32>} : memref<33280xi32, #tpu.memory_space<vmem>>, vector<16xi32>,
    } {sc.loop_unroll_factor = 8 : i64, sc.parallel_access}
    %iota3A_408 = tpu.iota {dimensions = array<i32: 0>} : vector<16xi32>
    %mul3A_409 = arith.constant 2081 : i32
    %mul3A_410 = vector.broadcast %mul3A_409 : i32 to vector<16xi32>
    %mul3A_411 = arith.muli %iota3A_408, %mul3A_410 : vector<16xi32>
    %broadcast_in_dim3A_412 = arith.constant 1 : i32
    %broadcast_in_dim3A_413 = vector.broadcast %broadcast_in_dim3A_412 : i32 to vector<16xi32>
    %parallel_loop3A_414 = arith.constant 0 : i32
    %parallel_loop3A_415 = arith.constant 4096 : i32
    %parallel_loop3A_416 = arith.constant 1 : i32
    scf.for %parallel_loop3A_553 = %parallel_loop3A_414 to %parallel_loop3A_415 step %parallel_loop3A_416  : i32 {
      %parallel_loop3A_554 = arith.constant 16 : i32
      %parallel_loop3A_555 = arith.muli %parallel_loop3A_553, %parallel_loop3A_554 : i32
      %parallel_loop3A_556 = arith.index_cast %parallel_loop3A_555 : i32 to index
      %parallel_loop3A_557 = tpu.vector_load %arg8[%parallel_loop3A_556] {strides = array<i32>} : memref<65536xi32, #tpu.memory_space<vmem>>, vector<16xi32>,
      %parallel_loop3A_558 = arith.constant 10 : i32
      %parallel_loop3A_559 = vector.broadcast %parallel_loop3A_558 : i32 to vector<16xi32>
      %parallel_loop3A_560 = arith.shrui %parallel_loop3A_557, %parallel_loop3A_559 : vector<16xi32>
      %parallel_loop3A_561 = arith.cmpi eq, %parallel_loop3A_560, %or3A : vector<16xi32>
      %parallel_loop3A_562 = arith.constant 1023 : i32
      %parallel_loop3A_563 = vector.broadcast %parallel_loop3A_562 : i32 to vector<16xi32>
      %parallel_loop3A_564 = arith.andi %parallel_loop3A_557, %parallel_loop3A_563 : vector<16xi32>
      %parallel_loop3A_565 = arith.constant 2064 : i32
      %parallel_loop3A_566 = vector.broadcast %parallel_loop3A_565 : i32 to vector<16xi32>
      %parallel_loop3A_567 = arith.select %parallel_loop3A_561, %parallel_loop3A_564, %parallel_loop3A_566 : vector<16xi1>, vector<16xi32>
      %parallel_loop3A_568 = arith.addi %mul3A_411, %parallel_loop3A_567 : vector<16xi32>
      tpu.vector_store_idx %arg6[%parallel_loop3A_568], %broadcast_in_dim3A_413 {add = true} : memref<33280xi32, #tpu.memory_space<vmem>>[vector<16xi32>], vector<16xi32>,
    } {sc.loop_unroll_factor = 16 : i64, sc.parallel_access}
    %parallel_loop3A_417 = arith.constant 0 : i32
    %parallel_loop3A_418 = arith.constant 64 : i32
    %parallel_loop3A_419 = arith.constant 1 : i32
    scf.for %parallel_loop3A_553 = %parallel_loop3A_417 to %parallel_loop3A_418 step %parallel_loop3A_419  : i32 {
      %parallel_loop3A_554 = arith.constant 0 : i32
      %parallel_loop3A_555 = vector.broadcast %parallel_loop3A_554 : i32 to vector<16xi32>
      %parallel_loop3A_556 = arith.constant 16 : i32
      %parallel_loop3A_557 = arith.muli %parallel_loop3A_553, %parallel_loop3A_556 : i32
      %parallel_loop3A_558 = arith.constant 0 : i32
      %parallel_loop3A_559 = arith.addi %parallel_loop3A_558, %parallel_loop3A_557 : i32
      %parallel_loop3A_560 = arith.index_cast %parallel_loop3A_559 : i32 to index
      %parallel_loop3A_561 = tpu.vector_load %arg6[%parallel_loop3A_560] {strides = array<i32>} : memref<33280xi32, #tpu.memory_space<vmem>>, vector<16xi32>,
      %parallel_loop3A_562 = arith.addi %parallel_loop3A_555, %parallel_loop3A_561 : vector<16xi32>
      %parallel_loop3A_563 = arith.constant 16 : i32
      %parallel_loop3A_564 = arith.muli %parallel_loop3A_553, %parallel_loop3A_563 : i32
      %parallel_loop3A_565 = arith.constant 2081 : i32
      %parallel_loop3A_566 = arith.addi %parallel_loop3A_565, %parallel_loop3A_564 : i32
      %parallel_loop3A_567 = arith.index_cast %parallel_loop3A_566 : i32 to index
      %parallel_loop3A_568 = tpu.vector_load %arg6[%parallel_loop3A_567] {strides = array<i32>} : memref<33280xi32, #tpu.memory_space<vmem>>, vector<16xi32>,
      %parallel_loop3A_569 = arith.addi %parallel_loop3A_562, %parallel_loop3A_568 : vector<16xi32>
      %parallel_loop3A_570 = arith.constant 16 : i32
      %parallel_loop3A_571 = arith.muli %parallel_loop3A_553, %parallel_loop3A_570 : i32
      %parallel_loop3A_572 = arith.constant 4162 : i32
      %parallel_loop3A_573 = arith.addi %parallel_loop3A_572, %parallel_loop3A_571 : i32
      %parallel_loop3A_574 = arith.index_cast %parallel_loop3A_573 : i32 to index
      %parallel_loop3A_575 = tpu.vector_load %arg6[%parallel_loop3A_574] {strides = array<i32>} : memref<33280xi32, #tpu.memory_space<vmem>>, vector<16xi32>,
      %parallel_loop3A_576 = arith.addi %parallel_loop3A_569, %parallel_loop3A_575 : vector<16xi32>
      %parallel_loop3A_577 = arith.constant 16 : i32
      %parallel_loop3A_578 = arith.muli %parallel_loop3A_553, %parallel_loop3A_577 : i32
      %parallel_loop3A_579 = arith.constant 6243 : i32
      %parallel_loop3A_580 = arith.addi %parallel_loop3A_579, %parallel_loop3A_578 : i32
      %parallel_loop3A_581 = arith.index_cast %parallel_loop3A_580 : i32 to index
      %parallel_loop3A_582 = tpu.vector_load %arg6[%parallel_loop3A_581] {strides = array<i32>} : memref<33280xi32, #tpu.memory_space<vmem>>, vector<16xi32>,
      %parallel_loop3A_583 = arith.addi %parallel_loop3A_576, %parallel_loop3A_582 : vector<16xi32>
      %parallel_loop3A_584 = arith.constant 16 : i32
      %parallel_loop3A_585 = arith.muli %parallel_loop3A_553, %parallel_loop3A_584 : i32
      %parallel_loop3A_586 = arith.constant 8324 : i32
      %parallel_loop3A_587 = arith.addi %parallel_loop3A_586, %parallel_loop3A_585 : i32
      %parallel_loop3A_588 = arith.index_cast %parallel_loop3A_587 : i32 to index
      %parallel_loop3A_589 = tpu.vector_load %arg6[%parallel_loop3A_588] {strides = array<i32>} : memref<33280xi32, #tpu.memory_space<vmem>>, vector<16xi32>,
      %parallel_loop3A_590 = arith.addi %parallel_loop3A_583, %parallel_loop3A_589 : vector<16xi32>
      %parallel_loop3A_591 = arith.constant 16 : i32
      %parallel_loop3A_592 = arith.muli %parallel_loop3A_553, %parallel_loop3A_591 : i32
      %parallel_loop3A_593 = arith.constant 10405 : i32
      %parallel_loop3A_594 = arith.addi %parallel_loop3A_593, %parallel_loop3A_592 : i32
      %parallel_loop3A_595 = arith.index_cast %parallel_loop3A_594 : i32 to index
      %parallel_loop3A_596 = tpu.vector_load %arg6[%parallel_loop3A_595] {strides = array<i32>} : memref<33280xi32, #tpu.memory_space<vmem>>, vector<16xi32>,
      %parallel_loop3A_597 = arith.addi %parallel_loop3A_590, %parallel_loop3A_596 : vector<16xi32>
      %parallel_loop3A_598 = arith.constant 16 : i32
      %parallel_loop3A_599 = arith.muli %parallel_loop3A_553, %parallel_loop3A_598 : i32
      %parallel_loop3A_600 = arith.constant 12486 : i32
      %parallel_loop3A_601 = arith.addi %parallel_loop3A_600, %parallel_loop3A_599 : i32
      %parallel_loop3A_602 = arith.index_cast %parallel_loop3A_601 : i32 to index
      %parallel_loop3A_603 = tpu.vector_load %arg6[%parallel_loop3A_602] {strides = array<i32>} : memref<33280xi32, #tpu.memory_space<vmem>>, vector<16xi32>,
      %parallel_loop3A_604 = arith.addi %parallel_loop3A_597, %parallel_loop3A_603 : vector<16xi32>
      %parallel_loop3A_605 = arith.constant 16 : i32
      %parallel_loop3A_606 = arith.muli %parallel_loop3A_553, %parallel_loop3A_605 : i32
      %parallel_loop3A_607 = arith.constant 14567 : i32
      %parallel_loop3A_608 = arith.addi %parallel_loop3A_607, %parallel_loop3A_606 : i32
      %parallel_loop3A_609 = arith.index_cast %parallel_loop3A_608 : i32 to index
      %parallel_loop3A_610 = tpu.vector_load %arg6[%parallel_loop3A_609] {strides = array<i32>} : memref<33280xi32, #tpu.memory_space<vmem>>, vector<16xi32>,
      %parallel_loop3A_611 = arith.addi %parallel_loop3A_604, %parallel_loop3A_610 : vector<16xi32>
      %parallel_loop3A_612 = arith.constant 16 : i32
      %parallel_loop3A_613 = arith.muli %parallel_loop3A_553, %parallel_loop3A_612 : i32
      %parallel_loop3A_614 = arith.constant 16648 : i32
      %parallel_loop3A_615 = arith.addi %parallel_loop3A_614, %parallel_loop3A_613 : i32
      %parallel_loop3A_616 = arith.index_cast %parallel_loop3A_615 : i32 to index
      %parallel_loop3A_617 = tpu.vector_load %arg6[%parallel_loop3A_616] {strides = array<i32>} : memref<33280xi32, #tpu.memory_space<vmem>>, vector<16xi32>,
      %parallel_loop3A_618 = arith.addi %parallel_loop3A_611, %parallel_loop3A_617 : vector<16xi32>
      %parallel_loop3A_619 = arith.constant 16 : i32
      %parallel_loop3A_620 = arith.muli %parallel_loop3A_553, %parallel_loop3A_619 : i32
      %parallel_loop3A_621 = arith.constant 18729 : i32
      %parallel_loop3A_622 = arith.addi %parallel_loop3A_621, %parallel_loop3A_620 : i32
      %parallel_loop3A_623 = arith.index_cast %parallel_loop3A_622 : i32 to index
      %parallel_loop3A_624 = tpu.vector_load %arg6[%parallel_loop3A_623] {strides = array<i32>} : memref<33280xi32, #tpu.memory_space<vmem>>, vector<16xi32>,
      %parallel_loop3A_625 = arith.addi %parallel_loop3A_618, %parallel_loop3A_624 : vector<16xi32>
      %parallel_loop3A_626 = arith.constant 16 : i32
      %parallel_loop3A_627 = arith.muli %parallel_loop3A_553, %parallel_loop3A_626 : i32
      %parallel_loop3A_628 = arith.constant 20810 : i32
      %parallel_loop3A_629 = arith.addi %parallel_loop3A_628, %parallel_loop3A_627 : i32
      %parallel_loop3A_630 = arith.index_cast %parallel_loop3A_629 : i32 to index
      %parallel_loop3A_631 = tpu.vector_load %arg6[%parallel_loop3A_630] {strides = array<i32>} : memref<33280xi32, #tpu.memory_space<vmem>>, vector<16xi32>,
      %parallel_loop3A_632 = arith.addi %parallel_loop3A_625, %parallel_loop3A_631 : vector<16xi32>
      %parallel_loop3A_633 = arith.constant 16 : i32
      %parallel_loop3A_634 = arith.muli %parallel_loop3A_553, %parallel_loop3A_633 : i32
      %parallel_loop3A_635 = arith.constant 22891 : i32
      %parallel_loop3A_636 = arith.addi %parallel_loop3A_635, %parallel_loop3A_634 : i32
      %parallel_loop3A_637 = arith.index_cast %parallel_loop3A_636 : i32 to index
      %parallel_loop3A_638 = tpu.vector_load %arg6[%parallel_loop3A_637] {strides = array<i32>} : memref<33280xi32, #tpu.memory_space<vmem>>, vector<16xi32>,
      %parallel_loop3A_639 = arith.addi %parallel_loop3A_632, %parallel_loop3A_638 : vector<16xi32>
      %parallel_loop3A_640 = arith.constant 16 : i32
      %parallel_loop3A_641 = arith.muli %parallel_loop3A_553, %parallel_loop3A_640 : i32
      %parallel_loop3A_642 = arith.constant 24972 : i32
      %parallel_loop3A_643 = arith.addi %parallel_loop3A_642, %parallel_loop3A_641 : i32
      %parallel_loop3A_644 = arith.index_cast %parallel_loop3A_643 : i32 to index
      %parallel_loop3A_645 = tpu.vector_load %arg6[%parallel_loop3A_644] {strides = array<i32>} : memref<33280xi32, #tpu.memory_space<vmem>>, vector<16xi32>,
      %parallel_loop3A_646 = arith.addi %parallel_loop3A_639, %parallel_loop3A_645 : vector<16xi32>
      %parallel_loop3A_647 = arith.constant 16 : i32
      %parallel_loop3A_648 = arith.muli %parallel_loop3A_553, %parallel_loop3A_647 : i32
      %parallel_loop3A_649 = arith.constant 27053 : i32
      %parallel_loop3A_650 = arith.addi %parallel_loop3A_649, %parallel_loop3A_648 : i32
      %parallel_loop3A_651 = arith.index_cast %parallel_loop3A_650 : i32 to index
      %parallel_loop3A_652 = tpu.vector_load %arg6[%parallel_loop3A_651] {strides = array<i32>} : memref<33280xi32, #tpu.memory_space<vmem>>, vector<16xi32>,
      %parallel_loop3A_653 = arith.addi %parallel_loop3A_646, %parallel_loop3A_652 : vector<16xi32>
      %parallel_loop3A_654 = arith.constant 16 : i32
      %parallel_loop3A_655 = arith.muli %parallel_loop3A_553, %parallel_loop3A_654 : i32
      %parallel_loop3A_656 = arith.constant 29134 : i32
      %parallel_loop3A_657 = arith.addi %parallel_loop3A_656, %parallel_loop3A_655 : i32
      %parallel_loop3A_658 = arith.index_cast %parallel_loop3A_657 : i32 to index
      %parallel_loop3A_659 = tpu.vector_load %arg6[%parallel_loop3A_658] {strides = array<i32>} : memref<33280xi32, #tpu.memory_space<vmem>>, vector<16xi32>,
      %parallel_loop3A_660 = arith.addi %parallel_loop3A_653, %parallel_loop3A_659 : vector<16xi32>
      %parallel_loop3A_661 = arith.constant 16 : i32
      %parallel_loop3A_662 = arith.muli %parallel_loop3A_553, %parallel_loop3A_661 : i32
      %parallel_loop3A_663 = arith.constant 31215 : i32
      %parallel_loop3A_664 = arith.addi %parallel_loop3A_663, %parallel_loop3A_662 : i32
      %parallel_loop3A_665 = arith.index_cast %parallel_loop3A_664 : i32 to index
      %parallel_loop3A_666 = tpu.vector_load %arg6[%parallel_loop3A_665] {strides = array<i32>} : memref<33280xi32, #tpu.memory_space<vmem>>, vector<16xi32>,
      %parallel_loop3A_667 = arith.addi %parallel_loop3A_660, %parallel_loop3A_666 : vector<16xi32>
      %parallel_loop3A_668 = arith.constant 16 : i32
      %parallel_loop3A_669 = arith.muli %parallel_loop3A_553, %parallel_loop3A_668 : i32
      %parallel_loop3A_670 = arith.index_cast %parallel_loop3A_669 : i32 to index
      %parallel_loop3A_671 = tpu.vector_load %arg10[%parallel_loop3A_670] {strides = array<i32>} : memref<2048xi32, #tpu.memory_space<vmem>>, vector<16xi32>,
      tpu.vector_store %arg10[%parallel_loop3A_670], %parallel_loop3A_667 {strides = array<i32>} : memref<2048xi32, #tpu.memory_space<vmem>>, vector<16xi32>,
    } {sc.loop_unroll_factor = 4 : i64, sc.parallel_access}
    %mul3A_420 = arith.constant 1024 : i32
    %mul3A_421 = arith.muli %arg1, %mul3A_420 : i32
    "tpu.region"() ({
      %run_scoped3A = tpu.sem_alloc : memref<!tpu.dma_semaphore, #tpu.memory_space<semaphore_mem>>
      %dma_start3A = arith.constant 0 : i32
      %dma_start3A_553 = tpu.memref_slice %arg10[%dma_start3A] : memref<2048xi32, #tpu.memory_space<vmem>> -> memref<1024xi32, #tpu.memory_space<vmem>>
      %dma_start3A_554 = tpu.memref_slice %arg13[%mul3A_421] : memref<16384xi32, #tpu.memory_space<vmem_shared>> -> memref<1024xi32, #tpu.memory_space<vmem_shared>>
      %dma_start3A_555 = tpu.memref_slice %arg13[%mul3A_421] : memref<16384xi32, #tpu.memory_space<vmem_shared>> -> memref<1024xi32, #tpu.memory_space<vmem_shared>>
      %dma_start3A_556 = arith.constant 0 : i32
      %dma_start3A_557 = tpu.memref_slice %arg10[%dma_start3A_556] : memref<2048xi32, #tpu.memory_space<vmem>> -> memref<1024xi32, #tpu.memory_space<vmem>>
      tpu.enqueue_dma source(%dma_start3A_557 : memref<1024xi32, #tpu.memory_space<vmem>>) target(%dma_start3A_555 : memref<1024xi32, #tpu.memory_space<vmem_shared>>) target_semaphore(%run_scoped3A : memref<!tpu.dma_semaphore, #tpu.memory_space<semaphore_mem>>)
      %dma_wait3A = arith.constant 0 : i32
      %dma_wait3A_558 = tpu.memref_slice %arg10[%dma_wait3A] : memref<2048xi32, #tpu.memory_space<vmem>> -> memref<1024xi32, #tpu.memory_space<vmem>>
      %dma_wait3A_559 = tpu.memref_slice %arg13[%mul3A_421] : memref<16384xi32, #tpu.memory_space<vmem_shared>> -> memref<1024xi32, #tpu.memory_space<vmem_shared>>
      %dma_wait3A_560 = tpu.memref_slice %arg13[%mul3A_421] : memref<16384xi32, #tpu.memory_space<vmem_shared>> -> memref<1024xi32, #tpu.memory_space<vmem_shared>>
      %dma_wait3A_561 = arith.constant 0 : i32
      %dma_wait3A_562 = tpu.memref_slice %arg10[%dma_wait3A_561] : memref<2048xi32, #tpu.memory_space<vmem>> -> memref<1024xi32, #tpu.memory_space<vmem>>
      tpu.wait_dma2 semaphore(%run_scoped3A : memref<!tpu.dma_semaphore, #tpu.memory_space<semaphore_mem>>) src(%dma_wait3A_562 : memref<1024xi32, #tpu.memory_space<vmem>>) dst(%dma_wait3A_560 : memref<1024xi32, #tpu.memory_space<vmem_shared>>)
      tpu.yield
    }) : () -> ()
    %barrier3A_422 = arith.constant 0 : index
    tpu.barrier barrier_id(%barrier3A_422)
    %mul3A_423 = arith.constant 64 : i32
    %mul3A_424 = arith.muli %arg1, %mul3A_423 : i32
    %add3A_425 = arith.constant 0 : i32
    %add3A_426 = arith.addi %add3A_425, %mul3A_424 : i32
    "tpu.region"() ({
      %run_scoped3A = tpu.sem_alloc : memref<!tpu.dma_semaphore, #tpu.memory_space<semaphore_mem>>
      %dma_start3A = arith.constant 0 : i32
      %dma_start3A_553 = tpu.memref_slice %arg6[%dma_start3A] : memref<33280xi32, #tpu.memory_space<vmem>> -> memref<64xi32, #tpu.memory_space<vmem>>
      %dma_start3A_554 = tpu.memref_slice %arg13[%add3A_426] : memref<16384xi32, #tpu.memory_space<vmem_shared>> -> memref<64xi32, #tpu.memory_space<vmem_shared>>
      %dma_start3A_555 = arith.constant 0 : i32
      %dma_start3A_556 = tpu.memref_slice %arg6[%dma_start3A_555] : memref<33280xi32, #tpu.memory_space<vmem>> -> memref<64xi32, #tpu.memory_space<vmem>>
      %dma_start3A_557 = tpu.memref_slice %arg13[%add3A_426] : memref<16384xi32, #tpu.memory_space<vmem_shared>> -> memref<64xi32, #tpu.memory_space<vmem_shared>>
      tpu.enqueue_dma source(%dma_start3A_557 : memref<64xi32, #tpu.memory_space<vmem_shared>>) target(%dma_start3A_556 : memref<64xi32, #tpu.memory_space<vmem>>) target_semaphore(%run_scoped3A : memref<!tpu.dma_semaphore, #tpu.memory_space<semaphore_mem>>)
      %dma_wait3A = arith.constant 0 : i32
      %dma_wait3A_558 = tpu.memref_slice %arg6[%dma_wait3A] : memref<33280xi32, #tpu.memory_space<vmem>> -> memref<64xi32, #tpu.memory_space<vmem>>
      %dma_wait3A_559 = tpu.memref_slice %arg13[%add3A_426] : memref<16384xi32, #tpu.memory_space<vmem_shared>> -> memref<64xi32, #tpu.memory_space<vmem_shared>>
      %dma_wait3A_560 = arith.constant 0 : i32
      %dma_wait3A_561 = tpu.memref_slice %arg6[%dma_wait3A_560] : memref<33280xi32, #tpu.memory_space<vmem>> -> memref<64xi32, #tpu.memory_space<vmem>>
      %dma_wait3A_562 = tpu.memref_slice %arg13[%add3A_426] : memref<16384xi32, #tpu.memory_space<vmem_shared>> -> memref<64xi32, #tpu.memory_space<vmem_shared>>
      tpu.wait_dma2 semaphore(%run_scoped3A : memref<!tpu.dma_semaphore, #tpu.memory_space<semaphore_mem>>) src(%dma_wait3A_562 : memref<64xi32, #tpu.memory_space<vmem_shared>>) dst(%dma_wait3A_561 : memref<64xi32, #tpu.memory_space<vmem>>)
      tpu.yield
    }) : () -> ()
    %mul3A_427 = arith.constant 64 : i32
    %mul3A_428 = arith.muli %arg1, %mul3A_427 : i32
    %add3A_429 = arith.constant 1024 : i32
    %add3A_430 = arith.addi %add3A_429, %mul3A_428 : i32
    "tpu.region"() ({
      %run_scoped3A = tpu.sem_alloc : memref<!tpu.dma_semaphore, #tpu.memory_space<semaphore_mem>>
      %dma_start3A = arith.constant 2080 : i32
      %dma_start3A_553 = tpu.memref_slice %arg6[%dma_start3A] : memref<33280xi32, #tpu.memory_space<vmem>> -> memref<64xi32, #tpu.memory_space<vmem>>
      %dma_start3A_554 = tpu.memref_slice %arg13[%add3A_430] : memref<16384xi32, #tpu.memory_space<vmem_shared>> -> memref<64xi32, #tpu.memory_space<vmem_shared>>
      %dma_start3A_555 = arith.constant 2080 : i32
      %dma_start3A_556 = tpu.memref_slice %arg6[%dma_start3A_555] : memref<33280xi32, #tpu.memory_space<vmem>> -> memref<64xi32, #tpu.memory_space<vmem>>
      %dma_start3A_557 = tpu.memref_slice %arg13[%add3A_430] : memref<16384xi32, #tpu.memory_space<vmem_shared>> -> memref<64xi32, #tpu.memory_space<vmem_shared>>
      tpu.enqueue_dma source(%dma_start3A_557 : memref<64xi32, #tpu.memory_space<vmem_shared>>) target(%dma_start3A_556 : memref<64xi32, #tpu.memory_space<vmem>>) target_semaphore(%run_scoped3A : memref<!tpu.dma_semaphore, #tpu.memory_space<semaphore_mem>>)
      %dma_wait3A = arith.constant 2080 : i32
      %dma_wait3A_558 = tpu.memref_slice %arg6[%dma_wait3A] : memref<33280xi32, #tpu.memory_space<vmem>> -> memref<64xi32, #tpu.memory_space<vmem>>
      %dma_wait3A_559 = tpu.memref_slice %arg13[%add3A_430] : memref<16384xi32, #tpu.memory_space<vmem_shared>> -> memref<64xi32, #tpu.memory_space<vmem_shared>>
      %dma_wait3A_560 = arith.constant 2080 : i32
      %dma_wait3A_561 = tpu.memref_slice %arg6[%dma_wait3A_560] : memref<33280xi32, #tpu.memory_space<vmem>> -> memref<64xi32, #tpu.memory_space<vmem>>
      %dma_wait3A_562 = tpu.memref_slice %arg13[%add3A_430] : memref<16384xi32, #tpu.memory_space<vmem_shared>> -> memref<64xi32, #tpu.memory_space<vmem_shared>>
      tpu.wait_dma2 semaphore(%run_scoped3A : memref<!tpu.dma_semaphore, #tpu.memory_space<semaphore_mem>>) src(%dma_wait3A_562 : memref<64xi32, #tpu.memory_space<vmem_shared>>) dst(%dma_wait3A_561 : memref<64xi32, #tpu.memory_space<vmem>>)
      tpu.yield
    }) : () -> ()
    %mul3A_431 = arith.constant 64 : i32
    %mul3A_432 = arith.muli %arg1, %mul3A_431 : i32
    %add3A_433 = arith.constant 2048 : i32
    %add3A_434 = arith.addi %add3A_433, %mul3A_432 : i32
    "tpu.region"() ({
      %run_scoped3A = tpu.sem_alloc : memref<!tpu.dma_semaphore, #tpu.memory_space<semaphore_mem>>
      %dma_start3A = arith.constant 4160 : i32
      %dma_start3A_553 = tpu.memref_slice %arg6[%dma_start3A] : memref<33280xi32, #tpu.memory_space<vmem>> -> memref<64xi32, #tpu.memory_space<vmem>>
      %dma_start3A_554 = tpu.memref_slice %arg13[%add3A_434] : memref<16384xi32, #tpu.memory_space<vmem_shared>> -> memref<64xi32, #tpu.memory_space<vmem_shared>>
      %dma_start3A_555 = arith.constant 4160 : i32
      %dma_start3A_556 = tpu.memref_slice %arg6[%dma_start3A_555] : memref<33280xi32, #tpu.memory_space<vmem>> -> memref<64xi32, #tpu.memory_space<vmem>>
      %dma_start3A_557 = tpu.memref_slice %arg13[%add3A_434] : memref<16384xi32, #tpu.memory_space<vmem_shared>> -> memref<64xi32, #tpu.memory_space<vmem_shared>>
      tpu.enqueue_dma source(%dma_start3A_557 : memref<64xi32, #tpu.memory_space<vmem_shared>>) target(%dma_start3A_556 : memref<64xi32, #tpu.memory_space<vmem>>) target_semaphore(%run_scoped3A : memref<!tpu.dma_semaphore, #tpu.memory_space<semaphore_mem>>)
      %dma_wait3A = arith.constant 4160 : i32
      %dma_wait3A_558 = tpu.memref_slice %arg6[%dma_wait3A] : memref<33280xi32, #tpu.memory_space<vmem>> -> memref<64xi32, #tpu.memory_space<vmem>>
      %dma_wait3A_559 = tpu.memref_slice %arg13[%add3A_434] : memref<16384xi32, #tpu.memory_space<vmem_shared>> -> memref<64xi32, #tpu.memory_space<vmem_shared>>
      %dma_wait3A_560 = arith.constant 4160 : i32
      %dma_wait3A_561 = tpu.memref_slice %arg6[%dma_wait3A_560] : memref<33280xi32, #tpu.memory_space<vmem>> -> memref<64xi32, #tpu.memory_space<vmem>>
      %dma_wait3A_562 = tpu.memref_slice %arg13[%add3A_434] : memref<16384xi32, #tpu.memory_space<vmem_shared>> -> memref<64xi32, #tpu.memory_space<vmem_shared>>
      tpu.wait_dma2 semaphore(%run_scoped3A : memref<!tpu.dma_semaphore, #tpu.memory_space<semaphore_mem>>) src(%dma_wait3A_562 : memref<64xi32, #tpu.memory_space<vmem_shared>>) dst(%dma_wait3A_561 : memref<64xi32, #tpu.memory_space<vmem>>)
      tpu.yield
    }) : () -> ()
    %mul3A_435 = arith.constant 64 : i32
    %mul3A_436 = arith.muli %arg1, %mul3A_435 : i32
    %add3A_437 = arith.constant 3072 : i32
    %add3A_438 = arith.addi %add3A_437, %mul3A_436 : i32
    "tpu.region"() ({
      %run_scoped3A = tpu.sem_alloc : memref<!tpu.dma_semaphore, #tpu.memory_space<semaphore_mem>>
      %dma_start3A = arith.constant 6240 : i32
      %dma_start3A_553 = tpu.memref_slice %arg6[%dma_start3A] : memref<33280xi32, #tpu.memory_space<vmem>> -> memref<64xi32, #tpu.memory_space<vmem>>
      %dma_start3A_554 = tpu.memref_slice %arg13[%add3A_438] : memref<16384xi32, #tpu.memory_space<vmem_shared>> -> memref<64xi32, #tpu.memory_space<vmem_shared>>
      %dma_start3A_555 = arith.constant 6240 : i32
      %dma_start3A_556 = tpu.memref_slice %arg6[%dma_start3A_555] : memref<33280xi32, #tpu.memory_space<vmem>> -> memref<64xi32, #tpu.memory_space<vmem>>
      %dma_start3A_557 = tpu.memref_slice %arg13[%add3A_438] : memref<16384xi32, #tpu.memory_space<vmem_shared>> -> memref<64xi32, #tpu.memory_space<vmem_shared>>
      tpu.enqueue_dma source(%dma_start3A_557 : memref<64xi32, #tpu.memory_space<vmem_shared>>) target(%dma_start3A_556 : memref<64xi32, #tpu.memory_space<vmem>>) target_semaphore(%run_scoped3A : memref<!tpu.dma_semaphore, #tpu.memory_space<semaphore_mem>>)
      %dma_wait3A = arith.constant 6240 : i32
      %dma_wait3A_558 = tpu.memref_slice %arg6[%dma_wait3A] : memref<33280xi32, #tpu.memory_space<vmem>> -> memref<64xi32, #tpu.memory_space<vmem>>
      %dma_wait3A_559 = tpu.memref_slice %arg13[%add3A_438] : memref<16384xi32, #tpu.memory_space<vmem_shared>> -> memref<64xi32, #tpu.memory_space<vmem_shared>>
      %dma_wait3A_560 = arith.constant 6240 : i32
      %dma_wait3A_561 = tpu.memref_slice %arg6[%dma_wait3A_560] : memref<33280xi32, #tpu.memory_space<vmem>> -> memref<64xi32, #tpu.memory_space<vmem>>
      %dma_wait3A_562 = tpu.memref_slice %arg13[%add3A_438] : memref<16384xi32, #tpu.memory_space<vmem_shared>> -> memref<64xi32, #tpu.memory_space<vmem_shared>>
      tpu.wait_dma2 semaphore(%run_scoped3A : memref<!tpu.dma_semaphore, #tpu.memory_space<semaphore_mem>>) src(%dma_wait3A_562 : memref<64xi32, #tpu.memory_space<vmem_shared>>) dst(%dma_wait3A_561 : memref<64xi32, #tpu.memory_space<vmem>>)
      tpu.yield
    }) : () -> ()
    %mul3A_439 = arith.constant 64 : i32
    %mul3A_440 = arith.muli %arg1, %mul3A_439 : i32
    %add3A_441 = arith.constant 4096 : i32
    %add3A_442 = arith.addi %add3A_441, %mul3A_440 : i32
    "tpu.region"() ({
      %run_scoped3A = tpu.sem_alloc : memref<!tpu.dma_semaphore, #tpu.memory_space<semaphore_mem>>
      %dma_start3A = arith.constant 8320 : i32
      %dma_start3A_553 = tpu.memref_slice %arg6[%dma_start3A] : memref<33280xi32, #tpu.memory_space<vmem>> -> memref<64xi32, #tpu.memory_space<vmem>>
      %dma_start3A_554 = tpu.memref_slice %arg13[%add3A_442] : memref<16384xi32, #tpu.memory_space<vmem_shared>> -> memref<64xi32, #tpu.memory_space<vmem_shared>>
      %dma_start3A_555 = arith.constant 8320 : i32
      %dma_start3A_556 = tpu.memref_slice %arg6[%dma_start3A_555] : memref<33280xi32, #tpu.memory_space<vmem>> -> memref<64xi32, #tpu.memory_space<vmem>>
      %dma_start3A_557 = tpu.memref_slice %arg13[%add3A_442] : memref<16384xi32, #tpu.memory_space<vmem_shared>> -> memref<64xi32, #tpu.memory_space<vmem_shared>>
      tpu.enqueue_dma source(%dma_start3A_557 : memref<64xi32, #tpu.memory_space<vmem_shared>>) target(%dma_start3A_556 : memref<64xi32, #tpu.memory_space<vmem>>) target_semaphore(%run_scoped3A : memref<!tpu.dma_semaphore, #tpu.memory_space<semaphore_mem>>)
      %dma_wait3A = arith.constant 8320 : i32
      %dma_wait3A_558 = tpu.memref_slice %arg6[%dma_wait3A] : memref<33280xi32, #tpu.memory_space<vmem>> -> memref<64xi32, #tpu.memory_space<vmem>>
      %dma_wait3A_559 = tpu.memref_slice %arg13[%add3A_442] : memref<16384xi32, #tpu.memory_space<vmem_shared>> -> memref<64xi32, #tpu.memory_space<vmem_shared>>
      %dma_wait3A_560 = arith.constant 8320 : i32
      %dma_wait3A_561 = tpu.memref_slice %arg6[%dma_wait3A_560] : memref<33280xi32, #tpu.memory_space<vmem>> -> memref<64xi32, #tpu.memory_space<vmem>>
      %dma_wait3A_562 = tpu.memref_slice %arg13[%add3A_442] : memref<16384xi32, #tpu.memory_space<vmem_shared>> -> memref<64xi32, #tpu.memory_space<vmem_shared>>
      tpu.wait_dma2 semaphore(%run_scoped3A : memref<!tpu.dma_semaphore, #tpu.memory_space<semaphore_mem>>) src(%dma_wait3A_562 : memref<64xi32, #tpu.memory_space<vmem_shared>>) dst(%dma_wait3A_561 : memref<64xi32, #tpu.memory_space<vmem>>)
      tpu.yield
    }) : () -> ()
    %mul3A_443 = arith.constant 64 : i32
    %mul3A_444 = arith.muli %arg1, %mul3A_443 : i32
    %add3A_445 = arith.constant 5120 : i32
    %add3A_446 = arith.addi %add3A_445, %mul3A_444 : i32
    "tpu.region"() ({
      %run_scoped3A = tpu.sem_alloc : memref<!tpu.dma_semaphore, #tpu.memory_space<semaphore_mem>>
      %dma_start3A = arith.constant 10400 : i32
      %dma_start3A_553 = tpu.memref_slice %arg6[%dma_start3A] : memref<33280xi32, #tpu.memory_space<vmem>> -> memref<64xi32, #tpu.memory_space<vmem>>
      %dma_start3A_554 = tpu.memref_slice %arg13[%add3A_446] : memref<16384xi32, #tpu.memory_space<vmem_shared>> -> memref<64xi32, #tpu.memory_space<vmem_shared>>
      %dma_start3A_555 = arith.constant 10400 : i32
      %dma_start3A_556 = tpu.memref_slice %arg6[%dma_start3A_555] : memref<33280xi32, #tpu.memory_space<vmem>> -> memref<64xi32, #tpu.memory_space<vmem>>
      %dma_start3A_557 = tpu.memref_slice %arg13[%add3A_446] : memref<16384xi32, #tpu.memory_space<vmem_shared>> -> memref<64xi32, #tpu.memory_space<vmem_shared>>
      tpu.enqueue_dma source(%dma_start3A_557 : memref<64xi32, #tpu.memory_space<vmem_shared>>) target(%dma_start3A_556 : memref<64xi32, #tpu.memory_space<vmem>>) target_semaphore(%run_scoped3A : memref<!tpu.dma_semaphore, #tpu.memory_space<semaphore_mem>>)
      %dma_wait3A = arith.constant 10400 : i32
      %dma_wait3A_558 = tpu.memref_slice %arg6[%dma_wait3A] : memref<33280xi32, #tpu.memory_space<vmem>> -> memref<64xi32, #tpu.memory_space<vmem>>
      %dma_wait3A_559 = tpu.memref_slice %arg13[%add3A_446] : memref<16384xi32, #tpu.memory_space<vmem_shared>> -> memref<64xi32, #tpu.memory_space<vmem_shared>>
      %dma_wait3A_560 = arith.constant 10400 : i32
      %dma_wait3A_561 = tpu.memref_slice %arg6[%dma_wait3A_560] : memref<33280xi32, #tpu.memory_space<vmem>> -> memref<64xi32, #tpu.memory_space<vmem>>
      %dma_wait3A_562 = tpu.memref_slice %arg13[%add3A_446] : memref<16384xi32, #tpu.memory_space<vmem_shared>> -> memref<64xi32, #tpu.memory_space<vmem_shared>>
      tpu.wait_dma2 semaphore(%run_scoped3A : memref<!tpu.dma_semaphore, #tpu.memory_space<semaphore_mem>>) src(%dma_wait3A_562 : memref<64xi32, #tpu.memory_space<vmem_shared>>) dst(%dma_wait3A_561 : memref<64xi32, #tpu.memory_space<vmem>>)
      tpu.yield
    }) : () -> ()
    %mul3A_447 = arith.constant 64 : i32
    %mul3A_448 = arith.muli %arg1, %mul3A_447 : i32
    %add3A_449 = arith.constant 6144 : i32
    %add3A_450 = arith.addi %add3A_449, %mul3A_448 : i32
    "tpu.region"() ({
      %run_scoped3A = tpu.sem_alloc : memref<!tpu.dma_semaphore, #tpu.memory_space<semaphore_mem>>
      %dma_start3A = arith.constant 12480 : i32
      %dma_start3A_553 = tpu.memref_slice %arg6[%dma_start3A] : memref<33280xi32, #tpu.memory_space<vmem>> -> memref<64xi32, #tpu.memory_space<vmem>>
      %dma_start3A_554 = tpu.memref_slice %arg13[%add3A_450] : memref<16384xi32, #tpu.memory_space<vmem_shared>> -> memref<64xi32, #tpu.memory_space<vmem_shared>>
      %dma_start3A_555 = arith.constant 12480 : i32
      %dma_start3A_556 = tpu.memref_slice %arg6[%dma_start3A_555] : memref<33280xi32, #tpu.memory_space<vmem>> -> memref<64xi32, #tpu.memory_space<vmem>>
      %dma_start3A_557 = tpu.memref_slice %arg13[%add3A_450] : memref<16384xi32, #tpu.memory_space<vmem_shared>> -> memref<64xi32, #tpu.memory_space<vmem_shared>>
      tpu.enqueue_dma source(%dma_start3A_557 : memref<64xi32, #tpu.memory_space<vmem_shared>>) target(%dma_start3A_556 : memref<64xi32, #tpu.memory_space<vmem>>) target_semaphore(%run_scoped3A : memref<!tpu.dma_semaphore, #tpu.memory_space<semaphore_mem>>)
      %dma_wait3A = arith.constant 12480 : i32
      %dma_wait3A_558 = tpu.memref_slice %arg6[%dma_wait3A] : memref<33280xi32, #tpu.memory_space<vmem>> -> memref<64xi32, #tpu.memory_space<vmem>>
      %dma_wait3A_559 = tpu.memref_slice %arg13[%add3A_450] : memref<16384xi32, #tpu.memory_space<vmem_shared>> -> memref<64xi32, #tpu.memory_space<vmem_shared>>
      %dma_wait3A_560 = arith.constant 12480 : i32
      %dma_wait3A_561 = tpu.memref_slice %arg6[%dma_wait3A_560] : memref<33280xi32, #tpu.memory_space<vmem>> -> memref<64xi32, #tpu.memory_space<vmem>>
      %dma_wait3A_562 = tpu.memref_slice %arg13[%add3A_450] : memref<16384xi32, #tpu.memory_space<vmem_shared>> -> memref<64xi32, #tpu.memory_space<vmem_shared>>
      tpu.wait_dma2 semaphore(%run_scoped3A : memref<!tpu.dma_semaphore, #tpu.memory_space<semaphore_mem>>) src(%dma_wait3A_562 : memref<64xi32, #tpu.memory_space<vmem_shared>>) dst(%dma_wait3A_561 : memref<64xi32, #tpu.memory_space<vmem>>)
      tpu.yield
    }) : () -> ()
    %mul3A_451 = arith.constant 64 : i32
    %mul3A_452 = arith.muli %arg1, %mul3A_451 : i32
    %add3A_453 = arith.constant 7168 : i32
    %add3A_454 = arith.addi %add3A_453, %mul3A_452 : i32
    "tpu.region"() ({
      %run_scoped3A = tpu.sem_alloc : memref<!tpu.dma_semaphore, #tpu.memory_space<semaphore_mem>>
      %dma_start3A = arith.constant 14560 : i32
      %dma_start3A_553 = tpu.memref_slice %arg6[%dma_start3A] : memref<33280xi32, #tpu.memory_space<vmem>> -> memref<64xi32, #tpu.memory_space<vmem>>
      %dma_start3A_554 = tpu.memref_slice %arg13[%add3A_454] : memref<16384xi32, #tpu.memory_space<vmem_shared>> -> memref<64xi32, #tpu.memory_space<vmem_shared>>
      %dma_start3A_555 = arith.constant 14560 : i32
      %dma_start3A_556 = tpu.memref_slice %arg6[%dma_start3A_555] : memref<33280xi32, #tpu.memory_space<vmem>> -> memref<64xi32, #tpu.memory_space<vmem>>
      %dma_start3A_557 = tpu.memref_slice %arg13[%add3A_454] : memref<16384xi32, #tpu.memory_space<vmem_shared>> -> memref<64xi32, #tpu.memory_space<vmem_shared>>
      tpu.enqueue_dma source(%dma_start3A_557 : memref<64xi32, #tpu.memory_space<vmem_shared>>) target(%dma_start3A_556 : memref<64xi32, #tpu.memory_space<vmem>>) target_semaphore(%run_scoped3A : memref<!tpu.dma_semaphore, #tpu.memory_space<semaphore_mem>>)
      %dma_wait3A = arith.constant 14560 : i32
      %dma_wait3A_558 = tpu.memref_slice %arg6[%dma_wait3A] : memref<33280xi32, #tpu.memory_space<vmem>> -> memref<64xi32, #tpu.memory_space<vmem>>
      %dma_wait3A_559 = tpu.memref_slice %arg13[%add3A_454] : memref<16384xi32, #tpu.memory_space<vmem_shared>> -> memref<64xi32, #tpu.memory_space<vmem_shared>>
      %dma_wait3A_560 = arith.constant 14560 : i32
      %dma_wait3A_561 = tpu.memref_slice %arg6[%dma_wait3A_560] : memref<33280xi32, #tpu.memory_space<vmem>> -> memref<64xi32, #tpu.memory_space<vmem>>
      %dma_wait3A_562 = tpu.memref_slice %arg13[%add3A_454] : memref<16384xi32, #tpu.memory_space<vmem_shared>> -> memref<64xi32, #tpu.memory_space<vmem_shared>>
      tpu.wait_dma2 semaphore(%run_scoped3A : memref<!tpu.dma_semaphore, #tpu.memory_space<semaphore_mem>>) src(%dma_wait3A_562 : memref<64xi32, #tpu.memory_space<vmem_shared>>) dst(%dma_wait3A_561 : memref<64xi32, #tpu.memory_space<vmem>>)
      tpu.yield
    }) : () -> ()
    %mul3A_455 = arith.constant 64 : i32
    %mul3A_456 = arith.muli %arg1, %mul3A_455 : i32
    %add3A_457 = arith.constant 8192 : i32
    %add3A_458 = arith.addi %add3A_457, %mul3A_456 : i32
    "tpu.region"() ({
      %run_scoped3A = tpu.sem_alloc : memref<!tpu.dma_semaphore, #tpu.memory_space<semaphore_mem>>
      %dma_start3A = arith.constant 16640 : i32
      %dma_start3A_553 = tpu.memref_slice %arg6[%dma_start3A] : memref<33280xi32, #tpu.memory_space<vmem>> -> memref<64xi32, #tpu.memory_space<vmem>>
      %dma_start3A_554 = tpu.memref_slice %arg13[%add3A_458] : memref<16384xi32, #tpu.memory_space<vmem_shared>> -> memref<64xi32, #tpu.memory_space<vmem_shared>>
      %dma_start3A_555 = arith.constant 16640 : i32
      %dma_start3A_556 = tpu.memref_slice %arg6[%dma_start3A_555] : memref<33280xi32, #tpu.memory_space<vmem>> -> memref<64xi32, #tpu.memory_space<vmem>>
      %dma_start3A_557 = tpu.memref_slice %arg13[%add3A_458] : memref<16384xi32, #tpu.memory_space<vmem_shared>> -> memref<64xi32, #tpu.memory_space<vmem_shared>>
      tpu.enqueue_dma source(%dma_start3A_557 : memref<64xi32, #tpu.memory_space<vmem_shared>>) target(%dma_start3A_556 : memref<64xi32, #tpu.memory_space<vmem>>) target_semaphore(%run_scoped3A : memref<!tpu.dma_semaphore, #tpu.memory_space<semaphore_mem>>)
      %dma_wait3A = arith.constant 16640 : i32
      %dma_wait3A_558 = tpu.memref_slice %arg6[%dma_wait3A] : memref<33280xi32, #tpu.memory_space<vmem>> -> memref<64xi32, #tpu.memory_space<vmem>>
      %dma_wait3A_559 = tpu.memref_slice %arg13[%add3A_458] : memref<16384xi32, #tpu.memory_space<vmem_shared>> -> memref<64xi32, #tpu.memory_space<vmem_shared>>
      %dma_wait3A_560 = arith.constant 16640 : i32
      %dma_wait3A_561 = tpu.memref_slice %arg6[%dma_wait3A_560] : memref<33280xi32, #tpu.memory_space<vmem>> -> memref<64xi32, #tpu.memory_space<vmem>>
      %dma_wait3A_562 = tpu.memref_slice %arg13[%add3A_458] : memref<16384xi32, #tpu.memory_space<vmem_shared>> -> memref<64xi32, #tpu.memory_space<vmem_shared>>
      tpu.wait_dma2 semaphore(%run_scoped3A : memref<!tpu.dma_semaphore, #tpu.memory_space<semaphore_mem>>) src(%dma_wait3A_562 : memref<64xi32, #tpu.memory_space<vmem_shared>>) dst(%dma_wait3A_561 : memref<64xi32, #tpu.memory_space<vmem>>)
      tpu.yield
    }) : () -> ()
    %mul3A_459 = arith.constant 64 : i32
    %mul3A_460 = arith.muli %arg1, %mul3A_459 : i32
    %add3A_461 = arith.constant 9216 : i32
    %add3A_462 = arith.addi %add3A_461, %mul3A_460 : i32
    "tpu.region"() ({
      %run_scoped3A = tpu.sem_alloc : memref<!tpu.dma_semaphore, #tpu.memory_space<semaphore_mem>>
      %dma_start3A = arith.constant 18720 : i32
      %dma_start3A_553 = tpu.memref_slice %arg6[%dma_start3A] : memref<33280xi32, #tpu.memory_space<vmem>> -> memref<64xi32, #tpu.memory_space<vmem>>
      %dma_start3A_554 = tpu.memref_slice %arg13[%add3A_462] : memref<16384xi32, #tpu.memory_space<vmem_shared>> -> memref<64xi32, #tpu.memory_space<vmem_shared>>
      %dma_start3A_555 = arith.constant 18720 : i32
      %dma_start3A_556 = tpu.memref_slice %arg6[%dma_start3A_555] : memref<33280xi32, #tpu.memory_space<vmem>> -> memref<64xi32, #tpu.memory_space<vmem>>
      %dma_start3A_557 = tpu.memref_slice %arg13[%add3A_462] : memref<16384xi32, #tpu.memory_space<vmem_shared>> -> memref<64xi32, #tpu.memory_space<vmem_shared>>
      tpu.enqueue_dma source(%dma_start3A_557 : memref<64xi32, #tpu.memory_space<vmem_shared>>) target(%dma_start3A_556 : memref<64xi32, #tpu.memory_space<vmem>>) target_semaphore(%run_scoped3A : memref<!tpu.dma_semaphore, #tpu.memory_space<semaphore_mem>>)
      %dma_wait3A = arith.constant 18720 : i32
      %dma_wait3A_558 = tpu.memref_slice %arg6[%dma_wait3A] : memref<33280xi32, #tpu.memory_space<vmem>> -> memref<64xi32, #tpu.memory_space<vmem>>
      %dma_wait3A_559 = tpu.memref_slice %arg13[%add3A_462] : memref<16384xi32, #tpu.memory_space<vmem_shared>> -> memref<64xi32, #tpu.memory_space<vmem_shared>>
      %dma_wait3A_560 = arith.constant 18720 : i32
      %dma_wait3A_561 = tpu.memref_slice %arg6[%dma_wait3A_560] : memref<33280xi32, #tpu.memory_space<vmem>> -> memref<64xi32, #tpu.memory_space<vmem>>
      %dma_wait3A_562 = tpu.memref_slice %arg13[%add3A_462] : memref<16384xi32, #tpu.memory_space<vmem_shared>> -> memref<64xi32, #tpu.memory_space<vmem_shared>>
      tpu.wait_dma2 semaphore(%run_scoped3A : memref<!tpu.dma_semaphore, #tpu.memory_space<semaphore_mem>>) src(%dma_wait3A_562 : memref<64xi32, #tpu.memory_space<vmem_shared>>) dst(%dma_wait3A_561 : memref<64xi32, #tpu.memory_space<vmem>>)
      tpu.yield
    }) : () -> ()
    %mul3A_463 = arith.constant 64 : i32
    %mul3A_464 = arith.muli %arg1, %mul3A_463 : i32
    %add3A_465 = arith.constant 10240 : i32
    %add3A_466 = arith.addi %add3A_465, %mul3A_464 : i32
    "tpu.region"() ({
      %run_scoped3A = tpu.sem_alloc : memref<!tpu.dma_semaphore, #tpu.memory_space<semaphore_mem>>
      %dma_start3A = arith.constant 20800 : i32
      %dma_start3A_553 = tpu.memref_slice %arg6[%dma_start3A] : memref<33280xi32, #tpu.memory_space<vmem>> -> memref<64xi32, #tpu.memory_space<vmem>>
      %dma_start3A_554 = tpu.memref_slice %arg13[%add3A_466] : memref<16384xi32, #tpu.memory_space<vmem_shared>> -> memref<64xi32, #tpu.memory_space<vmem_shared>>
      %dma_start3A_555 = arith.constant 20800 : i32
      %dma_start3A_556 = tpu.memref_slice %arg6[%dma_start3A_555] : memref<33280xi32, #tpu.memory_space<vmem>> -> memref<64xi32, #tpu.memory_space<vmem>>
      %dma_start3A_557 = tpu.memref_slice %arg13[%add3A_466] : memref<16384xi32, #tpu.memory_space<vmem_shared>> -> memref<64xi32, #tpu.memory_space<vmem_shared>>
      tpu.enqueue_dma source(%dma_start3A_557 : memref<64xi32, #tpu.memory_space<vmem_shared>>) target(%dma_start3A_556 : memref<64xi32, #tpu.memory_space<vmem>>) target_semaphore(%run_scoped3A : memref<!tpu.dma_semaphore, #tpu.memory_space<semaphore_mem>>)
      %dma_wait3A = arith.constant 20800 : i32
      %dma_wait3A_558 = tpu.memref_slice %arg6[%dma_wait3A] : memref<33280xi32, #tpu.memory_space<vmem>> -> memref<64xi32, #tpu.memory_space<vmem>>
      %dma_wait3A_559 = tpu.memref_slice %arg13[%add3A_466] : memref<16384xi32, #tpu.memory_space<vmem_shared>> -> memref<64xi32, #tpu.memory_space<vmem_shared>>
      %dma_wait3A_560 = arith.constant 20800 : i32
      %dma_wait3A_561 = tpu.memref_slice %arg6[%dma_wait3A_560] : memref<33280xi32, #tpu.memory_space<vmem>> -> memref<64xi32, #tpu.memory_space<vmem>>
      %dma_wait3A_562 = tpu.memref_slice %arg13[%add3A_466] : memref<16384xi32, #tpu.memory_space<vmem_shared>> -> memref<64xi32, #tpu.memory_space<vmem_shared>>
      tpu.wait_dma2 semaphore(%run_scoped3A : memref<!tpu.dma_semaphore, #tpu.memory_space<semaphore_mem>>) src(%dma_wait3A_562 : memref<64xi32, #tpu.memory_space<vmem_shared>>) dst(%dma_wait3A_561 : memref<64xi32, #tpu.memory_space<vmem>>)
      tpu.yield
    }) : () -> ()
    %mul3A_467 = arith.constant 64 : i32
    %mul3A_468 = arith.muli %arg1, %mul3A_467 : i32
    %add3A_469 = arith.constant 11264 : i32
    %add3A_470 = arith.addi %add3A_469, %mul3A_468 : i32
    "tpu.region"() ({
      %run_scoped3A = tpu.sem_alloc : memref<!tpu.dma_semaphore, #tpu.memory_space<semaphore_mem>>
      %dma_start3A = arith.constant 22880 : i32
      %dma_start3A_553 = tpu.memref_slice %arg6[%dma_start3A] : memref<33280xi32, #tpu.memory_space<vmem>> -> memref<64xi32, #tpu.memory_space<vmem>>
      %dma_start3A_554 = tpu.memref_slice %arg13[%add3A_470] : memref<16384xi32, #tpu.memory_space<vmem_shared>> -> memref<64xi32, #tpu.memory_space<vmem_shared>>
      %dma_start3A_555 = arith.constant 22880 : i32
      %dma_start3A_556 = tpu.memref_slice %arg6[%dma_start3A_555] : memref<33280xi32, #tpu.memory_space<vmem>> -> memref<64xi32, #tpu.memory_space<vmem>>
      %dma_start3A_557 = tpu.memref_slice %arg13[%add3A_470] : memref<16384xi32, #tpu.memory_space<vmem_shared>> -> memref<64xi32, #tpu.memory_space<vmem_shared>>
      tpu.enqueue_dma source(%dma_start3A_557 : memref<64xi32, #tpu.memory_space<vmem_shared>>) target(%dma_start3A_556 : memref<64xi32, #tpu.memory_space<vmem>>) target_semaphore(%run_scoped3A : memref<!tpu.dma_semaphore, #tpu.memory_space<semaphore_mem>>)
      %dma_wait3A = arith.constant 22880 : i32
      %dma_wait3A_558 = tpu.memref_slice %arg6[%dma_wait3A] : memref<33280xi32, #tpu.memory_space<vmem>> -> memref<64xi32, #tpu.memory_space<vmem>>
      %dma_wait3A_559 = tpu.memref_slice %arg13[%add3A_470] : memref<16384xi32, #tpu.memory_space<vmem_shared>> -> memref<64xi32, #tpu.memory_space<vmem_shared>>
      %dma_wait3A_560 = arith.constant 22880 : i32
      %dma_wait3A_561 = tpu.memref_slice %arg6[%dma_wait3A_560] : memref<33280xi32, #tpu.memory_space<vmem>> -> memref<64xi32, #tpu.memory_space<vmem>>
      %dma_wait3A_562 = tpu.memref_slice %arg13[%add3A_470] : memref<16384xi32, #tpu.memory_space<vmem_shared>> -> memref<64xi32, #tpu.memory_space<vmem_shared>>
      tpu.wait_dma2 semaphore(%run_scoped3A : memref<!tpu.dma_semaphore, #tpu.memory_space<semaphore_mem>>) src(%dma_wait3A_562 : memref<64xi32, #tpu.memory_space<vmem_shared>>) dst(%dma_wait3A_561 : memref<64xi32, #tpu.memory_space<vmem>>)
      tpu.yield
    }) : () -> ()
    %mul3A_471 = arith.constant 64 : i32
    %mul3A_472 = arith.muli %arg1, %mul3A_471 : i32
    %add3A_473 = arith.constant 12288 : i32
    %add3A_474 = arith.addi %add3A_473, %mul3A_472 : i32
    "tpu.region"() ({
      %run_scoped3A = tpu.sem_alloc : memref<!tpu.dma_semaphore, #tpu.memory_space<semaphore_mem>>
      %dma_start3A = arith.constant 24960 : i32
      %dma_start3A_553 = tpu.memref_slice %arg6[%dma_start3A] : memref<33280xi32, #tpu.memory_space<vmem>> -> memref<64xi32, #tpu.memory_space<vmem>>
      %dma_start3A_554 = tpu.memref_slice %arg13[%add3A_474] : memref<16384xi32, #tpu.memory_space<vmem_shared>> -> memref<64xi32, #tpu.memory_space<vmem_shared>>
      %dma_start3A_555 = arith.constant 24960 : i32
      %dma_start3A_556 = tpu.memref_slice %arg6[%dma_start3A_555] : memref<33280xi32, #tpu.memory_space<vmem>> -> memref<64xi32, #tpu.memory_space<vmem>>
      %dma_start3A_557 = tpu.memref_slice %arg13[%add3A_474] : memref<16384xi32, #tpu.memory_space<vmem_shared>> -> memref<64xi32, #tpu.memory_space<vmem_shared>>
      tpu.enqueue_dma source(%dma_start3A_557 : memref<64xi32, #tpu.memory_space<vmem_shared>>) target(%dma_start3A_556 : memref<64xi32, #tpu.memory_space<vmem>>) target_semaphore(%run_scoped3A : memref<!tpu.dma_semaphore, #tpu.memory_space<semaphore_mem>>)
      %dma_wait3A = arith.constant 24960 : i32
      %dma_wait3A_558 = tpu.memref_slice %arg6[%dma_wait3A] : memref<33280xi32, #tpu.memory_space<vmem>> -> memref<64xi32, #tpu.memory_space<vmem>>
      %dma_wait3A_559 = tpu.memref_slice %arg13[%add3A_474] : memref<16384xi32, #tpu.memory_space<vmem_shared>> -> memref<64xi32, #tpu.memory_space<vmem_shared>>
      %dma_wait3A_560 = arith.constant 24960 : i32
      %dma_wait3A_561 = tpu.memref_slice %arg6[%dma_wait3A_560] : memref<33280xi32, #tpu.memory_space<vmem>> -> memref<64xi32, #tpu.memory_space<vmem>>
      %dma_wait3A_562 = tpu.memref_slice %arg13[%add3A_474] : memref<16384xi32, #tpu.memory_space<vmem_shared>> -> memref<64xi32, #tpu.memory_space<vmem_shared>>
      tpu.wait_dma2 semaphore(%run_scoped3A : memref<!tpu.dma_semaphore, #tpu.memory_space<semaphore_mem>>) src(%dma_wait3A_562 : memref<64xi32, #tpu.memory_space<vmem_shared>>) dst(%dma_wait3A_561 : memref<64xi32, #tpu.memory_space<vmem>>)
      tpu.yield
    }) : () -> ()
    %mul3A_475 = arith.constant 64 : i32
    %mul3A_476 = arith.muli %arg1, %mul3A_475 : i32
    %add3A_477 = arith.constant 13312 : i32
    %add3A_478 = arith.addi %add3A_477, %mul3A_476 : i32
    "tpu.region"() ({
      %run_scoped3A = tpu.sem_alloc : memref<!tpu.dma_semaphore, #tpu.memory_space<semaphore_mem>>
      %dma_start3A = arith.constant 27040 : i32
      %dma_start3A_553 = tpu.memref_slice %arg6[%dma_start3A] : memref<33280xi32, #tpu.memory_space<vmem>> -> memref<64xi32, #tpu.memory_space<vmem>>
      %dma_start3A_554 = tpu.memref_slice %arg13[%add3A_478] : memref<16384xi32, #tpu.memory_space<vmem_shared>> -> memref<64xi32, #tpu.memory_space<vmem_shared>>
      %dma_start3A_555 = arith.constant 27040 : i32
      %dma_start3A_556 = tpu.memref_slice %arg6[%dma_start3A_555] : memref<33280xi32, #tpu.memory_space<vmem>> -> memref<64xi32, #tpu.memory_space<vmem>>
      %dma_start3A_557 = tpu.memref_slice %arg13[%add3A_478] : memref<16384xi32, #tpu.memory_space<vmem_shared>> -> memref<64xi32, #tpu.memory_space<vmem_shared>>
      tpu.enqueue_dma source(%dma_start3A_557 : memref<64xi32, #tpu.memory_space<vmem_shared>>) target(%dma_start3A_556 : memref<64xi32, #tpu.memory_space<vmem>>) target_semaphore(%run_scoped3A : memref<!tpu.dma_semaphore, #tpu.memory_space<semaphore_mem>>)
      %dma_wait3A = arith.constant 27040 : i32
      %dma_wait3A_558 = tpu.memref_slice %arg6[%dma_wait3A] : memref<33280xi32, #tpu.memory_space<vmem>> -> memref<64xi32, #tpu.memory_space<vmem>>
      %dma_wait3A_559 = tpu.memref_slice %arg13[%add3A_478] : memref<16384xi32, #tpu.memory_space<vmem_shared>> -> memref<64xi32, #tpu.memory_space<vmem_shared>>
      %dma_wait3A_560 = arith.constant 27040 : i32
      %dma_wait3A_561 = tpu.memref_slice %arg6[%dma_wait3A_560] : memref<33280xi32, #tpu.memory_space<vmem>> -> memref<64xi32, #tpu.memory_space<vmem>>
      %dma_wait3A_562 = tpu.memref_slice %arg13[%add3A_478] : memref<16384xi32, #tpu.memory_space<vmem_shared>> -> memref<64xi32, #tpu.memory_space<vmem_shared>>
      tpu.wait_dma2 semaphore(%run_scoped3A : memref<!tpu.dma_semaphore, #tpu.memory_space<semaphore_mem>>) src(%dma_wait3A_562 : memref<64xi32, #tpu.memory_space<vmem_shared>>) dst(%dma_wait3A_561 : memref<64xi32, #tpu.memory_space<vmem>>)
      tpu.yield
    }) : () -> ()
    %mul3A_479 = arith.constant 64 : i32
    %mul3A_480 = arith.muli %arg1, %mul3A_479 : i32
    %add3A_481 = arith.constant 14336 : i32
    %add3A_482 = arith.addi %add3A_481, %mul3A_480 : i32
    "tpu.region"() ({
      %run_scoped3A = tpu.sem_alloc : memref<!tpu.dma_semaphore, #tpu.memory_space<semaphore_mem>>
      %dma_start3A = arith.constant 29120 : i32
      %dma_start3A_553 = tpu.memref_slice %arg6[%dma_start3A] : memref<33280xi32, #tpu.memory_space<vmem>> -> memref<64xi32, #tpu.memory_space<vmem>>
      %dma_start3A_554 = tpu.memref_slice %arg13[%add3A_482] : memref<16384xi32, #tpu.memory_space<vmem_shared>> -> memref<64xi32, #tpu.memory_space<vmem_shared>>
      %dma_start3A_555 = arith.constant 29120 : i32
      %dma_start3A_556 = tpu.memref_slice %arg6[%dma_start3A_555] : memref<33280xi32, #tpu.memory_space<vmem>> -> memref<64xi32, #tpu.memory_space<vmem>>
      %dma_start3A_557 = tpu.memref_slice %arg13[%add3A_482] : memref<16384xi32, #tpu.memory_space<vmem_shared>> -> memref<64xi32, #tpu.memory_space<vmem_shared>>
      tpu.enqueue_dma source(%dma_start3A_557 : memref<64xi32, #tpu.memory_space<vmem_shared>>) target(%dma_start3A_556 : memref<64xi32, #tpu.memory_space<vmem>>) target_semaphore(%run_scoped3A : memref<!tpu.dma_semaphore, #tpu.memory_space<semaphore_mem>>)
      %dma_wait3A = arith.constant 29120 : i32
      %dma_wait3A_558 = tpu.memref_slice %arg6[%dma_wait3A] : memref<33280xi32, #tpu.memory_space<vmem>> -> memref<64xi32, #tpu.memory_space<vmem>>
      %dma_wait3A_559 = tpu.memref_slice %arg13[%add3A_482] : memref<16384xi32, #tpu.memory_space<vmem_shared>> -> memref<64xi32, #tpu.memory_space<vmem_shared>>
      %dma_wait3A_560 = arith.constant 29120 : i32
      %dma_wait3A_561 = tpu.memref_slice %arg6[%dma_wait3A_560] : memref<33280xi32, #tpu.memory_space<vmem>> -> memref<64xi32, #tpu.memory_space<vmem>>
      %dma_wait3A_562 = tpu.memref_slice %arg13[%add3A_482] : memref<16384xi32, #tpu.memory_space<vmem_shared>> -> memref<64xi32, #tpu.memory_space<vmem_shared>>
      tpu.wait_dma2 semaphore(%run_scoped3A : memref<!tpu.dma_semaphore, #tpu.memory_space<semaphore_mem>>) src(%dma_wait3A_562 : memref<64xi32, #tpu.memory_space<vmem_shared>>) dst(%dma_wait3A_561 : memref<64xi32, #tpu.memory_space<vmem>>)
      tpu.yield
    }) : () -> ()
    %mul3A_483 = arith.constant 64 : i32
    %mul3A_484 = arith.muli %arg1, %mul3A_483 : i32
    %add3A_485 = arith.constant 15360 : i32
    %add3A_486 = arith.addi %add3A_485, %mul3A_484 : i32
    "tpu.region"() ({
      %run_scoped3A = tpu.sem_alloc : memref<!tpu.dma_semaphore, #tpu.memory_space<semaphore_mem>>
      %dma_start3A = arith.constant 31200 : i32
      %dma_start3A_553 = tpu.memref_slice %arg6[%dma_start3A] : memref<33280xi32, #tpu.memory_space<vmem>> -> memref<64xi32, #tpu.memory_space<vmem>>
      %dma_start3A_554 = tpu.memref_slice %arg13[%add3A_486] : memref<16384xi32, #tpu.memory_space<vmem_shared>> -> memref<64xi32, #tpu.memory_space<vmem_shared>>
      %dma_start3A_555 = arith.constant 31200 : i32
      %dma_start3A_556 = tpu.memref_slice %arg6[%dma_start3A_555] : memref<33280xi32, #tpu.memory_space<vmem>> -> memref<64xi32, #tpu.memory_space<vmem>>
      %dma_start3A_557 = tpu.memref_slice %arg13[%add3A_486] : memref<16384xi32, #tpu.memory_space<vmem_shared>> -> memref<64xi32, #tpu.memory_space<vmem_shared>>
      tpu.enqueue_dma source(%dma_start3A_557 : memref<64xi32, #tpu.memory_space<vmem_shared>>) target(%dma_start3A_556 : memref<64xi32, #tpu.memory_space<vmem>>) target_semaphore(%run_scoped3A : memref<!tpu.dma_semaphore, #tpu.memory_space<semaphore_mem>>)
      %dma_wait3A = arith.constant 31200 : i32
      %dma_wait3A_558 = tpu.memref_slice %arg6[%dma_wait3A] : memref<33280xi32, #tpu.memory_space<vmem>> -> memref<64xi32, #tpu.memory_space<vmem>>
      %dma_wait3A_559 = tpu.memref_slice %arg13[%add3A_486] : memref<16384xi32, #tpu.memory_space<vmem_shared>> -> memref<64xi32, #tpu.memory_space<vmem_shared>>
      %dma_wait3A_560 = arith.constant 31200 : i32
      %dma_wait3A_561 = tpu.memref_slice %arg6[%dma_wait3A_560] : memref<33280xi32, #tpu.memory_space<vmem>> -> memref<64xi32, #tpu.memory_space<vmem>>
      %dma_wait3A_562 = tpu.memref_slice %arg13[%add3A_486] : memref<16384xi32, #tpu.memory_space<vmem_shared>> -> memref<64xi32, #tpu.memory_space<vmem_shared>>
      tpu.wait_dma2 semaphore(%run_scoped3A : memref<!tpu.dma_semaphore, #tpu.memory_space<semaphore_mem>>) src(%dma_wait3A_562 : memref<64xi32, #tpu.memory_space<vmem_shared>>) dst(%dma_wait3A_561 : memref<64xi32, #tpu.memory_space<vmem>>)
      tpu.yield
    }) : () -> ()
    %parallel_loop3A_487 = arith.constant 0 : i32
    %parallel_loop3A_488 = arith.constant 4 : i32
    %parallel_loop3A_489 = arith.constant 1 : i32
    scf.for %parallel_loop3A_553 = %parallel_loop3A_487 to %parallel_loop3A_488 step %parallel_loop3A_489  : i32 {
      %parallel_loop3A_554 = arith.constant 0 : i32
      %parallel_loop3A_555 = vector.broadcast %parallel_loop3A_554 : i32 to vector<16xi32>
      %parallel_loop3A_556 = arith.constant 16 : i32
      %parallel_loop3A_557 = arith.muli %parallel_loop3A_553, %parallel_loop3A_556 : i32
      %parallel_loop3A_558 = arith.constant 0 : i32
      %parallel_loop3A_559 = arith.addi %parallel_loop3A_558, %parallel_loop3A_557 : i32
      %parallel_loop3A_560 = arith.index_cast %parallel_loop3A_559 : i32 to index
      %parallel_loop3A_561 = tpu.vector_load %arg6[%parallel_loop3A_560] {strides = array<i32>} : memref<33280xi32, #tpu.memory_space<vmem>>, vector<16xi32>,
      %parallel_loop3A_562 = arith.addi %parallel_loop3A_555, %parallel_loop3A_561 : vector<16xi32>
      %parallel_loop3A_563 = arith.constant 16 : i32
      %parallel_loop3A_564 = arith.muli %parallel_loop3A_553, %parallel_loop3A_563 : i32
      %parallel_loop3A_565 = arith.constant 2080 : i32
      %parallel_loop3A_566 = arith.addi %parallel_loop3A_565, %parallel_loop3A_564 : i32
      %parallel_loop3A_567 = arith.index_cast %parallel_loop3A_566 : i32 to index
      %parallel_loop3A_568 = tpu.vector_load %arg6[%parallel_loop3A_567] {strides = array<i32>} : memref<33280xi32, #tpu.memory_space<vmem>>, vector<16xi32>,
      %parallel_loop3A_569 = arith.addi %parallel_loop3A_562, %parallel_loop3A_568 : vector<16xi32>
      %parallel_loop3A_570 = arith.constant 16 : i32
      %parallel_loop3A_571 = arith.muli %parallel_loop3A_553, %parallel_loop3A_570 : i32
      %parallel_loop3A_572 = arith.constant 4160 : i32
      %parallel_loop3A_573 = arith.addi %parallel_loop3A_572, %parallel_loop3A_571 : i32
      %parallel_loop3A_574 = arith.index_cast %parallel_loop3A_573 : i32 to index
      %parallel_loop3A_575 = tpu.vector_load %arg6[%parallel_loop3A_574] {strides = array<i32>} : memref<33280xi32, #tpu.memory_space<vmem>>, vector<16xi32>,
      %parallel_loop3A_576 = arith.addi %parallel_loop3A_569, %parallel_loop3A_575 : vector<16xi32>
      %parallel_loop3A_577 = arith.constant 16 : i32
      %parallel_loop3A_578 = arith.muli %parallel_loop3A_553, %parallel_loop3A_577 : i32
      %parallel_loop3A_579 = arith.constant 6240 : i32
      %parallel_loop3A_580 = arith.addi %parallel_loop3A_579, %parallel_loop3A_578 : i32
      %parallel_loop3A_581 = arith.index_cast %parallel_loop3A_580 : i32 to index
      %parallel_loop3A_582 = tpu.vector_load %arg6[%parallel_loop3A_581] {strides = array<i32>} : memref<33280xi32, #tpu.memory_space<vmem>>, vector<16xi32>,
      %parallel_loop3A_583 = arith.addi %parallel_loop3A_576, %parallel_loop3A_582 : vector<16xi32>
      %parallel_loop3A_584 = arith.constant 16 : i32
      %parallel_loop3A_585 = arith.muli %parallel_loop3A_553, %parallel_loop3A_584 : i32
      %parallel_loop3A_586 = arith.constant 8320 : i32
      %parallel_loop3A_587 = arith.addi %parallel_loop3A_586, %parallel_loop3A_585 : i32
      %parallel_loop3A_588 = arith.index_cast %parallel_loop3A_587 : i32 to index
      %parallel_loop3A_589 = tpu.vector_load %arg6[%parallel_loop3A_588] {strides = array<i32>} : memref<33280xi32, #tpu.memory_space<vmem>>, vector<16xi32>,
      %parallel_loop3A_590 = arith.addi %parallel_loop3A_583, %parallel_loop3A_589 : vector<16xi32>
      %parallel_loop3A_591 = arith.constant 16 : i32
      %parallel_loop3A_592 = arith.muli %parallel_loop3A_553, %parallel_loop3A_591 : i32
      %parallel_loop3A_593 = arith.constant 10400 : i32
      %parallel_loop3A_594 = arith.addi %parallel_loop3A_593, %parallel_loop3A_592 : i32
      %parallel_loop3A_595 = arith.index_cast %parallel_loop3A_594 : i32 to index
      %parallel_loop3A_596 = tpu.vector_load %arg6[%parallel_loop3A_595] {strides = array<i32>} : memref<33280xi32, #tpu.memory_space<vmem>>, vector<16xi32>,
      %parallel_loop3A_597 = arith.addi %parallel_loop3A_590, %parallel_loop3A_596 : vector<16xi32>
      %parallel_loop3A_598 = arith.constant 16 : i32
      %parallel_loop3A_599 = arith.muli %parallel_loop3A_553, %parallel_loop3A_598 : i32
      %parallel_loop3A_600 = arith.constant 12480 : i32
      %parallel_loop3A_601 = arith.addi %parallel_loop3A_600, %parallel_loop3A_599 : i32
      %parallel_loop3A_602 = arith.index_cast %parallel_loop3A_601 : i32 to index
      %parallel_loop3A_603 = tpu.vector_load %arg6[%parallel_loop3A_602] {strides = array<i32>} : memref<33280xi32, #tpu.memory_space<vmem>>, vector<16xi32>,
      %parallel_loop3A_604 = arith.addi %parallel_loop3A_597, %parallel_loop3A_603 : vector<16xi32>
      %parallel_loop3A_605 = arith.constant 16 : i32
      %parallel_loop3A_606 = arith.muli %parallel_loop3A_553, %parallel_loop3A_605 : i32
      %parallel_loop3A_607 = arith.constant 14560 : i32
      %parallel_loop3A_608 = arith.addi %parallel_loop3A_607, %parallel_loop3A_606 : i32
      %parallel_loop3A_609 = arith.index_cast %parallel_loop3A_608 : i32 to index
      %parallel_loop3A_610 = tpu.vector_load %arg6[%parallel_loop3A_609] {strides = array<i32>} : memref<33280xi32, #tpu.memory_space<vmem>>, vector<16xi32>,
      %parallel_loop3A_611 = arith.addi %parallel_loop3A_604, %parallel_loop3A_610 : vector<16xi32>
      %parallel_loop3A_612 = arith.constant 16 : i32
      %parallel_loop3A_613 = arith.muli %parallel_loop3A_553, %parallel_loop3A_612 : i32
      %parallel_loop3A_614 = arith.constant 16640 : i32
      %parallel_loop3A_615 = arith.addi %parallel_loop3A_614, %parallel_loop3A_613 : i32
      %parallel_loop3A_616 = arith.index_cast %parallel_loop3A_615 : i32 to index
      %parallel_loop3A_617 = tpu.vector_load %arg6[%parallel_loop3A_616] {strides = array<i32>} : memref<33280xi32, #tpu.memory_space<vmem>>, vector<16xi32>,
      %parallel_loop3A_618 = arith.addi %parallel_loop3A_611, %parallel_loop3A_617 : vector<16xi32>
      %parallel_loop3A_619 = arith.constant 16 : i32
      %parallel_loop3A_620 = arith.muli %parallel_loop3A_553, %parallel_loop3A_619 : i32
      %parallel_loop3A_621 = arith.constant 18720 : i32
      %parallel_loop3A_622 = arith.addi %parallel_loop3A_621, %parallel_loop3A_620 : i32
      %parallel_loop3A_623 = arith.index_cast %parallel_loop3A_622 : i32 to index
      %parallel_loop3A_624 = tpu.vector_load %arg6[%parallel_loop3A_623] {strides = array<i32>} : memref<33280xi32, #tpu.memory_space<vmem>>, vector<16xi32>,
      %parallel_loop3A_625 = arith.addi %parallel_loop3A_618, %parallel_loop3A_624 : vector<16xi32>
      %parallel_loop3A_626 = arith.constant 16 : i32
      %parallel_loop3A_627 = arith.muli %parallel_loop3A_553, %parallel_loop3A_626 : i32
      %parallel_loop3A_628 = arith.constant 20800 : i32
      %parallel_loop3A_629 = arith.addi %parallel_loop3A_628, %parallel_loop3A_627 : i32
      %parallel_loop3A_630 = arith.index_cast %parallel_loop3A_629 : i32 to index
      %parallel_loop3A_631 = tpu.vector_load %arg6[%parallel_loop3A_630] {strides = array<i32>} : memref<33280xi32, #tpu.memory_space<vmem>>, vector<16xi32>,
      %parallel_loop3A_632 = arith.addi %parallel_loop3A_625, %parallel_loop3A_631 : vector<16xi32>
      %parallel_loop3A_633 = arith.constant 16 : i32
      %parallel_loop3A_634 = arith.muli %parallel_loop3A_553, %parallel_loop3A_633 : i32
      %parallel_loop3A_635 = arith.constant 22880 : i32
      %parallel_loop3A_636 = arith.addi %parallel_loop3A_635, %parallel_loop3A_634 : i32
      %parallel_loop3A_637 = arith.index_cast %parallel_loop3A_636 : i32 to index
      %parallel_loop3A_638 = tpu.vector_load %arg6[%parallel_loop3A_637] {strides = array<i32>} : memref<33280xi32, #tpu.memory_space<vmem>>, vector<16xi32>,
      %parallel_loop3A_639 = arith.addi %parallel_loop3A_632, %parallel_loop3A_638 : vector<16xi32>
      %parallel_loop3A_640 = arith.constant 16 : i32
      %parallel_loop3A_641 = arith.muli %parallel_loop3A_553, %parallel_loop3A_640 : i32
      %parallel_loop3A_642 = arith.constant 24960 : i32
      %parallel_loop3A_643 = arith.addi %parallel_loop3A_642, %parallel_loop3A_641 : i32
      %parallel_loop3A_644 = arith.index_cast %parallel_loop3A_643 : i32 to index
      %parallel_loop3A_645 = tpu.vector_load %arg6[%parallel_loop3A_644] {strides = array<i32>} : memref<33280xi32, #tpu.memory_space<vmem>>, vector<16xi32>,
      %parallel_loop3A_646 = arith.addi %parallel_loop3A_639, %parallel_loop3A_645 : vector<16xi32>
      %parallel_loop3A_647 = arith.constant 16 : i32
      %parallel_loop3A_648 = arith.muli %parallel_loop3A_553, %parallel_loop3A_647 : i32
      %parallel_loop3A_649 = arith.constant 27040 : i32
      %parallel_loop3A_650 = arith.addi %parallel_loop3A_649, %parallel_loop3A_648 : i32
      %parallel_loop3A_651 = arith.index_cast %parallel_loop3A_650 : i32 to index
      %parallel_loop3A_652 = tpu.vector_load %arg6[%parallel_loop3A_651] {strides = array<i32>} : memref<33280xi32, #tpu.memory_space<vmem>>, vector<16xi32>,
      %parallel_loop3A_653 = arith.addi %parallel_loop3A_646, %parallel_loop3A_652 : vector<16xi32>
      %parallel_loop3A_654 = arith.constant 16 : i32
      %parallel_loop3A_655 = arith.muli %parallel_loop3A_553, %parallel_loop3A_654 : i32
      %parallel_loop3A_656 = arith.constant 29120 : i32
      %parallel_loop3A_657 = arith.addi %parallel_loop3A_656, %parallel_loop3A_655 : i32
      %parallel_loop3A_658 = arith.index_cast %parallel_loop3A_657 : i32 to index
      %parallel_loop3A_659 = tpu.vector_load %arg6[%parallel_loop3A_658] {strides = array<i32>} : memref<33280xi32, #tpu.memory_space<vmem>>, vector<16xi32>,
      %parallel_loop3A_660 = arith.addi %parallel_loop3A_653, %parallel_loop3A_659 : vector<16xi32>
      %parallel_loop3A_661 = arith.constant 16 : i32
      %parallel_loop3A_662 = arith.muli %parallel_loop3A_553, %parallel_loop3A_661 : i32
      %parallel_loop3A_663 = arith.constant 31200 : i32
      %parallel_loop3A_664 = arith.addi %parallel_loop3A_663, %parallel_loop3A_662 : i32
      %parallel_loop3A_665 = arith.index_cast %parallel_loop3A_664 : i32 to index
      %parallel_loop3A_666 = tpu.vector_load %arg6[%parallel_loop3A_665] {strides = array<i32>} : memref<33280xi32, #tpu.memory_space<vmem>>, vector<16xi32>,
      %parallel_loop3A_667 = arith.addi %parallel_loop3A_660, %parallel_loop3A_666 : vector<16xi32>
      %parallel_loop3A_668 = arith.constant 16 : i32
      %parallel_loop3A_669 = arith.muli %parallel_loop3A_553, %parallel_loop3A_668 : i32
      %parallel_loop3A_670 = arith.index_cast %parallel_loop3A_669 : i32 to index
      %parallel_loop3A_671 = tpu.vector_load %arg10[%parallel_loop3A_670] {strides = array<i32>} : memref<2048xi32, #tpu.memory_space<vmem>>, vector<16xi32>,
      tpu.vector_store %arg10[%parallel_loop3A_670], %parallel_loop3A_667 {strides = array<i32>} : memref<2048xi32, #tpu.memory_space<vmem>>, vector<16xi32>,
    } {sc.loop_unroll_factor = 4 : i64, sc.parallel_access}
    %mul3A_490 = arith.constant 64 : i32
    %mul3A_491 = arith.muli %arg1, %mul3A_490 : i32
    "tpu.region"() ({
      %run_scoped3A = tpu.sem_alloc : memref<!tpu.dma_semaphore, #tpu.memory_space<semaphore_mem>>
      %dma_start3A = arith.constant 0 : i32
      %dma_start3A_553 = tpu.memref_slice %arg10[%dma_start3A] : memref<2048xi32, #tpu.memory_space<vmem>> -> memref<64xi32, #tpu.memory_space<vmem>>
      %dma_start3A_554 = tpu.memref_slice %arg14[%mul3A_491] : memref<2048xi32, #tpu.memory_space<vmem_shared>> -> memref<64xi32, #tpu.memory_space<vmem_shared>>
      %dma_start3A_555 = tpu.memref_slice %arg14[%mul3A_491] : memref<2048xi32, #tpu.memory_space<vmem_shared>> -> memref<64xi32, #tpu.memory_space<vmem_shared>>
      %dma_start3A_556 = arith.constant 0 : i32
      %dma_start3A_557 = tpu.memref_slice %arg10[%dma_start3A_556] : memref<2048xi32, #tpu.memory_space<vmem>> -> memref<64xi32, #tpu.memory_space<vmem>>
      tpu.enqueue_dma source(%dma_start3A_557 : memref<64xi32, #tpu.memory_space<vmem>>) target(%dma_start3A_555 : memref<64xi32, #tpu.memory_space<vmem_shared>>) target_semaphore(%run_scoped3A : memref<!tpu.dma_semaphore, #tpu.memory_space<semaphore_mem>>)
      %dma_wait3A = arith.constant 0 : i32
      %dma_wait3A_558 = tpu.memref_slice %arg10[%dma_wait3A] : memref<2048xi32, #tpu.memory_space<vmem>> -> memref<64xi32, #tpu.memory_space<vmem>>
      %dma_wait3A_559 = tpu.memref_slice %arg14[%mul3A_491] : memref<2048xi32, #tpu.memory_space<vmem_shared>> -> memref<64xi32, #tpu.memory_space<vmem_shared>>
      %dma_wait3A_560 = tpu.memref_slice %arg14[%mul3A_491] : memref<2048xi32, #tpu.memory_space<vmem_shared>> -> memref<64xi32, #tpu.memory_space<vmem_shared>>
      %dma_wait3A_561 = arith.constant 0 : i32
      %dma_wait3A_562 = tpu.memref_slice %arg10[%dma_wait3A_561] : memref<2048xi32, #tpu.memory_space<vmem>> -> memref<64xi32, #tpu.memory_space<vmem>>
      tpu.wait_dma2 semaphore(%run_scoped3A : memref<!tpu.dma_semaphore, #tpu.memory_space<semaphore_mem>>) src(%dma_wait3A_562 : memref<64xi32, #tpu.memory_space<vmem>>) dst(%dma_wait3A_560 : memref<64xi32, #tpu.memory_space<vmem_shared>>)
      tpu.yield
    }) : () -> ()
    %barrier3A_492 = arith.constant 0 : index
    tpu.barrier barrier_id(%barrier3A_492)
    "tpu.region"() ({
      %run_scoped3A = tpu.sem_alloc : memref<!tpu.dma_semaphore, #tpu.memory_space<semaphore_mem>>
      %dma_start3A = arith.constant 0 : i32
      %dma_start3A_553 = tpu.memref_slice %arg5[%dma_start3A] : memref<2048xi32, #tpu.memory_space<vmem>> -> memref<1024xi32, #tpu.memory_space<vmem>>
      %dma_start3A_554 = arith.constant 0 : i32
      %dma_start3A_555 = tpu.memref_slice %arg14[%dma_start3A_554] : memref<2048xi32, #tpu.memory_space<vmem_shared>> -> memref<1024xi32, #tpu.memory_space<vmem_shared>>
      %dma_start3A_556 = arith.constant 0 : i32
      %dma_start3A_557 = tpu.memref_slice %arg5[%dma_start3A_556] : memref<2048xi32, #tpu.memory_space<vmem>> -> memref<1024xi32, #tpu.memory_space<vmem>>
      %dma_start3A_558 = arith.constant 0 : i32
      %dma_start3A_559 = tpu.memref_slice %arg14[%dma_start3A_558] : memref<2048xi32, #tpu.memory_space<vmem_shared>> -> memref<1024xi32, #tpu.memory_space<vmem_shared>>
      tpu.enqueue_dma source(%dma_start3A_559 : memref<1024xi32, #tpu.memory_space<vmem_shared>>) target(%dma_start3A_557 : memref<1024xi32, #tpu.memory_space<vmem>>) target_semaphore(%run_scoped3A : memref<!tpu.dma_semaphore, #tpu.memory_space<semaphore_mem>>)
      %dma_wait3A = arith.constant 0 : i32
      %dma_wait3A_560 = tpu.memref_slice %arg5[%dma_wait3A] : memref<2048xi32, #tpu.memory_space<vmem>> -> memref<1024xi32, #tpu.memory_space<vmem>>
      %dma_wait3A_561 = arith.constant 0 : i32
      %dma_wait3A_562 = tpu.memref_slice %arg14[%dma_wait3A_561] : memref<2048xi32, #tpu.memory_space<vmem_shared>> -> memref<1024xi32, #tpu.memory_space<vmem_shared>>
      %dma_wait3A_563 = arith.constant 0 : i32
      %dma_wait3A_564 = tpu.memref_slice %arg5[%dma_wait3A_563] : memref<2048xi32, #tpu.memory_space<vmem>> -> memref<1024xi32, #tpu.memory_space<vmem>>
      %dma_wait3A_565 = arith.constant 0 : i32
      %dma_wait3A_566 = tpu.memref_slice %arg14[%dma_wait3A_565] : memref<2048xi32, #tpu.memory_space<vmem_shared>> -> memref<1024xi32, #tpu.memory_space<vmem_shared>>
      tpu.wait_dma2 semaphore(%run_scoped3A : memref<!tpu.dma_semaphore, #tpu.memory_space<semaphore_mem>>) src(%dma_wait3A_566 : memref<1024xi32, #tpu.memory_space<vmem_shared>>) dst(%dma_wait3A_564 : memref<1024xi32, #tpu.memory_space<vmem>>)
      tpu.yield
    }) : () -> ()
    %parallel_loop3A_493 = arith.constant 0 : i32
    %parallel_loop3A_494 = arith.constant 64 : i32
    %parallel_loop3A_495 = arith.constant 1 : i32
    scf.for %parallel_loop3A_553 = %parallel_loop3A_493 to %parallel_loop3A_494 step %parallel_loop3A_495  : i32 {
      %parallel_loop3A_554 = arith.constant 16 : i32
      %parallel_loop3A_555 = arith.muli %parallel_loop3A_553, %parallel_loop3A_554 : i32
      %parallel_loop3A_556 = arith.index_cast %parallel_loop3A_555 : i32 to index
      %parallel_loop3A_557 = tpu.vector_load %arg5[%parallel_loop3A_556] {strides = array<i32>} : memref<2048xi32, #tpu.memory_space<vmem>>, vector<16xi32>,
      %parallel_loop3A_558 = arith.constant true
      %parallel_loop3A_559 = vector.broadcast %parallel_loop3A_558 : i1 to vector<16xi1>
      %parallel_loop3A_560 = tpu.scan <sum>, %parallel_loop3A_557 masked %parallel_loop3A_559 : vector<16xi32>, vector<16xi1> -> vector<16xi32>
      %parallel_loop3A_561 = arith.constant 16 : i32
      %parallel_loop3A_562 = arith.muli %parallel_loop3A_553, %parallel_loop3A_561 : i32
      %parallel_loop3A_563 = arith.index_cast %parallel_loop3A_562 : i32 to index
      %parallel_loop3A_564 = tpu.vector_load %arg6[%parallel_loop3A_563] {strides = array<i32>} : memref<33280xi32, #tpu.memory_space<vmem>>, vector<16xi32>,
      tpu.vector_store %arg6[%parallel_loop3A_563], %parallel_loop3A_560 {strides = array<i32>} : memref<33280xi32, #tpu.memory_space<vmem>>, vector<16xi32>,
    } {sc.loop_unroll_factor = 8 : i64, sc.parallel_access}
    %iota3A_496 = tpu.iota {dimensions = array<i32: 0>} : vector<16xi32>
    %broadcast_in_dim3A_497 = arith.constant 0 : i32
    %broadcast_in_dim3A_498 = vector.broadcast %broadcast_in_dim3A_497 : i32 to vector<16xi32>
    %sub3A_499 = arith.constant 1 : i32
    %sub3A_500 = vector.broadcast %sub3A_499 : i32 to vector<16xi32>
    %sub3A_501 = arith.subi %broadcast_in_dim3A_498, %sub3A_500 : vector<16xi32>
    %scan3A_502 = arith.constant 0 : i32
    %scan3A_503 = arith.constant 4 : i32
    %scan3A_504 = arith.addi %scan3A_502, %scan3A_503 : i32
    %scan3A_505 = arith.constant 1 : i32
    %scan3A_506:3 = scf.for %scan3A_553 = %scan3A_502 to %scan3A_504 step %scan3A_505 iter_args(%scan3A_554 = %broadcast_in_dim3A_498, %scan3A_555 = %sub3A_501, %scan3A_556 = %broadcast_in_dim3A_498) -> (vector<16xi32>, vector<16xi32>, vector<16xi32>)  : i32 {
      %mul3A_557 = arith.constant 256 : i32
      %mul3A_558 = arith.muli %scan3A_553, %mul3A_557 : i32
      %mul3A_559 = arith.constant 16 : i32
      %mul3A_560 = vector.broadcast %mul3A_559 : i32 to vector<16xi32>
      %mul3A_561 = arith.muli %iota3A_496, %mul3A_560 : vector<16xi32>
      %add3A_562 = vector.broadcast %mul3A_558 : i32 to vector<16xi32>
      %add3A_563 = arith.addi %add3A_562, %mul3A_561 : vector<16xi32>
      %add3A_564 = arith.constant 15 : i32
      %add3A_565 = vector.broadcast %add3A_564 : i32 to vector<16xi32>
      %add3A_566 = arith.addi %add3A_563, %add3A_565 : vector<16xi32>
      %gather3A_567 = tpu.vector_load_idx %arg6[%add3A_566] : memref<33280xi32, #tpu.memory_space<vmem>>[vector<16xi32>], vector<16xi32>,
      %broadcast_in_dim3A_568 = arith.constant true
      %broadcast_in_dim3A_569 = vector.broadcast %broadcast_in_dim3A_568 : i1 to vector<16xi1>
      %masked_cumsum3A = tpu.scan <sum>, %gather3A_567 masked %broadcast_in_dim3A_569 : vector<16xi32>, vector<16xi1> -> vector<16xi32>
      %add3A_570 = arith.addi %masked_cumsum3A, %scan3A_554 : vector<16xi32>
      %ge3A_571 = arith.cmpi sge, %add3A_570, %sub3A_355 : vector<16xi32>
      %all_reduce_population_count3A = tpu.all_reduce %ge3A_571 {dim = 0 : i64, kind = #tpu.reduction_kind<sum>} : vector<16xi1> -> vector<16xi32>
      %all_reduce_ffs3A_572 = tpu.all_reduce %ge3A_571 {dim = 0 : i64, kind = #tpu.reduction_kind<find_first_set>} : vector<16xi1> -> vector<16xi32>
      %min3A_573 = arith.constant 15 : i32
      %min3A_574 = vector.broadcast %min3A_573 : i32 to vector<16xi32>
      %min3A_575 = arith.minsi %all_reduce_ffs3A_572, %min3A_574 : vector<16xi32>
      %sub3A_576 = arith.subi %add3A_570, %gather3A_567 : vector<16xi32>
      %swap3A_577 = arith.constant 0 : index
      %swap3A_578 = tpu.vector_load %arg15[%swap3A_577] {strides = array<i32>} : memref<16xi32, #tpu.memory_space<vmem>>, vector<16xi32>,
      tpu.vector_store %arg15[%swap3A_577], %sub3A_576 {strides = array<i32>} : memref<16xi32, #tpu.memory_space<vmem>>, vector<16xi32>,
      %gather3A_579 = tpu.vector_load_idx %arg15[%min3A_575] : memref<16xi32, #tpu.memory_space<vmem>>[vector<16xi32>], vector<16xi32>,
      %swap3A_580 = arith.constant 0 : index
      %swap3A_581 = tpu.vector_load %arg16[%swap3A_580] {strides = array<i32>} : memref<16xi32, #tpu.memory_space<vmem>>, vector<16xi32>,
      tpu.vector_store %arg16[%swap3A_580], %add3A_570 {strides = array<i32>} : memref<16xi32, #tpu.memory_space<vmem>>, vector<16xi32>,
      %broadcast_in_dim3A_582 = arith.constant 15 : i32
      %broadcast_in_dim3A_583 = vector.broadcast %broadcast_in_dim3A_582 : i32 to vector<16xi32>
      %gather3A_584 = tpu.vector_load_idx %arg16[%broadcast_in_dim3A_583] : memref<16xi32, #tpu.memory_space<vmem>>[vector<16xi32>], vector<16xi32>,
      %lt3A = arith.constant 0 : i32
      %lt3A_585 = vector.broadcast %lt3A : i32 to vector<16xi32>
      %lt3A_586 = arith.cmpi slt, %scan3A_555, %lt3A_585 : vector<16xi32>
      %gt3A = arith.constant 0 : i32
      %gt3A_587 = vector.broadcast %gt3A : i32 to vector<16xi32>
      %gt3A_588 = arith.cmpi sgt, %all_reduce_population_count3A, %gt3A_587 : vector<16xi32>
      %and3A_589 = arith.andi %lt3A_586, %gt3A_588 : vector<16xi1>
      %mul3A_590 = arith.constant 16 : i32
      %mul3A_591 = arith.muli %scan3A_553, %mul3A_590 : i32
      %add3A_592 = vector.broadcast %mul3A_591 : i32 to vector<16xi32>
      %add3A_593 = arith.addi %add3A_592, %min3A_575 : vector<16xi32>
      %select_n3A = arith.select %and3A_589, %add3A_593, %scan3A_555 : vector<16xi1>, vector<16xi32>
      %select_n3A_594 = arith.select %and3A_589, %gather3A_579, %scan3A_556 : vector<16xi1>, vector<16xi32>
      scf.yield %gather3A_584, %select_n3A, %select_n3A_594 : vector<16xi32>, vector<16xi32>, vector<16xi32>
    }
    %scan3A_507 = arith.constant 4 : i32
    %max3A_508 = arith.constant 0 : i32
    %max3A_509 = vector.broadcast %max3A_508 : i32 to vector<16xi32>
    %max3A_510 = arith.maxsi %scan3A_506#1, %max3A_509 : vector<16xi32>
    %reduce_max3A_511 = arith.constant true
    %reduce_max3A_512 = vector.broadcast %reduce_max3A_511 : i1 to vector<16xi1>
    %reduce_max3A_513 = arith.constant -2147483648 : i32
    %reduce_max3A_514 = vector.broadcast %reduce_max3A_513 : i32 to vector<16xi32>
    %reduce_max3A_515 = arith.xori %max3A_510, %reduce_max3A_514 : vector<16xi32>
    %reduce_max3A_516 = tpu.scan <max>, %reduce_max3A_515 masked %reduce_max3A_512 : vector<16xi32>, vector<16xi1> -> vector<16xi32>
    %reduce_max3A_517 = arith.xori %reduce_max3A_516, %reduce_max3A_514 : vector<16xi32>
    %reduce_max3A_518 = vector.extract %reduce_max3A_517[15] : i32 from vector<16xi32>
    %mul3A_519 = arith.constant 16 : i32
    %mul3A_520 = arith.muli %reduce_max3A_518, %mul3A_519 : i32
    %get3A_521 = arith.index_cast %mul3A_520 : i32 to index
    %get3A_522 = tpu.vector_load %arg6[%get3A_521] {strides = array<i32>} : memref<33280xi32, #tpu.memory_space<vmem>>, vector<16xi32>,
    %add3A_523 = arith.addi %get3A_522, %scan3A_506#2 : vector<16xi32>
    %mul3A_524 = arith.constant 16 : i32
    %mul3A_525 = arith.muli %reduce_max3A_518, %mul3A_524 : i32
    %get3A_526 = arith.index_cast %mul3A_525 : i32 to index
    %get3A_527 = tpu.vector_load %arg5[%get3A_526] {strides = array<i32>} : memref<2048xi32, #tpu.memory_space<vmem>>, vector<16xi32>,
    %ge3A_528 = arith.cmpi sge, %add3A_523, %sub3A_355 : vector<16xi32>
    %all_reduce_ffs3A_529 = tpu.all_reduce %ge3A_528 {dim = 0 : i64, kind = #tpu.reduction_kind<find_first_set>} : vector<16xi1> -> vector<16xi32>
    %min3A_530 = arith.constant 15 : i32
    %min3A_531 = vector.broadcast %min3A_530 : i32 to vector<16xi32>
    %min3A_532 = arith.minsi %all_reduce_ffs3A_529, %min3A_531 : vector<16xi32>
    %sub3A_533 = arith.subi %add3A_523, %get3A_527 : vector<16xi32>
    %swap3A_534 = arith.constant 0 : index
    %swap3A_535 = tpu.vector_load %arg15[%swap3A_534] {strides = array<i32>} : memref<16xi32, #tpu.memory_space<vmem>>, vector<16xi32>,
    tpu.vector_store %arg15[%swap3A_534], %sub3A_533 {strides = array<i32>} : memref<16xi32, #tpu.memory_space<vmem>>, vector<16xi32>,
    %gather3A_536 = tpu.vector_load_idx %arg15[%min3A_532] : memref<16xi32, #tpu.memory_space<vmem>>[vector<16xi32>], vector<16xi32>,
    %mul3A_537 = arith.constant 16 : i32
    %mul3A_538 = arith.muli %reduce_max3A_518, %mul3A_537 : i32
    %add3A_539 = vector.broadcast %mul3A_538 : i32 to vector<16xi32>
    %add3A_540 = arith.addi %add3A_539, %min3A_532 : vector<16xi32>
    %shift_left3A_541 = arith.constant 21 : i32
    %shift_left3A_542 = vector.broadcast %shift_left3A_541 : i32 to vector<16xi32>
    %shift_left3A_543 = arith.shli %add3A_170, %shift_left3A_542 : vector<16xi32>
    %shift_left3A_544 = arith.constant 10 : i32
    %shift_left3A_545 = vector.broadcast %shift_left3A_544 : i32 to vector<16xi32>
    %shift_left3A_546 = arith.shli %add3A_354, %shift_left3A_545 : vector<16xi32>
    %or3A_547 = arith.ori %shift_left3A_543, %shift_left3A_546 : vector<16xi32>
    %or3A_548 = arith.ori %or3A_547, %add3A_540 : vector<16xi32>
    %eq3A = arith.constant 0 : i32
    %eq3A_549 = arith.cmpi eq, %arg0, %eq3A : i32
    %eq3A_550 = arith.constant 0 : i32
    %eq3A_551 = arith.cmpi eq, %arg1, %eq3A_550 : i32
    %and3A = arith.andi %eq3A_549, %eq3A_551 : i1
    %convert_element_type3A = arith.extui %and3A : i1 to i32
    %cond3A = arith.constant 0 : i32
    %cond3A_552 = arith.cmpi ne, %convert_element_type3A, %cond3A : i32
    scf.if %cond3A_552 {
      %swap3A_553 = arith.constant 0 : index
      %swap3A_554 = tpu.vector_load %arg7[%swap3A_553] {strides = array<i32>} : memref<16xi32, #tpu.memory_space<vmem>>, vector<16xi32>,
      tpu.vector_store %arg7[%swap3A_553], %or3A_548 {strides = array<i32>} : memref<16xi32, #tpu.memory_space<vmem>>, vector<16xi32>,
      "tpu.region"() ({
        %run_scoped3A = tpu.sem_alloc : memref<!tpu.dma_semaphore, #tpu.memory_space<semaphore_mem>>
        tpu.enqueue_dma source(%arg7 : memref<16xi32, #tpu.memory_space<vmem>>) target(%arg4 : memref<16xi32, #tpu.memory_space<hbm>>) target_semaphore(%run_scoped3A : memref<!tpu.dma_semaphore, #tpu.memory_space<semaphore_mem>>)
        tpu.wait_dma2 semaphore(%run_scoped3A : memref<!tpu.dma_semaphore, #tpu.memory_space<semaphore_mem>>) src(%arg7 : memref<16xi32, #tpu.memory_space<vmem>>) dst(%arg4 : memref<16xi32, #tpu.memory_space<hbm>>)
        tpu.yield
      }) : () -> ()
    } else {
    }
    return
  }
}

module attributes {stable_mosaic.version = 14 : i64} {
  func.func @_tc2_body(%arg0: memref<128x8192xf32, #tpu.memory_space<vmem>>, %arg1: memref<16xi32, #tpu.memory_space<smem>>, %arg2: memref<1024xi32, #tpu.memory_space<smem>>, %arg3: memref<128x8192xf32, #tpu.memory_space<vmem>>) attributes {dimension_semantics = [], scalar_prefetch = 0 : i64, scratch_operands = 0 : i64, tpu.core_type = #tpu.core_type<tc>} {
    %get3A = arith.constant 0 : index
    %get3A_0 = memref.load %arg1[%get3A] : memref<16xi32, #tpu.memory_space<smem>>
    %get3A_1 = arith.constant 16 : index
    %get3A_2 = memref.load %arg2[%get3A_1] : memref<1024xi32, #tpu.memory_space<smem>>
    %get3A_3 = arith.constant 32 : index
    %get3A_4 = memref.load %arg2[%get3A_3] : memref<1024xi32, #tpu.memory_space<smem>>
    %bitcast_convert_type3A = arith.bitcast %get3A_0 : i32 to f32
    %eq3A = arith.constant 0 : i32
    %eq3A_5 = arith.cmpi eq, %get3A_2, %eq3A : i32
    %jit3A = arith.constant 1.000000e+00 : f32
    %select_n3A = arith.select %eq3A_5, %jit3A, %bitcast_convert_type3A : f32
    %jit3A_6 = arith.constant 9.99999997E-7 : f32
    %jit3A_7 = arith.constant 1.000000e+06 : f32
    %max3A = arith.maximumf %jit3A_6, %select_n3A : f32
    %min3A = arith.minimumf %jit3A_7, %max3A : f32
    %eq3A_8 = arith.constant 0 : i32
    %eq3A_9 = arith.cmpi eq, %get3A_4, %eq3A_8 : i32
    %jit3A_10 = arith.constant 1.000000e+00 : f32
    %select_n3A_11 = arith.select %eq3A_9, %jit3A_10, %min3A : f32
    %jit3A_12 = arith.constant 9.99999997E-7 : f32
    %jit3A_13 = arith.constant 1.000000e+06 : f32
    %max3A_14 = arith.maximumf %jit3A_12, %select_n3A_11 : f32
    %min3A_15 = arith.minimumf %jit3A_13, %max3A_14 : f32
    %get3A_16 = arith.constant 0 : index
    %get3A_17 = arith.constant 0 : index
    %get3A_18 = vector.load %arg0[%get3A_16, %get3A_17] : memref<128x8192xf32, #tpu.memory_space<vmem>>, vector<128x8192xf32>
    %add3A = arith.constant 9.99999993E-9 : f32
    %add3A_19 = arith.addf %min3A_15, %add3A : f32
    %div3A = vector.broadcast %add3A_19 : f32 to vector<128x8192xf32>
    %div3A_20 = arith.divf %get3A_18, %div3A : vector<128x8192xf32>
    %swap3A = arith.constant 0 : index
    %swap3A_21 = arith.constant 0 : index
    %swap3A_22 = vector.load %arg3[%swap3A, %swap3A_21] : memref<128x8192xf32, #tpu.memory_space<vmem>>, vector<128x8192xf32>
    tpu.vector_store %arg3[%swap3A, %swap3A_21], %div3A_20 {strides = array<i32>} : memref<128x8192xf32, #tpu.memory_space<vmem>>, vector<128x8192xf32>,
    return
  }
}

module attributes {stable_mosaic.version = 14 : i64} {
  func.func @_tc1_body(%arg0: memref<128x8192xf32, #tpu.memory_space<vmem>>, %arg1: memref<128x8192xi32, #tpu.memory_space<vmem>>, %arg2: memref<8x128xi32, #tpu.memory_space<vmem>>) attributes {dimension_semantics = [], scalar_prefetch = 0 : i64, scratch_operands = 0 : i64, tpu.core_type = #tpu.core_type<tc>} {
    %get3A = arith.constant 0 : index
    %get3A_0 = arith.constant 0 : index
    %get3A_1 = vector.load %arg0[%get3A, %get3A_0] : memref<128x8192xf32, #tpu.memory_space<vmem>>, vector<128x8192xf32>
    %abs3A = math.absf %get3A_1 : vector<128x8192xf32>
    %gt3A = arith.constant 9.99999993E-9 : f32
    %gt3A_2 = vector.broadcast %gt3A : f32 to vector<128x8192xf32>
    %gt3A_3 = arith.cmpf ogt, %abs3A, %gt3A_2 : vector<128x8192xf32>
    %convert_element_type3A = arith.extui %gt3A_3 : vector<128x8192xi1> to vector<128x8192xi32>
    %reduce_sum3A = vector.shape_cast %convert_element_type3A : vector<128x8192xi32> to vector<1x128x8192xi32>
    %reduce_sum3A_4 = arith.constant dense<0> : vector<1xi32>
    %reduce_sum3A_5 = vector.multi_reduction <add>, %reduce_sum3A, %reduce_sum3A_4 [1, 2] : vector<1x128x8192xi32> to vector<1xi32>
    %reduce_sum3A_6 = vector.shape_cast %reduce_sum3A_5 : vector<1xi32> to vector<1x1x1xi32>
    %reduce_sum3A_7 = vector.extract %reduce_sum3A_6[0, 0, 0] : i32 from vector<1x1x1xi32>
    %convert_element_type3A_8 = arith.sitofp %reduce_sum3A_7 : i32 to f32
    %jit3A = arith.constant 0.000000e+00 : f32
    %broadcast_in_dim3A = vector.broadcast %jit3A : f32 to vector<128x8192xf32>
    %select_n3A = arith.select %gt3A_3, %abs3A, %broadcast_in_dim3A : vector<128x8192xi1>, vector<128x8192xf32>
    %reduce_sum3A_9 = vector.shape_cast %select_n3A : vector<128x8192xf32> to vector<1x128x8192xf32>
    %reduce_sum3A_10 = arith.constant dense<0.000000e+00> : vector<1xf32>
    %reduce_sum3A_11 = vector.multi_reduction <add>, %reduce_sum3A_9, %reduce_sum3A_10 [1, 2] : vector<1x128x8192xf32> to vector<1xf32>
    %reduce_sum3A_12 = vector.shape_cast %reduce_sum3A_11 : vector<1xf32> to vector<1x1x1xf32>
    %reduce_sum3A_13 = vector.extract %reduce_sum3A_12[0, 0, 0] : f32 from vector<1x1x1xf32>
    %max3A = arith.constant 1.000000e+00 : f32
    %max3A_14 = arith.maximumf %convert_element_type3A_8, %max3A : f32
    %div3A = arith.divf %reduce_sum3A_13, %max3A_14 : f32
    %sub3A = vector.broadcast %div3A : f32 to vector<128x8192xf32>
    %sub3A_15 = arith.subf %abs3A, %sub3A : vector<128x8192xf32>
    %mul3A = arith.mulf %sub3A_15, %sub3A_15 : vector<128x8192xf32>
    %jit3A_16 = arith.constant 0.000000e+00 : f32
    %broadcast_in_dim3A_17 = vector.broadcast %jit3A_16 : f32 to vector<128x8192xf32>
    %select_n3A_18 = arith.select %gt3A_3, %mul3A, %broadcast_in_dim3A_17 : vector<128x8192xi1>, vector<128x8192xf32>
    %reduce_sum3A_19 = vector.shape_cast %select_n3A_18 : vector<128x8192xf32> to vector<1x128x8192xf32>
    %reduce_sum3A_20 = arith.constant dense<0.000000e+00> : vector<1xf32>
    %reduce_sum3A_21 = vector.multi_reduction <add>, %reduce_sum3A_19, %reduce_sum3A_20 [1, 2] : vector<1x128x8192xf32> to vector<1xf32>
    %reduce_sum3A_22 = vector.shape_cast %reduce_sum3A_21 : vector<1xf32> to vector<1x1x1xf32>
    %reduce_sum3A_23 = vector.extract %reduce_sum3A_22[0, 0, 0] : f32 from vector<1x1x1xf32>
    %sub3A_24 = arith.constant 1.000000e+00 : f32
    %sub3A_25 = arith.subf %convert_element_type3A_8, %sub3A_24 : f32
    %max3A_26 = arith.constant 1.000000e+00 : f32
    %max3A_27 = arith.maximumf %sub3A_25, %max3A_26 : f32
    %div3A_28 = arith.divf %reduce_sum3A_23, %max3A_27 : f32
    %sqrt3A = math.sqrt %div3A_28 : f32
    %abs3A_29 = math.absf %sub3A_15 : vector<128x8192xf32>
    %mul3A_30 = arith.constant 3.000000e+00 : f32
    %mul3A_31 = arith.mulf %mul3A_30, %sqrt3A : f32
    %le3A = vector.broadcast %mul3A_31 : f32 to vector<128x8192xf32>
    %le3A_32 = arith.cmpf ole, %abs3A_29, %le3A : vector<128x8192xf32>
    %and3A = arith.andi %gt3A_3, %le3A_32 : vector<128x8192xi1>
    %convert_element_type3A_33 = arith.extui %and3A : vector<128x8192xi1> to vector<128x8192xi32>
    %reduce_sum3A_34 = vector.shape_cast %convert_element_type3A_33 : vector<128x8192xi32> to vector<1x128x8192xi32>
    %reduce_sum3A_35 = arith.constant dense<0> : vector<1xi32>
    %reduce_sum3A_36 = vector.multi_reduction <add>, %reduce_sum3A_34, %reduce_sum3A_35 [1, 2] : vector<1x128x8192xi32> to vector<1xi32>
    %reduce_sum3A_37 = vector.shape_cast %reduce_sum3A_36 : vector<1xi32> to vector<1x1x1xi32>
    %reduce_sum3A_38 = vector.extract %reduce_sum3A_37[0, 0, 0] : i32 from vector<1x1x1xi32>
    %gt3A_39 = arith.constant 10 : i32
    %gt3A_40 = arith.cmpi sgt, %reduce_sum3A_7, %gt3A_39 : i32
    %gt3A_41 = arith.constant 0 : i32
    %gt3A_42 = arith.cmpi sgt, %reduce_sum3A_38, %gt3A_41 : i32
    %and3A_43 = arith.andi %gt3A_40, %gt3A_42 : i1
    %select_n3A_44 = arith.select %and3A_43, %reduce_sum3A_38, %reduce_sum3A_7 : i32
    %mul3A_45 = arith.constant 95 : i32
    %mul3A_46 = arith.muli %mul3A_45, %select_n3A_44 : i32
    %jit3A_47 = arith.constant 100 : i32
    %div3A_48 = arith.divsi %mul3A_46, %jit3A_47 : i32
    %sign3A = arith.constant 0 : i32
    %sign3A_49 = arith.cmpi sgt, %mul3A_46, %sign3A : i32
    %sign3A_50 = arith.extui %sign3A_49 : i1 to i32
    %sign3A_51 = arith.constant 0 : i32
    %sign3A_52 = arith.cmpi slt, %mul3A_46, %sign3A_51 : i32
    %sign3A_53 = arith.extui %sign3A_52 : i1 to i32
    %sign3A_54 = arith.subi %sign3A_50, %sign3A_53 : i32
    %sign3A_55 = arith.constant 0 : i32
    %sign3A_56 = arith.cmpi sgt, %jit3A_47, %sign3A_55 : i32
    %sign3A_57 = arith.extui %sign3A_56 : i1 to i32
    %sign3A_58 = arith.constant 0 : i32
    %sign3A_59 = arith.cmpi slt, %jit3A_47, %sign3A_58 : i32
    %sign3A_60 = arith.extui %sign3A_59 : i1 to i32
    %sign3A_61 = arith.subi %sign3A_57, %sign3A_60 : i32
    %ne3A = arith.cmpi ne, %sign3A_54, %sign3A_61 : i32
    %rem3A = arith.remsi %mul3A_46, %jit3A_47 : i32
    %ne3A_62 = arith.constant 0 : i32
    %ne3A_63 = arith.cmpi ne, %rem3A, %ne3A_62 : i32
    %and3A_64 = arith.andi %ne3A, %ne3A_63 : i1
    %sub3A_65 = arith.constant 1 : i32
    %sub3A_66 = arith.subi %div3A_48, %sub3A_65 : i32
    %select_n3A_67 = arith.select %and3A_64, %sub3A_66, %div3A_48 : i32
    %sub3A_68 = arith.constant 1 : i32
    %sub3A_69 = arith.subi %select_n3A_44, %sub3A_68 : i32
    %jit3A_70 = arith.constant 0 : i32
    %max3A_71 = arith.maxsi %jit3A_70, %select_n3A_67 : i32
    %min3A = arith.minsi %sub3A_69, %max3A_71 : i32
    %add3A = arith.constant 1 : i32
    %add3A_72 = arith.addi %min3A, %add3A : i32
    %and3A_73 = vector.broadcast %and3A_43 : i1 to vector<128x8192xi1>
    %and3A_74 = arith.andi %and3A, %and3A_73 : vector<128x8192xi1>
    %not3A = arith.constant true
    %not3A_75 = arith.xori %and3A_43, %not3A : i1
    %and3A_76 = vector.broadcast %not3A_75 : i1 to vector<128x8192xi1>
    %and3A_77 = arith.andi %gt3A_3, %and3A_76 : vector<128x8192xi1>
    %or3A = arith.ori %and3A_74, %and3A_77 : vector<128x8192xi1>
    %bitcast_convert_type3A = tpu.bitcast %abs3A : vector<128x8192xf32> -> vector<128x8192xi32>
    %jit3A_78 = arith.constant 2139095040 : i32
    %broadcast_in_dim3A_79 = vector.broadcast %jit3A_78 : i32 to vector<128x8192xi32>
    %select_n3A_80 = arith.select %or3A, %bitcast_convert_type3A, %broadcast_in_dim3A_79 : vector<128x8192xi1>, vector<128x8192xi32>
    %swap3A = arith.constant 0 : index
    %swap3A_81 = arith.constant 0 : index
    %swap3A_82 = vector.load %arg1[%swap3A, %swap3A_81] : memref<128x8192xi32, #tpu.memory_space<vmem>>, vector<128x8192xi32>
    tpu.vector_store %arg1[%swap3A, %swap3A_81], %select_n3A_80 {strides = array<i32>} : memref<128x8192xi32, #tpu.memory_space<vmem>>, vector<128x8192xi32>,
    %iota3A = tpu.iota {dimensions = array<i32: 1>} : vector<8x128xi32>
    %lt3A = arith.constant 16 : i32
    %lt3A_83 = vector.broadcast %lt3A : i32 to vector<8x128xi32>
    %lt3A_84 = arith.cmpi slt, %iota3A, %lt3A_83 : vector<8x128xi32>
    %lt3A_85 = arith.constant 32 : i32
    %lt3A_86 = vector.broadcast %lt3A_85 : i32 to vector<8x128xi32>
    %lt3A_87 = arith.cmpi slt, %iota3A, %lt3A_86 : vector<8x128xi32>
    %lt3A_88 = arith.constant 48 : i32
    %lt3A_89 = vector.broadcast %lt3A_88 : i32 to vector<8x128xi32>
    %lt3A_90 = arith.cmpi slt, %iota3A, %lt3A_89 : vector<8x128xi32>
    %jit3A_91 = arith.constant 0 : i32
    %broadcast_in_dim3A_92 = vector.broadcast %reduce_sum3A_7 : i32 to vector<8x128xi32>
    %broadcast_in_dim3A_93 = vector.broadcast %jit3A_91 : i32 to vector<8x128xi32>
    %select_n3A_94 = arith.select %lt3A_90, %broadcast_in_dim3A_92, %broadcast_in_dim3A_93 : vector<8x128xi1>, vector<8x128xi32>
    %broadcast_in_dim3A_95 = vector.broadcast %select_n3A_44 : i32 to vector<8x128xi32>
    %select_n3A_96 = arith.select %lt3A_87, %broadcast_in_dim3A_95, %select_n3A_94 : vector<8x128xi1>, vector<8x128xi32>
    %broadcast_in_dim3A_97 = vector.broadcast %add3A_72 : i32 to vector<8x128xi32>
    %select_n3A_98 = arith.select %lt3A_84, %broadcast_in_dim3A_97, %select_n3A_96 : vector<8x128xi1>, vector<8x128xi32>
    %swap3A_99 = arith.constant 0 : index
    %swap3A_100 = arith.constant 0 : index
    %swap3A_101 = vector.load %arg2[%swap3A_99, %swap3A_100] : memref<8x128xi32, #tpu.memory_space<vmem>>, vector<8x128xi32>
    tpu.vector_store %arg2[%swap3A_99, %swap3A_100], %select_n3A_98 {strides = array<i32>} : memref<8x128xi32, #tpu.memory_space<vmem>>, vector<8x128xi32>,
    return
  }
}

</mosaic_0001>

<sc_bundles>
// kernel: kernel.5.cloned.1.call-start
scs
__scs_entry_jumppad:
0x0: {  	(pc) =	sbr.rel $0x88, $3  }
0x1: {  	(tag) =	ssettag $0x0;
	lr =	simm.s32 $0x1  }
0x2: {  	[smem:$0x3FA0] =	sst lr;
	_ =	strace $0xD0000000  }
0x3: {  	_ = 	snop  }
0x4: {  	_ = 	snop  }
0x5: {  	_ = 	snop  }
0x6: {  	_ = 	snop  }
0x7: {  	_ = 	snop  }
__scs_overlays_trampoline_lowered:
0x8: {  	[smem:$0x3FAF] =	sst s0  }
0x9: {  	[smem:$0x3FB0] =	sst s1  }
0xa: {  	[smem:$0x3FB1] =	sst s2  }
0xb: {  	[smem:$0x3FB2] =	sst s3  }
0xc: {  	[smem:$0x3FB3] =	sst s4  }
0xd: {  	[smem:$0x3FB4] =	sst s5  }
0xe: {  	[smem:$0x3FB5] =	sst s6  }
0xf: {  	[smem:$0x3FB6] =	sst s7  }
0x10: {  	[smem:$0x3FB7] =	sst s8  }
0x11: {  	[smem:$0x3FB8] =	sst s9;
	s0 =	simm.s32 @!p0 $0x0  }
0x12: {  	s1 =	sld [smem:$0x3F9E];
	s0 =	simm.s32 @p0 $0x1  }
0x13: {  	[smem:$0x3FB9] =	sst s0;
	s0 =	simm.s32 @!p1 $0x0  }
0x14: {  	s2 =	sld [smem:$0x3F9D];
	s0 =	simm.s32 @p1 $0x1  }
0x15: {  	[smem:$0x3FBA] =	sst s0;
	s0 =	simm.s32 @!p2 $0x0  }
0x16: {  	s3 =	sld [smem:$0x3FDB];
	s0 =	simm.s32 @p2 $0x1  }
0x17: {  	s4 =	simm.s32 $0x1BF5;
	[smem:$0x3FBC] =	sst s0  }
0x18: {  	s0 =	sld [smem:$0x3F9F];
	_ =	swait.ge [sflag:s4], $0x0  }
0x19: {  	s7 =	sld [smem:$0x3FA0]  }
0x1a: {  	s8 =	sadd.s32 $0xFFFFE003, lr  }
0x1b: {  	s9 =	sadd.s32 $0xFFFFFEF7, lr;
	s5 =	simm.s32 $0xFFFFFFFF;
	p2 =	slt.u32 s8, $0xFFFFF086  }
0x1c: {  	p1 =	slt.u32 s9, $0xF7A;
	s5 =	simm.s32 @!p2 $0x0  }
0x1d: {  	s5 =	simm.s32 @p1 $0x1;
	p0 =	seq.s32 s7, s2  }
0x1e: {  	s7 =	smul.u32 @!p0 $0xF7A, s2;
	p2 =	seq.s32 @!p0 s5, $0x0  }
0x1f: {  	s9 =	smul.u32 $0xF7A, s1;
	s8 =	simm.s32 @!p0 $0x1BF5;
	p2 =	por !p2, p0  }
0x20: {  	[sflag:s8] =	ssyncset.s32 @!p0 $0xFFFFF086;
	s6 =	sadd.s32 @!p0 s3, s7;
	s7 =	simm.s32 @!p0 $0x108  }
0x21: {  	s3 =	sadd.s32 s3, s9;
	s6 =	sadd.s32 @!p0 $0x88, s6;
	s7 =	simm.s32 @p2 $0x1082  }
0x22: {  	[simem:s7], [sflag:s8] =	dma.local @!p0 [hbm:s6], $0xF7A  }
0x23: {  	s9 =	sor.u32 $0xD0000000, s2;
	s6 =	simm.s32 $0x108;
	_ =	swait.ge @!p0 [sflag:s8], $0x0  }
0x24: {  	s3 =	sadd.s32 $0x88, s3;
	s6 =	simm.s32 @!p1 $0x1082;
	[sflag:s4] =	ssyncset.s32 $0xFFFFF086  }
0x25: {  	[simem:s6], [sflag:s4] =	dma.local [hbm:s3], $0xF7A  }
0x26: {  	[smem:$0x3FA0] =	sst s1;
	(tag) =	ssettag s2;
	_ =	strace s9  }
0x27: {  	s1 =	sld [smem:$0x3FB0]  }
0x28: {  	s2 =	sld [smem:$0x3FB1]  }
0x29: {  	s4 =	sld [smem:$0x3FB3]  }
0x2a: {  	p0 =	seq.s32 s5, $0x0;
	s5 =	sld [smem:$0x3FB4]  }
0x2b: {  	s6 =	sld [smem:$0x3FB5]  }
0x2c: {  	s7 =	sld [smem:$0x3FB6]  }
0x2d: {  	s3 =	simm.s32 $0x108;
	s8 =	sld [smem:$0x3FB7]  }
0x2e: {  	s3 =	simm.s32 @!p0 $0x1082;
	s9 =	sld [smem:$0x3FB8]  }
0x2f: {  	lr =	sadd.s32 s0, s3;
	s0 =	sld [smem:$0x3FAF]  }
0x30: {  	s3 =	sld [smem:$0x3FB2]  }
0x31: {  	[smem:$0x3FBB] =	sst s10  }
0x32: {  	s10 =	sld [smem:$0x3FB9];
	_ =	sdelay $0x3  }
0x33: {  	p0 =	seq.s32 s10, $0x1;
	s10 =	sld [smem:$0x3FBB];
	_ =	sdelay $0x3  }
0x34: {  	[smem:$0x3FBB] =	sst s10  }
0x35: {  	s10 =	sld [smem:$0x3FBA];
	_ =	sdelay $0x3  }
0x36: {  	p1 =	seq.s32 s10, $0x1;
	s10 =	sld [smem:$0x3FBB];
	_ =	sdelay $0x3  }
0x37: {  	[smem:$0x3FBB] =	sst s10  }
0x38: {  	s10 =	sld [smem:$0x3FBC]  }
0x39: {  	_ = 	snop;
	(pc) =	sbr.ind lr, $3  }
0x3a: {  	_ = 	snop  }
0x3b: {  	_ = 	snop  }
0x3c: {  	p2 =	seq.s32 s10, $0x1;
	s10 =	sld [smem:$0x3FBB]  }
0x3d: {  	_ =	shalt  }
0x3e: {  	_ =	shalt  }
0x3f: {  	_ =	shalt  }
0x40: {  	_ =	shalt  }
0x41: {  	_ =	shalt  }
0x42: {  	_ =	shalt  }
0x43: {  	_ =	shalt  }
0x44: {  	_ =	shalt  }
0x45: {  	_ =	shalt  }
0x46: {  	_ =	shalt  }
0x47: {  	_ =	shalt  }
0x48: {  	_ =	shalt  }
0x49: {  	_ =	shalt  }
0x4a: {  	_ =	shalt  }
0x4b: {  	_ =	shalt  }
0x4c: {  	_ =	shalt  }
0x4d: {  	_ =	shalt  }
0x4e: {  	_ =	shalt  }
0x4f: {  	_ =	shalt  }
0x50: {  	_ =	shalt  }
0x51: {  	_ =	shalt  }
0x52: {  	_ =	shalt  }
0x53: {  	_ =	shalt  }
0x54: {  	_ =	shalt  }
0x55: {  	_ =	shalt  }
0x56: {  	_ =	shalt  }
0x57: {  	_ =	shalt  }
0x58: {  	_ =	shalt  }
0x59: {  	_ =	shalt  }
0x5a: {  	_ =	shalt  }
0x5b: {  	_ =	shalt  }
0x5c: {  	_ =	shalt  }
0x5d: {  	_ =	shalt  }
0x5e: {  	_ =	shalt  }
0x5f: {  	_ =	shalt  }
0x60: {  	_ =	shalt  }
0x61: {  	_ =	shalt  }
0x62: {  	_ =	shalt  }
0x63: {  	_ =	shalt  }
0x64: {  	_ =	shalt  }
0x65: {  	_ =	shalt  }
0x66: {  	_ =	shalt  }
0x67: {  	_ =	shalt  }
0x68: {  	_ =	shalt  }
0x69: {  	_ =	shalt  }
0x6a: {  	_ =	shalt  }
0x6b: {  	_ =	shalt  }
0x6c: {  	_ =	shalt  }
0x6d: {  	_ =	shalt  }
0x6e: {  	_ =	shalt  }
0x6f: {  	_ =	shalt  }
0x70: {  	_ =	shalt  }
0x71: {  	_ =	shalt  }
0x72: {  	_ =	shalt  }
0x73: {  	_ =	shalt  }
0x74: {  	_ =	shalt  }
0x75: {  	_ =	shalt  }
0x76: {  	_ =	shalt  }
0x77: {  	_ =	shalt  }
0x78: {  	_ =	shalt  }
0x79: {  	_ =	shalt  }
0x7a: {  	_ =	shalt  }
0x7b: {  	_ =	shalt  }
0x7c: {  	_ =	shalt  }
0x7d: {  	_ =	shalt  }
0x7e: {  	_ =	shalt  }
0x7f: {  	_ =	shalt  }
0x80: {  	_ =	shalt  }
0x81: {  	_ =	shalt  }
0x82: {  	_ =	shalt  }
0x83: {  	_ =	shalt  }
0x84: {  	_ =	shalt  }
0x85: {  	_ =	shalt  }
0x86: {  	_ =	shalt  }
0x87: {  	_ =	shalt  }
.Lfunc_end0:
.L_simem_size_0:
called_computation_lowered:
.L_overlay_start_0:
0x88: {  	s2 =	sld [smem:$0x3FD9]  }
0x89: {  	s3 =	sld [smem:$0x3FFE];
	_ =	sdelay $0x1  }
0x8a: {  	s1 =	srdreg.scid  }
0x8b: {  	s0 =	sand.u32 $0x1, s1  }
0x8c: {  	s17 =	sshll.u32 s0, $0xA;
	s2 =	sadd.s32 s3, s2  }
0x8d: {  	s2 =	sadd.s32 s2, s17  }
0x8e: {  	[smem:$0x3FC7] =	sst s2  }
0x8f: {  	_ = 	snop  }
0x90: {  	s2 =	sld [smem:$0x3FD0];
	(tm) =	ssettm $0x1  }
0x91: {  	s18 =	sld [smem:$0x3FFB];
	_ =	sdelay $0x3  }
0x92: {  	_ =	strace s18  }
0x93: {  	s3 =	sld [smem:$0x3FFC];
	_ =	sdelay $0x3  }
0x94: {  	_ =	strace s3  }
0x95: {  	s3 =	sld [smem:$0x3FFD];
	_ =	sdelay $0x3  }
0x96: {  	_ =	strace s3  }
0x97: {  	_ =	strace $0x8FFFFFFF  }
0x98: {  	s19 =	sld [smem:$0x3FDB];
	_ =	sdelay $0x1  }
0x99: {  	s4 =	simm.s32 $_scs_section_size  }
0x9a: {  	s5 =	simm.s32 $_size__tile_overlayer_lowered;
	s6 =	simm.s32 $_tile_overlayer_lowered  }
0x9b: {  	s22 =	simm.s32 $0x1BFF;
	s21 =	sshll.u32 s6, $0x1;
	s3 =	sadd.s32 s4, s19  }
0x9c: {  	s7 =	simm.s32 $0x0;
	s20 =	sshll.u32 s5, $0x1;
	s5 =	sadd.s32 s21, s3  }
0x9d: {  	[timem:s7], [sflag:s22] =	dma.local [hbm:s5], s20  }
0x9e: {  	_ =	swait.ge [sflag:s22], s20  }
0x9f: {  	s4 =	ssub.s32 $0x0, s20;
	[sflag:s22] =	ssyncset.done $0x0  }
0xa0: {  	[sflag:s22] =	ssyncadd.s32 s4;
	_ =	sdelay $0x1  }
0xa1: {  	s23 =	simm.s32 $0x1B8B  }
0xa2: {  	_ =	swait.ge [sflag:s23], $0x1  }
0xa3: {  	[sflag:s23] =	ssyncset.done $0x0  }
0xa4: {  	s25 =	simm.s32 $0x1B8E;
	s24 =	sld [smem:$0x3FFE];
	[sflag:s23] =	ssyncadd.s32 $0xFFFFFFFF  }
0xa5: {  	s26 =	simm.s32 $execute0_lowered;
	[smem:$0x3FD2] =	sst s25  }
0xa6: {  	s5 =	sshll.u32 s26, $0x1;
	_ =	strace $0x80000046;
	[dreg:$0x1] =	wrdreg $0xFFFFFFFF  }
0xa7: {  	s28 =	simm.s32 $_size_execute0_lowered;
	s3 =	sadd.s32 s3, s5;
	[dreg:$0x0] =	wrdreg $0x0  }
0xa8: {  	s5 =	sshll.u32 s28, $0x1;
	[dreg:$0x2] =	wrdreg s3  }
0xa9: {  	[dreg:$0x3] =	wrdreg s5  }
0xaa: {  	[dreg:$0x4] =	wrdreg $0xC0  }
0xab: {  	_ =	task [dreg:s7], $0x5FFFF  }
0xac: {  	[dreg:$0x1] =	wrdreg $0xFFFFFFFF  }
0xad: {  	[dreg:$0x0] =	wrdreg $0x60  }
0xae: {  	[dreg:$0x2] =	wrdreg s2  }
0xaf: {  	[dreg:$0x3] =	wrdreg s24  }
0xb0: {  	[dreg:$0x4] =	wrdreg $0x193000  }
0xb1: {  	[dreg:$0x5] =	wrdreg $0x1A3000  }
0xb2: {  	[dreg:$0x6] =	wrdreg $0x197000  }
0xb3: {  	[dreg:$0x7] =	wrdreg $0x19F000  }
0xb4: {  	[dreg:$0x8] =	wrdreg $0x9  }
0xb5: {  	_ =	task.clear_ibuf [dreg:s7], $0x9FFFF;
	_ =	strace $0x90000046  }
0xb6: {  	s29 =	simm.s32 $0x9;
	_ =	strace $0x80000048  }
0xb7: {  	_ =	swait.ge [sflag:s29], $0x1  }
0xb8: {  	[sflag:s29] =	ssyncadd.s32 $0xFFFFFFFF  }
0xb9: {  	_ =	strace $0x90000048  }
0xba: {  	_ =	sfence  }
0xbb: {  	s30 =	sld [smem:$0x0];
	_ =	sdelay $0x2  }
0xbc: {  	s31 =	sshll.u32 s1, $0xD;
	s1 =	sshrl.u32 s1, $0x2  }
0xbd: {  	s3 =	sand.u32 $0x4000, s31;
	s1 =	sadd.s32 s1, s30  }
0xbe: {  	s0 =	sor.u32 s3, s0;
	s1 =	sshll.u32 s1, $0x11  }
0xbf: {  	s0 =	sor.u32 s1, s0  }
0xc0: {  	s0 =	sadd.s32 $0x8F2B, s0  }
0xc1: {  	[sflag:s0] =	ssyncadd.remote.s32 $0x1  }
0xc2: {  	_ =	sfence.sel $0xFFFF  }
0xc3: {  	[dreg:$0x0] =	wrdreg $0xFFFFFFFF;
	(pc) =	sbr.abs _section_cstart, $3  }
0xc4: {  	[dreg:$0x1] =	wrdreg $0xFFFFFFFF  }
0xc5: {  	_ =	task.clear_ibuf [dreg:s7], $0x2FFFF;
	_ =	strace $0x9FFFFFFF  }
0xc6: {  	(tm) =	ssettm $0x7FFFFFFF  }
0xc7: {  	_ =	shalt  }
tec
execute0_lowered:
.L_overlay_start_1:
0x0: {  	(tag) =	ssettag $0x1  }
0x1: {  	s4 =	rddreg [dreg:$0x0]  }
0x2: {  	s5 =	rddreg [dreg:$0x1]  }
0x3: {  	s6 =	rddreg [dreg:$0x2]  }
0x4: {  	s1 =	rddreg [dreg:$0x3]  }
0x5: {  	s0 =	rddreg [dreg:$0x4]  }
0x6: {  	s3 =	rddreg [dreg:$0x5]  }
0x7: {  	s2 =	simm.s32 $0x0;
	s7 =	srdreg.scid;
	s24 =	stileid.u32  }
0x8: {  	[smem:$0x7FF] =	sst s2;
	s7 =	sand.u32 $0x1, s7;
	s9 =	sadd.s32 $0x1000, s5  }
0x9: {  	s5 =	sadd.s32 $0x1200, s5;
	_ =	strace $0x80000047;
	[dreg:$0x7] =	wrdreg s9  }
0xa: {  	s8 =	ssub.s32 $0x2, s7;
	[dreg:$0x8] =	wrdreg s5;
	s9 =	sshll.u32 s24, $0x6  }
0xb: {  	s7 =	sor.u32 s24, s7;
	s20 =	sshrl.u32 s8, $0x1;
	s21 =	sadd.s32 s9, s6  }
0xc: {  	s12 =	sor.u32 $0xC00, s9;
	p0 =	sne.s32 s7, $0x0;
	s7 =	sor.u32 $0x1800, s9  }
0xd: {  	s16 =	sor.u32 $0x2000, s9;
	[dreg:$0xb] =	wrdreg s21;
	s22 =	sadd.s32 s12, s6  }
0xe: {  	s26 =	sor.u32 $0x2400, s9;
	s15 =	sadd.s32 s7, s6;
	[dreg:$0xe] =	wrdreg s22  }
0xf: {  	s28 =	sor.u32 $0x2800, s9;
	s25 =	sadd.s32 s16, s6;
	[dreg:$0x11] =	wrdreg s15  }
0x10: {  	s19 =	sor.u32 $0x2C00, s9;
	s18 =	sadd.s32 s26, s6;
	[dreg:$0x13] =	wrdreg s25  }
0x11: {  	s5 =	ssub.s32 s8, s20;
	s20 =	sadd.s32 s28, s6;
	[dreg:$0x14] =	wrdreg s18  }
0x12: {  	s29 =	sadd.s32 s19, s6;
	[dreg:$0x15] =	wrdreg s20  }
0x13: {  	s26 =	sadd.s32 s26, s3;
	[dreg:$0x16] =	wrdreg s29  }
0x14: {  	s8 =	sshll.u32 s24, $0xD;
	s28 =	sadd.s32 s28, s3;
	[smem:$0x7E6] =	sst s26  }
0x15: {  	s4 =	sadd.s32 s4, s8;
	[smem:$0x7E7] =	sst s28  }
0x16: {  	s25 =	sadd.s32 s16, s3;
	[dreg:$0x9] =	wrdreg s4  }
0x17: {  	s29 =	sadd.s32 s19, s3;
	[smem:$0x7E5] =	sst s25  }
0x18: {  	s15 =	sor.u32 $0x1C00, s9;
	s16 =	smax.u32 s5, $0x1;
	[smem:$0x7E8] =	sst s29  }
0x19: {  	s4 =	sshll.u32 s24, $0xA;
	s17 =	sadd.s32 s15, s6;
	[smem:$0x7F0] =	sst s16  }
0x1a: {  	s20 =	sor.u32 $0x3000, s9;
	s10 =	sadd.s32 s4, s6;
	[dreg:$0x12] =	wrdreg s17  }
0x1b: {  	s21 =	sadd.s32 s20, s6;
	[dreg:$0xa] =	wrdreg s10;
	s10 =	sor.u32 $0x400, s9  }
0x1c: {  	s22 =	sor.u32 $0x3800, s9;
	[dreg:$0x17] =	wrdreg s21;
	s11 =	sadd.s32 s10, s6  }
0x1d: {  	s30 =	sadd.s32 s22, s6;
	[dreg:$0xc] =	wrdreg s11;
	s11 =	sor.u32 $0x800, s9  }
0x1e: {  	[dreg:$0x19] =	wrdreg s30;
	s13 =	sadd.s32 s11, s6  }
0x1f: {  	s15 =	sadd.s32 s15, s3;
	[dreg:$0xd] =	wrdreg s13;
	s13 =	sor.u32 $0x1000, s9  }
0x20: {  	[smem:$0x7E4] =	sst s15;
	s14 =	sadd.s32 s13, s6  }
0x21: {  	s4 =	sadd.s32 s4, s3;
	[dreg:$0xf] =	wrdreg s14;
	s14 =	sor.u32 $0x1400, s9  }
0x22: {  	s21 =	sor.u32 $0x3400, s9;
	[dreg:$0x1b] =	wrdreg s4;
	s23 =	sadd.s32 s14, s6  }
0x23: {  	[dreg:$0x10] =	wrdreg s23;
	s23 =	sadd.s32 s21, s6  }
0x24: {  	s30 =	sadd.s32 s20, s3;
	[dreg:$0x18] =	wrdreg s23;
	s23 =	sor.u32 $0x3C00, s9  }
0x25: {  	[smem:$0x7E9] =	sst s30;
	s6 =	sadd.s32 s23, s6  }
0x26: {  	[dreg:$0x1a] =	wrdreg s6;
	s6 =	sadd.s32 s10, s3  }
0x27: {  	s10 =	sadd.s32 s11, s3;
	[dreg:$0x1c] =	wrdreg s6  }
0x28: {  	s11 =	sadd.s32 s12, s3;
	[dreg:$0x1d] =	wrdreg s10  }
0x29: {  	s12 =	sadd.s32 s13, s3;
	[dreg:$0x1e] =	wrdreg s11  }
0x2a: {  	s13 =	sadd.s32 s14, s3;
	[dreg:$0x1f] =	wrdreg s12  }
0x2b: {  	s14 =	sadd.s32 s7, s3;
	[smem:$0x7E2] =	sst s13  }
0x2c: {  	s7 =	sadd.s32 s22, s3;
	[smem:$0x7E3] =	sst s14  }
0x2d: {  	s6 =	sadd.s32 s21, s3;
	[smem:$0x7EB] =	sst s7  }
0x2e: {  	s10 =	sadd.s32 s23, s3;
	[smem:$0x7EA] =	sst s6  }
0x2f: {  	s3 =	sadd.s32 s9, s3;
	s11 =	sshrl.u32 s8, $0x2;
	[smem:$0x7EC] =	sst s10  }
0x30: {  	s13 =	sshll.u32 s24, $0x7;
	[smem:$0x7ED] =	sst s3;
	s3 =	sadd.s32 s11, s0  }
0x31: {  	s14 =	sadd.s32 s13, s0;
	s15 =	sadd.s32 s13, s1;
	[smem:$0x7EE] =	sst s3  }
0x32: {  	s5 =	simm.s32 $0x18B00;
	[smem:$0x7EF] =	sst s15;
	s17 =	sadd.s32 $0x800, s14  }
0x33: {  	s16 =	simm.s32 $0x5120;
	s18 =	sadd.s32 $0x1000, s14;
	[smem:$0x7F1] =	sst s17  }
0x34: {  	s4 =	simm.s32 $0x800;
	s19 =	sadd.s32 $0x1800, s14;
	[smem:$0x7F2] =	sst s18  }
0x35: {  	s12 =	sadd.s32 s9, s1;
	s20 =	sadd.s32 $0x2000, s14;
	[smem:$0x7F3] =	sst s19  }
0x36: {  	s7 =	simm.s32 $0x1840;
	s21 =	sadd.s32 $0x2800, s14;
	[smem:$0x7F4] =	sst s20  }
0x37: {  	s8 =	simm.s32 $0x2060;
	s22 =	sadd.s32 $0x3000, s14;
	[smem:$0x7F5] =	sst s21  }
0x38: {  	s9 =	simm.s32 $0x2880;
	s23 =	sadd.s32 $0x3800, s14;
	[smem:$0x7F6] =	sst s22  }
0x39: {  	s6 =	simm.s32 $0x1020;
	s24 =	sadd.s32 $0x4000, s14;
	[smem:$0x7F7] =	sst s23  }
0x3a: {  	s10 =	simm.s32 $0x30A0;
	s25 =	sadd.s32 $0x4800, s14;
	[smem:$0x7F8] =	sst s24  }
0x3b: {  	s11 =	simm.s32 $0x38C0;
	s26 =	sadd.s32 $0x5000, s14;
	[smem:$0x7F9] =	sst s25  }
0x3c: {  	s13 =	simm.s32 $0x40E0;
	s28 =	sadd.s32 $0x5800, s14;
	[smem:$0x7FA] =	sst s26  }
0x3d: {  	s29 =	sadd.s32 $0x6000, s14;
	s30 =	sadd.s32 $0x6800, s14;
	[smem:$0x7FB] =	sst s28  }
0x3e: {  	s31 =	sadd.s32 $0x7000, s14;
	s0 =	sadd.s32 $0x7800, s14;
	[smem:$0x7FC] =	sst s29  }
0x3f: {  	v1 =	vlaneseq.u32;
	s3 =	simm.s32 $0x1;
	s15 =	simm.s32 $0x4900;
	[smem:$0x7FD] =	sst s30  }
0x40: {  	v0 =	vmul.u32 $0x821, v1;
	v3 =	vmul.u32 $0x10, v1;
	s17 =	simm.s32 $0x5940;
	s18 =	simm.s32 $0x6160;
	s19 =	simm.s32 $0x6980  }
0x41: {  	v2 =	vimm.s32 $0x1;
	v4 =	vimm.s32 $0xF;
	s20 =	simm.s32 $0x71A0;
	s21 =	simm.s32 $0x79C0;
	s22 =	simm.s32 $0x81E0  }
0x42: {  	v1 =	vimm.s32 $0x0;
	v3 =	vor.u32 $0xF, v3;
	v5 =	vadd.s32 $0x810, v0;
	s23 =	simm.s32 $0x1A380;
	s24 =	simm.s32 $0x1A400;
	s25 =	simm.s32 $0x0  }
.LBB2_1:
0x43: {  	s26 =	rddreg [dreg:$0x9];
	s28 =	simm.s32 $0x8A80  }
0x44: {  	[tilespmem:s28], [sflag:$0x1] =	stream.linear.gather [hbm4b:s26+s2], $0x10000, $0x38;
	[tilespmem:$0x1A480] =	vst v63  }
0x45: {  	_ =	swait.ge [sflag:s3], $0x10000  }
0x46: {  	[sflag:s3] =	ssyncset.done $0x0  }
0x47: {  	s30 =	simm.s32 $0x18A80;
	s26 =	rddreg [dreg:$0x7];
	[sflag:s3] =	ssyncadd.s32 $0xFFFF0000  }
0x48: {  	[tilespmem:s30], [sflag:$0x1] =	stream.linear.gather [hbm4b:s26+s2], $0x30, $0x38;
	[tilespmem:$0x1A480] =	vst v63  }
0x49: {  	_ =	swait.ge [sflag:s3], $0x30  }
0x4a: {  	[sflag:s3] =	ssyncset.done $0x0  }
0x4b: {  	s26 =	simm.s32 $0x840;
	[sflag:s3] =	ssyncadd.s32 $0xFFFFFFD0  }
0x4c: {  	v6 =	vld [tilespmem:$0x18A80];
	[tilespmem:s26+$0xFFFFFFC0] =	vst v1  }
0x4d: {  	[tilespmem:s26+$0x30] =	vst v1  }
0x4e: {  	[tilespmem:s26+$0x20] =	vst v1  }
0x4f: {  	[tilespmem:s26+$0x10] =	vst v1  }
0x50: {  	[tilespmem:s26+$0x0] =	vst v1  }
0x51: {  	[tilespmem:s26+$0xFFFFFFF0] =	vst v1  }
0x52: {  	s29 =	simm.s32 $0x0;
	[tilespmem:s26+$0xFFFFFFE0] =	vst v1  }
.LBB2_2:
0x53: {  	s29 =	sadd.s32 $0x8, s29;
	[tilespmem:s26+$0xFFFFFFD0] =	vst v1;
	s26 =	sadd.s32 $0x80, s26;
	s28 =	simm.s32 $0x1091  }
0x54: {  	[tilespmem:s26+$0xFFFFFFC0] =	vst v1;
	p1 =	slt.u32 s29, $0x38  }
0x55: {  	[tilespmem:s26+$0x30] =	vst v1  }
.Ltmp0:
0x56: {  	[tilespmem:s26+$0x20] =	vst v1;
	(pc) =	sbr.rel @p1 .LBB2_2-.Ltmp0, $4  }
0x57: {  	[tilespmem:s26+$0x10] =	vst v1  }
0x58: {  	[tilespmem:s26+$0x0] =	vst v1  }
0x59: {  	[tilespmem:s26+$0xFFFFFFF0] =	vst v1  }
0x5a: {  	[tilespmem:s26+$0xFFFFFFE0] =	vst v1  }
0x5b: {  	[tilespmem:s26+$0xFFFFFFD0] =	vst v1  }
0x5c: {  	[tilespmem:s28+$0xFFFFFF90] =	vst v1  }
0x5d: {  	[tilespmem:s28+$0x0] =	vst v1  }
0x5e: {  	[tilespmem:s28+$0xFFFFFFF0] =	vst v1  }
0x5f: {  	[tilespmem:s28+$0xFFFFFFE0] =	vst v1  }
0x60: {  	[tilespmem:s28+$0xFFFFFFD0] =	vst v1  }
0x61: {  	[tilespmem:s28+$0xFFFFFFC0] =	vst v1  }
0x62: {  	s29 =	simm.s32 $0x0;
	s26 =	simm.s32 $0x18B2;
	[tilespmem:s28+$0xFFFFFFB0] =	vst v1  }
.LBB2_4:
0x63: {  	s29 =	sadd.s32 $0x8, s29;
	[tilespmem:s28+$0xFFFFFFA0] =	vst v1;
	s28 =	sadd.s32 $0x80, s28  }
0x64: {  	[tilespmem:s28+$0xFFFFFF90] =	vst v1;
	p1 =	slt.u32 s29, $0x38  }
0x65: {  	[tilespmem:s28+$0x0] =	vst v1  }
.Ltmp1:
0x66: {  	[tilespmem:s28+$0xFFFFFFF0] =	vst v1;
	(pc) =	sbr.rel @p1 .LBB2_4-.Ltmp1, $4  }
0x67: {  	[tilespmem:s28+$0xFFFFFFE0] =	vst v1  }
0x68: {  	[tilespmem:s28+$0xFFFFFFD0] =	vst v1  }
0x69: {  	[tilespmem:s28+$0xFFFFFFC0] =	vst v1  }
0x6a: {  	[tilespmem:s28+$0xFFFFFFB0] =	vst v1  }
0x6b: {  	[tilespmem:s28+$0xFFFFFFA0] =	vst v1  }
0x6c: {  	[tilespmem:s26+$0xFFFFFF90] =	vst v1  }
0x6d: {  	[tilespmem:s26+$0x0] =	vst v1  }
0x6e: {  	[tilespmem:s26+$0xFFFFFFF0] =	vst v1  }
0x6f: {  	[tilespmem:s26+$0xFFFFFFE0] =	vst v1  }
0x70: {  	[tilespmem:s26+$0xFFFFFFD0] =	vst v1  }
0x71: {  	[tilespmem:s26+$0xFFFFFFC0] =	vst v1  }
0x72: {  	s29 =	simm.s32 $0x0;
	[tilespmem:s26+$0xFFFFFFB0] =	vst v1  }
.LBB2_6:
0x73: {  	s29 =	sadd.s32 $0x8, s29;
	[tilespmem:s26+$0xFFFFFFA0] =	vst v1;
	s26 =	sadd.s32 $0x80, s26;
	s28 =	simm.s32 $0x20D3  }
0x74: {  	[tilespmem:s26+$0xFFFFFF90] =	vst v1;
	p1 =	slt.u32 s29, $0x38  }
0x75: {  	[tilespmem:s26+$0x0] =	vst v1  }
.Ltmp2:
0x76: {  	[tilespmem:s26+$0xFFFFFFF0] =	vst v1;
	(pc) =	sbr.rel @p1 .LBB2_6-.Ltmp2, $4  }
0x77: {  	[tilespmem:s26+$0xFFFFFFE0] =	vst v1  }
0x78: {  	[tilespmem:s26+$0xFFFFFFD0] =	vst v1  }
0x79: {  	[tilespmem:s26+$0xFFFFFFC0] =	vst v1  }
0x7a: {  	[tilespmem:s26+$0xFFFFFFB0] =	vst v1  }
0x7b: {  	[tilespmem:s26+$0xFFFFFFA0] =	vst v1  }
0x7c: {  	[tilespmem:s28+$0xFFFFFF90] =	vst v1  }
0x7d: {  	[tilespmem:s28+$0x0] =	vst v1  }
0x7e: {  	[tilespmem:s28+$0xFFFFFFF0] =	vst v1  }
0x7f: {  	[tilespmem:s28+$0xFFFFFFE0] =	vst v1  }
0x80: {  	[tilespmem:s28+$0xFFFFFFD0] =	vst v1  }
0x81: {  	[tilespmem:s28+$0xFFFFFFC0] =	vst v1  }
0x82: {  	s29 =	simm.s32 $0x0;
	s26 =	simm.s32 $0x28F4;
	[tilespmem:s28+$0xFFFFFFB0] =	vst v1  }
.LBB2_8:
0x83: {  	s29 =	sadd.s32 $0x8, s29;
	[tilespmem:s28+$0xFFFFFFA0] =	vst v1;
	s28 =	sadd.s32 $0x80, s28  }
0x84: {  	[tilespmem:s28+$0xFFFFFF90] =	vst v1;
	p1 =	slt.u32 s29, $0x38  }
0x85: {  	[tilespmem:s28+$0x0] =	vst v1  }
.Ltmp3:
0x86: {  	[tilespmem:s28+$0xFFFFFFF0] =	vst v1;
	(pc) =	sbr.rel @p1 .LBB2_8-.Ltmp3, $4  }
0x87: {  	[tilespmem:s28+$0xFFFFFFE0] =	vst v1  }
0x88: {  	[tilespmem:s28+$0xFFFFFFD0] =	vst v1  }
0x89: {  	[tilespmem:s28+$0xFFFFFFC0] =	vst v1  }
0x8a: {  	[tilespmem:s28+$0xFFFFFFB0] =	vst v1  }
0x8b: {  	[tilespmem:s28+$0xFFFFFFA0] =	vst v1  }
0x8c: {  	[tilespmem:s26+$0xFFFFFF90] =	vst v1  }
0x8d: {  	[tilespmem:s26+$0x0] =	vst v1  }
0x8e: {  	[tilespmem:s26+$0xFFFFFFF0] =	vst v1  }
0x8f: {  	[tilespmem:s26+$0xFFFFFFE0] =	vst v1  }
0x90: {  	[tilespmem:s26+$0xFFFFFFD0] =	vst v1  }
0x91: {  	[tilespmem:s26+$0xFFFFFFC0] =	vst v1  }
0x92: {  	s29 =	simm.s32 $0x0;
	[tilespmem:s26+$0xFFFFFFB0] =	vst v1  }
.LBB2_10:
0x93: {  	s29 =	sadd.s32 $0x8, s29;
	[tilespmem:s26+$0xFFFFFFA0] =	vst v1;
	s26 =	sadd.s32 $0x80, s26;
	s28 =	simm.s32 $0x3115  }
0x94: {  	[tilespmem:s26+$0xFFFFFF90] =	vst v1;
	p1 =	slt.u32 s29, $0x38  }
0x95: {  	[tilespmem:s26+$0x0] =	vst v1  }
.Ltmp4:
0x96: {  	[tilespmem:s26+$0xFFFFFFF0] =	vst v1;
	(pc) =	sbr.rel @p1 .LBB2_10-.Ltmp4, $4  }
0x97: {  	[tilespmem:s26+$0xFFFFFFE0] =	vst v1  }
0x98: {  	[tilespmem:s26+$0xFFFFFFD0] =	vst v1  }
0x99: {  	[tilespmem:s26+$0xFFFFFFC0] =	vst v1  }
0x9a: {  	[tilespmem:s26+$0xFFFFFFB0] =	vst v1  }
0x9b: {  	[tilespmem:s26+$0xFFFFFFA0] =	vst v1  }
0x9c: {  	[tilespmem:s28+$0xFFFFFF90] =	vst v1  }
0x9d: {  	[tilespmem:s28+$0x0] =	vst v1  }
0x9e: {  	[tilespmem:s28+$0xFFFFFFF0] =	vst v1  }
0x9f: {  	[tilespmem:s28+$0xFFFFFFE0] =	vst v1  }
0xa0: {  	[tilespmem:s28+$0xFFFFFFD0] =	vst v1  }
0xa1: {  	[tilespmem:s28+$0xFFFFFFC0] =	vst v1  }
0xa2: {  	s29 =	simm.s32 $0x0;
	s26 =	simm.s32 $0x3936;
	[tilespmem:s28+$0xFFFFFFB0] =	vst v1  }
.LBB2_12:
0xa3: {  	s29 =	sadd.s32 $0x8, s29;
	[tilespmem:s28+$0xFFFFFFA0] =	vst v1;
	s28 =	sadd.s32 $0x80, s28  }
0xa4: {  	[tilespmem:s28+$0xFFFFFF90] =	vst v1;
	p1 =	slt.u32 s29, $0x38  }
0xa5: {  	[tilespmem:s28+$0x0] =	vst v1  }
.Ltmp5:
0xa6: {  	[tilespmem:s28+$0xFFFFFFF0] =	vst v1;
	(pc) =	sbr.rel @p1 .LBB2_12-.Ltmp5, $4  }
0xa7: {  	[tilespmem:s28+$0xFFFFFFE0] =	vst v1  }
0xa8: {  	[tilespmem:s28+$0xFFFFFFD0] =	vst v1  }
0xa9: {  	[tilespmem:s28+$0xFFFFFFC0] =	vst v1  }
0xaa: {  	[tilespmem:s28+$0xFFFFFFB0] =	vst v1  }
0xab: {  	[tilespmem:s28+$0xFFFFFFA0] =	vst v1  }
0xac: {  	[tilespmem:s26+$0xFFFFFF90] =	vst v1  }
0xad: {  	[tilespmem:s26+$0x0] =	vst v1  }
0xae: {  	[tilespmem:s26+$0xFFFFFFF0] =	vst v1  }
0xaf: {  	[tilespmem:s26+$0xFFFFFFE0] =	vst v1  }
0xb0: {  	[tilespmem:s26+$0xFFFFFFD0] =	vst v1  }
0xb1: {  	[tilespmem:s26+$0xFFFFFFC0] =	vst v1  }
0xb2: {  	s29 =	simm.s32 $0x0;
	[tilespmem:s26+$0xFFFFFFB0] =	vst v1  }
.LBB2_14:
0xb3: {  	s29 =	sadd.s32 $0x8, s29;
	[tilespmem:s26+$0xFFFFFFA0] =	vst v1;
	s26 =	sadd.s32 $0x80, s26;
	s28 =	simm.s32 $0x4157  }
0xb4: {  	[tilespmem:s26+$0xFFFFFF90] =	vst v1;
	p1 =	slt.u32 s29, $0x38  }
0xb5: {  	[tilespmem:s26+$0x0] =	vst v1  }
.Ltmp6:
0xb6: {  	[tilespmem:s26+$0xFFFFFFF0] =	vst v1;
	(pc) =	sbr.rel @p1 .LBB2_14-.Ltmp6, $4  }
0xb7: {  	[tilespmem:s26+$0xFFFFFFE0] =	vst v1  }
0xb8: {  	[tilespmem:s26+$0xFFFFFFD0] =	vst v1  }
0xb9: {  	[tilespmem:s26+$0xFFFFFFC0] =	vst v1  }
0xba: {  	[tilespmem:s26+$0xFFFFFFB0] =	vst v1  }
0xbb: {  	[tilespmem:s26+$0xFFFFFFA0] =	vst v1  }
0xbc: {  	[tilespmem:s28+$0xFFFFFF90] =	vst v1  }
0xbd: {  	[tilespmem:s28+$0x0] =	vst v1  }
0xbe: {  	[tilespmem:s28+$0xFFFFFFF0] =	vst v1  }
0xbf: {  	[tilespmem:s28+$0xFFFFFFE0] =	vst v1  }
0xc0: {  	[tilespmem:s28+$0xFFFFFFD0] =	vst v1  }
0xc1: {  	[tilespmem:s28+$0xFFFFFFC0] =	vst v1  }
0xc2: {  	s29 =	simm.s32 $0x0;
	s26 =	simm.s32 $0x4978;
	[tilespmem:s28+$0xFFFFFFB0] =	vst v1  }
.LBB2_16:
0xc3: {  	s29 =	sadd.s32 $0x8, s29;
	[tilespmem:s28+$0xFFFFFFA0] =	vst v1;
	s28 =	sadd.s32 $0x80, s28  }
0xc4: {  	[tilespmem:s28+$0xFFFFFF90] =	vst v1;
	p1 =	slt.u32 s29, $0x38  }
0xc5: {  	[tilespmem:s28+$0x0] =	vst v1  }
.Ltmp7:
0xc6: {  	[tilespmem:s28+$0xFFFFFFF0] =	vst v1;
	(pc) =	sbr.rel @p1 .LBB2_16-.Ltmp7, $4  }
0xc7: {  	[tilespmem:s28+$0xFFFFFFE0] =	vst v1  }
0xc8: {  	[tilespmem:s28+$0xFFFFFFD0] =	vst v1  }
0xc9: {  	[tilespmem:s28+$0xFFFFFFC0] =	vst v1  }
0xca: {  	[tilespmem:s28+$0xFFFFFFB0] =	vst v1  }
0xcb: {  	[tilespmem:s28+$0xFFFFFFA0] =	vst v1  }
0xcc: {  	[tilespmem:s26+$0xFFFFFF90] =	vst v1  }
0xcd: {  	[tilespmem:s26+$0x0] =	vst v1  }
0xce: {  	[tilespmem:s26+$0xFFFFFFF0] =	vst v1  }
0xcf: {  	[tilespmem:s26+$0xFFFFFFE0] =	vst v1  }
0xd0: {  	[tilespmem:s26+$0xFFFFFFD0] =	vst v1  }
0xd1: {  	[tilespmem:s26+$0xFFFFFFC0] =	vst v1  }
0xd2: {  	s29 =	simm.s32 $0x0;
	[tilespmem:s26+$0xFFFFFFB0] =	vst v1  }
.LBB2_18:
0xd3: {  	s29 =	sadd.s32 $0x8, s29;
	[tilespmem:s26+$0xFFFFFFA0] =	vst v1;
	s26 =	sadd.s32 $0x80, s26;
	s28 =	simm.s32 $0x5199  }
0xd4: {  	[tilespmem:s26+$0xFFFFFF90] =	vst v1;
	p1 =	slt.u32 s29, $0x38  }
0xd5: {  	[tilespmem:s26+$0x0] =	vst v1  }
.Ltmp8:
0xd6: {  	[tilespmem:s26+$0xFFFFFFF0] =	vst v1;
	(pc) =	sbr.rel @p1 .LBB2_18-.Ltmp8, $4  }
0xd7: {  	[tilespmem:s26+$0xFFFFFFE0] =	vst v1  }
0xd8: {  	[tilespmem:s26+$0xFFFFFFD0] =	vst v1  }
0xd9: {  	[tilespmem:s26+$0xFFFFFFC0] =	vst v1  }
0xda: {  	[tilespmem:s26+$0xFFFFFFB0] =	vst v1  }
0xdb: {  	[tilespmem:s26+$0xFFFFFFA0] =	vst v1  }
0xdc: {  	[tilespmem:s28+$0xFFFFFF90] =	vst v1  }
0xdd: {  	[tilespmem:s28+$0x0] =	vst v1  }
0xde: {  	[tilespmem:s28+$0xFFFFFFF0] =	vst v1  }
0xdf: {  	[tilespmem:s28+$0xFFFFFFE0] =	vst v1  }
0xe0: {  	[tilespmem:s28+$0xFFFFFFD0] =	vst v1  }
0xe1: {  	[tilespmem:s28+$0xFFFFFFC0] =	vst v1  }
0xe2: {  	s29 =	simm.s32 $0x0;
	s26 =	simm.s32 $0x59BA;
	[tilespmem:s28+$0xFFFFFFB0] =	vst v1  }
.LBB2_20:
0xe3: {  	s29 =	sadd.s32 $0x8, s29;
	[tilespmem:s28+$0xFFFFFFA0] =	vst v1;
	s28 =	sadd.s32 $0x80, s28  }
0xe4: {  	[tilespmem:s28+$0xFFFFFF90] =	vst v1;
	p1 =	slt.u32 s29, $0x38  }
0xe5: {  	[tilespmem:s28+$0x0] =	vst v1  }
.Ltmp9:
0xe6: {  	[tilespmem:s28+$0xFFFFFFF0] =	vst v1;
	(pc) =	sbr.rel @p1 .LBB2_20-.Ltmp9, $4  }
0xe7: {  	[tilespmem:s28+$0xFFFFFFE0] =	vst v1  }
0xe8: {  	[tilespmem:s28+$0xFFFFFFD0] =	vst v1  }
0xe9: {  	[tilespmem:s28+$0xFFFFFFC0] =	vst v1  }
0xea: {  	[tilespmem:s28+$0xFFFFFFB0] =	vst v1  }
0xeb: {  	[tilespmem:s28+$0xFFFFFFA0] =	vst v1  }
0xec: {  	[tilespmem:s26+$0xFFFFFF90] =	vst v1  }
0xed: {  	[tilespmem:s26+$0x0] =	vst v1  }
0xee: {  	[tilespmem:s26+$0xFFFFFFF0] =	vst v1  }
0xef: {  	[tilespmem:s26+$0xFFFFFFE0] =	vst v1  }
0xf0: {  	[tilespmem:s26+$0xFFFFFFD0] =	vst v1  }
0xf1: {  	[tilespmem:s26+$0xFFFFFFC0] =	vst v1  }
0xf2: {  	s29 =	simm.s32 $0x0;
	[tilespmem:s26+$0xFFFFFFB0] =	vst v1  }
.LBB2_22:
0xf3: {  	s29 =	sadd.s32 $0x8, s29;
	[tilespmem:s26+$0xFFFFFFA0] =	vst v1;
	s26 =	sadd.s32 $0x80, s26;
	s28 =	simm.s32 $0x61DB  }
0xf4: {  	[tilespmem:s26+$0xFFFFFF90] =	vst v1;
	p1 =	slt.u32 s29, $0x38  }
0xf5: {  	[tilespmem:s26+$0x0] =	vst v1  }
.Ltmp10:
0xf6: {  	[tilespmem:s26+$0xFFFFFFF0] =	vst v1;
	(pc) =	sbr.rel @p1 .LBB2_22-.Ltmp10, $4  }
0xf7: {  	[tilespmem:s26+$0xFFFFFFE0] =	vst v1  }
0xf8: {  	[tilespmem:s26+$0xFFFFFFD0] =	vst v1  }
0xf9: {  	[tilespmem:s26+$0xFFFFFFC0] =	vst v1  }
0xfa: {  	[tilespmem:s26+$0xFFFFFFB0] =	vst v1  }
0xfb: {  	[tilespmem:s26+$0xFFFFFFA0] =	vst v1  }
0xfc: {  	[tilespmem:s28+$0xFFFFFF90] =	vst v1  }
0xfd: {  	[tilespmem:s28+$0x0] =	vst v1  }
0xfe: {  	[tilespmem:s28+$0xFFFFFFF0] =	vst v1  }
0xff: {  	[tilespmem:s28+$0xFFFFFFE0] =	vst v1  }
0x100: {  	[tilespmem:s28+$0xFFFFFFD0] =	vst v1  }
0x101: {  	[tilespmem:s28+$0xFFFFFFC0] =	vst v1  }
0x102: {  	s29 =	simm.s32 $0x0;
	s26 =	simm.s32 $0x69FC;
	[tilespmem:s28+$0xFFFFFFB0] =	vst v1  }
.LBB2_24:
0x103: {  	s29 =	sadd.s32 $0x8, s29;
	[tilespmem:s28+$0xFFFFFFA0] =	vst v1;
	s28 =	sadd.s32 $0x80, s28  }
0x104: {  	[tilespmem:s28+$0xFFFFFF90] =	vst v1;
	p1 =	slt.u32 s29, $0x38  }
0x105: {  	[tilespmem:s28+$0x0] =	vst v1  }
.Ltmp11:
0x106: {  	[tilespmem:s28+$0xFFFFFFF0] =	vst v1;
	(pc) =	sbr.rel @p1 .LBB2_24-.Ltmp11, $4  }
0x107: {  	[tilespmem:s28+$0xFFFFFFE0] =	vst v1  }
0x108: {  	[tilespmem:s28+$0xFFFFFFD0] =	vst v1  }
0x109: {  	[tilespmem:s28+$0xFFFFFFC0] =	vst v1  }
0x10a: {  	[tilespmem:s28+$0xFFFFFFB0] =	vst v1  }
0x10b: {  	[tilespmem:s28+$0xFFFFFFA0] =	vst v1  }
0x10c: {  	[tilespmem:s26+$0xFFFFFF90] =	vst v1  }
0x10d: {  	[tilespmem:s26+$0x0] =	vst v1  }
0x10e: {  	[tilespmem:s26+$0xFFFFFFF0] =	vst v1  }
0x10f: {  	[tilespmem:s26+$0xFFFFFFE0] =	vst v1  }
0x110: {  	[tilespmem:s26+$0xFFFFFFD0] =	vst v1  }
0x111: {  	[tilespmem:s26+$0xFFFFFFC0] =	vst v1  }
0x112: {  	s29 =	simm.s32 $0x0;
	[tilespmem:s26+$0xFFFFFFB0] =	vst v1  }
.LBB2_26:
0x113: {  	s29 =	sadd.s32 $0x8, s29;
	[tilespmem:s26+$0xFFFFFFA0] =	vst v1;
	s26 =	sadd.s32 $0x80, s26;
	s28 =	simm.s32 $0x721D  }
0x114: {  	[tilespmem:s26+$0xFFFFFF90] =	vst v1;
	p1 =	slt.u32 s29, $0x38  }
0x115: {  	[tilespmem:s26+$0x0] =	vst v1  }
.Ltmp12:
0x116: {  	[tilespmem:s26+$0xFFFFFFF0] =	vst v1;
	(pc) =	sbr.rel @p1 .LBB2_26-.Ltmp12, $4  }
0x117: {  	[tilespmem:s26+$0xFFFFFFE0] =	vst v1  }
0x118: {  	[tilespmem:s26+$0xFFFFFFD0] =	vst v1  }
0x119: {  	[tilespmem:s26+$0xFFFFFFC0] =	vst v1  }
0x11a: {  	[tilespmem:s26+$0xFFFFFFB0] =	vst v1  }
0x11b: {  	[tilespmem:s26+$0xFFFFFFA0] =	vst v1  }
0x11c: {  	[tilespmem:s28+$0xFFFFFF90] =	vst v1  }
0x11d: {  	[tilespmem:s28+$0x0] =	vst v1  }
0x11e: {  	[tilespmem:s28+$0xFFFFFFF0] =	vst v1  }
0x11f: {  	[tilespmem:s28+$0xFFFFFFE0] =	vst v1  }
0x120: {  	[tilespmem:s28+$0xFFFFFFD0] =	vst v1  }
0x121: {  	[tilespmem:s28+$0xFFFFFFC0] =	vst v1  }
0x122: {  	s29 =	simm.s32 $0x0;
	s26 =	simm.s32 $0x7A3E;
	[tilespmem:s28+$0xFFFFFFB0] =	vst v1  }
.LBB2_28:
0x123: {  	s29 =	sadd.s32 $0x8, s29;
	[tilespmem:s28+$0xFFFFFFA0] =	vst v1;
	s28 =	sadd.s32 $0x80, s28  }
0x124: {  	[tilespmem:s28+$0xFFFFFF90] =	vst v1;
	p1 =	slt.u32 s29, $0x38  }
0x125: {  	[tilespmem:s28+$0x0] =	vst v1  }
.Ltmp13:
0x126: {  	[tilespmem:s28+$0xFFFFFFF0] =	vst v1;
	(pc) =	sbr.rel @p1 .LBB2_28-.Ltmp13, $4  }
0x127: {  	[tilespmem:s28+$0xFFFFFFE0] =	vst v1  }
0x128: {  	[tilespmem:s28+$0xFFFFFFD0] =	vst v1  }
0x129: {  	[tilespmem:s28+$0xFFFFFFC0] =	vst v1  }
0x12a: {  	[tilespmem:s28+$0xFFFFFFB0] =	vst v1  }
0x12b: {  	[tilespmem:s28+$0xFFFFFFA0] =	vst v1  }
0x12c: {  	[tilespmem:s26+$0xFFFFFF90] =	vst v1  }
0x12d: {  	[tilespmem:s26+$0x0] =	vst v1  }
0x12e: {  	[tilespmem:s26+$0xFFFFFFF0] =	vst v1  }
0x12f: {  	[tilespmem:s26+$0xFFFFFFE0] =	vst v1  }
0x130: {  	[tilespmem:s26+$0xFFFFFFD0] =	vst v1  }
0x131: {  	[tilespmem:s26+$0xFFFFFFC0] =	vst v1  }
0x132: {  	s29 =	simm.s32 $0x0;
	[tilespmem:s26+$0xFFFFFFB0] =	vst v1  }
.LBB2_30:
0x133: {  	s29 =	sadd.s32 $0x8, s29;
	[tilespmem:s26+$0xFFFFFFA0] =	vst v1;
	s26 =	sadd.s32 $0x80, s26;
	s28 =	simm.s32 $0x825F  }
0x134: {  	[tilespmem:s26+$0xFFFFFF90] =	vst v1;
	p1 =	slt.u32 s29, $0x38  }
0x135: {  	[tilespmem:s26+$0x0] =	vst v1  }
.Ltmp14:
0x136: {  	[tilespmem:s26+$0xFFFFFFF0] =	vst v1;
	(pc) =	sbr.rel @p1 .LBB2_30-.Ltmp14, $4  }
0x137: {  	[tilespmem:s26+$0xFFFFFFE0] =	vst v1  }
0x138: {  	[tilespmem:s26+$0xFFFFFFD0] =	vst v1  }
0x139: {  	[tilespmem:s26+$0xFFFFFFC0] =	vst v1  }
0x13a: {  	[tilespmem:s26+$0xFFFFFFB0] =	vst v1  }
0x13b: {  	[tilespmem:s26+$0xFFFFFFA0] =	vst v1  }
0x13c: {  	[tilespmem:s28+$0xFFFFFF90] =	vst v1  }
0x13d: {  	[tilespmem:s28+$0x0] =	vst v1  }
0x13e: {  	[tilespmem:s28+$0xFFFFFFF0] =	vst v1  }
0x13f: {  	[tilespmem:s28+$0xFFFFFFE0] =	vst v1  }
0x140: {  	[tilespmem:s28+$0xFFFFFFD0] =	vst v1  }
0x141: {  	[tilespmem:s28+$0xFFFFFFC0] =	vst v1  }
0x142: {  	s29 =	simm.s32 $0x0;
	s26 =	simm.s32 $0x8B00;
	[tilespmem:s28+$0xFFFFFFB0] =	vst v1  }
.LBB2_32:
0x143: {  	s29 =	sadd.s32 $0x8, s29;
	[tilespmem:s28+$0xFFFFFFA0] =	vst v1;
	s28 =	sadd.s32 $0x80, s28  }
0x144: {  	[tilespmem:s28+$0xFFFFFF90] =	vst v1;
	p1 =	slt.u32 s29, $0x38  }
0x145: {  	[tilespmem:s28+$0x0] =	vst v1  }
.Ltmp15:
0x146: {  	[tilespmem:s28+$0xFFFFFFF0] =	vst v1;
	(pc) =	sbr.rel @p1 .LBB2_32-.Ltmp15, $4  }
0x147: {  	[tilespmem:s28+$0xFFFFFFE0] =	vst v1  }
0x148: {  	[tilespmem:s28+$0xFFFFFFD0] =	vst v1  }
0x149: {  	[tilespmem:s28+$0xFFFFFFC0] =	vst v1  }
0x14a: {  	[tilespmem:s28+$0xFFFFFFB0] =	vst v1  }
0x14b: {  	[tilespmem:s28+$0xFFFFFFA0] =	vst v1  }
0x14c: {  	v8 =	vld [tilespmem:s26+$0xFFFFFFA0]  }
0x14d: {  	v7 =	vld [tilespmem:s26+$0xFFFFFFB0]  }
0x14e: {  	v9 =	vld [tilespmem:s26+$0xFFFFFFD0]  }
0x14f: {  	v10 =	vld [tilespmem:s26+$0xFFFFFF80]  }
0x150: {  	v11 =	vld [tilespmem:s26+$0x70]  }
0x151: {  	v12 =	vld [tilespmem:s26+$0x60]  }
0x152: {  	v13 =	vld [tilespmem:s26+$0x50]  }
0x153: {  	v14 =	vld [tilespmem:s26+$0x40]  }
0x154: {  	v15 =	vld [tilespmem:s26+$0x30];
	v10 =	vshrl.u32 v10, $0x15  }
0x155: {  	v16 =	vld [tilespmem:s26+$0x20];
	v10 =	vadd.s32 v0, v10  }
0x156: {  	v18 =	vld [tilespmem:s26+$0x0]  }
0x157: {  	v17 =	vld [tilespmem:s26+$0x10];
	v12 =	vshrl.u32 v12, $0x15  }
0x158: {  	v19 =	vld [tilespmem:s26+$0xFFFFFFF0];
	v13 =	vshrl.u32 v13, $0x15;
	v12 =	vadd.s32 v0, v12  }
0x159: {  	v20 =	vld [tilespmem:s26+$0xFFFFFFE0];
	v15 =	vshrl.u32 v15, $0x15;
	v13 =	vadd.s32 v0, v13  }
0x15a: {  	v14 =	vshrl.u32 v14, $0x15;
	[tilespmem:v10+s4+$0x0] =	vst.idx.add.s32.msk $0xffff, v2;
	v10 =	vadd.s32 v0, v15  }
0x15b: {  	v57 =	vld [tilespmem:s26+$0xFFFFFFC0];
	v18 =	vshrl.u32 v18, $0x15;
	v14 =	vadd.s32 v0, v14  }
0x15c: {  	v60 =	vld [tilespmem:s26+$0xFFFFFF90];
	v11 =	vshrl.u32 v11, $0x15;
	v59 =	vadd.s32 v0, v18  }
0x15d: {  	v9 =	vshrl.u32 v9, $0x15;
	v11 =	vadd.s32 v0, v11;
	[tilespmem:v12+s4+$0x0] =	vst.idx.add.s32.msk $0xffff, v2  }
0x15e: {  	v61 =	vshrl.u32 v20, $0x15;
	v9 =	vadd.s32 v0, v9;
	[tilespmem:v13+s4+$0x0] =	vst.idx.add.s32.msk $0xffff, v2  }
0x15f: {  	v7 =	vshrl.u32 v7, $0x15;
	[tilespmem:v10+s4+$0x0] =	vst.idx.add.s32.msk $0xffff, v2;
	v10 =	vadd.s32 v0, v61  }
0x160: {  	v56 =	vshrl.u32 v16, $0x15;
	v63 =	vadd.s32 v0, v7;
	[tilespmem:v14+s4+$0x0] =	vst.idx.add.s32.msk $0xffff, v2  }
0x161: {  	v58 =	vshrl.u32 v17, $0x15;
	v15 =	vadd.s32 v0, v56;
	[tilespmem:v59+s4+$0x0] =	vst.idx.add.s32.msk $0xffff, v2  }
0x162: {  	v62 =	vshrl.u32 v57, $0x15;
	v12 =	vadd.s32 v0, v58;
	[tilespmem:v11+s4+$0x0] =	vst.idx.add.s32.msk $0xffff, v2  }
0x163: {  	v8 =	vshrl.u32 v8, $0x15;
	v14 =	vadd.s32 v0, v62;
	[tilespmem:v9+s4+$0x0] =	vst.idx.add.s32.msk $0xffff, v2  }
0x164: {  	v9 =	vadd.s32 v0, v8;
	[tilespmem:v10+s4+$0x0] =	vst.idx.add.s32.msk $0xffff, v2;
	v10 =	vshrl.u32 v60, $0x15  }
0x165: {  	v7 =	vshrl.u32 v19, $0x15;
	[tilespmem:v63+s4+$0x0] =	vst.idx.add.s32.msk $0xffff, v2;
	v8 =	vadd.s32 v0, v10  }
0x166: {  	v7 =	vadd.s32 v0, v7;
	[tilespmem:v15+s4+$0x0] =	vst.idx.add.s32.msk $0xffff, v2  }
0x167: {  	[tilespmem:v12+s4+$0x0] =	vst.idx.add.s32.msk $0xffff, v2  }
0x168: {  	s28 =	simm.s32 $0x0;
	[tilespmem:v14+s4+$0x0] =	vst.idx.add.s32.msk $0xffff, v2  }
.LBB2_34:
0x169: {  	s28 =	sadd.s32 $0x10, s28;
	[tilespmem:v9+s4+$0x0] =	vst.idx.add.s32.msk $0xffff, v2;
	s26 =	sadd.s32 $0x100, s26  }
0x16a: {  	p1 =	slt.u32 s28, $0xFF0;
	[tilespmem:v8+s4+$0x0] =	vst.idx.add.s32.msk $0xffff, v2  }
0x16b: {  	[tilespmem:v7+s4+$0x0] =	vst.idx.add.s32.msk $0xffff, v2  }
0x16c: {  	v8 =	vld [tilespmem:s26+$0xFFFFFFA0]  }
0x16d: {  	v9 =	vld [tilespmem:s26+$0xFFFFFFB0]  }
0x16e: {  	v10 =	vld [tilespmem:s26+$0xFFFFFFD0]  }
0x16f: {  	v7 =	vld [tilespmem:s26+$0xFFFFFF80]  }
0x170: {  	v11 =	vld [tilespmem:s26+$0x70]  }
0x171: {  	v12 =	vld [tilespmem:s26+$0x60]  }
0x172: {  	v13 =	vld [tilespmem:s26+$0x50]  }
0x173: {  	v14 =	vld [tilespmem:s26+$0x40]  }
0x174: {  	v7 =	vshrl.u32 v7, $0x15;
	v15 =	vld [tilespmem:s26+$0x30]  }
0x175: {  	v7 =	vadd.s32 v0, v7;
	v16 =	vld [tilespmem:s26+$0x20];
	v11 =	vshrl.u32 v11, $0x15  }
0x176: {  	v17 =	vld [tilespmem:s26+$0x10];
	v12 =	vshrl.u32 v12, $0x15  }
0x177: {  	v18 =	vld [tilespmem:s26+$0x0];
	v13 =	vshrl.u32 v13, $0x15;
	v12 =	vadd.s32 v0, v12  }
0x178: {  	v19 =	vld [tilespmem:s26+$0xFFFFFFF0];
	v14 =	vshrl.u32 v14, $0x15;
	v13 =	vadd.s32 v0, v13  }
0x179: {  	v20 =	vld [tilespmem:s26+$0xFFFFFFE0];
	v15 =	vshrl.u32 v15, $0x15  }
0x17a: {  	[tilespmem:v7+s4+$0x0] =	vst.idx.add.s32.msk $0xffff, v2;
	v7 =	vshrl.u32 v16, $0x15;
	v15 =	vadd.s32 v0, v15  }
0x17b: {  	v14 =	vadd.s32 v0, v14;
	v16 =	vld [tilespmem:s26+$0xFFFFFFC0];
	v17 =	vshrl.u32 v17, $0x15;
	v21 =	vadd.s32 v0, v7  }
0x17c: {  	v7 =	vshrl.u32 v18, $0x15;
	v17 =	vadd.s32 v0, v17;
	[tilespmem:v12+s4+$0x0] =	vst.idx.add.s32.msk $0xffff, v2  }
0x17d: {  	v12 =	vshrl.u32 v19, $0x15;
	v18 =	vadd.s32 v0, v7;
	[tilespmem:v13+s4+$0x0] =	vst.idx.add.s32.msk $0xffff, v2  }
0x17e: {  	v11 =	vadd.s32 v0, v11;
	v13 =	vld [tilespmem:s26+$0xFFFFFF90];
	v19 =	vshrl.u32 v20, $0x15;
	v7 =	vadd.s32 v0, v12  }
0x17f: {  	v10 =	vshrl.u32 v10, $0x15;
	v12 =	vadd.s32 v0, v19;
	[tilespmem:v15+s4+$0x0] =	vst.idx.add.s32.msk $0xffff, v2  }
0x180: {  	v10 =	vadd.s32 v0, v10;
	v15 =	vshrl.u32 v16, $0x15;
	[tilespmem:v14+s4+$0x0] =	vst.idx.add.s32.msk $0xffff, v2  }
0x181: {  	v9 =	vshrl.u32 v9, $0x15;
	v14 =	vadd.s32 v0, v15;
	[tilespmem:v21+s4+$0x0] =	vst.idx.add.s32.msk $0xffff, v2  }
0x182: {  	v8 =	vshrl.u32 v8, $0x15;
	v15 =	vadd.s32 v0, v9;
	[tilespmem:v18+s4+$0x0] =	vst.idx.add.s32.msk $0xffff, v2  }
0x183: {  	v9 =	vadd.s32 v0, v8;
	v13 =	vshrl.u32 v13, $0x15;
	[tilespmem:v17+s4+$0x0] =	vst.idx.add.s32.msk $0xffff, v2  }
.Ltmp16:
0x184: {  	v8 =	vadd.s32 v0, v13;
	[tilespmem:v11+s4+$0x0] =	vst.idx.add.s32.msk $0xffff, v2;
	(pc) =	sbr.rel @p1 .LBB2_34-.Ltmp16, $4  }
0x185: {  	[tilespmem:v12+s4+$0x0] =	vst.idx.add.s32.msk $0xffff, v2  }
0x186: {  	[tilespmem:v10+s4+$0x0] =	vst.idx.add.s32.msk $0xffff, v2  }
0x187: {  	[tilespmem:v14+s4+$0x0] =	vst.idx.add.s32.msk $0xffff, v2  }
0x188: {  	[tilespmem:v15+s4+$0x0] =	vst.idx.add.s32.msk $0xffff, v2  }
0x189: {  	_ =	sdelay $0x3  }
0x18a: {  	[tilespmem:v9+s4+$0x0] =	vst.idx.add.s32.msk $0xffff, v2  }
0x18b: {  	[tilespmem:v8+s4+$0x0] =	vst.idx.add.s32.msk $0xffff, v2  }
0x18c: {  	[tilespmem:v7+s4+$0x0] =	vst.idx.add.s32.msk $0xffff, v2;
	s26 =	simm.s32 $0x0  }
0x18d: {  	v7 =	vld [tilespmem:s26+$0x830]  }
0x18e: {  	v8 =	vld [tilespmem:s26+$0x1051]  }
0x18f: {  	v9 =	vld [tilespmem:s26+$0x1872]  }
0x190: {  	v10 =	vld [tilespmem:s26+$0x2093]  }
0x191: {  	v11 =	vld [tilespmem:s26+$0x28B4]  }
0x192: {  	v12 =	vld [tilespmem:s26+$0x30D5]  }
0x193: {  	v13 =	vld [tilespmem:s26+$0x38F6]  }
0x194: {  	v14 =	vld [tilespmem:s26+$0x4117]  }
0x195: {  	v15 =	vld [tilespmem:s26+$0x4938]  }
0x196: {  	v16 =	vld [tilespmem:s26+$0x5159]  }
0x197: {  	v17 =	vld [tilespmem:s26+$0x597A]  }
0x198: {  	v18 =	vld [tilespmem:s26+$0x619B]  }
0x199: {  	v19 =	vld [tilespmem:s26+$0x69BC]  }
0x19a: {  	v20 =	vld [tilespmem:s26+$0x71DD]  }
0x19b: {  	v21 =	vld [tilespmem:s26+$0x79FE]  }
0x19c: {  	v22 =	vld [tilespmem:s26+$0x821F]  }
0x19d: {  	v23 =	vld [tilespmem:s26+$0x800]  }
0x19e: {  	v24 =	vld [tilespmem:s26+$0x1021]  }
0x19f: {  	v25 =	vld [tilespmem:s26+$0x810]  }
0x1a0: {  	v26 =	vld [tilespmem:s26+$0x1031]  }
0x1a1: {  	v27 =	vld [tilespmem:s26+$0x820]  }
0x1a2: {  	v28 =	vld [tilespmem:s26+$0x1041]  }
0x1a3: {  	v29 =	vld [tilespmem:s26+$0x1842]  }
0x1a4: {  	v30 =	vld [tilespmem:s26+$0x1852]  }
0x1a5: {  	v31 =	vld [tilespmem:s26+$0x1862]  }
0x1a6: {  	v32 =	vld [tilespmem:s26+$0x2063]  }
0x1a7: {  	v33 =	vld [tilespmem:s26+$0x2073]  }
0x1a8: {  	v34 =	vld [tilespmem:s26+$0x2083]  }
0x1a9: {  	v35 =	vld [tilespmem:s26+$0x2884]  }
0x1aa: {  	v36 =	vld [tilespmem:s26+$0x2894]  }
0x1ab: {  	v37 =	vld [tilespmem:s26+$0x28A4]  }
0x1ac: {  	v38 =	vld [tilespmem:s26+$0x30A5]  }
0x1ad: {  	v39 =	vld [tilespmem:s26+$0x30B5]  }
0x1ae: {  	v40 =	vld [tilespmem:s26+$0x30C5]  }
0x1af: {  	v41 =	vld [tilespmem:s26+$0x38C6]  }
0x1b0: {  	v48 =	vld [tilespmem:s26+$0x5129]  }
0x1b1: {  	v49 =	vld [tilespmem:s26+$0x5139];
	v7 =	vadd.s32 v7, v8  }
0x1b2: {  	v50 =	vld [tilespmem:s26+$0x5149];
	v7 =	vadd.s32 v9, v7  }
0x1b3: {  	v51 =	vld [tilespmem:s26+$0x594A];
	v7 =	vadd.s32 v10, v7  }
0x1b4: {  	v52 =	vld [tilespmem:s26+$0x595A];
	v7 =	vadd.s32 v11, v7  }
0x1b5: {  	v53 =	vld [tilespmem:s26+$0x596A];
	v7 =	vadd.s32 v12, v7  }
0x1b6: {  	v42 =	vld [tilespmem:s26+$0x616B];
	v7 =	vadd.s32 v13, v7  }
0x1b7: {  	v56 =	vld [tilespmem:s26+$0x617B];
	v7 =	vadd.s32 v14, v7  }
0x1b8: {  	v57 =	vld [tilespmem:s26+$0x618B];
	v7 =	vadd.s32 v15, v7  }
0x1b9: {  	v58 =	vld [tilespmem:s26+$0x698C];
	v7 =	vadd.s32 v16, v7  }
0x1ba: {  	v8 =	vld [tilespmem:s26+$0x38D6];
	v7 =	vadd.s32 v17, v7  }
0x1bb: {  	v9 =	vld [tilespmem:s26+$0x38E6];
	v7 =	vadd.s32 v18, v7  }
0x1bc: {  	v10 =	vld [tilespmem:s26+$0x40E7];
	v7 =	vadd.s32 v19, v7  }
0x1bd: {  	v11 =	vld [tilespmem:s26+$0x40F7];
	v7 =	vadd.s32 v20, v7  }
0x1be: {  	v54 =	vadd.s32 v25, v26;
	v12 =	vld [tilespmem:s26+$0x4107];
	v7 =	vadd.s32 v21, v7  }
0x1bf: {  	v55 =	vadd.s32 v27, v28;
	v13 =	vld [tilespmem:s26+$0x4908];
	v22 =	vadd.s32 v22, v7;
	v7 =	vadd.s32 v23, v24  }
0x1c0: {  	v14 =	vld [tilespmem:s26+$0x4918];
	v23 =	vadd.s32 v30, v54;
	v24 =	vadd.s32 v31, v55;
	v7 =	vadd.s32 v29, v7  }
0x1c1: {  	v15 =	vld [tilespmem:s26+$0x4928];
	v23 =	vadd.s32 v33, v23;
	v24 =	vadd.s32 v34, v24;
	v7 =	vadd.s32 v32, v7  }
0x1c2: {  	v59 =	vld [tilespmem:s26+$0x699C];
	v23 =	vadd.s32 v36, v23;
	v24 =	vadd.s32 v37, v24;
	v7 =	vadd.s32 v35, v7  }
0x1c3: {  	v60 =	vld [tilespmem:s26+$0x69AC];
	v23 =	vadd.s32 v39, v23;
	v24 =	vadd.s32 v40, v24;
	v7 =	vadd.s32 v38, v7  }
0x1c4: {  	v61 =	vld [tilespmem:s26+$0x71AD];
	v8 =	vadd.s32 v8, v23;
	v9 =	vadd.s32 v9, v24;
	v7 =	vadd.s32 v41, v7  }
0x1c5: {  	v8 =	vadd.s32 v11, v8;
	v9 =	vadd.s32 v12, v9;
	v11 =	vld [tilespmem:s26+$0x71BD];
	v7 =	vadd.s32 v10, v7  }
0x1c6: {  	v12 =	vld [tilespmem:s26+$0x71CD];
	v8 =	vadd.s32 v14, v8;
	v9 =	vadd.s32 v15, v9;
	v7 =	vadd.s32 v13, v7  }
0x1c7: {  	v8 =	vadd.s32 v49, v8;
	v9 =	vadd.s32 v50, v9;
	v10 =	vadd.s32 v48, v7;
	v7 =	vld [tilespmem:s26+$0x79CE]  }
0x1c8: {  	v13 =	vadd.s32 v52, v8;
	v9 =	vadd.s32 v53, v9;
	v8 =	vld [tilespmem:s26+$0x79DE];
	v10 =	vadd.s32 v51, v10  }
0x1c9: {  	v13 =	vadd.s32 v56, v13;
	v14 =	vadd.s32 v57, v9;
	v9 =	vld [tilespmem:s26+$0x79EE];
	v10 =	vadd.s32 v42, v10  }
0x1ca: {  	v62 =	vadd.s32 v59, v13;
	v63 =	vadd.s32 v60, v14;
	v15 =	vadd.s32 v58, v10;
	v10 =	vld [tilespmem:s26+$0x81EF]  }
0x1cb: {  	s28 =	simm.s32 $0x0;
	s29 =	simm.s32 $0x100;
	[tilespmem:s26+$0x18B30] =	vst v22;
	v14 =	vadd.s32 v11, v62;
	v11 =	vld [tilespmem:s26+$0x81FF];
	v12 =	vadd.s32 v12, v63;
	v13 =	vadd.s32 v61, v15  }
.LBB2_36:
0x1cc: {  	s30 =	sshra.s32 s29, $0x2;
	v7 =	vadd.s32 v7, v13;
	v13 =	vld [tilespmem:s26+$0x820F]  }
0x1cd: {  	s28 =	sadd.s32 $0x4, s28;
	v15 =	vld [tilespmem:s30+$0x830];
	v8 =	vadd.s32 v8, v14  }
0x1ce: {  	p1 =	slt.u32 s28, $0x3C;
	v14 =	vld [tilespmem:s30+$0x1051];
	v9 =	vadd.s32 v9, v12  }
0x1cf: {  	v12 =	vld [tilespmem:s30+$0x1872];
	v7 =	vadd.s32 v10, v7  }
0x1d0: {  	v10 =	vld [tilespmem:s30+$0x2093];
	[tilespmem:s26+$0x18B00] =	vst v7;
	v7 =	vadd.s32 v11, v8  }
0x1d1: {  	v8 =	vld [tilespmem:s30+$0x28B4];
	[tilespmem:s26+$0x18B10] =	vst v7;
	v7 =	vadd.s32 v13, v9  }
0x1d2: {  	v9 =	vld [tilespmem:s30+$0x30D5];
	[tilespmem:s26+$0x18B20] =	vst v7;
	s26 =	smov.u32 s30  }
0x1d3: {  	v7 =	vadd.s32 v15, v14;
	v11 =	vld [tilespmem:s26+$0x38F6]  }
0x1d4: {  	v7 =	vadd.s32 v12, v7;
	v12 =	vld [tilespmem:s26+$0x4117]  }
0x1d5: {  	v7 =	vadd.s32 v10, v7;
	v10 =	vld [tilespmem:s26+$0x4938]  }
0x1d6: {  	v7 =	vadd.s32 v8, v7;
	v8 =	vld [tilespmem:s26+$0x5159]  }
0x1d7: {  	v7 =	vadd.s32 v9, v7;
	v9 =	vld [tilespmem:s26+$0x597A]  }
0x1d8: {  	v7 =	vadd.s32 v11, v7;
	v11 =	vld [tilespmem:s26+$0x619B]  }
0x1d9: {  	v7 =	vadd.s32 v12, v7;
	v12 =	vld [tilespmem:s26+$0x69BC]  }
0x1da: {  	v7 =	vadd.s32 v10, v7;
	v10 =	vld [tilespmem:s26+$0x71DD]  }
0x1db: {  	v7 =	vadd.s32 v8, v7;
	v8 =	vld [tilespmem:s26+$0x79FE]  }
0x1dc: {  	v7 =	vadd.s32 v9, v7;
	v9 =	vld [tilespmem:s26+$0x821F]  }
0x1dd: {  	v13 =	vld [tilespmem:s26+$0x800];
	v7 =	vadd.s32 v11, v7  }
0x1de: {  	v11 =	vld [tilespmem:s26+$0x1021];
	v7 =	vadd.s32 v12, v7  }
0x1df: {  	v12 =	vld [tilespmem:s26+$0x810];
	v7 =	vadd.s32 v10, v7  }
0x1e0: {  	v10 =	vld [tilespmem:s26+$0x1031];
	v7 =	vadd.s32 v8, v7  }
0x1e1: {  	v8 =	vld [tilespmem:s26+$0x820];
	v7 =	vadd.s32 v9, v7  }
0x1e2: {  	v9 =	vld [tilespmem:s26+$0x1041];
	[tilespmem:s26+$0x18B30] =	vst v7  }
0x1e3: {  	v7 =	vadd.s32 v13, v11;
	v11 =	vld [tilespmem:s26+$0x1842]  }
0x1e4: {  	v13 =	vld [tilespmem:s26+$0x1852]  }
0x1e5: {  	v10 =	vadd.s32 v12, v10;
	v12 =	vld [tilespmem:s26+$0x1862]  }
0x1e6: {  	v14 =	vld [tilespmem:s26+$0x2063]  }
0x1e7: {  	v15 =	vld [tilespmem:s26+$0x2073];
	v8 =	vadd.s32 v8, v9  }
0x1e8: {  	v7 =	vadd.s32 v11, v7;
	v9 =	vld [tilespmem:s26+$0x2083]  }
0x1e9: {  	v11 =	vld [tilespmem:s26+$0x2884];
	v10 =	vadd.s32 v13, v10  }
0x1ea: {  	v13 =	vld [tilespmem:s26+$0x2894];
	v8 =	vadd.s32 v12, v8  }
0x1eb: {  	v7 =	vadd.s32 v14, v7;
	v12 =	vld [tilespmem:s26+$0x28A4]  }
0x1ec: {  	v14 =	vld [tilespmem:s26+$0x30A5];
	v10 =	vadd.s32 v15, v10  }
0x1ed: {  	v15 =	vld [tilespmem:s26+$0x30B5];
	v8 =	vadd.s32 v9, v8  }
0x1ee: {  	v7 =	vadd.s32 v11, v7;
	v9 =	vld [tilespmem:s26+$0x30C5]  }
0x1ef: {  	v11 =	vld [tilespmem:s26+$0x38C6];
	v10 =	vadd.s32 v13, v10  }
0x1f0: {  	v13 =	vld [tilespmem:s26+$0x38D6];
	v8 =	vadd.s32 v12, v8  }
0x1f1: {  	v7 =	vadd.s32 v14, v7;
	v12 =	vld [tilespmem:s26+$0x38E6]  }
0x1f2: {  	v14 =	vld [tilespmem:s26+$0x40E7];
	v10 =	vadd.s32 v15, v10  }
0x1f3: {  	v15 =	vld [tilespmem:s26+$0x40F7];
	v8 =	vadd.s32 v9, v8  }
0x1f4: {  	v7 =	vadd.s32 v11, v7;
	v9 =	vld [tilespmem:s26+$0x4107]  }
0x1f5: {  	v11 =	vld [tilespmem:s26+$0x4908];
	v10 =	vadd.s32 v13, v10  }
0x1f6: {  	v13 =	vld [tilespmem:s26+$0x4918];
	v8 =	vadd.s32 v12, v8  }
0x1f7: {  	v7 =	vadd.s32 v14, v7;
	v12 =	vld [tilespmem:s26+$0x4928]  }
0x1f8: {  	v14 =	vld [tilespmem:s26+$0x5129];
	v10 =	vadd.s32 v15, v10  }
0x1f9: {  	v15 =	vld [tilespmem:s26+$0x5139];
	v8 =	vadd.s32 v9, v8  }
0x1fa: {  	v7 =	vadd.s32 v11, v7;
	v9 =	vld [tilespmem:s26+$0x5149]  }
0x1fb: {  	v11 =	vld [tilespmem:s26+$0x594A];
	v10 =	vadd.s32 v13, v10  }
0x1fc: {  	v13 =	vld [tilespmem:s26+$0x595A];
	v8 =	vadd.s32 v12, v8  }
0x1fd: {  	v7 =	vadd.s32 v14, v7;
	v12 =	vld [tilespmem:s26+$0x596A]  }
0x1fe: {  	v14 =	vld [tilespmem:s26+$0x616B];
	v10 =	vadd.s32 v15, v10  }
0x1ff: {  	v15 =	vld [tilespmem:s26+$0x617B];
	v8 =	vadd.s32 v9, v8  }
0x200: {  	v7 =	vadd.s32 v11, v7;
	v9 =	vld [tilespmem:s26+$0x618B]  }
0x201: {  	v11 =	vld [tilespmem:s26+$0x698C];
	v10 =	vadd.s32 v13, v10  }
0x202: {  	v13 =	vld [tilespmem:s26+$0x699C];
	v8 =	vadd.s32 v12, v8  }
0x203: {  	v7 =	vadd.s32 v14, v7;
	v12 =	vld [tilespmem:s26+$0x69AC]  }
0x204: {  	v14 =	vld [tilespmem:s26+$0x71AD];
	v10 =	vadd.s32 v15, v10  }
0x205: {  	v15 =	vld [tilespmem:s26+$0x71BD];
	v9 =	vadd.s32 v9, v8  }
0x206: {  	v11 =	vadd.s32 v11, v7;
	v16 =	vld [tilespmem:s26+$0x71CD]  }
.Ltmp17:
0x207: {  	v7 =	vld [tilespmem:s26+$0x79CE];
	v17 =	vadd.s32 v13, v10;
	(pc) =	sbr.rel @p1 .LBB2_36-.Ltmp17, $4  }
0x208: {  	v8 =	vld [tilespmem:s26+$0x79DE];
	v12 =	vadd.s32 v12, v9  }
0x209: {  	v13 =	vadd.s32 v14, v11;
	v9 =	vld [tilespmem:s26+$0x79EE]  }
0x20a: {  	v10 =	vld [tilespmem:s26+$0x81EF];
	v14 =	vadd.s32 v15, v17  }
0x20b: {  	s29 =	sadd.s32 $0x100, s29;
	v11 =	vld [tilespmem:s26+$0x81FF];
	v12 =	vadd.s32 v16, v12  }
0x20c: {  	v15 =	vld [tilespmem:s26+$0x820F];
	_ =	sdelay $0x1  }
0x20d: {  	v7 =	vadd.s32 v7, v13  }
0x20e: {  	v8 =	vadd.s32 v8, v14;
	v7 =	vadd.s32 v10, v7  }
0x20f: {  	v9 =	vadd.s32 v9, v12;
	[tilespmem:s26+$0x18B00] =	vst v7;
	v7 =	vadd.s32 v11, v8  }
0x210: {  	[tilespmem:s26+$0x18B10] =	vst v7;
	v7 =	vadd.s32 v15, v9  }
0x211: {  	[tilespmem:s26+$0x18B20] =	vst v7  }
0x212: {  	s26 =	rddreg [dreg:$0xa]  }
0x213: {  	[spmem:s26] =	stream.linear.scatter [tilespmem:s5], [sflag:$0x1], $0x400, $0x38;
	[tilespmem:$0x1A480] =	vst v63  }
0x214: {  	_ =	swait.ge [sflag:s3], $0x400  }
0x215: {  	[sflag:s3] =	ssyncset.done $0x0  }
0x216: {  	[sflag:s3] =	ssyncadd.s32 $0xFFFFFC00  }
0x217: {  	[bflag:$0x0] =	sbarrier.arrive $0xFFFF  }
0x218: {  	s30 =	rddreg [dreg:$0xb]  }
0x219: {  	[tilespmem:s4], [sflag:$0x1] =	stream.linear.gather [spmem:s30], $0x40, $0x38;
	[tilespmem:$0x1A480] =	vst v63  }
0x21a: {  	_ =	swait.ge [sflag:s3], $0x40  }
0x21b: {  	[sflag:s3] =	ssyncset.done $0x0  }
0x21c: {  	s30 =	rddreg [dreg:$0xc];
	[sflag:s3] =	ssyncadd.s32 $0xFFFFFFC0  }
0x21d: {  	[tilespmem:s6], [sflag:$0x1] =	stream.linear.gather [spmem:s30], $0x40, $0x38;
	[tilespmem:$0x1A480] =	vst v63  }
0x21e: {  	_ =	swait.ge [sflag:s3], $0x40  }
0x21f: {  	[sflag:s3] =	ssyncset.done $0x0  }
0x220: {  	s30 =	rddreg [dreg:$0xd];
	[sflag:s3] =	ssyncadd.s32 $0xFFFFFFC0  }
0x221: {  	[tilespmem:s7], [sflag:$0x1] =	stream.linear.gather [spmem:s30], $0x40, $0x38;
	[tilespmem:$0x1A480] =	vst v63  }
0x222: {  	_ =	swait.ge [sflag:s3], $0x40  }
0x223: {  	[sflag:s3] =	ssyncset.done $0x0  }
0x224: {  	s30 =	rddreg [dreg:$0xe];
	[sflag:s3] =	ssyncadd.s32 $0xFFFFFFC0  }
0x225: {  	[tilespmem:s8], [sflag:$0x1] =	stream.linear.gather [spmem:s30], $0x40, $0x38;
	[tilespmem:$0x1A480] =	vst v63  }
0x226: {  	_ =	swait.ge [sflag:s3], $0x40  }
0x227: {  	[sflag:s3] =	ssyncset.done $0x0  }
0x228: {  	s30 =	rddreg [dreg:$0xf];
	[sflag:s3] =	ssyncadd.s32 $0xFFFFFFC0  }
0x229: {  	[tilespmem:s9], [sflag:$0x1] =	stream.linear.gather [spmem:s30], $0x40, $0x38;
	[tilespmem:$0x1A480] =	vst v63  }
0x22a: {  	_ =	swait.ge [sflag:s3], $0x40  }
0x22b: {  	[sflag:s3] =	ssyncset.done $0x0  }
0x22c: {  	s30 =	rddreg [dreg:$0x10];
	[sflag:s3] =	ssyncadd.s32 $0xFFFFFFC0  }
0x22d: {  	[tilespmem:s10], [sflag:$0x1] =	stream.linear.gather [spmem:s30], $0x40, $0x38;
	[tilespmem:$0x1A480] =	vst v63  }
0x22e: {  	_ =	swait.ge [sflag:s3], $0x40  }
0x22f: {  	[sflag:s3] =	ssyncset.done $0x0  }
0x230: {  	s30 =	rddreg [dreg:$0x11];
	[sflag:s3] =	ssyncadd.s32 $0xFFFFFFC0  }
0x231: {  	[tilespmem:s11], [sflag:$0x1] =	stream.linear.gather [spmem:s30], $0x40, $0x38;
	[tilespmem:$0x1A480] =	vst v63  }
0x232: {  	_ =	swait.ge [sflag:s3], $0x40  }
0x233: {  	[sflag:s3] =	ssyncset.done $0x0  }
0x234: {  	s30 =	rddreg [dreg:$0x12];
	[sflag:s3] =	ssyncadd.s32 $0xFFFFFFC0  }
0x235: {  	[tilespmem:s13], [sflag:$0x1] =	stream.linear.gather [spmem:s30], $0x40, $0x38;
	[tilespmem:$0x1A480] =	vst v63  }
0x236: {  	_ =	swait.ge [sflag:s3], $0x40  }
0x237: {  	[sflag:s3] =	ssyncset.done $0x0  }
0x238: {  	s30 =	rddreg [dreg:$0x13];
	[sflag:s3] =	ssyncadd.s32 $0xFFFFFFC0  }
0x239: {  	[tilespmem:s15], [sflag:$0x1] =	stream.linear.gather [spmem:s30], $0x40, $0x38;
	[tilespmem:$0x1A480] =	vst v63  }
0x23a: {  	_ =	swait.ge [sflag:s3], $0x40  }
0x23b: {  	[sflag:s3] =	ssyncset.done $0x0  }
0x23c: {  	s30 =	rddreg [dreg:$0x14];
	[sflag:s3] =	ssyncadd.s32 $0xFFFFFFC0  }
0x23d: {  	[tilespmem:s16], [sflag:$0x1] =	stream.linear.gather [spmem:s30], $0x40, $0x38;
	[tilespmem:$0x1A480] =	vst v63  }
0x23e: {  	_ =	swait.ge [sflag:s3], $0x40  }
0x23f: {  	[sflag:s3] =	ssyncset.done $0x0  }
0x240: {  	s30 =	rddreg [dreg:$0x15];
	[sflag:s3] =	ssyncadd.s32 $0xFFFFFFC0  }
0x241: {  	[tilespmem:s17], [sflag:$0x1] =	stream.linear.gather [spmem:s30], $0x40, $0x38;
	[tilespmem:$0x1A480] =	vst v63  }
0x242: {  	_ =	swait.ge [sflag:s3], $0x40  }
0x243: {  	[sflag:s3] =	ssyncset.done $0x0  }
0x244: {  	s30 =	rddreg [dreg:$0x16];
	[sflag:s3] =	ssyncadd.s32 $0xFFFFFFC0  }
0x245: {  	[tilespmem:s18], [sflag:$0x1] =	stream.linear.gather [spmem:s30], $0x40, $0x38;
	[tilespmem:$0x1A480] =	vst v63  }
0x246: {  	_ =	swait.ge [sflag:s3], $0x40  }
0x247: {  	[sflag:s3] =	ssyncset.done $0x0  }
0x248: {  	s30 =	rddreg [dreg:$0x17];
	[sflag:s3] =	ssyncadd.s32 $0xFFFFFFC0  }
0x249: {  	[tilespmem:s19], [sflag:$0x1] =	stream.linear.gather [spmem:s30], $0x40, $0x38;
	[tilespmem:$0x1A480] =	vst v63  }
0x24a: {  	_ =	swait.ge [sflag:s3], $0x40  }
0x24b: {  	[sflag:s3] =	ssyncset.done $0x0  }
0x24c: {  	s30 =	rddreg [dreg:$0x18];
	[sflag:s3] =	ssyncadd.s32 $0xFFFFFFC0  }
0x24d: {  	[tilespmem:s20], [sflag:$0x1] =	stream.linear.gather [spmem:s30], $0x40, $0x38;
	[tilespmem:$0x1A480] =	vst v63  }
0x24e: {  	_ =	swait.ge [sflag:s3], $0x40  }
0x24f: {  	[sflag:s3] =	ssyncset.done $0x0  }
0x250: {  	s30 =	rddreg [dreg:$0x19];
	[sflag:s3] =	ssyncadd.s32 $0xFFFFFFC0  }
0x251: {  	[tilespmem:s21], [sflag:$0x1] =	stream.linear.gather [spmem:s30], $0x40, $0x38;
	[tilespmem:$0x1A480] =	vst v63  }
0x252: {  	_ =	swait.ge [sflag:s3], $0x40  }
0x253: {  	[sflag:s3] =	ssyncset.done $0x0  }
0x254: {  	s30 =	rddreg [dreg:$0x1a];
	[sflag:s3] =	ssyncadd.s32 $0xFFFFFFC0  }
0x255: {  	[tilespmem:s22], [sflag:$0x1] =	stream.linear.gather [spmem:s30], $0x40, $0x38;
	[tilespmem:$0x1A480] =	vst v63  }
0x256: {  	_ =	swait.ge [sflag:s3], $0x40  }
0x257: {  	[sflag:s3] =	ssyncset.done $0x0  }
0x258: {  	[sflag:s3] =	ssyncadd.s32 $0xFFFFFFC0  }
0x259: {  	v7 =	vld [tilespmem:$0x800]  }
0x25a: {  	v8 =	vld [tilespmem:$0x1020]  }
0x25b: {  	v9 =	vld [tilespmem:$0x1840]  }
0x25c: {  	v10 =	vld [tilespmem:$0x2060]  }
0x25d: {  	v11 =	vld [tilespmem:$0x2880]  }
0x25e: {  	v12 =	vld [tilespmem:$0x30A0]  }
0x25f: {  	v13 =	vld [tilespmem:$0x38C0]  }
0x260: {  	v14 =	vld [tilespmem:$0x40E0]  }
0x261: {  	v15 =	vld [tilespmem:$0x4900]  }
0x262: {  	v16 =	vld [tilespmem:$0x5120]  }
0x263: {  	v17 =	vld [tilespmem:$0x5940]  }
0x264: {  	v18 =	vld [tilespmem:$0x6160]  }
0x265: {  	v19 =	vld [tilespmem:$0x6980]  }
0x266: {  	v20 =	vld [tilespmem:$0x71A0]  }
0x267: {  	v21 =	vld [tilespmem:$0x79C0]  }
0x268: {  	v22 =	vld [tilespmem:$0x81E0]  }
0x269: {  	v23 =	vld [tilespmem:$0x810]  }
0x26a: {  	v24 =	vld [tilespmem:$0x1030]  }
0x26b: {  	v25 =	vld [tilespmem:$0x1850]  }
0x26c: {  	v26 =	vld [tilespmem:$0x2070]  }
0x26d: {  	v27 =	vld [tilespmem:$0x2890]  }
0x26e: {  	v28 =	vld [tilespmem:$0x30B0]  }
0x26f: {  	v29 =	vld [tilespmem:$0x38D0]  }
0x270: {  	v30 =	vld [tilespmem:$0x40F0]  }
0x271: {  	v31 =	vld [tilespmem:$0x4910]  }
0x272: {  	v32 =	vld [tilespmem:$0x5130]  }
0x273: {  	v33 =	vld [tilespmem:$0x5950]  }
0x274: {  	v34 =	vld [tilespmem:$0x6170]  }
0x275: {  	v35 =	vld [tilespmem:$0x6990]  }
0x276: {  	v36 =	vld [tilespmem:$0x71B0]  }
0x277: {  	v37 =	vld [tilespmem:$0x79D0]  }
0x278: {  	v38 =	vld [tilespmem:$0x81F0]  }
0x279: {  	v39 =	vld [tilespmem:$0x820]  }
0x27a: {  	v40 =	vld [tilespmem:$0x1040]  }
0x27b: {  	v41 =	vld [tilespmem:$0x1860]  }
0x27c: {  	v42 =	vld [tilespmem:$0x2080]  }
0x27d: {  	v43 =	vld [tilespmem:$0x28A0]  }
0x27e: {  	v44 =	vld [tilespmem:$0x30C0]  }
0x27f: {  	v45 =	vld [tilespmem:$0x38E0]  }
0x280: {  	v46 =	vld [tilespmem:$0x8200]  }
0x281: {  	v47 =	vld [tilespmem:$0x830];
	v7 =	vadd.s32 v7, v8  }
0x282: {  	v48 =	vld [tilespmem:$0x1050];
	v7 =	vadd.s32 v9, v7  }
0x283: {  	v49 =	vld [tilespmem:$0x1870];
	v7 =	vadd.s32 v10, v7  }
0x284: {  	v50 =	vld [tilespmem:$0x2090];
	v7 =	vadd.s32 v11, v7  }
0x285: {  	v52 =	vld [tilespmem:$0x28B0];
	v7 =	vadd.s32 v12, v7  }
0x286: {  	v54 =	vld [tilespmem:$0x30D0];
	v7 =	vadd.s32 v13, v7  }
0x287: {  	v55 =	vld [tilespmem:$0x38F0];
	v7 =	vadd.s32 v14, v7  }
0x288: {  	v56 =	vld [tilespmem:$0x4110];
	v7 =	vadd.s32 v15, v7  }
0x289: {  	v57 =	vld [tilespmem:$0x4930];
	v7 =	vadd.s32 v16, v7  }
0x28a: {  	v58 =	vld [tilespmem:$0x5150];
	v7 =	vadd.s32 v17, v7  }
0x28b: {  	v59 =	vld [tilespmem:$0x5970];
	v7 =	vadd.s32 v18, v7  }
0x28c: {  	v60 =	vld [tilespmem:$0x6190];
	v7 =	vadd.s32 v19, v7  }
0x28d: {  	v61 =	vld [tilespmem:$0x69B0];
	v51 =	vadd.s32 v23, v24;
	v53 =	vadd.s32 v39, v40;
	v7 =	vadd.s32 v20, v7  }
0x28e: {  	v8 =	vld [tilespmem:$0x4100];
	v17 =	vadd.s32 v47, v48;
	v7 =	vadd.s32 v21, v7;
	v21 =	vadd.s32 v25, v51  }
0x28f: {  	v9 =	vld [tilespmem:$0x4920];
	v7 =	vadd.s32 v22, v7;
	v21 =	vadd.s32 v26, v21;
	v22 =	vadd.s32 v41, v53  }
0x290: {  	v10 =	vld [tilespmem:$0x5140];
	v17 =	vadd.s32 v49, v17;
	v21 =	vadd.s32 v27, v21;
	v22 =	vadd.s32 v42, v22  }
0x291: {  	v11 =	vld [tilespmem:$0x5960];
	v17 =	vadd.s32 v50, v17;
	v21 =	vadd.s32 v28, v21;
	v22 =	vadd.s32 v43, v22  }
0x292: {  	v12 =	vld [tilespmem:$0x6180];
	v17 =	vadd.s32 v52, v17;
	v21 =	vadd.s32 v29, v21;
	v22 =	vadd.s32 v44, v22  }
0x293: {  	v13 =	vld [tilespmem:$0x69A0];
	v17 =	vadd.s32 v54, v17;
	v21 =	vadd.s32 v30, v21;
	v22 =	vadd.s32 v45, v22  }
0x294: {  	v14 =	vld [tilespmem:$0x71C0];
	v17 =	vadd.s32 v55, v17;
	v21 =	vadd.s32 v31, v21;
	v8 =	vadd.s32 v8, v22  }
0x295: {  	v15 =	vld [tilespmem:$0x79E0];
	v21 =	vadd.s32 v32, v21;
	v8 =	vadd.s32 v9, v8;
	v9 =	vadd.s32 v56, v17  }
0x296: {  	v62 =	vadd.s32 v33, v21;
	v8 =	vadd.s32 v10, v8;
	v9 =	vadd.s32 v57, v9;
	v10 =	vld [tilespmem:$0x71D0]  }
0x297: {  	v19 =	vadd.s32 v34, v62;
	v8 =	vadd.s32 v11, v8;
	v9 =	vadd.s32 v58, v9;
	v11 =	vld [tilespmem:$0x79F0]  }
0x298: {  	v19 =	vadd.s32 v35, v19;
	v8 =	vadd.s32 v12, v8;
	v9 =	vadd.s32 v59, v9;
	v12 =	vld [tilespmem:$0x8210]  }
0x299: {  	v19 =	vadd.s32 v36, v19;
	v8 =	vadd.s32 v13, v8;
	v9 =	vadd.s32 v60, v9  }
0x29a: {  	v13 =	vadd.s32 v37, v19;
	v8 =	vadd.s32 v14, v8;
	v9 =	vadd.s32 v61, v9  }
0x29b: {  	[tilespmem:$0x18B00] =	vst v7;
	v7 =	vadd.s32 v38, v13;
	v8 =	vadd.s32 v15, v8;
	v9 =	vadd.s32 v10, v9  }
0x29c: {  	[tilespmem:$0x18B10] =	vst v7;
	v7 =	vadd.s32 v46, v8;
	v8 =	vadd.s32 v11, v9  }
0x29d: {  	[tilespmem:$0x18B20] =	vst v7;
	v7 =	vadd.s32 v12, v8  }
0x29e: {  	[tilespmem:$0x18B30] =	vst v7  }
0x29f: {  	[spmem:s12] =	stream.linear.scatter [tilespmem:s5], [sflag:$0x1], $0x40, $0x38;
	[tilespmem:$0x1A480] =	vst v63  }
0x2a0: {  	_ =	swait.ge [sflag:s3], $0x40  }
0x2a1: {  	[sflag:s3] =	ssyncset.done $0x0  }
0x2a2: {  	[sflag:s3] =	ssyncadd.s32 $0xFFFFFFC0  }
0x2a3: {  	[bflag:$0x0] =	sbarrier.arrive $0xFFFF  }
0x2a4: {  	[tilespmem:s2], [sflag:$0x1] =	stream.linear.gather [spmem:s1], $0x400, $0x38;
	[tilespmem:$0x1A480] =	vst v63  }
0x2a5: {  	_ =	swait.ge [sflag:s3], $0x400  }
0x2a6: {  	[sflag:s3] =	ssyncset.done $0x0  }
0x2a7: {  	s30 =	simm.s32 $0x40;
	[sflag:s3] =	ssyncadd.s32 $0xFFFFFC00  }
0x2a8: {  	v7 =	vld [tilespmem:s30+$0x30]  }
0x2a9: {  	v8 =	vld [tilespmem:s30+$0xFFFFFFD0]  }
0x2aa: {  	v9 =	vld [tilespmem:s30+$0xFFFFFFE0]  }
0x2ab: {  	v10 =	vld [tilespmem:s30+$0xFFFFFFF0]  }
0x2ac: {  	v11 =	vld [tilespmem:s30+$0x0]  }
0x2ad: {  	v12 =	vld [tilespmem:s30+$0x10];
	(xrf0) =	vadd.scan.msk.s32 $0xffff, v7  }
0x2ae: {  	v13 =	vld [tilespmem:s30+$0x20];
	(xrf0) =	vadd.scan.msk.s32 $0xffff, v8  }
0x2af: {  	s29 =	simm.s32 $0xC0;
	v14 =	vld [tilespmem:s30+$0xFFFFFFC0];
	(xrf0) =	vadd.scan.msk.s32 $0xffff, v9  }
0x2b0: {  	v9 =	vld [tilespmem:s29+$0x30];
	(xrf0) =	vadd.scan.msk.s32 $0xffff, v10  }
0x2b1: {  	v15 =	vld [tilespmem:s29+$0xFFFFFFD0];
	(xrf0) =	vadd.scan.msk.s32 $0xffff, v11  }
0x2b2: {  	v63 =	vld [tilespmem:s29+$0xFFFFFFE0];
	(xrf0) =	vadd.scan.msk.s32 $0xffff, v12  }
0x2b3: {  	s26 =	simm.s32 $0x840;
	v7 =	vld [tilespmem:s29+$0xFFFFFFF0];
	(xrf0) =	vadd.scan.msk.s32 $0xffff, v13;
	v10, _, _ =	vpop (xrf0)  }
0x2b4: {  	v8 =	vld [tilespmem:s29+$0x0];
	[tilespmem:s26+$0x30] =	vst v10;
	(xrf0) =	vadd.scan.msk.s32 $0xffff, v14;
	v11, _, _ =	vpop (xrf0)  }
0x2b5: {  	v10 =	vld [tilespmem:s29+$0x10];
	(xrf0) =	vadd.scan.msk.s32 $0xffff, v9;
	[tilespmem:s26+$0xFFFFFFD0] =	vst v11;
	v9, _, _ =	vpop (xrf0)  }
0x2b6: {  	v11 =	vld [tilespmem:s29+$0x20];
	(xrf0) =	vadd.scan.msk.s32 $0xffff, v15;
	[tilespmem:s26+$0xFFFFFFE0] =	vst v9;
	v12, _, _ =	vpop (xrf0)  }
0x2b7: {  	s28 =	simm.s32 $0x8;
	v9 =	vld [tilespmem:s29+$0xFFFFFFC0];
	s29 =	simm.s32 $0x140;
	(xrf0) =	vadd.scan.msk.s32 $0xffff, v63;
	[tilespmem:s26+$0xFFFFFFF0] =	vst v12;
	v12, _, _ =	vpop (xrf0)  }
.LBB2_38:
0x2b8: {  	v13 =	vld [tilespmem:s29+$0x30];
	s28 =	sadd.s32 $0x8, s28;
	(xrf0) =	vadd.scan.msk.s32 $0xffff, v7;
	[tilespmem:s26+$0x0] =	vst v12;
	v7, _, _ =	vpop (xrf0)  }
0x2b9: {  	v12 =	vld [tilespmem:s29+$0xFFFFFFD0];
	p1 =	slt.u32 s28, $0x38;
	(xrf0) =	vadd.scan.msk.s32 $0xffff, v8;
	[tilespmem:s26+$0x10] =	vst v7;
	v7, _, _ =	vpop (xrf0)  }
0x2ba: {  	v14 =	vld [tilespmem:s29+$0xFFFFFFE0];
	(xrf0) =	vadd.scan.msk.s32 $0xffff, v10;
	[tilespmem:s26+$0x20] =	vst v7;
	v8, _, _ =	vpop (xrf0)  }
.Ltmp18:
0x2bb: {  	v7 =	vld [tilespmem:s29+$0xFFFFFFF0];
	(xrf0) =	vadd.scan.msk.s32 $0xffff, v11;
	v10, _, _ =	vpop (xrf0);
	[tilespmem:s26+$0xFFFFFFC0] =	vst v8;
	s26 =	sadd.s32 $0x80, s26;
	(pc) =	sbr.rel @p1 .LBB2_38-.Ltmp18, $4  }
0x2bc: {  	v8 =	vld [tilespmem:s29+$0x0];
	[tilespmem:s26+$0x30] =	vst v10;
	(xrf0) =	vadd.scan.msk.s32 $0xffff, v9;
	v9, _, _ =	vpop (xrf0)  }
0x2bd: {  	v10 =	vld [tilespmem:s29+$0x10];
	(xrf0) =	vadd.scan.msk.s32 $0xffff, v13;
	[tilespmem:s26+$0xFFFFFFD0] =	vst v9;
	v9, _, _ =	vpop (xrf0)  }
0x2be: {  	v11 =	vld [tilespmem:s29+$0x20];
	(xrf0) =	vadd.scan.msk.s32 $0xffff, v12;
	[tilespmem:s26+$0xFFFFFFE0] =	vst v9;
	v12, _, _ =	vpop (xrf0)  }
0x2bf: {  	v9 =	vld [tilespmem:s29+$0xFFFFFFC0];
	s29 =	sadd.s32 $0x80, s29;
	(xrf0) =	vadd.scan.msk.s32 $0xffff, v14;
	[tilespmem:s26+$0xFFFFFFF0] =	vst v12;
	v12, _, _ =	vpop (xrf0)  }
0x2c0: {  	(xrf0) =	vadd.scan.msk.s32 $0xffff, v7;
	[tilespmem:s26+$0x0] =	vst v12;
	v7, _, _ =	vpop (xrf0)  }
0x2c1: {  	(xrf0) =	vadd.scan.msk.s32 $0xffff, v8;
	[tilespmem:s26+$0x10] =	vst v7;
	v7, _, _ =	vpop (xrf0)  }
0x2c2: {  	(xrf0) =	vadd.scan.msk.s32 $0xffff, v10;
	[tilespmem:s26+$0x20] =	vst v7;
	v7, _, _ =	vpop (xrf0)  }
0x2c3: {  	s28 =	sadd.s32 $0x80, s26;
	(xrf0) =	vadd.scan.msk.s32 $0xffff, v11;
	v8, _, _ =	vpop (xrf0);
	[tilespmem:s26+$0xFFFFFFC0] =	vst v7  }
0x2c4: {  	[tilespmem:s28+$0x30] =	vst v8;
	(xrf0) =	vadd.scan.msk.s32 $0xffff, v9;
	v7, _, _ =	vpop (xrf0)  }
0x2c5: {  	[tilespmem:s28+$0xFFFFFFD0] =	vst v7;
	v7, _, _ =	vpop (xrf0)  }
0x2c6: {  	s26 =	simm.s32 $0x0;
	[tilespmem:s28+$0xFFFFFFE0] =	vst v7;
	v7, _, _ =	vpop (xrf0)  }
0x2c7: {  	p2 =	por $0x1, $0x1;
	v9 =	vor.u32 s26, v3;
	[tilespmem:s28+$0xFFFFFFF0] =	vst v7;
	v7, _, _ =	vpop (xrf0)  }
.Ltmp19:
0x2c8: {  	[tilespmem:s28+$0x0] =	vst v7;
	v7, _, _ =	vpop (xrf0);
	(pc) =	sbr.rel @!p2 .LBB2_40-.Ltmp19, $4  }
0x2c9: {  	[tilespmem:s28+$0x10] =	vst v7;
	v7, _, _ =	vpop (xrf0)  }
0x2ca: {  	[tilespmem:s28+$0x20] =	vst v7;
	v7, _, _ =	vpop (xrf0)  }
0x2cb: {  	[tilespmem:s28+$0xFFFFFFC0] =	vst v7  }
0x2cc: {  	p1 =	por $0x0, $0x0;
	v8 =	vimm.s32 $0xFFFFFFFF;
	v7 =	vimm.s32 $0x0;
	s28 =	simm.s32 $0x100;
	v10 =	vld.idx.msk [tilespmem:v9+s4+$0x0], $0xffff  }
0x2cd: {  	_ =	sdelay $0x3  }
0x2ce: {  	(xrf0) =	vadd.scan.msk.s32 $0xffff, v10;
	_ =	sdelay $0x5  }
0x2cf: {  	v9, _, _ =	vpop (xrf0)  }
0x2d0: {  	v9 =	vadd.s32 v7, v9  }
0x2d1: {  	vm0 =	vge.s32 v9, v6  }
0x2d2: {  	v11 =	vmctz.xlane vm0;
	_ =	sdelay $0x1  }
0x2d3: {  	vm1 =	vlt.s32 v11, $0xF  }
0x2d4: {  	v12 =	vnsel vm1, $0xF, v11;
	_ =	sdelay $0x1  }
0x2d5: {  	v13 =	vor.u32 s28, v3  }
0x2d6: {  	p2 =	por $0x1, $0x1;
	v10 =	vsub.s32 v9, v10  }
.Ltmp20:
0x2d7: {  	v14 =	vmpcnt.ones.xlane vm0;
	[tilespmem:$0x1A380] =	vst v10;
	(pc) =	sbr.rel @!p2 .LBB2_42-.Ltmp20, $4  }
0x2d8: {  	v11 =	vld.idx.msk [tilespmem:v12+s23+$0x0], $0xffff  }
0x2d9: {  	vm0 =	vgt.s32 v14, $0x0;
	vm1 =	vlt.s32 v8, $0x0;
	[tilespmem:$0x1A400] =	vst v9  }
0x2da: {  	vm0 =	vmand vm1, vm0;
	v9 =	vadd.s32 s26, v12;
	v10 =	vld.idx.msk [tilespmem:v13+s4+$0x0], $0xffff  }
0x2db: {  	s29 =	simm.s32 $0x200;
	p1 =	por $0x1, $0x1;
	s28 =	simm.s32 $0x0;
	v8 =	vsel vm0, v9, v8;
	v12 =	vld.idx.msk [tilespmem:v4+s24+$0x0], $0xffff;
	v9 =	vimm.s32 $0x0  }
.LBB2_43:
0x2dc: {  	p2 =	sne.s32 s29, $0x300  }
0x2dd: {  	s28 =	sadd.s32 $0x10, s28;
	s30 =	smov.u32 s29;
	s29 =	sadd.s32 $0x100, s29;
	v9 =	vsel vm0, v11, v9  }
0x2de: {  	_ = 	snop  }
0x2df: {  	(xrf0) =	vadd.scan.msk.s32 $0xffff, v10;
	_ =	sdelay $0x5  }
0x2e0: {  	v11, _, _ =	vpop (xrf0)  }
0x2e1: {  	v12 =	vadd.s32 v12, v11  }
0x2e2: {  	vm0 =	vge.s32 v12, v6;
	v10 =	vsub.s32 v12, v10  }
0x2e3: {  	v11 =	vmpcnt.ones.xlane vm0;
	v13 =	vmctz.xlane vm0;
	_ =	sdelay $0x1  }
0x2e4: {  	vm0 =	vlt.s32 v13, $0xF;
	vm1 =	vgt.s32 v11, $0x0  }
0x2e5: {  	v11 =	vnsel vm0, $0xF, v13;
	vm0 =	vlt.s32 v8, $0x0  }
0x2e6: {  	vm0 =	vmand vm0, vm1;
	v13 =	vadd.s32 s28, v11  }
0x2e7: {  	v14 =	vor.u32 s30, v3;
	v8 =	vsel vm0, v13, v8;
	_ =	sdelay $0x1  }
.Ltmp21:
0x2e8: {  	[tilespmem:$0x1A380] =	vst v10;
	(pc) =	sbr.rel @p2 .LBB2_43-.Ltmp21, $4  }
0x2e9: {  	v11 =	vld.idx.msk [tilespmem:v11+s23+$0x0], $0xffff  }
0x2ea: {  	[tilespmem:$0x1A400] =	vst v12  }
0x2eb: {  	v10 =	vld.idx.msk [tilespmem:v14+s4+$0x0], $0xffff  }
0x2ec: {  	v12 =	vld.idx.msk [tilespmem:v4+s24+$0x0], $0xffff  }
.LBB2_44:
0x2ed: {  	_ =	sdelay $0x2  }
0x2ee: {  	(xrf0) =	vadd.scan.msk.s32 $0xffff, v10;
	_ =	sdelay $0x5  }
0x2ef: {  	v13, _, _ =	vpop (xrf0)  }
0x2f0: {  	v12 =	vadd.s32 v12, v13  }
0x2f1: {  	vm1 =	vge.s32 v12, v6  }
0x2f2: {  	v62 =	vmctz.xlane vm1  }
0x2f3: {  	v14 =	vmpcnt.ones.xlane vm1  }
0x2f4: {  	s28 =	sadd.s32 @p1 $0x10, s28;
	vm12 =	vlt.s32 v62, $0xF  }
0x2f5: {  	vm13 =	vlt.s32 v8, $0x0;
	s26 =	smov.u32 @p1 s28;
	vm2 =	vgt.s32 v14, $0x0;
	v13 =	vnsel vm12, $0xF, v62  }
0x2f6: {  	vm1 =	vmand vm13, vm2;
	v63 =	vadd.s32 s26, v13  }
0x2f7: {  	v8 =	vsel vm1, v63, v8  }
0x2f8: {  	vm14 =	vgt.s32 v8, $0x0  }
0x2f9: {  	v8 =	vnsel vm14, $0x0, v8  }
0x2fa: {  	v8 =	vor.u32 $0x80000000, v8  }
0x2fb: {  	(xrf0) =	vmax.scan.msk.u32 $0xffff, v8;
	_ =	sdelay $0x5  }
0x2fc: {  	v8, _, _ =	vpop (xrf0)  }
0x2fd: {  	(v2sf) =	vpush v8, $0xF;
	_ =	sdelay $0xd  }
0x2fe: {  	v8 =	vsub.s32 v12, v10  }
0x2ff: {  	[tilespmem:$0x1A380] =	vst v8;
	s30 =	spop (v2sf)  }
0x300: {  	v8 =	vld.idx.msk [tilespmem:v13+s23+$0x0], $0xffff;
	[tilespmem:$0x1A400] =	vst v12;
	s26 =	sshll.u32 s30, $0x4  }
0x301: {  	v10 =	vld [tilespmem:s26+$0x800];
	_ =	sdelay $0x1  }
0x302: {  	v9 =	vsel @p1 vm0, v11, v9  }
0x303: {  	v7 =	vpsel p1, v9, v7  }
0x304: {  	v7 =	vsel vm1, v8, v7  }
0x305: {  	v8 =	vadd.s32 v7, v10  }
0x306: {  	vm15 =	vge.s32 v8, v6  }
0x307: {  	v7 =	vmctz.xlane vm15  }
0x308: {  	v9 =	vld [tilespmem:s26+$0x0]  }
0x309: {  	vm0 =	vlt.s32 v7, $0xF  }
0x30a: {  	v7 =	vnsel vm0, $0xF, v7;
	_ =	sdelay $0x2  }
0x30b: {  	v8 =	vsub.s32 v8, v9  }
0x30c: {  	s28 =	simm.s32 $0x840;
	[tilespmem:$0x1A380] =	vst v8  }
0x30d: {  	v8 =	vld.idx.msk [tilespmem:v7+s23+$0x0], $0xffff;
	[tilespmem:s28+$0xFFFFFFC0] =	vst v1  }
0x30e: {  	[tilespmem:s28+$0x30] =	vst v1  }
0x30f: {  	[tilespmem:s28+$0x20] =	vst v1  }
0x310: {  	[tilespmem:s28+$0x10] =	vst v1  }
0x311: {  	[tilespmem:s28+$0x0] =	vst v1  }
0x312: {  	[tilespmem:s28+$0xFFFFFFF0] =	vst v1  }
0x313: {  	s29 =	simm.s32 $0x0;
	[tilespmem:s28+$0xFFFFFFE0] =	vst v1  }
.LBB2_45:
0x314: {  	s29 =	sadd.s32 $0x8, s29;
	[tilespmem:s28+$0xFFFFFFD0] =	vst v1;
	s28 =	sadd.s32 $0x80, s28  }
0x315: {  	[tilespmem:s28+$0xFFFFFFC0] =	vst v1;
	p1 =	slt.u32 s29, $0x78  }
0x316: {  	[tilespmem:s28+$0x30] =	vst v1  }
.Ltmp22:
0x317: {  	[tilespmem:s28+$0x20] =	vst v1;
	(pc) =	sbr.rel @p1 .LBB2_45-.Ltmp22, $4  }
0x318: {  	[tilespmem:s28+$0x10] =	vst v1  }
0x319: {  	[tilespmem:s28+$0x0] =	vst v1  }
0x31a: {  	[tilespmem:s28+$0xFFFFFFF0] =	vst v1  }
0x31b: {  	[tilespmem:s28+$0xFFFFFFE0] =	vst v1  }
0x31c: {  	[tilespmem:s28+$0xFFFFFFD0] =	vst v1;
	s29 =	simm.s32 $0x1091  }
0x31d: {  	[tilespmem:s29+$0xFFFFFF90] =	vst v1  }
0x31e: {  	[tilespmem:s29+$0x0] =	vst v1  }
0x31f: {  	[tilespmem:s29+$0xFFFFFFF0] =	vst v1  }
0x320: {  	[tilespmem:s29+$0xFFFFFFE0] =	vst v1  }
0x321: {  	[tilespmem:s29+$0xFFFFFFD0] =	vst v1  }
0x322: {  	[tilespmem:s29+$0xFFFFFFC0] =	vst v1  }
0x323: {  	s30 =	simm.s32 $0x0;
	[tilespmem:s29+$0xFFFFFFB0] =	vst v1  }
.LBB2_47:
0x324: {  	s30 =	sadd.s32 $0x8, s30;
	[tilespmem:s29+$0xFFFFFFA0] =	vst v1;
	s29 =	sadd.s32 $0x80, s29  }
0x325: {  	[tilespmem:s29+$0xFFFFFF90] =	vst v1;
	p1 =	slt.u32 s30, $0x78  }
0x326: {  	[tilespmem:s29+$0x0] =	vst v1  }
.Ltmp23:
0x327: {  	[tilespmem:s29+$0xFFFFFFF0] =	vst v1;
	(pc) =	sbr.rel @p1 .LBB2_47-.Ltmp23, $4  }
0x328: {  	[tilespmem:s29+$0xFFFFFFE0] =	vst v1  }
0x329: {  	[tilespmem:s29+$0xFFFFFFD0] =	vst v1  }
0x32a: {  	[tilespmem:s29+$0xFFFFFFC0] =	vst v1  }
0x32b: {  	s28 =	simm.s32 $0x18B2;
	[tilespmem:s29+$0xFFFFFFB0] =	vst v1  }
0x32c: {  	[tilespmem:s29+$0xFFFFFFA0] =	vst v1  }
0x32d: {  	[tilespmem:s28+$0xFFFFFF90] =	vst v1  }
0x32e: {  	[tilespmem:s28+$0x0] =	vst v1  }
0x32f: {  	[tilespmem:s28+$0xFFFFFFF0] =	vst v1  }
0x330: {  	[tilespmem:s28+$0xFFFFFFE0] =	vst v1  }
0x331: {  	[tilespmem:s28+$0xFFFFFFD0] =	vst v1  }
0x332: {  	[tilespmem:s28+$0xFFFFFFC0] =	vst v1  }
0x333: {  	s29 =	simm.s32 $0x0;
	[tilespmem:s28+$0xFFFFFFB0] =	vst v1  }
.LBB2_49:
0x334: {  	s29 =	sadd.s32 $0x8, s29;
	[tilespmem:s28+$0xFFFFFFA0] =	vst v1;
	s28 =	sadd.s32 $0x80, s28  }
0x335: {  	[tilespmem:s28+$0xFFFFFF90] =	vst v1;
	p1 =	slt.u32 s29, $0x78  }
0x336: {  	[tilespmem:s28+$0x0] =	vst v1  }
.Ltmp24:
0x337: {  	[tilespmem:s28+$0xFFFFFFF0] =	vst v1;
	(pc) =	sbr.rel @p1 .LBB2_49-.Ltmp24, $4  }
0x338: {  	[tilespmem:s28+$0xFFFFFFE0] =	vst v1  }
0x339: {  	[tilespmem:s28+$0xFFFFFFD0] =	vst v1  }
0x33a: {  	[tilespmem:s28+$0xFFFFFFC0] =	vst v1  }
0x33b: {  	[tilespmem:s28+$0xFFFFFFB0] =	vst v1  }
0x33c: {  	[tilespmem:s28+$0xFFFFFFA0] =	vst v1;
	s29 =	simm.s32 $0x20D3  }
0x33d: {  	[tilespmem:s29+$0xFFFFFF90] =	vst v1  }
0x33e: {  	[tilespmem:s29+$0x0] =	vst v1  }
0x33f: {  	[tilespmem:s29+$0xFFFFFFF0] =	vst v1  }
0x340: {  	[tilespmem:s29+$0xFFFFFFE0] =	vst v1  }
0x341: {  	[tilespmem:s29+$0xFFFFFFD0] =	vst v1  }
0x342: {  	[tilespmem:s29+$0xFFFFFFC0] =	vst v1  }
0x343: {  	s30 =	simm.s32 $0x0;
	[tilespmem:s29+$0xFFFFFFB0] =	vst v1  }
.LBB2_51:
0x344: {  	s30 =	sadd.s32 $0x8, s30;
	[tilespmem:s29+$0xFFFFFFA0] =	vst v1;
	s29 =	sadd.s32 $0x80, s29  }
0x345: {  	[tilespmem:s29+$0xFFFFFF90] =	vst v1;
	p1 =	slt.u32 s30, $0x78  }
0x346: {  	[tilespmem:s29+$0x0] =	vst v1  }
.Ltmp25:
0x347: {  	[tilespmem:s29+$0xFFFFFFF0] =	vst v1;
	(pc) =	sbr.rel @p1 .LBB2_51-.Ltmp25, $4  }
0x348: {  	[tilespmem:s29+$0xFFFFFFE0] =	vst v1  }
0x349: {  	[tilespmem:s29+$0xFFFFFFD0] =	vst v1  }
0x34a: {  	[tilespmem:s29+$0xFFFFFFC0] =	vst v1  }
0x34b: {  	s28 =	simm.s32 $0x28F4;
	[tilespmem:s29+$0xFFFFFFB0] =	vst v1  }
0x34c: {  	[tilespmem:s29+$0xFFFFFFA0] =	vst v1  }
0x34d: {  	[tilespmem:s28+$0xFFFFFF90] =	vst v1  }
0x34e: {  	[tilespmem:s28+$0x0] =	vst v1  }
0x34f: {  	[tilespmem:s28+$0xFFFFFFF0] =	vst v1  }
0x350: {  	[tilespmem:s28+$0xFFFFFFE0] =	vst v1  }
0x351: {  	[tilespmem:s28+$0xFFFFFFD0] =	vst v1  }
0x352: {  	[tilespmem:s28+$0xFFFFFFC0] =	vst v1  }
0x353: {  	s29 =	simm.s32 $0x0;
	[tilespmem:s28+$0xFFFFFFB0] =	vst v1  }
.LBB2_53:
0x354: {  	s29 =	sadd.s32 $0x8, s29;
	[tilespmem:s28+$0xFFFFFFA0] =	vst v1;
	s28 =	sadd.s32 $0x80, s28  }
0x355: {  	[tilespmem:s28+$0xFFFFFF90] =	vst v1;
	p1 =	slt.u32 s29, $0x78  }
0x356: {  	[tilespmem:s28+$0x0] =	vst v1  }
.Ltmp26:
0x357: {  	[tilespmem:s28+$0xFFFFFFF0] =	vst v1;
	(pc) =	sbr.rel @p1 .LBB2_53-.Ltmp26, $4  }
0x358: {  	[tilespmem:s28+$0xFFFFFFE0] =	vst v1  }
0x359: {  	[tilespmem:s28+$0xFFFFFFD0] =	vst v1  }
0x35a: {  	[tilespmem:s28+$0xFFFFFFC0] =	vst v1  }
0x35b: {  	[tilespmem:s28+$0xFFFFFFB0] =	vst v1  }
0x35c: {  	[tilespmem:s28+$0xFFFFFFA0] =	vst v1;
	s29 =	simm.s32 $0x3115  }
0x35d: {  	[tilespmem:s29+$0xFFFFFF90] =	vst v1  }
0x35e: {  	[tilespmem:s29+$0x0] =	vst v1  }
0x35f: {  	[tilespmem:s29+$0xFFFFFFF0] =	vst v1  }
0x360: {  	[tilespmem:s29+$0xFFFFFFE0] =	vst v1  }
0x361: {  	[tilespmem:s29+$0xFFFFFFD0] =	vst v1  }
0x362: {  	[tilespmem:s29+$0xFFFFFFC0] =	vst v1  }
0x363: {  	s30 =	simm.s32 $0x0;
	[tilespmem:s29+$0xFFFFFFB0] =	vst v1  }
.LBB2_55:
0x364: {  	s30 =	sadd.s32 $0x8, s30;
	[tilespmem:s29+$0xFFFFFFA0] =	vst v1;
	s29 =	sadd.s32 $0x80, s29  }
0x365: {  	[tilespmem:s29+$0xFFFFFF90] =	vst v1;
	p1 =	slt.u32 s30, $0x78  }
0x366: {  	[tilespmem:s29+$0x0] =	vst v1  }
.Ltmp27:
0x367: {  	[tilespmem:s29+$0xFFFFFFF0] =	vst v1;
	(pc) =	sbr.rel @p1 .LBB2_55-.Ltmp27, $4  }
0x368: {  	[tilespmem:s29+$0xFFFFFFE0] =	vst v1  }
0x369: {  	[tilespmem:s29+$0xFFFFFFD0] =	vst v1  }
0x36a: {  	[tilespmem:s29+$0xFFFFFFC0] =	vst v1  }
0x36b: {  	s28 =	simm.s32 $0x3936;
	[tilespmem:s29+$0xFFFFFFB0] =	vst v1  }
0x36c: {  	[tilespmem:s29+$0xFFFFFFA0] =	vst v1  }
0x36d: {  	[tilespmem:s28+$0xFFFFFF90] =	vst v1  }
0x36e: {  	[tilespmem:s28+$0x0] =	vst v1  }
0x36f: {  	[tilespmem:s28+$0xFFFFFFF0] =	vst v1  }
0x370: {  	[tilespmem:s28+$0xFFFFFFE0] =	vst v1  }
0x371: {  	[tilespmem:s28+$0xFFFFFFD0] =	vst v1  }
0x372: {  	[tilespmem:s28+$0xFFFFFFC0] =	vst v1  }
0x373: {  	s29 =	simm.s32 $0x0;
	[tilespmem:s28+$0xFFFFFFB0] =	vst v1  }
.LBB2_57:
0x374: {  	s29 =	sadd.s32 $0x8, s29;
	[tilespmem:s28+$0xFFFFFFA0] =	vst v1;
	s28 =	sadd.s32 $0x80, s28  }
0x375: {  	[tilespmem:s28+$0xFFFFFF90] =	vst v1;
	p1 =	slt.u32 s29, $0x78  }
0x376: {  	[tilespmem:s28+$0x0] =	vst v1  }
.Ltmp28:
0x377: {  	[tilespmem:s28+$0xFFFFFFF0] =	vst v1;
	(pc) =	sbr.rel @p1 .LBB2_57-.Ltmp28, $4  }
0x378: {  	[tilespmem:s28+$0xFFFFFFE0] =	vst v1  }
0x379: {  	[tilespmem:s28+$0xFFFFFFD0] =	vst v1  }
0x37a: {  	[tilespmem:s28+$0xFFFFFFC0] =	vst v1  }
0x37b: {  	[tilespmem:s28+$0xFFFFFFB0] =	vst v1  }
0x37c: {  	[tilespmem:s28+$0xFFFFFFA0] =	vst v1;
	s29 =	simm.s32 $0x4157  }
0x37d: {  	[tilespmem:s29+$0xFFFFFF90] =	vst v1  }
0x37e: {  	[tilespmem:s29+$0x0] =	vst v1  }
0x37f: {  	[tilespmem:s29+$0xFFFFFFF0] =	vst v1  }
0x380: {  	[tilespmem:s29+$0xFFFFFFE0] =	vst v1  }
0x381: {  	[tilespmem:s29+$0xFFFFFFD0] =	vst v1  }
0x382: {  	[tilespmem:s29+$0xFFFFFFC0] =	vst v1  }
0x383: {  	s30 =	simm.s32 $0x0;
	[tilespmem:s29+$0xFFFFFFB0] =	vst v1  }
.LBB2_59:
0x384: {  	s30 =	sadd.s32 $0x8, s30;
	[tilespmem:s29+$0xFFFFFFA0] =	vst v1;
	s29 =	sadd.s32 $0x80, s29  }
0x385: {  	[tilespmem:s29+$0xFFFFFF90] =	vst v1;
	p1 =	slt.u32 s30, $0x78  }
0x386: {  	[tilespmem:s29+$0x0] =	vst v1  }
.Ltmp29:
0x387: {  	[tilespmem:s29+$0xFFFFFFF0] =	vst v1;
	(pc) =	sbr.rel @p1 .LBB2_59-.Ltmp29, $4  }
0x388: {  	[tilespmem:s29+$0xFFFFFFE0] =	vst v1  }
0x389: {  	[tilespmem:s29+$0xFFFFFFD0] =	vst v1  }
0x38a: {  	[tilespmem:s29+$0xFFFFFFC0] =	vst v1  }
0x38b: {  	s28 =	simm.s32 $0x4978;
	[tilespmem:s29+$0xFFFFFFB0] =	vst v1  }
0x38c: {  	[tilespmem:s29+$0xFFFFFFA0] =	vst v1  }
0x38d: {  	[tilespmem:s28+$0xFFFFFF90] =	vst v1  }
0x38e: {  	[tilespmem:s28+$0x0] =	vst v1  }
0x38f: {  	[tilespmem:s28+$0xFFFFFFF0] =	vst v1  }
0x390: {  	[tilespmem:s28+$0xFFFFFFE0] =	vst v1  }
0x391: {  	[tilespmem:s28+$0xFFFFFFD0] =	vst v1  }
0x392: {  	[tilespmem:s28+$0xFFFFFFC0] =	vst v1  }
0x393: {  	s29 =	simm.s32 $0x0;
	[tilespmem:s28+$0xFFFFFFB0] =	vst v1  }
.LBB2_61:
0x394: {  	s29 =	sadd.s32 $0x8, s29;
	[tilespmem:s28+$0xFFFFFFA0] =	vst v1;
	s28 =	sadd.s32 $0x80, s28  }
0x395: {  	[tilespmem:s28+$0xFFFFFF90] =	vst v1;
	p1 =	slt.u32 s29, $0x78  }
0x396: {  	[tilespmem:s28+$0x0] =	vst v1  }
.Ltmp30:
0x397: {  	[tilespmem:s28+$0xFFFFFFF0] =	vst v1;
	(pc) =	sbr.rel @p1 .LBB2_61-.Ltmp30, $4  }
0x398: {  	[tilespmem:s28+$0xFFFFFFE0] =	vst v1  }
0x399: {  	[tilespmem:s28+$0xFFFFFFD0] =	vst v1  }
0x39a: {  	[tilespmem:s28+$0xFFFFFFC0] =	vst v1  }
0x39b: {  	[tilespmem:s28+$0xFFFFFFB0] =	vst v1  }
0x39c: {  	[tilespmem:s28+$0xFFFFFFA0] =	vst v1;
	s29 =	simm.s32 $0x5199  }
0x39d: {  	[tilespmem:s29+$0xFFFFFF90] =	vst v1  }
0x39e: {  	[tilespmem:s29+$0x0] =	vst v1  }
0x39f: {  	[tilespmem:s29+$0xFFFFFFF0] =	vst v1  }
0x3a0: {  	[tilespmem:s29+$0xFFFFFFE0] =	vst v1  }
0x3a1: {  	[tilespmem:s29+$0xFFFFFFD0] =	vst v1  }
0x3a2: {  	[tilespmem:s29+$0xFFFFFFC0] =	vst v1  }
0x3a3: {  	s30 =	simm.s32 $0x0;
	[tilespmem:s29+$0xFFFFFFB0] =	vst v1  }
.LBB2_63:
0x3a4: {  	s30 =	sadd.s32 $0x8, s30;
	[tilespmem:s29+$0xFFFFFFA0] =	vst v1;
	s29 =	sadd.s32 $0x80, s29  }
0x3a5: {  	[tilespmem:s29+$0xFFFFFF90] =	vst v1;
	p1 =	slt.u32 s30, $0x78  }
0x3a6: {  	[tilespmem:s29+$0x0] =	vst v1  }
.Ltmp31:
0x3a7: {  	[tilespmem:s29+$0xFFFFFFF0] =	vst v1;
	(pc) =	sbr.rel @p1 .LBB2_63-.Ltmp31, $4  }
0x3a8: {  	[tilespmem:s29+$0xFFFFFFE0] =	vst v1  }
0x3a9: {  	[tilespmem:s29+$0xFFFFFFD0] =	vst v1  }
0x3aa: {  	[tilespmem:s29+$0xFFFFFFC0] =	vst v1  }
0x3ab: {  	s28 =	simm.s32 $0x59BA;
	[tilespmem:s29+$0xFFFFFFB0] =	vst v1  }
0x3ac: {  	[tilespmem:s29+$0xFFFFFFA0] =	vst v1  }
0x3ad: {  	[tilespmem:s28+$0xFFFFFF90] =	vst v1  }
0x3ae: {  	[tilespmem:s28+$0x0] =	vst v1  }
0x3af: {  	[tilespmem:s28+$0xFFFFFFF0] =	vst v1  }
0x3b0: {  	[tilespmem:s28+$0xFFFFFFE0] =	vst v1  }
0x3b1: {  	[tilespmem:s28+$0xFFFFFFD0] =	vst v1  }
0x3b2: {  	[tilespmem:s28+$0xFFFFFFC0] =	vst v1  }
0x3b3: {  	s29 =	simm.s32 $0x0;
	[tilespmem:s28+$0xFFFFFFB0] =	vst v1  }
.LBB2_65:
0x3b4: {  	s29 =	sadd.s32 $0x8, s29;
	[tilespmem:s28+$0xFFFFFFA0] =	vst v1;
	s28 =	sadd.s32 $0x80, s28  }
0x3b5: {  	[tilespmem:s28+$0xFFFFFF90] =	vst v1;
	p1 =	slt.u32 s29, $0x78  }
0x3b6: {  	[tilespmem:s28+$0x0] =	vst v1  }
.Ltmp32:
0x3b7: {  	[tilespmem:s28+$0xFFFFFFF0] =	vst v1;
	(pc) =	sbr.rel @p1 .LBB2_65-.Ltmp32, $4  }
0x3b8: {  	[tilespmem:s28+$0xFFFFFFE0] =	vst v1  }
0x3b9: {  	[tilespmem:s28+$0xFFFFFFD0] =	vst v1  }
0x3ba: {  	[tilespmem:s28+$0xFFFFFFC0] =	vst v1  }
0x3bb: {  	[tilespmem:s28+$0xFFFFFFB0] =	vst v1  }
0x3bc: {  	[tilespmem:s28+$0xFFFFFFA0] =	vst v1;
	s29 =	simm.s32 $0x61DB  }
0x3bd: {  	[tilespmem:s29+$0xFFFFFF90] =	vst v1  }
0x3be: {  	[tilespmem:s29+$0x0] =	vst v1  }
0x3bf: {  	[tilespmem:s29+$0xFFFFFFF0] =	vst v1  }
0x3c0: {  	[tilespmem:s29+$0xFFFFFFE0] =	vst v1  }
0x3c1: {  	[tilespmem:s29+$0xFFFFFFD0] =	vst v1  }
0x3c2: {  	[tilespmem:s29+$0xFFFFFFC0] =	vst v1  }
0x3c3: {  	s30 =	simm.s32 $0x0;
	[tilespmem:s29+$0xFFFFFFB0] =	vst v1  }
.LBB2_67:
0x3c4: {  	s30 =	sadd.s32 $0x8, s30;
	[tilespmem:s29+$0xFFFFFFA0] =	vst v1;
	s29 =	sadd.s32 $0x80, s29  }
0x3c5: {  	[tilespmem:s29+$0xFFFFFF90] =	vst v1;
	p1 =	slt.u32 s30, $0x78  }
0x3c6: {  	[tilespmem:s29+$0x0] =	vst v1  }
.Ltmp33:
0x3c7: {  	[tilespmem:s29+$0xFFFFFFF0] =	vst v1;
	(pc) =	sbr.rel @p1 .LBB2_67-.Ltmp33, $4  }
0x3c8: {  	[tilespmem:s29+$0xFFFFFFE0] =	vst v1  }
0x3c9: {  	[tilespmem:s29+$0xFFFFFFD0] =	vst v1  }
0x3ca: {  	[tilespmem:s29+$0xFFFFFFC0] =	vst v1  }
0x3cb: {  	s28 =	simm.s32 $0x69FC;
	[tilespmem:s29+$0xFFFFFFB0] =	vst v1  }
0x3cc: {  	[tilespmem:s29+$0xFFFFFFA0] =	vst v1  }
0x3cd: {  	[tilespmem:s28+$0xFFFFFF90] =	vst v1  }
0x3ce: {  	[tilespmem:s28+$0x0] =	vst v1  }
0x3cf: {  	[tilespmem:s28+$0xFFFFFFF0] =	vst v1  }
0x3d0: {  	[tilespmem:s28+$0xFFFFFFE0] =	vst v1  }
0x3d1: {  	[tilespmem:s28+$0xFFFFFFD0] =	vst v1  }
0x3d2: {  	[tilespmem:s28+$0xFFFFFFC0] =	vst v1  }
0x3d3: {  	s29 =	simm.s32 $0x0;
	[tilespmem:s28+$0xFFFFFFB0] =	vst v1  }
.LBB2_69:
0x3d4: {  	s29 =	sadd.s32 $0x8, s29;
	[tilespmem:s28+$0xFFFFFFA0] =	vst v1;
	s28 =	sadd.s32 $0x80, s28  }
0x3d5: {  	[tilespmem:s28+$0xFFFFFF90] =	vst v1;
	p1 =	slt.u32 s29, $0x78  }
0x3d6: {  	[tilespmem:s28+$0x0] =	vst v1  }
.Ltmp34:
0x3d7: {  	[tilespmem:s28+$0xFFFFFFF0] =	vst v1;
	(pc) =	sbr.rel @p1 .LBB2_69-.Ltmp34, $4  }
0x3d8: {  	[tilespmem:s28+$0xFFFFFFE0] =	vst v1  }
0x3d9: {  	[tilespmem:s28+$0xFFFFFFD0] =	vst v1  }
0x3da: {  	[tilespmem:s28+$0xFFFFFFC0] =	vst v1  }
0x3db: {  	[tilespmem:s28+$0xFFFFFFB0] =	vst v1  }
0x3dc: {  	[tilespmem:s28+$0xFFFFFFA0] =	vst v1;
	s29 =	simm.s32 $0x721D  }
0x3dd: {  	[tilespmem:s29+$0xFFFFFF90] =	vst v1  }
0x3de: {  	[tilespmem:s29+$0x0] =	vst v1  }
0x3df: {  	[tilespmem:s29+$0xFFFFFFF0] =	vst v1  }
0x3e0: {  	[tilespmem:s29+$0xFFFFFFE0] =	vst v1  }
0x3e1: {  	[tilespmem:s29+$0xFFFFFFD0] =	vst v1  }
0x3e2: {  	[tilespmem:s29+$0xFFFFFFC0] =	vst v1  }
0x3e3: {  	s30 =	simm.s32 $0x0;
	[tilespmem:s29+$0xFFFFFFB0] =	vst v1  }
.LBB2_71:
0x3e4: {  	s30 =	sadd.s32 $0x8, s30;
	[tilespmem:s29+$0xFFFFFFA0] =	vst v1;
	s29 =	sadd.s32 $0x80, s29  }
0x3e5: {  	[tilespmem:s29+$0xFFFFFF90] =	vst v1;
	p1 =	slt.u32 s30, $0x78  }
0x3e6: {  	[tilespmem:s29+$0x0] =	vst v1  }
.Ltmp35:
0x3e7: {  	[tilespmem:s29+$0xFFFFFFF0] =	vst v1;
	(pc) =	sbr.rel @p1 .LBB2_71-.Ltmp35, $4  }
0x3e8: {  	[tilespmem:s29+$0xFFFFFFE0] =	vst v1  }
0x3e9: {  	[tilespmem:s29+$0xFFFFFFD0] =	vst v1  }
0x3ea: {  	[tilespmem:s29+$0xFFFFFFC0] =	vst v1  }
0x3eb: {  	s28 =	simm.s32 $0x7A3E;
	[tilespmem:s29+$0xFFFFFFB0] =	vst v1  }
0x3ec: {  	[tilespmem:s29+$0xFFFFFFA0] =	vst v1  }
0x3ed: {  	[tilespmem:s28+$0xFFFFFF90] =	vst v1  }
0x3ee: {  	[tilespmem:s28+$0x0] =	vst v1  }
0x3ef: {  	[tilespmem:s28+$0xFFFFFFF0] =	vst v1  }
0x3f0: {  	[tilespmem:s28+$0xFFFFFFE0] =	vst v1  }
0x3f1: {  	[tilespmem:s28+$0xFFFFFFD0] =	vst v1  }
0x3f2: {  	[tilespmem:s28+$0xFFFFFFC0] =	vst v1  }
0x3f3: {  	s29 =	simm.s32 $0x0;
	[tilespmem:s28+$0xFFFFFFB0] =	vst v1  }
.LBB2_73:
0x3f4: {  	s29 =	sadd.s32 $0x8, s29;
	[tilespmem:s28+$0xFFFFFFA0] =	vst v1;
	s28 =	sadd.s32 $0x80, s28  }
0x3f5: {  	[tilespmem:s28+$0xFFFFFF90] =	vst v1;
	p1 =	slt.u32 s29, $0x78  }
0x3f6: {  	[tilespmem:s28+$0x0] =	vst v1  }
.Ltmp36:
0x3f7: {  	[tilespmem:s28+$0xFFFFFFF0] =	vst v1;
	(pc) =	sbr.rel @p1 .LBB2_73-.Ltmp36, $4  }
0x3f8: {  	[tilespmem:s28+$0xFFFFFFE0] =	vst v1  }
0x3f9: {  	[tilespmem:s28+$0xFFFFFFD0] =	vst v1  }
0x3fa: {  	[tilespmem:s28+$0xFFFFFFC0] =	vst v1  }
0x3fb: {  	[tilespmem:s28+$0xFFFFFFB0] =	vst v1  }
0x3fc: {  	[tilespmem:s28+$0xFFFFFFA0] =	vst v1;
	s28 =	simm.s32 $0x825F  }
0x3fd: {  	[tilespmem:s28+$0xFFFFFF90] =	vst v1  }
0x3fe: {  	[tilespmem:s28+$0x0] =	vst v1  }
0x3ff: {  	[tilespmem:s28+$0xFFFFFFF0] =	vst v1  }
0x400: {  	[tilespmem:s28+$0xFFFFFFE0] =	vst v1  }
0x401: {  	[tilespmem:s28+$0xFFFFFFD0] =	vst v1  }
0x402: {  	[tilespmem:s28+$0xFFFFFFC0] =	vst v1  }
0x403: {  	s29 =	simm.s32 $0x0;
	[tilespmem:s28+$0xFFFFFFB0] =	vst v1  }
.LBB2_75:
0x404: {  	s29 =	sadd.s32 $0x8, s29;
	[tilespmem:s28+$0xFFFFFFA0] =	vst v1;
	s28 =	sadd.s32 $0x80, s28  }
0x405: {  	[tilespmem:s28+$0xFFFFFF90] =	vst v1;
	p1 =	slt.u32 s29, $0x78  }
0x406: {  	[tilespmem:s28+$0x0] =	vst v1  }
.Ltmp37:
0x407: {  	[tilespmem:s28+$0xFFFFFFF0] =	vst v1;
	(pc) =	sbr.rel @p1 .LBB2_75-.Ltmp37, $4  }
0x408: {  	[tilespmem:s28+$0xFFFFFFE0] =	vst v1  }
0x409: {  	[tilespmem:s28+$0xFFFFFFD0] =	vst v1  }
0x40a: {  	[tilespmem:s28+$0xFFFFFFC0] =	vst v1  }
0x40b: {  	[tilespmem:s28+$0xFFFFFFB0] =	vst v1  }
0x40c: {  	[tilespmem:s28+$0xFFFFFFA0] =	vst v1;
	s28 =	simm.s32 $0x8B00  }
0x40d: {  	v9 =	vld [tilespmem:s28+$0xFFFFFF80]  }
0x40e: {  	v10 =	vld [tilespmem:s28+$0x20]  }
0x40f: {  	v13 =	vld [tilespmem:s28+$0xFFFFFFD0]  }
0x410: {  	v12 =	vld [tilespmem:s28+$0x10]  }
0x411: {  	v22 =	vld [tilespmem:s28+$0xFFFFFFC0]  }
0x412: {  	v23 =	vld [tilespmem:s28+$0xFFFFFFA0];
	_ =	sdelay $0x1  }
0x413: {  	v7 =	vadd.s32 s26, v7;
	v14 =	vshrl.u32 v9, $0xA;
	v9 =	vshrl.u32 v9, $0x15  }
0x414: {  	v15 =	vld [tilespmem:s28+$0xFFFFFFE0];
	v21 =	vshrl.u32 v13, $0xA;
	v18 =	vshrl.u32 v10, $0x15;
	v19 =	vshrl.u32 v12, $0xA  }
0x415: {  	v16 =	vld [tilespmem:s28+$0xFFFFFFF0];
	v10 =	vshrl.u32 v10, $0xA;
	v25 =	vshrl.u32 v12, $0x15;
	v12 =	vshrl.u32 v22, $0xA  }
0x416: {  	v28 =	vshrl.u32 v23, $0x15;
	v23 =	vshrl.u32 v23, $0xA;
	v22 =	vshrl.u32 v22, $0x15  }
0x417: {  	v11 =	vld [tilespmem:s28+$0x50];
	v14 =	vand.u32 $0x7FF, v14;
	vm0 =	veq.s32 v9, v7;
	v19 =	vand.u32 $0x7FF, v19  }
0x418: {  	v24 =	vand.u32 $0x7FF, v10;
	vm2 =	veq.s32 v18, v7;
	v27 =	vand.u32 $0x7FF, v12  }
0x419: {  	vm3 =	veq.s32 v25, v7;
	v25 =	vshrl.u32 v15, $0x15;
	v9 =	vadd.s32 v0, v14;
	v14 =	vld [tilespmem:s28+$0x30]  }
0x41a: {  	v21 =	vand.u32 $0x7FF, v21;
	v10 =	vadd.s32 v0, v19;
	v19 =	vshrl.u32 v16, $0x15  }
0x41b: {  	v20 =	vld [tilespmem:s28+$0xFFFFFFB0];
	v16 =	vshrl.u32 v16, $0xA;
	v24 =	vadd.s32 v0, v24;
	v17 =	vsel vm0, v9, v5  }
0x41c: {  	v9 =	vshrl.u32 v11, $0xA;
	v11 =	vshrl.u32 v11, $0x15;
	vm4 =	veq.s32 v19, v7  }
0x41d: {  	v19 =	vld [tilespmem:s28+$0xFFFFFF90];
	vm0 =	veq.s32 v28, v7;
	v9 =	vand.u32 $0x7FF, v9;
	vm1 =	veq.s32 v11, v7  }
0x41e: {  	v11 =	vshrl.u32 v15, $0xA;
	v9 =	vadd.s32 v0, v9;
	v18 =	vshrl.u32 v14, $0xA  }
0x41f: {  	v15 =	vand.u32 $0x7FF, v11;
	v26 =	vshrl.u32 v14, $0x15;
	v14 =	vand.u32 $0x7FF, v18  }
0x420: {  	v18 =	vshrl.u32 v20, $0x15;
	v20 =	vshrl.u32 v20, $0xA;
	vm5 =	veq.s32 v26, v7  }
0x421: {  	v12 =	vadd.s32 v0, v14;
	v14 =	vadd.s32 v0, v27;
	v27 =	vshrl.u32 v13, $0x15  }
0x422: {  	[tilespmem:v17+s4+$0x0] =	vst.idx.add.s32.msk $0xffff, v2;
	v13 =	vsel vm2, v24, v5;
	v24 =	vshrl.u32 v19, $0x15;
	v19 =	vshrl.u32 v19, $0xA  }
0x423: {  	vm6 =	veq.s32 v18, v7;
	v17 =	vand.u32 $0x7FF, v20;
	vm2 =	veq.s32 v25, v7;
	v18 =	vld [tilespmem:s28+$0x70]  }
0x424: {  	vm7 =	veq.s32 v24, v7;
	v11 =	vand.u32 $0x7FF, v19;
	v24 =	vand.u32 $0x7FF, v16;
	v16 =	vld [tilespmem:s28+$0x0]  }
0x425: {  	v20 =	vand.u32 $0x7FF, v23;
	v23 =	vld [tilespmem:s28+$0x40];
	v17 =	vadd.s32 v0, v17;
	v11 =	vadd.s32 v0, v11  }
0x426: {  	s26 =	simm.s32 $0x0;
	v19 =	vld [tilespmem:s28+$0x60];
	s28 =	simm.s32 $0x8C00;
	v17 =	vsel vm6, v17, v5;
	vm6 =	veq.s32 v27, v7;
	v11 =	vsel vm7, v11, v5  }
.LBB2_77:
0x427: {  	v25 =	vld [tilespmem:s28+$0x10];
	s26 =	sadd.s32 $0x10, s26;
	vm7 =	veq.s32 v22, v7;
	v21 =	vadd.s32 v0, v21;
	v22 =	vadd.s32 v0, v24  }
0x428: {  	v20 =	vadd.s32 v0, v20;
	v24 =	vld [tilespmem:s28+$0xFFFFFF90];
	p1 =	slt.u32 s26, $0xFF0;
	v26 =	vsel vm7, v14, v5;
	v14 =	vsel vm4, v22, v5  }
0x429: {  	v15 =	vadd.s32 v0, v15;
	v27 =	vshrl.u32 v16, $0x15;
	v22 =	vld [tilespmem:s28+$0xFFFFFFA0];
	v28 =	vshrl.u32 v18, $0x15  }
0x42a: {  	v21 =	vsel vm6, v21, v5;
	vm4 =	veq.s32 v27, v7;
	v27 =	vsel vm3, v10, v5;
	v29 =	vld [tilespmem:s28+$0xFFFFFFB0]  }
0x42b: {  	v16 =	vshrl.u32 v16, $0xA;
	v31 =	vshrl.u32 v19, $0xA;
	v10 =	vld [tilespmem:s28+$0xFFFFFF80];
	v30 =	vshrl.u32 v23, $0xA  }
0x42c: {  	v23 =	vshrl.u32 v23, $0x15;
	v31 =	vand.u32 $0x7FF, v31;
	v32 =	vld [tilespmem:s28+$0x20];
	v30 =	vand.u32 $0x7FF, v30  }
0x42d: {  	v12 =	vsel vm5, v12, v5;
	vm3 =	veq.s32 v23, v7;
	[tilespmem:v17+s4+$0x0] =	vst.idx.add.s32.msk $0xffff, v2;
	v17 =	vshrl.u32 v18, $0xA  }
0x42e: {  	v19 =	vshrl.u32 v19, $0x15;
	vm5 =	veq.s32 v28, v7;
	v18 =	vld [tilespmem:s28+$0xFFFFFFF0];
	v17 =	vand.u32 $0x7FF, v17  }
0x42f: {  	vm6 =	veq.s32 v19, v7;
	v19 =	vadd.s32 v0, v31;
	v23 =	vld [tilespmem:s28+$0x50];
	v17 =	vadd.s32 v0, v17  }
0x430: {  	v19 =	vsel vm6, v19, v5;
	v28 =	vshrl.u32 v10, $0xA;
	v31 =	vld [tilespmem:s28+$0xFFFFFFC0];
	v17 =	vsel vm5, v17, v5  }
0x431: {  	v30 =	vadd.s32 v0, v30;
	v10 =	vshrl.u32 v10, $0x15;
	v28 =	vand.u32 $0x7FF, v28;
	v33 =	vld [tilespmem:s28+$0xFFFFFFD0]  }
0x432: {  	v16 =	vand.u32 $0x7FF, v16;
	vm5 =	veq.s32 v10, v7;
	v10 =	vadd.s32 v0, v28;
	[tilespmem:v13+s4+$0x0] =	vst.idx.add.s32.msk $0xffff, v2  }
0x433: {  	v28 =	vsel vm5, v10, v5;
	v13 =	vld [tilespmem:s28+$0xFFFFFFE0];
	v10 =	vadd.s32 v0, v16;
	v16 =	vsel vm1, v9, v5  }
0x434: {  	v30 =	vsel vm3, v30, v5;
	v34 =	vld [tilespmem:s28+$0x30];
	v9 =	vshrl.u32 v23, $0xA;
	v35 =	vsel vm4, v10, v5  }
0x435: {  	v15 =	vsel vm2, v15, v5;
	v10 =	vshrl.u32 v23, $0x15;
	v9 =	vand.u32 $0x7FF, v9;
	[tilespmem:v17+s4+$0x0] =	vst.idx.add.s32.msk $0xffff, v2  }
0x436: {  	v17 =	vshrl.u32 v32, $0x15;
	v23 =	vshrl.u32 v33, $0xA;
	v9 =	vadd.s32 v0, v9;
	[tilespmem:v14+s4+$0x0] =	vst.idx.add.s32.msk $0xffff, v2  }
0x437: {  	v32 =	vshrl.u32 v32, $0xA;
	vm1 =	veq.s32 v10, v7;
	v14 =	vshrl.u32 v25, $0xA;
	[tilespmem:v19+s4+$0x0] =	vst.idx.add.s32.msk $0xffff, v2  }
0x438: {  	v10 =	vand.u32 $0x7FF, v14;
	v14 =	vand.u32 $0x7FF, v32;
	v19 =	vshrl.u32 v13, $0xA;
	[tilespmem:v16+s4+$0x0] =	vst.idx.add.s32.msk $0xffff, v2  }
0x439: {  	vm2 =	veq.s32 v17, v7;
	v10 =	vadd.s32 v0, v10;
	v16 =	vshrl.u32 v34, $0xA;
	[tilespmem:v30+s4+$0x0] =	vst.idx.add.s32.msk $0xffff, v2  }
0x43a: {  	v17 =	vshrl.u32 v18, $0x15;
	v25 =	vshrl.u32 v25, $0x15;
	v30 =	vshrl.u32 v34, $0x15;
	[tilespmem:v11+s4+$0x0] =	vst.idx.add.s32.msk $0xffff, v2  }
0x43b: {  	vm4 =	veq.s32 v17, v7;
	v17 =	vsel vm0, v20, v5;
	v11 =	vshrl.u32 v18, $0xA;
	[tilespmem:v12+s4+$0x0] =	vst.idx.add.s32.msk $0xffff, v2  }
0x43c: {  	v18 =	vadd.s32 v0, v14;
	v14 =	vand.u32 $0x7FF, v16;
	v12 =	vshrl.u32 v31, $0xA;
	[tilespmem:v35+s4+$0x0] =	vst.idx.add.s32.msk $0xffff, v2  }
0x43d: {  	v16 =	vshrl.u32 v29, $0x15;
	v20 =	vand.u32 $0x7FF, v12;
	v12 =	vadd.s32 v0, v14;
	[tilespmem:v15+s4+$0x0] =	vst.idx.add.s32.msk $0xffff, v2  }
0x43e: {  	vm3 =	veq.s32 v25, v7;
	v15 =	vshrl.u32 v22, $0x15;
	v14 =	vadd.s32 v0, v20;
	[tilespmem:v27+s4+$0x0] =	vst.idx.add.s32.msk $0xffff, v2  }
0x43f: {  	v20 =	vshrl.u32 v13, $0x15;
	vm0 =	veq.s32 v15, v7;
	v15 =	vshrl.u32 v29, $0xA;
	[tilespmem:v26+s4+$0x0] =	vst.idx.add.s32.msk $0xffff, v2  }
0x440: {  	v25 =	vshrl.u32 v33, $0x15;
	v22 =	vshrl.u32 v22, $0xA;
	v13 =	vsel vm2, v18, v5;
	[tilespmem:v21+s4+$0x0] =	vst.idx.add.s32.msk $0xffff, v2  }
0x441: {  	vm5 =	veq.s32 v30, v7;
	v18 =	vshrl.u32 v24, $0x15;
	v21 =	vshrl.u32 v24, $0xA;
	[tilespmem:v17+s4+$0x0] =	vst.idx.add.s32.msk $0xffff, v2  }
.Ltmp38:
0x442: {  	vm6 =	veq.s32 v16, v7;
	v17 =	vand.u32 $0x7FF, v15;
	v15 =	vand.u32 $0x7FF, v19;
	[tilespmem:v28+s4+$0x0] =	vst.idx.add.s32.msk $0xffff, v2;
	(pc) =	sbr.rel @p1 .LBB2_77-.Ltmp38, $4  }
0x443: {  	vm7 =	veq.s32 v18, v7;
	v24 =	vand.u32 $0x7FF, v11;
	v18 =	vand.u32 $0x7FF, v21;
	v16 =	vld [tilespmem:s28+$0x0]  }
0x444: {  	vm2 =	veq.s32 v20, v7;
	v11 =	vadd.s32 v0, v18;
	v17 =	vadd.s32 v0, v17;
	v18 =	vld [tilespmem:s28+$0x70]  }
0x445: {  	v11 =	vsel vm7, v11, v5;
	v17 =	vsel vm6, v17, v5;
	vm6 =	veq.s32 v25, v7;
	v19 =	vld [tilespmem:s28+$0x60]  }
0x446: {  	v20 =	vand.u32 $0x7FF, v22;
	v22 =	vshrl.u32 v31, $0x15;
	v21 =	vand.u32 $0x7FF, v23;
	v23 =	vld [tilespmem:s28+$0x40];
	s28 =	sadd.s32 $0x100, s28  }
0x447: {  	_ =	sdelay $0x2  }
0x448: {  	v24 =	vadd.s32 v0, v24;
	v9 =	vsel vm1, v9, v5;
	v12 =	vsel vm5, v12, v5  }
0x449: {  	v15 =	vadd.s32 v0, v15;
	[tilespmem:v11+s4+$0x0] =	vst.idx.add.s32.msk $0xffff, v2;
	v11 =	vadd.s32 v0, v20  }
0x44a: {  	v24 =	vsel vm4, v24, v5;
	v45 =	vshrl.u32 v16, $0x15;
	v16 =	vshrl.u32 v16, $0xA  }
0x44b: {  	v15 =	vsel vm2, v15, v5;
	v11 =	vsel vm0, v11, v5;
	v25 =	vshrl.u32 v18, $0xA  }
0x44c: {  	v18 =	vshrl.u32 v18, $0x15;
	vm14 =	veq.s32 v45, v7;
	v16 =	vand.u32 $0x7FF, v16  }
0x44d: {  	v26 =	vshrl.u32 v19, $0xA;
	vm11 =	veq.s32 v18, v7;
	v19 =	vshrl.u32 v19, $0x15  }
0x44e: {  	v16 =	vadd.s32 v0, v16;
	v41 =	vand.u32 $0x7FF, v26;
	v42 =	vshrl.u32 v23, $0xA  }
0x44f: {  	[tilespmem:v17+s4+$0x0] =	vst.idx.add.s32.msk $0xffff, v2;
	vm12 =	veq.s32 v19, v7;
	v43 =	vshrl.u32 v23, $0x15;
	v16 =	vsel vm14, v16, v5  }
0x450: {  	[tilespmem:v13+s4+$0x0] =	vst.idx.add.s32.msk $0xffff, v2;
	v19 =	vadd.s32 v0, v41;
	v44 =	vand.u32 $0x7FF, v42;
	vm13 =	veq.s32 v43, v7  }
0x451: {  	v25 =	vand.u32 $0x7FF, v25;
	[tilespmem:v9+s4+$0x0] =	vst.idx.add.s32.msk $0xffff, v2;
	v17 =	vsel vm12, v19, v5;
	v19 =	vadd.s32 v0, v44  }
0x452: {  	v18 =	vadd.s32 v0, v25;
	[tilespmem:v12+s4+$0x0] =	vst.idx.add.s32.msk $0xffff, v2;
	v13 =	vsel vm13, v19, v5  }
0x453: {  	v18 =	vsel vm11, v18, v5;
	[tilespmem:v24+s4+$0x0] =	vst.idx.add.s32.msk $0xffff, v2  }
0x454: {  	v9 =	vsel vm3, v10, v5;
	[tilespmem:v15+s4+$0x0] =	vst.idx.add.s32.msk $0xffff, v2  }
0x455: {  	v10 =	vadd.s32 v0, v21;
	[tilespmem:v11+s4+$0x0] =	vst.idx.add.s32.msk $0xffff, v2  }
0x456: {  	vm15 =	veq.s32 v22, v7;
	v10 =	vsel vm6, v10, v5;
	[tilespmem:v16+s4+$0x0] =	vst.idx.add.s32.msk $0xffff, v2  }
0x457: {  	[tilespmem:v13+s4+$0x0] =	vst.idx.add.s32.msk $0xffff, v2;
	v13 =	vsel vm15, v14, v5  }
0x458: {  	[tilespmem:v18+s4+$0x0] =	vst.idx.add.s32.msk $0xffff, v2  }
0x459: {  	[tilespmem:v9+s4+$0x0] =	vst.idx.add.s32.msk $0xffff, v2  }
0x45a: {  	[tilespmem:v17+s4+$0x0] =	vst.idx.add.s32.msk $0xffff, v2  }
0x45b: {  	[tilespmem:v10+s4+$0x0] =	vst.idx.add.s32.msk $0xffff, v2  }
0x45c: {  	s26 =	simm.s32 $0x0;
	[tilespmem:v13+s4+$0x0] =	vst.idx.add.s32.msk $0xffff, v2  }
0x45d: {  	v9 =	vld [tilespmem:s26+$0x830]  }
0x45e: {  	v10 =	vld [tilespmem:s26+$0x1051]  }
0x45f: {  	v11 =	vld [tilespmem:s26+$0x1872]  }
0x460: {  	v12 =	vld [tilespmem:s26+$0x2093]  }
0x461: {  	v13 =	vld [tilespmem:s26+$0x28B4]  }
0x462: {  	v14 =	vld [tilespmem:s26+$0x30D5]  }
0x463: {  	v15 =	vld [tilespmem:s26+$0x38F6]  }
0x464: {  	v16 =	vld [tilespmem:s26+$0x4117]  }
0x465: {  	v17 =	vld [tilespmem:s26+$0x4938]  }
0x466: {  	v18 =	vld [tilespmem:s26+$0x5159]  }
0x467: {  	v19 =	vld [tilespmem:s26+$0x597A]  }
0x468: {  	v46 =	vld [tilespmem:s26+$0x619B]  }
0x469: {  	v47 =	vld [tilespmem:s26+$0x69BC]  }
0x46a: {  	v48 =	vld [tilespmem:s26+$0x71DD]  }
0x46b: {  	v49 =	vld [tilespmem:s26+$0x79FE]  }
0x46c: {  	v24 =	vld [tilespmem:s26+$0x821F]  }
0x46d: {  	v50 =	vld [tilespmem:s26+$0x800]  }
0x46e: {  	v51 =	vld [tilespmem:s26+$0x1021]  }
0x46f: {  	v27 =	vld [tilespmem:s26+$0x810]  }
0x470: {  	v28 =	vld [tilespmem:s26+$0x1031]  }
0x471: {  	v29 =	vld [tilespmem:s26+$0x820]  }
0x472: {  	v30 =	vld [tilespmem:s26+$0x1041]  }
0x473: {  	v31 =	vld [tilespmem:s26+$0x1842]  }
0x474: {  	v32 =	vld [tilespmem:s26+$0x1852]  }
0x475: {  	v33 =	vld [tilespmem:s26+$0x1862]  }
0x476: {  	v34 =	vld [tilespmem:s26+$0x2063]  }
0x477: {  	v35 =	vld [tilespmem:s26+$0x2073]  }
0x478: {  	v36 =	vld [tilespmem:s26+$0x2083]  }
0x479: {  	v37 =	vld [tilespmem:s26+$0x2884]  }
0x47a: {  	v38 =	vld [tilespmem:s26+$0x2894]  }
0x47b: {  	v39 =	vld [tilespmem:s26+$0x28A4]  }
0x47c: {  	v40 =	vld [tilespmem:s26+$0x30A5]  }
0x47d: {  	v41 =	vld [tilespmem:s26+$0x30B5]  }
0x47e: {  	v42 =	vld [tilespmem:s26+$0x30C5]  }
0x47f: {  	v43 =	vld [tilespmem:s26+$0x38C6]  }
0x480: {  	v52 =	vld [tilespmem:s26+$0x5149]  }
0x481: {  	v53 =	vld [tilespmem:s26+$0x594A];
	v9 =	vadd.s32 v9, v10  }
0x482: {  	v54 =	vld [tilespmem:s26+$0x595A];
	v9 =	vadd.s32 v11, v9  }
0x483: {  	v55 =	vld [tilespmem:s26+$0x596A];
	v9 =	vadd.s32 v12, v9  }
0x484: {  	v44 =	vld [tilespmem:s26+$0x616B];
	v9 =	vadd.s32 v13, v9  }
0x485: {  	v58 =	vld [tilespmem:s26+$0x617B];
	v9 =	vadd.s32 v14, v9  }
0x486: {  	v59 =	vld [tilespmem:s26+$0x618B];
	v9 =	vadd.s32 v15, v9  }
0x487: {  	v60 =	vld [tilespmem:s26+$0x698C];
	v9 =	vadd.s32 v16, v9  }
0x488: {  	v61 =	vld [tilespmem:s26+$0x699C];
	v9 =	vadd.s32 v17, v9  }
0x489: {  	v10 =	vld [tilespmem:s26+$0x38D6];
	v9 =	vadd.s32 v18, v9  }
0x48a: {  	v11 =	vld [tilespmem:s26+$0x38E6];
	v9 =	vadd.s32 v19, v9  }
0x48b: {  	v12 =	vld [tilespmem:s26+$0x40E7];
	v9 =	vadd.s32 v46, v9  }
0x48c: {  	v13 =	vld [tilespmem:s26+$0x40F7];
	v9 =	vadd.s32 v47, v9  }
0x48d: {  	v14 =	vld [tilespmem:s26+$0x4107];
	v9 =	vadd.s32 v48, v9  }
0x48e: {  	v56 =	vadd.s32 v27, v28;
	v15 =	vld [tilespmem:s26+$0x4908];
	v9 =	vadd.s32 v49, v9  }
0x48f: {  	v57 =	vadd.s32 v29, v30;
	v16 =	vld [tilespmem:s26+$0x4918];
	v24 =	vadd.s32 v24, v9;
	v9 =	vadd.s32 v50, v51  }
0x490: {  	v25 =	vadd.s32 v32, v56;
	v26 =	vadd.s32 v33, v57;
	v17 =	vld [tilespmem:s26+$0x4928];
	v9 =	vadd.s32 v31, v9  }
0x491: {  	v25 =	vadd.s32 v35, v25;
	v26 =	vadd.s32 v36, v26;
	v18 =	vld [tilespmem:s26+$0x5129];
	v9 =	vadd.s32 v34, v9  }
0x492: {  	v25 =	vadd.s32 v38, v25;
	v26 =	vadd.s32 v39, v26;
	v19 =	vld [tilespmem:s26+$0x5139];
	v9 =	vadd.s32 v37, v9  }
0x493: {  	v62 =	vld [tilespmem:s26+$0x69AC];
	v25 =	vadd.s32 v41, v25;
	v26 =	vadd.s32 v42, v26;
	v9 =	vadd.s32 v40, v9  }
0x494: {  	v63 =	vld [tilespmem:s26+$0x71AD];
	v10 =	vadd.s32 v10, v25;
	v11 =	vadd.s32 v11, v26;
	v9 =	vadd.s32 v43, v9  }
0x495: {  	v10 =	vadd.s32 v13, v10;
	v13 =	vld [tilespmem:s26+$0x71BD];
	v11 =	vadd.s32 v14, v11;
	v9 =	vadd.s32 v12, v9  }
0x496: {  	v14 =	vld [tilespmem:s26+$0x71CD];
	v10 =	vadd.s32 v16, v10;
	v11 =	vadd.s32 v17, v11;
	v9 =	vadd.s32 v15, v9  }
0x497: {  	v11 =	vadd.s32 v52, v11;
	v10 =	vadd.s32 v19, v10;
	v12 =	vadd.s32 v18, v9;
	v9 =	vld [tilespmem:s26+$0x79CE]  }
0x498: {  	v11 =	vadd.s32 v55, v11;
	v15 =	vadd.s32 v54, v10;
	v10 =	vld [tilespmem:s26+$0x79DE];
	v12 =	vadd.s32 v53, v12  }
0x499: {  	v16 =	vadd.s32 v59, v11;
	v11 =	vld [tilespmem:s26+$0x79EE];
	v15 =	vadd.s32 v58, v15;
	v12 =	vadd.s32 v44, v12  }
0x49a: {  	v18 =	vadd.s32 v62, v16;
	v15 =	vadd.s32 v61, v15;
	v17 =	vadd.s32 v60, v12;
	v12 =	vld [tilespmem:s26+$0x81EF]  }
0x49b: {  	s28 =	simm.s32 $0x0;
	s29 =	simm.s32 $0x100;
	[tilespmem:s26+$0x18B30] =	vst v24;
	v14 =	vadd.s32 v14, v18;
	v15 =	vadd.s32 v13, v15;
	v13 =	vld [tilespmem:s26+$0x81FF];
	v16 =	vadd.s32 v63, v17  }
.LBB2_79:
0x49c: {  	s30 =	sshra.s32 s29, $0x2;
	v9 =	vadd.s32 v9, v16;
	v16 =	vld [tilespmem:s26+$0x820F]  }
0x49d: {  	s28 =	sadd.s32 $0x4, s28;
	v17 =	vld [tilespmem:s30+$0x830];
	v10 =	vadd.s32 v10, v15  }
0x49e: {  	p1 =	slt.u32 s28, $0x7C;
	v15 =	vld [tilespmem:s30+$0x1051];
	v11 =	vadd.s32 v11, v14  }
0x49f: {  	v14 =	vld [tilespmem:s30+$0x1872];
	v9 =	vadd.s32 v12, v9  }
0x4a0: {  	v12 =	vld [tilespmem:s30+$0x2093];
	[tilespmem:s26+$0x18B00] =	vst v9;
	v9 =	vadd.s32 v13, v10  }
0x4a1: {  	v10 =	vld [tilespmem:s30+$0x28B4];
	[tilespmem:s26+$0x18B10] =	vst v9;
	v9 =	vadd.s32 v16, v11  }
0x4a2: {  	v11 =	vld [tilespmem:s30+$0x30D5];
	[tilespmem:s26+$0x18B20] =	vst v9;
	s26 =	smov.u32 s30  }
0x4a3: {  	v9 =	vadd.s32 v17, v15;
	v13 =	vld [tilespmem:s26+$0x38F6]  }
0x4a4: {  	v9 =	vadd.s32 v14, v9;
	v14 =	vld [tilespmem:s26+$0x4117]  }
0x4a5: {  	v9 =	vadd.s32 v12, v9;
	v12 =	vld [tilespmem:s26+$0x4938]  }
0x4a6: {  	v9 =	vadd.s32 v10, v9;
	v10 =	vld [tilespmem:s26+$0x5159]  }
0x4a7: {  	v9 =	vadd.s32 v11, v9;
	v11 =	vld [tilespmem:s26+$0x597A]  }
0x4a8: {  	v9 =	vadd.s32 v13, v9;
	v13 =	vld [tilespmem:s26+$0x619B]  }
0x4a9: {  	v9 =	vadd.s32 v14, v9;
	v14 =	vld [tilespmem:s26+$0x69BC]  }
0x4aa: {  	v9 =	vadd.s32 v12, v9;
	v12 =	vld [tilespmem:s26+$0x71DD]  }
0x4ab: {  	v9 =	vadd.s32 v10, v9;
	v10 =	vld [tilespmem:s26+$0x79FE]  }
0x4ac: {  	v9 =	vadd.s32 v11, v9;
	v11 =	vld [tilespmem:s26+$0x821F]  }
0x4ad: {  	v15 =	vld [tilespmem:s26+$0x800];
	v9 =	vadd.s32 v13, v9  }
0x4ae: {  	v13 =	vld [tilespmem:s26+$0x1021];
	v9 =	vadd.s32 v14, v9  }
0x4af: {  	v14 =	vld [tilespmem:s26+$0x810];
	v9 =	vadd.s32 v12, v9  }
0x4b0: {  	v12 =	vld [tilespmem:s26+$0x1031];
	v9 =	vadd.s32 v10, v9  }
0x4b1: {  	v10 =	vld [tilespmem:s26+$0x820];
	v9 =	vadd.s32 v11, v9  }
0x4b2: {  	v11 =	vld [tilespmem:s26+$0x1041];
	[tilespmem:s26+$0x18B30] =	vst v9  }
0x4b3: {  	v9 =	vadd.s32 v15, v13;
	v13 =	vld [tilespmem:s26+$0x1842]  }
0x4b4: {  	v15 =	vld [tilespmem:s26+$0x1852]  }
0x4b5: {  	v12 =	vadd.s32 v14, v12;
	v14 =	vld [tilespmem:s26+$0x1862]  }
0x4b6: {  	v16 =	vld [tilespmem:s26+$0x2063]  }
0x4b7: {  	v17 =	vld [tilespmem:s26+$0x2073];
	v10 =	vadd.s32 v10, v11  }
0x4b8: {  	v9 =	vadd.s32 v13, v9;
	v11 =	vld [tilespmem:s26+$0x2083]  }
0x4b9: {  	v13 =	vld [tilespmem:s26+$0x2884];
	v12 =	vadd.s32 v15, v12  }
0x4ba: {  	v15 =	vld [tilespmem:s26+$0x2894];
	v10 =	vadd.s32 v14, v10  }
0x4bb: {  	v9 =	vadd.s32 v16, v9;
	v14 =	vld [tilespmem:s26+$0x28A4]  }
0x4bc: {  	v16 =	vld [tilespmem:s26+$0x30A5];
	v12 =	vadd.s32 v17, v12  }
0x4bd: {  	v17 =	vld [tilespmem:s26+$0x30B5];
	v10 =	vadd.s32 v11, v10  }
0x4be: {  	v9 =	vadd.s32 v13, v9;
	v11 =	vld [tilespmem:s26+$0x30C5]  }
0x4bf: {  	v13 =	vld [tilespmem:s26+$0x38C6];
	v12 =	vadd.s32 v15, v12  }
0x4c0: {  	v15 =	vld [tilespmem:s26+$0x38D6];
	v10 =	vadd.s32 v14, v10  }
0x4c1: {  	v9 =	vadd.s32 v16, v9;
	v14 =	vld [tilespmem:s26+$0x38E6]  }
0x4c2: {  	v16 =	vld [tilespmem:s26+$0x40E7];
	v12 =	vadd.s32 v17, v12  }
0x4c3: {  	v17 =	vld [tilespmem:s26+$0x40F7];
	v10 =	vadd.s32 v11, v10  }
0x4c4: {  	v9 =	vadd.s32 v13, v9;
	v11 =	vld [tilespmem:s26+$0x4107]  }
0x4c5: {  	v13 =	vld [tilespmem:s26+$0x4908];
	v12 =	vadd.s32 v15, v12  }
0x4c6: {  	v15 =	vld [tilespmem:s26+$0x4918];
	v10 =	vadd.s32 v14, v10  }
0x4c7: {  	v9 =	vadd.s32 v16, v9;
	v14 =	vld [tilespmem:s26+$0x4928]  }
0x4c8: {  	v16 =	vld [tilespmem:s26+$0x5129];
	v12 =	vadd.s32 v17, v12  }
0x4c9: {  	v17 =	vld [tilespmem:s26+$0x5139];
	v10 =	vadd.s32 v11, v10  }
0x4ca: {  	v9 =	vadd.s32 v13, v9;
	v11 =	vld [tilespmem:s26+$0x5149]  }
0x4cb: {  	v13 =	vld [tilespmem:s26+$0x594A];
	v12 =	vadd.s32 v15, v12  }
0x4cc: {  	v15 =	vld [tilespmem:s26+$0x595A];
	v10 =	vadd.s32 v14, v10  }
0x4cd: {  	v9 =	vadd.s32 v16, v9;
	v14 =	vld [tilespmem:s26+$0x596A]  }
0x4ce: {  	v16 =	vld [tilespmem:s26+$0x616B];
	v12 =	vadd.s32 v17, v12  }
0x4cf: {  	v17 =	vld [tilespmem:s26+$0x617B];
	v10 =	vadd.s32 v11, v10  }
0x4d0: {  	v9 =	vadd.s32 v13, v9;
	v11 =	vld [tilespmem:s26+$0x618B]  }
0x4d1: {  	v13 =	vld [tilespmem:s26+$0x698C];
	v12 =	vadd.s32 v15, v12  }
0x4d2: {  	v15 =	vld [tilespmem:s26+$0x699C];
	v10 =	vadd.s32 v14, v10  }
0x4d3: {  	v9 =	vadd.s32 v16, v9;
	v14 =	vld [tilespmem:s26+$0x69AC]  }
0x4d4: {  	v16 =	vld [tilespmem:s26+$0x71AD];
	v12 =	vadd.s32 v17, v12  }
0x4d5: {  	v17 =	vld [tilespmem:s26+$0x71BD];
	v11 =	vadd.s32 v11, v10  }
0x4d6: {  	v13 =	vadd.s32 v13, v9;
	v18 =	vld [tilespmem:s26+$0x71CD]  }
.Ltmp39:
0x4d7: {  	v9 =	vld [tilespmem:s26+$0x79CE];
	v15 =	vadd.s32 v15, v12;
	(pc) =	sbr.rel @p1 .LBB2_79-.Ltmp39, $4  }
0x4d8: {  	v10 =	vld [tilespmem:s26+$0x79DE];
	v14 =	vadd.s32 v14, v11  }
0x4d9: {  	v16 =	vadd.s32 v16, v13;
	v11 =	vld [tilespmem:s26+$0x79EE]  }
0x4da: {  	v12 =	vld [tilespmem:s26+$0x81EF];
	v15 =	vadd.s32 v17, v15  }
0x4db: {  	s29 =	sadd.s32 $0x100, s29;
	v13 =	vld [tilespmem:s26+$0x81FF];
	v14 =	vadd.s32 v18, v14  }
0x4dc: {  	v17 =	vld [tilespmem:s26+$0x820F];
	_ =	sdelay $0x1  }
0x4dd: {  	v9 =	vadd.s32 v9, v16  }
0x4de: {  	v10 =	vadd.s32 v10, v15;
	v9 =	vadd.s32 v12, v9  }
0x4df: {  	v11 =	vadd.s32 v11, v14;
	[tilespmem:s26+$0x18B00] =	vst v9;
	v9 =	vadd.s32 v13, v10  }
0x4e0: {  	[tilespmem:s26+$0x18B10] =	vst v9;
	v9 =	vadd.s32 v17, v11  }
0x4e1: {  	[tilespmem:s26+$0x18B20] =	vst v9  }
0x4e2: {  	s26 =	sld [smem:$0x7EE];
	_ =	sdelay $0x2  }
0x4e3: {  	[spmem:s26] =	stream.linear.scatter [tilespmem:s5], [sflag:$0x1], $0x800, $0x38;
	[tilespmem:$0x1A480] =	vst v63  }
0x4e4: {  	_ =	swait.ge [sflag:s3], $0x800  }
0x4e5: {  	[sflag:s3] =	ssyncset.done $0x0  }
0x4e6: {  	[sflag:s3] =	ssyncadd.s32 $0xFFFFF800  }
0x4e7: {  	[bflag:$0x0] =	sbarrier.arrive $0xFFFF  }
0x4e8: {  	[tilespmem:s4], [sflag:$0x1] =	stream.linear.gather [spmem:s14], $0x80, $0x38;
	[tilespmem:$0x1A480] =	vst v63  }
0x4e9: {  	_ =	swait.ge [sflag:s3], $0x80  }
0x4ea: {  	s30 =	sld [smem:$0x7F1]  }
0x4eb: {  	[sflag:s3] =	ssyncset.done $0x0  }
0x4ec: {  	[sflag:s3] =	ssyncadd.s32 $0xFFFFFF80  }
0x4ed: {  	[tilespmem:s6], [sflag:$0x1] =	stream.linear.gather [spmem:s30], $0x80, $0x38;
	[tilespmem:$0x1A480] =	vst v63  }
0x4ee: {  	_ =	swait.ge [sflag:s3], $0x80  }
0x4ef: {  	s28 =	sld [smem:$0x7F2]  }
0x4f0: {  	[sflag:s3] =	ssyncset.done $0x0  }
0x4f1: {  	[sflag:s3] =	ssyncadd.s32 $0xFFFFFF80  }
0x4f2: {  	[tilespmem:s7], [sflag:$0x1] =	stream.linear.gather [spmem:s28], $0x80, $0x38;
	[tilespmem:$0x1A480] =	vst v63  }
0x4f3: {  	_ =	swait.ge [sflag:s3], $0x80  }
0x4f4: {  	s29 =	sld [smem:$0x7F3]  }
0x4f5: {  	[sflag:s3] =	ssyncset.done $0x0  }
0x4f6: {  	[sflag:s3] =	ssyncadd.s32 $0xFFFFFF80  }
0x4f7: {  	[tilespmem:s8], [sflag:$0x1] =	stream.linear.gather [spmem:s29], $0x80, $0x38;
	[tilespmem:$0x1A480] =	vst v63  }
0x4f8: {  	_ =	swait.ge [sflag:s3], $0x80  }
0x4f9: {  	s30 =	sld [smem:$0x7F4]  }
0x4fa: {  	[sflag:s3] =	ssyncset.done $0x0  }
0x4fb: {  	[sflag:s3] =	ssyncadd.s32 $0xFFFFFF80  }
0x4fc: {  	[tilespmem:s9], [sflag:$0x1] =	stream.linear.gather [spmem:s30], $0x80, $0x38;
	[tilespmem:$0x1A480] =	vst v63  }
0x4fd: {  	_ =	swait.ge [sflag:s3], $0x80  }
0x4fe: {  	s28 =	sld [smem:$0x7F5]  }
0x4ff: {  	[sflag:s3] =	ssyncset.done $0x0  }
0x500: {  	[sflag:s3] =	ssyncadd.s32 $0xFFFFFF80  }
0x501: {  	[tilespmem:s10], [sflag:$0x1] =	stream.linear.gather [spmem:s28], $0x80, $0x38;
	[tilespmem:$0x1A480] =	vst v63  }
0x502: {  	_ =	swait.ge [sflag:s3], $0x80  }
0x503: {  	s29 =	sld [smem:$0x7F6]  }
0x504: {  	[sflag:s3] =	ssyncset.done $0x0  }
0x505: {  	[sflag:s3] =	ssyncadd.s32 $0xFFFFFF80  }
0x506: {  	[tilespmem:s11], [sflag:$0x1] =	stream.linear.gather [spmem:s29], $0x80, $0x38;
	[tilespmem:$0x1A480] =	vst v63  }
0x507: {  	_ =	swait.ge [sflag:s3], $0x80  }
0x508: {  	s30 =	sld [smem:$0x7F7]  }
0x509: {  	[sflag:s3] =	ssyncset.done $0x0  }
0x50a: {  	[sflag:s3] =	ssyncadd.s32 $0xFFFFFF80  }
0x50b: {  	[tilespmem:s13], [sflag:$0x1] =	stream.linear.gather [spmem:s30], $0x80, $0x38;
	[tilespmem:$0x1A480] =	vst v63  }
0x50c: {  	_ =	swait.ge [sflag:s3], $0x80  }
0x50d: {  	s28 =	sld [smem:$0x7F8]  }
0x50e: {  	[sflag:s3] =	ssyncset.done $0x0  }
0x50f: {  	[sflag:s3] =	ssyncadd.s32 $0xFFFFFF80  }
0x510: {  	[tilespmem:s15], [sflag:$0x1] =	stream.linear.gather [spmem:s28], $0x80, $0x38;
	[tilespmem:$0x1A480] =	vst v63  }
0x511: {  	_ =	swait.ge [sflag:s3], $0x80  }
0x512: {  	s29 =	sld [smem:$0x7F9]  }
0x513: {  	[sflag:s3] =	ssyncset.done $0x0  }
0x514: {  	[sflag:s3] =	ssyncadd.s32 $0xFFFFFF80  }
0x515: {  	[tilespmem:s16], [sflag:$0x1] =	stream.linear.gather [spmem:s29], $0x80, $0x38;
	[tilespmem:$0x1A480] =	vst v63  }
0x516: {  	_ =	swait.ge [sflag:s3], $0x80  }
0x517: {  	s30 =	sld [smem:$0x7FA]  }
0x518: {  	[sflag:s3] =	ssyncset.done $0x0  }
0x519: {  	[sflag:s3] =	ssyncadd.s32 $0xFFFFFF80  }
0x51a: {  	[tilespmem:s17], [sflag:$0x1] =	stream.linear.gather [spmem:s30], $0x80, $0x38;
	[tilespmem:$0x1A480] =	vst v63  }
0x51b: {  	_ =	swait.ge [sflag:s3], $0x80  }
0x51c: {  	s28 =	sld [smem:$0x7FB]  }
0x51d: {  	[sflag:s3] =	ssyncset.done $0x0  }
0x51e: {  	[sflag:s3] =	ssyncadd.s32 $0xFFFFFF80  }
0x51f: {  	[tilespmem:s18], [sflag:$0x1] =	stream.linear.gather [spmem:s28], $0x80, $0x38;
	[tilespmem:$0x1A480] =	vst v63  }
0x520: {  	_ =	swait.ge [sflag:s3], $0x80  }
0x521: {  	s29 =	sld [smem:$0x7FC]  }
0x522: {  	[sflag:s3] =	ssyncset.done $0x0  }
0x523: {  	[sflag:s3] =	ssyncadd.s32 $0xFFFFFF80  }
0x524: {  	[tilespmem:s19], [sflag:$0x1] =	stream.linear.gather [spmem:s29], $0x80, $0x38;
	[tilespmem:$0x1A480] =	vst v63  }
0x525: {  	_ =	swait.ge [sflag:s3], $0x80  }
0x526: {  	s30 =	sld [smem:$0x7FD]  }
0x527: {  	[sflag:s3] =	ssyncset.done $0x0  }
0x528: {  	[sflag:s3] =	ssyncadd.s32 $0xFFFFFF80  }
0x529: {  	[tilespmem:s20], [sflag:$0x1] =	stream.linear.gather [spmem:s30], $0x80, $0x38;
	[tilespmem:$0x1A480] =	vst v63  }
0x52a: {  	_ =	swait.ge [sflag:s3], $0x80  }
0x52b: {  	[sflag:s3] =	ssyncset.done $0x0  }
0x52c: {  	[sflag:s3] =	ssyncadd.s32 $0xFFFFFF80  }
0x52d: {  	[tilespmem:s21], [sflag:$0x1] =	stream.linear.gather [spmem:s31], $0x80, $0x38;
	[tilespmem:$0x1A480] =	vst v63  }
0x52e: {  	_ =	swait.ge [sflag:s3], $0x80  }
0x52f: {  	[sflag:s3] =	ssyncset.done $0x0  }
0x530: {  	[sflag:s3] =	ssyncadd.s32 $0xFFFFFF80  }
0x531: {  	[tilespmem:s22], [sflag:$0x1] =	stream.linear.gather [spmem:s0], $0x80, $0x38;
	[tilespmem:$0x1A480] =	vst v63  }
0x532: {  	_ =	swait.ge [sflag:s3], $0x80  }
0x533: {  	[sflag:s3] =	ssyncset.done $0x0  }
0x534: {  	p1 =	por $0x1, $0x1;
	s26 =	simm.s32 $0x0;
	[sflag:s3] =	ssyncadd.s32 $0xFFFFFF80  }
.LBB2_81:
0x535: {  	v9 =	vld [tilespmem:s26+$0x800]  }
0x536: {  	v10 =	vld [tilespmem:s26+$0x1020]  }
0x537: {  	v11 =	vld [tilespmem:s26+$0x1840]  }
0x538: {  	v12 =	vld [tilespmem:s26+$0x2060]  }
0x539: {  	v13 =	vld [tilespmem:s26+$0x2880]  }
0x53a: {  	v14 =	vld [tilespmem:s26+$0x30A0]  }
0x53b: {  	v15 =	vld [tilespmem:s26+$0x38C0]  }
0x53c: {  	v16 =	vld [tilespmem:s26+$0x40E0]  }
0x53d: {  	v17 =	vld [tilespmem:s26+$0x4900]  }
0x53e: {  	v18 =	vld [tilespmem:s26+$0x5120]  }
0x53f: {  	v19 =	vld [tilespmem:s26+$0x5940]  }
0x540: {  	v20 =	vld [tilespmem:s26+$0x6160]  }
0x541: {  	v21 =	vld [tilespmem:s26+$0x6980]  }
0x542: {  	v22 =	vld [tilespmem:s26+$0x71A0]  }
0x543: {  	v23 =	vld [tilespmem:s26+$0x79C0]  }
0x544: {  	v24 =	vld [tilespmem:s26+$0x81E0]  }
0x545: {  	v25 =	vld [tilespmem:s26+$0x810]  }
0x546: {  	v26 =	vld [tilespmem:s26+$0x1030]  }
0x547: {  	v27 =	vld [tilespmem:s26+$0x1850]  }
0x548: {  	v28 =	vld [tilespmem:s26+$0x2070]  }
0x549: {  	v29 =	vld [tilespmem:s26+$0x2890]  }
0x54a: {  	v30 =	vld [tilespmem:s26+$0x30B0]  }
0x54b: {  	v31 =	vld [tilespmem:s26+$0x38D0]  }
0x54c: {  	v32 =	vld [tilespmem:s26+$0x40F0]  }
0x54d: {  	v33 =	vld [tilespmem:s26+$0x4910]  }
0x54e: {  	v34 =	vld [tilespmem:s26+$0x5130]  }
0x54f: {  	v35 =	vld [tilespmem:s26+$0x5950]  }
0x550: {  	v36 =	vld [tilespmem:s26+$0x6170]  }
0x551: {  	v37 =	vld [tilespmem:s26+$0x6990]  }
0x552: {  	v38 =	vld [tilespmem:s26+$0x71B0]  }
0x553: {  	v39 =	vld [tilespmem:s26+$0x79D0]  }
0x554: {  	v40 =	vld [tilespmem:s26+$0x81F0]  }
0x555: {  	v41 =	vld [tilespmem:s26+$0x820]  }
0x556: {  	v42 =	vld [tilespmem:s26+$0x1040]  }
0x557: {  	v43 =	vld [tilespmem:s26+$0x1860]  }
0x558: {  	v44 =	vld [tilespmem:s26+$0x2080]  }
0x559: {  	v45 =	vld [tilespmem:s26+$0x28A0]  }
0x55a: {  	v46 =	vld [tilespmem:s26+$0x30C0]  }
0x55b: {  	v47 =	vld [tilespmem:s26+$0x38E0]  }
0x55c: {  	v60 =	vld [tilespmem:s26+$0x830]  }
0x55d: {  	v61 =	vld [tilespmem:s26+$0x1050];
	v9 =	vadd.s32 v9, v10  }
0x55e: {  	v62 =	vld [tilespmem:s26+$0x1870];
	v9 =	vadd.s32 v11, v9  }
0x55f: {  	v63 =	vld [tilespmem:s26+$0x2090];
	v9 =	vadd.s32 v12, v9  }
0x560: {  	v49 =	vld [tilespmem:s26+$0x28B0];
	v9 =	vadd.s32 v13, v9  }
0x561: {  	v51 =	vld [tilespmem:s26+$0x30D0];
	v9 =	vadd.s32 v14, v9  }
0x562: {  	v52 =	vld [tilespmem:s26+$0x38F0];
	v9 =	vadd.s32 v15, v9  }
0x563: {  	v53 =	vld [tilespmem:s26+$0x4110];
	v9 =	vadd.s32 v16, v9  }
0x564: {  	v54 =	vld [tilespmem:s26+$0x4930];
	v9 =	vadd.s32 v17, v9  }
0x565: {  	v55 =	vld [tilespmem:s26+$0x5150];
	v9 =	vadd.s32 v18, v9  }
0x566: {  	v56 =	vld [tilespmem:s26+$0x5970];
	v9 =	vadd.s32 v19, v9  }
0x567: {  	v57 =	vld [tilespmem:s26+$0x6190];
	v9 =	vadd.s32 v20, v9  }
0x568: {  	v58 =	vld [tilespmem:s26+$0x69B0];
	v9 =	vadd.s32 v21, v9  }
0x569: {  	v10 =	vld [tilespmem:s26+$0x4100];
	v48 =	vadd.s32 v25, v26;
	v50 =	vadd.s32 v41, v42;
	v9 =	vadd.s32 v22, v9  }
0x56a: {  	v11 =	vld [tilespmem:s26+$0x4920];
	v19 =	vadd.s32 v60, v61;
	v9 =	vadd.s32 v23, v9;
	v23 =	vadd.s32 v27, v48  }
0x56b: {  	v12 =	vld [tilespmem:s26+$0x5140];
	v9 =	vadd.s32 v24, v9;
	v23 =	vadd.s32 v28, v23;
	v24 =	vadd.s32 v43, v50  }
0x56c: {  	v13 =	vld [tilespmem:s26+$0x5960];
	v19 =	vadd.s32 v62, v19;
	v23 =	vadd.s32 v29, v23;
	v24 =	vadd.s32 v44, v24  }
0x56d: {  	v14 =	vld [tilespmem:s26+$0x6180];
	v19 =	vadd.s32 v63, v19;
	v23 =	vadd.s32 v30, v23;
	v24 =	vadd.s32 v45, v24  }
0x56e: {  	v15 =	vld [tilespmem:s26+$0x69A0];
	v19 =	vadd.s32 v49, v19;
	v23 =	vadd.s32 v31, v23;
	v24 =	vadd.s32 v46, v24  }
0x56f: {  	v16 =	vld [tilespmem:s26+$0x71C0];
	v19 =	vadd.s32 v51, v19;
	v23 =	vadd.s32 v32, v23;
	v24 =	vadd.s32 v47, v24  }
0x570: {  	v17 =	vld [tilespmem:s26+$0x79E0];
	v19 =	vadd.s32 v52, v19;
	v23 =	vadd.s32 v33, v23;
	v10 =	vadd.s32 v10, v24  }
0x571: {  	v18 =	vld [tilespmem:s26+$0x8200];
	v23 =	vadd.s32 v34, v23;
	v10 =	vadd.s32 v11, v10;
	v11 =	vadd.s32 v53, v19  }
0x572: {  	v60 =	vld [tilespmem:s26+$0x71D0];
	v59 =	vadd.s32 v35, v23;
	v10 =	vadd.s32 v12, v10;
	v11 =	vadd.s32 v54, v11  }
0x573: {  	v61 =	vld [tilespmem:s26+$0x79F0];
	v21 =	vadd.s32 v36, v59;
	v10 =	vadd.s32 v13, v10;
	v11 =	vadd.s32 v55, v11  }
0x574: {  	v62 =	vld [tilespmem:s26+$0x8210];
	v21 =	vadd.s32 v37, v21;
	v10 =	vadd.s32 v14, v10;
	v11 =	vadd.s32 v56, v11  }
0x575: {  	p2 =	por p1, p1;
	v21 =	vadd.s32 v38, v21;
	v10 =	vadd.s32 v15, v10;
	v11 =	vadd.s32 v57, v11  }
.Ltmp40:
0x576: {  	v63 =	vadd.s32 v39, v21;
	v10 =	vadd.s32 v16, v10;
	v11 =	vadd.s32 v58, v11;
	(pc) =	sbr.rel @p2 .LBB2_81-.Ltmp40, $4  }
0x577: {  	[tilespmem:s26+$0x18B00] =	vst v9;
	v9 =	vadd.s32 v40, v63;
	v10 =	vadd.s32 v17, v10;
	v11 =	vadd.s32 v60, v11  }
0x578: {  	[tilespmem:s26+$0x18B10] =	vst v9;
	v9 =	vadd.s32 v18, v10;
	v10 =	vadd.s32 v61, v11  }
0x579: {  	[tilespmem:s26+$0x18B20] =	vst v9;
	v9 =	vadd.s32 v62, v10  }
0x57a: {  	p1 =	por $0x0, $0x0;
	[tilespmem:s26+$0x18B30] =	vst v9;
	s26 =	simm.s32 $0x40  }
0x57b: {  	s26 =	sld [smem:$0x7EF];
	_ =	sdelay $0x2  }
0x57c: {  	[spmem:s26] =	stream.linear.scatter [tilespmem:s5], [sflag:$0x1], $0x80, $0x38;
	[tilespmem:$0x1A480] =	vst v63  }
0x57d: {  	_ =	swait.ge [sflag:s3], $0x80  }
0x57e: {  	[sflag:s3] =	ssyncset.done $0x0  }
0x57f: {  	[sflag:s3] =	ssyncadd.s32 $0xFFFFFF80  }
0x580: {  	[bflag:$0x0] =	sbarrier.arrive $0xFFFF  }
0x581: {  	[tilespmem:s2], [sflag:$0x1] =	stream.linear.gather [spmem:s1], $0x800, $0x38;
	[tilespmem:$0x1A480] =	vst v63  }
0x582: {  	_ =	swait.ge [sflag:s3], $0x800  }
0x583: {  	[sflag:s3] =	ssyncset.done $0x0  }
0x584: {  	s30 =	simm.s32 $0x40;
	[sflag:s3] =	ssyncadd.s32 $0xFFFFF800  }
0x585: {  	v9 =	vld [tilespmem:s30+$0x30]  }
0x586: {  	v10 =	vld [tilespmem:s30+$0xFFFFFFD0]  }
0x587: {  	v11 =	vld [tilespmem:s30+$0xFFFFFFE0]  }
0x588: {  	v12 =	vld [tilespmem:s30+$0xFFFFFFF0]  }
0x589: {  	v13 =	vld [tilespmem:s30+$0x0]  }
0x58a: {  	v14 =	vld [tilespmem:s30+$0x10];
	(xrf0) =	vadd.scan.msk.s32 $0xffff, v9  }
0x58b: {  	v15 =	vld [tilespmem:s30+$0x20];
	(xrf0) =	vadd.scan.msk.s32 $0xffff, v10  }
0x58c: {  	s29 =	simm.s32 $0xC0;
	v16 =	vld [tilespmem:s30+$0xFFFFFFC0];
	(xrf0) =	vadd.scan.msk.s32 $0xffff, v11  }
0x58d: {  	v11 =	vld [tilespmem:s29+$0x30];
	(xrf0) =	vadd.scan.msk.s32 $0xffff, v12  }
0x58e: {  	v17 =	vld [tilespmem:s29+$0xFFFFFFD0];
	(xrf0) =	vadd.scan.msk.s32 $0xffff, v13  }
0x58f: {  	v18 =	vld [tilespmem:s29+$0xFFFFFFE0];
	(xrf0) =	vadd.scan.msk.s32 $0xffff, v14  }
0x590: {  	s26 =	simm.s32 $0x840;
	v9 =	vld [tilespmem:s29+$0xFFFFFFF0];
	(xrf0) =	vadd.scan.msk.s32 $0xffff, v15;
	v12, _, _ =	vpop (xrf0)  }
0x591: {  	v10 =	vld [tilespmem:s29+$0x0];
	[tilespmem:s26+$0x30] =	vst v12;
	(xrf0) =	vadd.scan.msk.s32 $0xffff, v16;
	v13, _, _ =	vpop (xrf0)  }
0x592: {  	v12 =	vld [tilespmem:s29+$0x10];
	(xrf0) =	vadd.scan.msk.s32 $0xffff, v11;
	[tilespmem:s26+$0xFFFFFFD0] =	vst v13;
	v11, _, _ =	vpop (xrf0)  }
0x593: {  	v13 =	vld [tilespmem:s29+$0x20];
	(xrf0) =	vadd.scan.msk.s32 $0xffff, v17;
	[tilespmem:s26+$0xFFFFFFE0] =	vst v11;
	v14, _, _ =	vpop (xrf0)  }
0x594: {  	s28 =	simm.s32 $0x8;
	v11 =	vld [tilespmem:s29+$0xFFFFFFC0];
	s29 =	simm.s32 $0x140;
	(xrf0) =	vadd.scan.msk.s32 $0xffff, v18;
	[tilespmem:s26+$0xFFFFFFF0] =	vst v14;
	v14, _, _ =	vpop (xrf0)  }
.LBB2_83:
0x595: {  	v15 =	vld [tilespmem:s29+$0x30];
	s28 =	sadd.s32 $0x8, s28;
	(xrf0) =	vadd.scan.msk.s32 $0xffff, v9;
	[tilespmem:s26+$0x0] =	vst v14;
	v9, _, _ =	vpop (xrf0)  }
0x596: {  	v14 =	vld [tilespmem:s29+$0xFFFFFFD0];
	p1 =	slt.u32 s28, $0x78;
	(xrf0) =	vadd.scan.msk.s32 $0xffff, v10;
	[tilespmem:s26+$0x10] =	vst v9;
	v9, _, _ =	vpop (xrf0)  }
0x597: {  	v16 =	vld [tilespmem:s29+$0xFFFFFFE0];
	(xrf0) =	vadd.scan.msk.s32 $0xffff, v12;
	[tilespmem:s26+$0x20] =	vst v9;
	v10, _, _ =	vpop (xrf0)  }
.Ltmp41:
0x598: {  	v9 =	vld [tilespmem:s29+$0xFFFFFFF0];
	(xrf0) =	vadd.scan.msk.s32 $0xffff, v13;
	v12, _, _ =	vpop (xrf0);
	[tilespmem:s26+$0xFFFFFFC0] =	vst v10;
	s26 =	sadd.s32 $0x80, s26;
	(pc) =	sbr.rel @p1 .LBB2_83-.Ltmp41, $4  }
0x599: {  	v10 =	vld [tilespmem:s29+$0x0];
	[tilespmem:s26+$0x30] =	vst v12;
	(xrf0) =	vadd.scan.msk.s32 $0xffff, v11;
	v11, _, _ =	vpop (xrf0)  }
0x59a: {  	v12 =	vld [tilespmem:s29+$0x10];
	(xrf0) =	vadd.scan.msk.s32 $0xffff, v15;
	[tilespmem:s26+$0xFFFFFFD0] =	vst v11;
	v11, _, _ =	vpop (xrf0)  }
0x59b: {  	v13 =	vld [tilespmem:s29+$0x20];
	(xrf0) =	vadd.scan.msk.s32 $0xffff, v14;
	[tilespmem:s26+$0xFFFFFFE0] =	vst v11;
	v14, _, _ =	vpop (xrf0)  }
0x59c: {  	v11 =	vld [tilespmem:s29+$0xFFFFFFC0];
	s29 =	sadd.s32 $0x80, s29;
	(xrf0) =	vadd.scan.msk.s32 $0xffff, v16;
	[tilespmem:s26+$0xFFFFFFF0] =	vst v14;
	v14, _, _ =	vpop (xrf0)  }
0x59d: {  	(xrf0) =	vadd.scan.msk.s32 $0xffff, v9;
	[tilespmem:s26+$0x0] =	vst v14;
	v9, _, _ =	vpop (xrf0)  }
0x59e: {  	(xrf0) =	vadd.scan.msk.s32 $0xffff, v10;
	[tilespmem:s26+$0x10] =	vst v9;
	v9, _, _ =	vpop (xrf0)  }
0x59f: {  	(xrf0) =	vadd.scan.msk.s32 $0xffff, v12;
	[tilespmem:s26+$0x20] =	vst v9;
	v9, _, _ =	vpop (xrf0)  }
0x5a0: {  	s28 =	sadd.s32 $0x80, s26;
	(xrf0) =	vadd.scan.msk.s32 $0xffff, v13;
	v10, _, _ =	vpop (xrf0);
	[tilespmem:s26+$0xFFFFFFC0] =	vst v9  }
0x5a1: {  	[tilespmem:s28+$0x30] =	vst v10;
	(xrf0) =	vadd.scan.msk.s32 $0xffff, v11;
	v9, _, _ =	vpop (xrf0)  }
0x5a2: {  	[tilespmem:s28+$0xFFFFFFD0] =	vst v9;
	v9, _, _ =	vpop (xrf0)  }
0x5a3: {  	s26 =	simm.s32 $0x0;
	[tilespmem:s28+$0xFFFFFFE0] =	vst v9;
	v9, _, _ =	vpop (xrf0)  }
0x5a4: {  	v10 =	vor.u32 s26, v3;
	[tilespmem:s28+$0xFFFFFFF0] =	vst v9;
	v9, _, _ =	vpop (xrf0)  }
0x5a5: {  	[tilespmem:s28+$0x0] =	vst v9;
	v9, _, _ =	vpop (xrf0)  }
0x5a6: {  	[tilespmem:s28+$0x10] =	vst v9;
	v9, _, _ =	vpop (xrf0)  }
0x5a7: {  	[tilespmem:s28+$0x20] =	vst v9;
	v9, _, _ =	vpop (xrf0)  }
0x5a8: {  	[tilespmem:s28+$0xFFFFFFC0] =	vst v9  }
0x5a9: {  	v10 =	vld.idx.msk [tilespmem:v10+s4+$0x0], $0xffff;
	_ =	sdelay $0x4  }
0x5aa: {  	(xrf0) =	vadd.scan.msk.s32 $0xffff, v10;
	_ =	sdelay $0x5  }
0x5ab: {  	v9 =	vimm.s32 $0x0;
	v11, _, _ =	vpop (xrf0)  }
0x5ac: {  	v6 =	vsub.s32 v6, v8;
	v8 =	vadd.s32 v9, v11  }
0x5ad: {  	vm0 =	vge.s32 v8, v6  }
0x5ae: {  	v11 =	vmctz.xlane vm0;
	_ =	sdelay $0x1  }
0x5af: {  	vm1 =	vlt.s32 v11, $0xF  }
0x5b0: {  	v12 =	vnsel vm1, $0xF, v11  }
0x5b1: {  	s28 =	simm.s32 $0x100  }
0x5b2: {  	v13 =	vor.u32 s28, v3  }
0x5b3: {  	v10 =	vsub.s32 v8, v10  }
0x5b4: {  	v14 =	vmpcnt.ones.xlane vm0;
	[tilespmem:$0x1A380] =	vst v10  }
0x5b5: {  	v15 =	vimm.s32 $0xFFFFFFFF;
	v11 =	vld.idx.msk [tilespmem:v12+s23+$0x0], $0xffff  }
0x5b6: {  	vm0 =	vgt.s32 v14, $0x0;
	vm1 =	vlt.s32 v15, $0x0;
	[tilespmem:$0x1A400] =	vst v8  }
0x5b7: {  	vm0 =	vmand vm1, vm0;
	v8 =	vadd.s32 s26, v12;
	v10 =	vld.idx.msk [tilespmem:v13+s4+$0x0], $0xffff  }
0x5b8: {  	s28 =	simm.s32 $0x200;
	v8 =	vsel vm0, v8, v15;
	v12 =	vld.idx.msk [tilespmem:v4+s24+$0x0], $0xffff  }
.LBB2_85:
0x5b9: {  	p1 =	sne.s32 s28, $0x700  }
0x5ba: {  	s26 =	sadd.s32 $0x10, s26;
	s29 =	smov.u32 s28;
	s28 =	sadd.s32 $0x100, s28;
	v9 =	vsel vm0, v11, v9  }
0x5bb: {  	_ = 	snop  }
0x5bc: {  	(xrf0) =	vadd.scan.msk.s32 $0xffff, v10;
	_ =	sdelay $0x5  }
0x5bd: {  	v11, _, _ =	vpop (xrf0)  }
0x5be: {  	v12 =	vadd.s32 v12, v11  }
0x5bf: {  	vm0 =	vge.s32 v12, v6;
	v10 =	vsub.s32 v12, v10  }
0x5c0: {  	v11 =	vmpcnt.ones.xlane vm0;
	v13 =	vmctz.xlane vm0;
	_ =	sdelay $0x1  }
0x5c1: {  	vm0 =	vlt.s32 v13, $0xF;
	vm1 =	vgt.s32 v11, $0x0  }
0x5c2: {  	v11 =	vnsel vm0, $0xF, v13;
	vm0 =	vlt.s32 v8, $0x0  }
0x5c3: {  	vm0 =	vmand vm0, vm1;
	v13 =	vadd.s32 s26, v11  }
0x5c4: {  	v14 =	vor.u32 s29, v3;
	v8 =	vsel vm0, v13, v8;
	_ =	sdelay $0x1  }
.Ltmp42:
0x5c5: {  	[tilespmem:$0x1A380] =	vst v10;
	(pc) =	sbr.rel @p1 .LBB2_85-.Ltmp42, $4  }
0x5c6: {  	v11 =	vld.idx.msk [tilespmem:v11+s23+$0x0], $0xffff  }
0x5c7: {  	[tilespmem:$0x1A400] =	vst v12  }
0x5c8: {  	v10 =	vld.idx.msk [tilespmem:v14+s4+$0x0], $0xffff  }
0x5c9: {  	v12 =	vld.idx.msk [tilespmem:v4+s24+$0x0], $0xffff  }
0x5ca: {  	_ =	sdelay $0x2  }
0x5cb: {  	(xrf0) =	vadd.scan.msk.s32 $0xffff, v10;
	_ =	sdelay $0x5  }
0x5cc: {  	v13, _, _ =	vpop (xrf0)  }
0x5cd: {  	v12 =	vadd.s32 v12, v13  }
0x5ce: {  	vm1 =	vge.s32 v12, v6  }
0x5cf: {  	v62 =	vmctz.xlane vm1  }
0x5d0: {  	v14 =	vmpcnt.ones.xlane vm1  }
0x5d1: {  	vm12 =	vlt.s32 v62, $0xF  }
0x5d2: {  	s26 =	sadd.s32 $0x10, s26;
	vm13 =	vlt.s32 v8, $0x0;
	vm2 =	vgt.s32 v14, $0x0;
	v13 =	vnsel vm12, $0xF, v62  }
0x5d3: {  	vm1 =	vmand vm13, vm2;
	v63 =	vadd.s32 s26, v13  }
0x5d4: {  	v8 =	vsel vm1, v63, v8  }
0x5d5: {  	vm14 =	vgt.s32 v8, $0x0  }
0x5d6: {  	v8 =	vnsel vm14, $0x0, v8  }
0x5d7: {  	v8 =	vor.u32 $0x80000000, v8  }
0x5d8: {  	(xrf0) =	vmax.scan.msk.u32 $0xffff, v8;
	_ =	sdelay $0x5  }
0x5d9: {  	v8, _, _ =	vpop (xrf0)  }
0x5da: {  	(v2sf) =	vpush v8, $0xF;
	_ =	sdelay $0xd  }
0x5db: {  	v8 =	vsub.s32 v12, v10  }
0x5dc: {  	[tilespmem:$0x1A380] =	vst v8;
	s30 =	spop (v2sf)  }
0x5dd: {  	v8 =	vld.idx.msk [tilespmem:v13+s23+$0x0], $0xffff;
	[tilespmem:$0x1A400] =	vst v12;
	s26 =	sshll.u32 s30, $0x4  }
0x5de: {  	v10 =	vld [tilespmem:s26+$0x800];
	_ =	sdelay $0x2  }
0x5df: {  	v9 =	vsel vm0, v11, v9  }
0x5e0: {  	v8 =	vsel vm1, v8, v9  }
0x5e1: {  	v8 =	vadd.s32 v8, v10  }
0x5e2: {  	vm15 =	vge.s32 v8, v6  }
0x5e3: {  	v9 =	vmctz.xlane vm15  }
0x5e4: {  	v10 =	vld [tilespmem:s26+$0x0]  }
0x5e5: {  	vm0 =	vlt.s32 v9, $0xF  }
0x5e6: {  	v9 =	vnsel vm0, $0xF, v9;
	_ =	sdelay $0x2  }
0x5e7: {  	v8 =	vsub.s32 v8, v10  }
0x5e8: {  	s28 =	simm.s32 $0x840;
	[tilespmem:$0x1A380] =	vst v8  }
0x5e9: {  	v8 =	vld.idx.msk [tilespmem:v9+s23+$0x0], $0xffff;
	[tilespmem:s28+$0xFFFFFFC0] =	vst v1  }
0x5ea: {  	[tilespmem:s28+$0x30] =	vst v1  }
0x5eb: {  	[tilespmem:s28+$0x20] =	vst v1  }
0x5ec: {  	[tilespmem:s28+$0x10] =	vst v1  }
0x5ed: {  	[tilespmem:s28+$0x0] =	vst v1  }
0x5ee: {  	[tilespmem:s28+$0xFFFFFFF0] =	vst v1  }
0x5ef: {  	s29 =	simm.s32 $0x0;
	[tilespmem:s28+$0xFFFFFFE0] =	vst v1  }
.LBB2_87:
0x5f0: {  	s29 =	sadd.s32 $0x8, s29;
	[tilespmem:s28+$0xFFFFFFD0] =	vst v1;
	s28 =	sadd.s32 $0x80, s28  }
0x5f1: {  	[tilespmem:s28+$0xFFFFFFC0] =	vst v1;
	p1 =	slt.u32 s29, $0x38  }
0x5f2: {  	[tilespmem:s28+$0x30] =	vst v1  }
.Ltmp43:
0x5f3: {  	[tilespmem:s28+$0x20] =	vst v1;
	(pc) =	sbr.rel @p1 .LBB2_87-.Ltmp43, $4  }
0x5f4: {  	[tilespmem:s28+$0x10] =	vst v1  }
0x5f5: {  	[tilespmem:s28+$0x0] =	vst v1  }
0x5f6: {  	[tilespmem:s28+$0xFFFFFFF0] =	vst v1  }
0x5f7: {  	[tilespmem:s28+$0xFFFFFFE0] =	vst v1  }
0x5f8: {  	[tilespmem:s28+$0xFFFFFFD0] =	vst v1;
	s29 =	simm.s32 $0x1091  }
0x5f9: {  	[tilespmem:s29+$0xFFFFFF90] =	vst v1  }
0x5fa: {  	[tilespmem:s29+$0x0] =	vst v1  }
0x5fb: {  	[tilespmem:s29+$0xFFFFFFF0] =	vst v1  }
0x5fc: {  	[tilespmem:s29+$0xFFFFFFE0] =	vst v1  }
0x5fd: {  	[tilespmem:s29+$0xFFFFFFD0] =	vst v1  }
0x5fe: {  	[tilespmem:s29+$0xFFFFFFC0] =	vst v1  }
0x5ff: {  	s30 =	simm.s32 $0x0;
	[tilespmem:s29+$0xFFFFFFB0] =	vst v1  }
.LBB2_89:
0x600: {  	s30 =	sadd.s32 $0x8, s30;
	[tilespmem:s29+$0xFFFFFFA0] =	vst v1;
	s29 =	sadd.s32 $0x80, s29  }
0x601: {  	[tilespmem:s29+$0xFFFFFF90] =	vst v1;
	p1 =	slt.u32 s30, $0x38  }
0x602: {  	[tilespmem:s29+$0x0] =	vst v1  }
.Ltmp44:
0x603: {  	[tilespmem:s29+$0xFFFFFFF0] =	vst v1;
	(pc) =	sbr.rel @p1 .LBB2_89-.Ltmp44, $4  }
0x604: {  	[tilespmem:s29+$0xFFFFFFE0] =	vst v1  }
0x605: {  	[tilespmem:s29+$0xFFFFFFD0] =	vst v1  }
0x606: {  	[tilespmem:s29+$0xFFFFFFC0] =	vst v1  }
0x607: {  	s28 =	simm.s32 $0x18B2;
	[tilespmem:s29+$0xFFFFFFB0] =	vst v1  }
0x608: {  	[tilespmem:s29+$0xFFFFFFA0] =	vst v1  }
0x609: {  	[tilespmem:s28+$0xFFFFFF90] =	vst v1  }
0x60a: {  	[tilespmem:s28+$0x0] =	vst v1  }
0x60b: {  	[tilespmem:s28+$0xFFFFFFF0] =	vst v1  }
0x60c: {  	[tilespmem:s28+$0xFFFFFFE0] =	vst v1  }
0x60d: {  	[tilespmem:s28+$0xFFFFFFD0] =	vst v1  }
0x60e: {  	[tilespmem:s28+$0xFFFFFFC0] =	vst v1  }
0x60f: {  	s29 =	simm.s32 $0x0;
	[tilespmem:s28+$0xFFFFFFB0] =	vst v1  }
.LBB2_91:
0x610: {  	s29 =	sadd.s32 $0x8, s29;
	[tilespmem:s28+$0xFFFFFFA0] =	vst v1;
	s28 =	sadd.s32 $0x80, s28  }
0x611: {  	[tilespmem:s28+$0xFFFFFF90] =	vst v1;
	p1 =	slt.u32 s29, $0x38  }
0x612: {  	[tilespmem:s28+$0x0] =	vst v1  }
.Ltmp45:
0x613: {  	[tilespmem:s28+$0xFFFFFFF0] =	vst v1;
	(pc) =	sbr.rel @p1 .LBB2_91-.Ltmp45, $4  }
0x614: {  	[tilespmem:s28+$0xFFFFFFE0] =	vst v1  }
0x615: {  	[tilespmem:s28+$0xFFFFFFD0] =	vst v1  }
0x616: {  	[tilespmem:s28+$0xFFFFFFC0] =	vst v1  }
0x617: {  	[tilespmem:s28+$0xFFFFFFB0] =	vst v1  }
0x618: {  	[tilespmem:s28+$0xFFFFFFA0] =	vst v1;
	s29 =	simm.s32 $0x20D3  }
0x619: {  	[tilespmem:s29+$0xFFFFFF90] =	vst v1  }
0x61a: {  	[tilespmem:s29+$0x0] =	vst v1  }
0x61b: {  	[tilespmem:s29+$0xFFFFFFF0] =	vst v1  }
0x61c: {  	[tilespmem:s29+$0xFFFFFFE0] =	vst v1  }
0x61d: {  	[tilespmem:s29+$0xFFFFFFD0] =	vst v1  }
0x61e: {  	[tilespmem:s29+$0xFFFFFFC0] =	vst v1  }
0x61f: {  	s30 =	simm.s32 $0x0;
	[tilespmem:s29+$0xFFFFFFB0] =	vst v1  }
.LBB2_93:
0x620: {  	s30 =	sadd.s32 $0x8, s30;
	[tilespmem:s29+$0xFFFFFFA0] =	vst v1;
	s29 =	sadd.s32 $0x80, s29  }
0x621: {  	[tilespmem:s29+$0xFFFFFF90] =	vst v1;
	p1 =	slt.u32 s30, $0x38  }
0x622: {  	[tilespmem:s29+$0x0] =	vst v1  }
.Ltmp46:
0x623: {  	[tilespmem:s29+$0xFFFFFFF0] =	vst v1;
	(pc) =	sbr.rel @p1 .LBB2_93-.Ltmp46, $4  }
0x624: {  	[tilespmem:s29+$0xFFFFFFE0] =	vst v1  }
0x625: {  	[tilespmem:s29+$0xFFFFFFD0] =	vst v1  }
0x626: {  	[tilespmem:s29+$0xFFFFFFC0] =	vst v1  }
0x627: {  	s28 =	simm.s32 $0x28F4;
	[tilespmem:s29+$0xFFFFFFB0] =	vst v1  }
0x628: {  	[tilespmem:s29+$0xFFFFFFA0] =	vst v1  }
0x629: {  	[tilespmem:s28+$0xFFFFFF90] =	vst v1  }
0x62a: {  	[tilespmem:s28+$0x0] =	vst v1  }
0x62b: {  	[tilespmem:s28+$0xFFFFFFF0] =	vst v1  }
0x62c: {  	[tilespmem:s28+$0xFFFFFFE0] =	vst v1  }
0x62d: {  	[tilespmem:s28+$0xFFFFFFD0] =	vst v1  }
0x62e: {  	[tilespmem:s28+$0xFFFFFFC0] =	vst v1  }
0x62f: {  	s29 =	simm.s32 $0x0;
	[tilespmem:s28+$0xFFFFFFB0] =	vst v1  }
.LBB2_95:
0x630: {  	s29 =	sadd.s32 $0x8, s29;
	[tilespmem:s28+$0xFFFFFFA0] =	vst v1;
	s28 =	sadd.s32 $0x80, s28  }
0x631: {  	[tilespmem:s28+$0xFFFFFF90] =	vst v1;
	p1 =	slt.u32 s29, $0x38  }
0x632: {  	[tilespmem:s28+$0x0] =	vst v1  }
.Ltmp47:
0x633: {  	[tilespmem:s28+$0xFFFFFFF0] =	vst v1;
	(pc) =	sbr.rel @p1 .LBB2_95-.Ltmp47, $4  }
0x634: {  	[tilespmem:s28+$0xFFFFFFE0] =	vst v1  }
0x635: {  	[tilespmem:s28+$0xFFFFFFD0] =	vst v1  }
0x636: {  	[tilespmem:s28+$0xFFFFFFC0] =	vst v1  }
0x637: {  	[tilespmem:s28+$0xFFFFFFB0] =	vst v1  }
0x638: {  	[tilespmem:s28+$0xFFFFFFA0] =	vst v1;
	s29 =	simm.s32 $0x3115  }
0x639: {  	[tilespmem:s29+$0xFFFFFF90] =	vst v1  }
0x63a: {  	[tilespmem:s29+$0x0] =	vst v1  }
0x63b: {  	[tilespmem:s29+$0xFFFFFFF0] =	vst v1  }
0x63c: {  	[tilespmem:s29+$0xFFFFFFE0] =	vst v1  }
0x63d: {  	[tilespmem:s29+$0xFFFFFFD0] =	vst v1  }
0x63e: {  	[tilespmem:s29+$0xFFFFFFC0] =	vst v1  }
0x63f: {  	s30 =	simm.s32 $0x0;
	[tilespmem:s29+$0xFFFFFFB0] =	vst v1  }
.LBB2_97:
0x640: {  	s30 =	sadd.s32 $0x8, s30;
	[tilespmem:s29+$0xFFFFFFA0] =	vst v1;
	s29 =	sadd.s32 $0x80, s29  }
0x641: {  	[tilespmem:s29+$0xFFFFFF90] =	vst v1;
	p1 =	slt.u32 s30, $0x38  }
0x642: {  	[tilespmem:s29+$0x0] =	vst v1  }
.Ltmp48:
0x643: {  	[tilespmem:s29+$0xFFFFFFF0] =	vst v1;
	(pc) =	sbr.rel @p1 .LBB2_97-.Ltmp48, $4  }
0x644: {  	[tilespmem:s29+$0xFFFFFFE0] =	vst v1  }
0x645: {  	[tilespmem:s29+$0xFFFFFFD0] =	vst v1  }
0x646: {  	[tilespmem:s29+$0xFFFFFFC0] =	vst v1  }
0x647: {  	s28 =	simm.s32 $0x3936;
	[tilespmem:s29+$0xFFFFFFB0] =	vst v1  }
0x648: {  	[tilespmem:s29+$0xFFFFFFA0] =	vst v1  }
0x649: {  	[tilespmem:s28+$0xFFFFFF90] =	vst v1  }
0x64a: {  	[tilespmem:s28+$0x0] =	vst v1  }
0x64b: {  	[tilespmem:s28+$0xFFFFFFF0] =	vst v1  }
0x64c: {  	[tilespmem:s28+$0xFFFFFFE0] =	vst v1  }
0x64d: {  	[tilespmem:s28+$0xFFFFFFD0] =	vst v1  }
0x64e: {  	[tilespmem:s28+$0xFFFFFFC0] =	vst v1  }
0x64f: {  	s29 =	simm.s32 $0x0;
	[tilespmem:s28+$0xFFFFFFB0] =	vst v1  }
.LBB2_99:
0x650: {  	s29 =	sadd.s32 $0x8, s29;
	[tilespmem:s28+$0xFFFFFFA0] =	vst v1;
	s28 =	sadd.s32 $0x80, s28  }
0x651: {  	[tilespmem:s28+$0xFFFFFF90] =	vst v1;
	p1 =	slt.u32 s29, $0x38  }
0x652: {  	[tilespmem:s28+$0x0] =	vst v1  }
.Ltmp49:
0x653: {  	[tilespmem:s28+$0xFFFFFFF0] =	vst v1;
	(pc) =	sbr.rel @p1 .LBB2_99-.Ltmp49, $4  }
0x654: {  	[tilespmem:s28+$0xFFFFFFE0] =	vst v1  }
0x655: {  	[tilespmem:s28+$0xFFFFFFD0] =	vst v1  }
0x656: {  	[tilespmem:s28+$0xFFFFFFC0] =	vst v1  }
0x657: {  	[tilespmem:s28+$0xFFFFFFB0] =	vst v1  }
0x658: {  	[tilespmem:s28+$0xFFFFFFA0] =	vst v1;
	s29 =	simm.s32 $0x4157  }
0x659: {  	[tilespmem:s29+$0xFFFFFF90] =	vst v1  }
0x65a: {  	[tilespmem:s29+$0x0] =	vst v1  }
0x65b: {  	[tilespmem:s29+$0xFFFFFFF0] =	vst v1  }
0x65c: {  	[tilespmem:s29+$0xFFFFFFE0] =	vst v1  }
0x65d: {  	[tilespmem:s29+$0xFFFFFFD0] =	vst v1  }
0x65e: {  	[tilespmem:s29+$0xFFFFFFC0] =	vst v1  }
0x65f: {  	s30 =	simm.s32 $0x0;
	[tilespmem:s29+$0xFFFFFFB0] =	vst v1  }
.LBB2_101:
0x660: {  	s30 =	sadd.s32 $0x8, s30;
	[tilespmem:s29+$0xFFFFFFA0] =	vst v1;
	s29 =	sadd.s32 $0x80, s29  }
0x661: {  	[tilespmem:s29+$0xFFFFFF90] =	vst v1;
	p1 =	slt.u32 s30, $0x38  }
0x662: {  	[tilespmem:s29+$0x0] =	vst v1  }
.Ltmp50:
0x663: {  	[tilespmem:s29+$0xFFFFFFF0] =	vst v1;
	(pc) =	sbr.rel @p1 .LBB2_101-.Ltmp50, $4  }
0x664: {  	[tilespmem:s29+$0xFFFFFFE0] =	vst v1  }
0x665: {  	[tilespmem:s29+$0xFFFFFFD0] =	vst v1  }
0x666: {  	[tilespmem:s29+$0xFFFFFFC0] =	vst v1  }
0x667: {  	s28 =	simm.s32 $0x4978;
	[tilespmem:s29+$0xFFFFFFB0] =	vst v1  }
0x668: {  	[tilespmem:s29+$0xFFFFFFA0] =	vst v1  }
0x669: {  	[tilespmem:s28+$0xFFFFFF90] =	vst v1  }
0x66a: {  	[tilespmem:s28+$0x0] =	vst v1  }
0x66b: {  	[tilespmem:s28+$0xFFFFFFF0] =	vst v1  }
0x66c: {  	[tilespmem:s28+$0xFFFFFFE0] =	vst v1  }
0x66d: {  	[tilespmem:s28+$0xFFFFFFD0] =	vst v1  }
0x66e: {  	[tilespmem:s28+$0xFFFFFFC0] =	vst v1  }
0x66f: {  	s29 =	simm.s32 $0x0;
	[tilespmem:s28+$0xFFFFFFB0] =	vst v1  }
.LBB2_103:
0x670: {  	s29 =	sadd.s32 $0x8, s29;
	[tilespmem:s28+$0xFFFFFFA0] =	vst v1;
	s28 =	sadd.s32 $0x80, s28  }
0x671: {  	[tilespmem:s28+$0xFFFFFF90] =	vst v1;
	p1 =	slt.u32 s29, $0x38  }
0x672: {  	[tilespmem:s28+$0x0] =	vst v1  }
.Ltmp51:
0x673: {  	[tilespmem:s28+$0xFFFFFFF0] =	vst v1;
	(pc) =	sbr.rel @p1 .LBB2_103-.Ltmp51, $4  }
0x674: {  	[tilespmem:s28+$0xFFFFFFE0] =	vst v1  }
0x675: {  	[tilespmem:s28+$0xFFFFFFD0] =	vst v1  }
0x676: {  	[tilespmem:s28+$0xFFFFFFC0] =	vst v1  }
0x677: {  	[tilespmem:s28+$0xFFFFFFB0] =	vst v1  }
0x678: {  	[tilespmem:s28+$0xFFFFFFA0] =	vst v1;
	s29 =	simm.s32 $0x5199  }
0x679: {  	[tilespmem:s29+$0xFFFFFF90] =	vst v1  }
0x67a: {  	[tilespmem:s29+$0x0] =	vst v1  }
0x67b: {  	[tilespmem:s29+$0xFFFFFFF0] =	vst v1  }
0x67c: {  	[tilespmem:s29+$0xFFFFFFE0] =	vst v1  }
0x67d: {  	[tilespmem:s29+$0xFFFFFFD0] =	vst v1  }
0x67e: {  	[tilespmem:s29+$0xFFFFFFC0] =	vst v1  }
0x67f: {  	s30 =	simm.s32 $0x0;
	[tilespmem:s29+$0xFFFFFFB0] =	vst v1  }
.LBB2_105:
0x680: {  	s30 =	sadd.s32 $0x8, s30;
	[tilespmem:s29+$0xFFFFFFA0] =	vst v1;
	s29 =	sadd.s32 $0x80, s29  }
0x681: {  	[tilespmem:s29+$0xFFFFFF90] =	vst v1;
	p1 =	slt.u32 s30, $0x38  }
0x682: {  	[tilespmem:s29+$0x0] =	vst v1  }
.Ltmp52:
0x683: {  	[tilespmem:s29+$0xFFFFFFF0] =	vst v1;
	(pc) =	sbr.rel @p1 .LBB2_105-.Ltmp52, $4  }
0x684: {  	[tilespmem:s29+$0xFFFFFFE0] =	vst v1  }
0x685: {  	[tilespmem:s29+$0xFFFFFFD0] =	vst v1  }
0x686: {  	[tilespmem:s29+$0xFFFFFFC0] =	vst v1  }
0x687: {  	s28 =	simm.s32 $0x59BA;
	[tilespmem:s29+$0xFFFFFFB0] =	vst v1  }
0x688: {  	[tilespmem:s29+$0xFFFFFFA0] =	vst v1  }
0x689: {  	[tilespmem:s28+$0xFFFFFF90] =	vst v1  }
0x68a: {  	[tilespmem:s28+$0x0] =	vst v1  }
0x68b: {  	[tilespmem:s28+$0xFFFFFFF0] =	vst v1  }
0x68c: {  	[tilespmem:s28+$0xFFFFFFE0] =	vst v1  }
0x68d: {  	[tilespmem:s28+$0xFFFFFFD0] =	vst v1  }
0x68e: {  	[tilespmem:s28+$0xFFFFFFC0] =	vst v1  }
0x68f: {  	s29 =	simm.s32 $0x0;
	[tilespmem:s28+$0xFFFFFFB0] =	vst v1  }
.LBB2_107:
0x690: {  	s29 =	sadd.s32 $0x8, s29;
	[tilespmem:s28+$0xFFFFFFA0] =	vst v1;
	s28 =	sadd.s32 $0x80, s28  }
0x691: {  	[tilespmem:s28+$0xFFFFFF90] =	vst v1;
	p1 =	slt.u32 s29, $0x38  }
0x692: {  	[tilespmem:s28+$0x0] =	vst v1  }
.Ltmp53:
0x693: {  	[tilespmem:s28+$0xFFFFFFF0] =	vst v1;
	(pc) =	sbr.rel @p1 .LBB2_107-.Ltmp53, $4  }
0x694: {  	[tilespmem:s28+$0xFFFFFFE0] =	vst v1  }
0x695: {  	[tilespmem:s28+$0xFFFFFFD0] =	vst v1  }
0x696: {  	[tilespmem:s28+$0xFFFFFFC0] =	vst v1  }
0x697: {  	[tilespmem:s28+$0xFFFFFFB0] =	vst v1  }
0x698: {  	[tilespmem:s28+$0xFFFFFFA0] =	vst v1;
	s29 =	simm.s32 $0x61DB  }
0x699: {  	[tilespmem:s29+$0xFFFFFF90] =	vst v1  }
0x69a: {  	[tilespmem:s29+$0x0] =	vst v1  }
0x69b: {  	[tilespmem:s29+$0xFFFFFFF0] =	vst v1  }
0x69c: {  	[tilespmem:s29+$0xFFFFFFE0] =	vst v1  }
0x69d: {  	[tilespmem:s29+$0xFFFFFFD0] =	vst v1  }
0x69e: {  	[tilespmem:s29+$0xFFFFFFC0] =	vst v1  }
0x69f: {  	s30 =	simm.s32 $0x0;
	[tilespmem:s29+$0xFFFFFFB0] =	vst v1  }
.LBB2_109:
0x6a0: {  	s30 =	sadd.s32 $0x8, s30;
	[tilespmem:s29+$0xFFFFFFA0] =	vst v1;
	s29 =	sadd.s32 $0x80, s29  }
0x6a1: {  	[tilespmem:s29+$0xFFFFFF90] =	vst v1;
	p1 =	slt.u32 s30, $0x38  }
0x6a2: {  	[tilespmem:s29+$0x0] =	vst v1  }
.Ltmp54:
0x6a3: {  	[tilespmem:s29+$0xFFFFFFF0] =	vst v1;
	(pc) =	sbr.rel @p1 .LBB2_109-.Ltmp54, $4  }
0x6a4: {  	[tilespmem:s29+$0xFFFFFFE0] =	vst v1  }
0x6a5: {  	[tilespmem:s29+$0xFFFFFFD0] =	vst v1  }
0x6a6: {  	[tilespmem:s29+$0xFFFFFFC0] =	vst v1  }
0x6a7: {  	s28 =	simm.s32 $0x69FC;
	[tilespmem:s29+$0xFFFFFFB0] =	vst v1  }
0x6a8: {  	[tilespmem:s29+$0xFFFFFFA0] =	vst v1  }
0x6a9: {  	[tilespmem:s28+$0xFFFFFF90] =	vst v1  }
0x6aa: {  	[tilespmem:s28+$0x0] =	vst v1  }
0x6ab: {  	[tilespmem:s28+$0xFFFFFFF0] =	vst v1  }
0x6ac: {  	[tilespmem:s28+$0xFFFFFFE0] =	vst v1  }
0x6ad: {  	[tilespmem:s28+$0xFFFFFFD0] =	vst v1  }
0x6ae: {  	[tilespmem:s28+$0xFFFFFFC0] =	vst v1  }
0x6af: {  	s29 =	simm.s32 $0x0;
	[tilespmem:s28+$0xFFFFFFB0] =	vst v1  }
.LBB2_111:
0x6b0: {  	s29 =	sadd.s32 $0x8, s29;
	[tilespmem:s28+$0xFFFFFFA0] =	vst v1;
	s28 =	sadd.s32 $0x80, s28  }
0x6b1: {  	[tilespmem:s28+$0xFFFFFF90] =	vst v1;
	p1 =	slt.u32 s29, $0x38  }
0x6b2: {  	[tilespmem:s28+$0x0] =	vst v1  }
.Ltmp55:
0x6b3: {  	[tilespmem:s28+$0xFFFFFFF0] =	vst v1;
	(pc) =	sbr.rel @p1 .LBB2_111-.Ltmp55, $4  }
0x6b4: {  	[tilespmem:s28+$0xFFFFFFE0] =	vst v1  }
0x6b5: {  	[tilespmem:s28+$0xFFFFFFD0] =	vst v1  }
0x6b6: {  	[tilespmem:s28+$0xFFFFFFC0] =	vst v1  }
0x6b7: {  	[tilespmem:s28+$0xFFFFFFB0] =	vst v1  }
0x6b8: {  	[tilespmem:s28+$0xFFFFFFA0] =	vst v1;
	s29 =	simm.s32 $0x721D  }
0x6b9: {  	[tilespmem:s29+$0xFFFFFF90] =	vst v1  }
0x6ba: {  	[tilespmem:s29+$0x0] =	vst v1  }
0x6bb: {  	[tilespmem:s29+$0xFFFFFFF0] =	vst v1  }
0x6bc: {  	[tilespmem:s29+$0xFFFFFFE0] =	vst v1  }
0x6bd: {  	[tilespmem:s29+$0xFFFFFFD0] =	vst v1  }
0x6be: {  	[tilespmem:s29+$0xFFFFFFC0] =	vst v1  }
0x6bf: {  	s30 =	simm.s32 $0x0;
	[tilespmem:s29+$0xFFFFFFB0] =	vst v1  }
.LBB2_113:
0x6c0: {  	s30 =	sadd.s32 $0x8, s30;
	[tilespmem:s29+$0xFFFFFFA0] =	vst v1;
	s29 =	sadd.s32 $0x80, s29  }
0x6c1: {  	[tilespmem:s29+$0xFFFFFF90] =	vst v1;
	p1 =	slt.u32 s30, $0x38  }
0x6c2: {  	[tilespmem:s29+$0x0] =	vst v1  }
.Ltmp56:
0x6c3: {  	[tilespmem:s29+$0xFFFFFFF0] =	vst v1;
	(pc) =	sbr.rel @p1 .LBB2_113-.Ltmp56, $4  }
0x6c4: {  	[tilespmem:s29+$0xFFFFFFE0] =	vst v1  }
0x6c5: {  	[tilespmem:s29+$0xFFFFFFD0] =	vst v1  }
0x6c6: {  	[tilespmem:s29+$0xFFFFFFC0] =	vst v1  }
0x6c7: {  	s28 =	simm.s32 $0x7A3E;
	[tilespmem:s29+$0xFFFFFFB0] =	vst v1  }
0x6c8: {  	[tilespmem:s29+$0xFFFFFFA0] =	vst v1  }
0x6c9: {  	[tilespmem:s28+$0xFFFFFF90] =	vst v1  }
0x6ca: {  	[tilespmem:s28+$0x0] =	vst v1  }
0x6cb: {  	[tilespmem:s28+$0xFFFFFFF0] =	vst v1  }
0x6cc: {  	[tilespmem:s28+$0xFFFFFFE0] =	vst v1  }
0x6cd: {  	[tilespmem:s28+$0xFFFFFFD0] =	vst v1  }
0x6ce: {  	[tilespmem:s28+$0xFFFFFFC0] =	vst v1  }
0x6cf: {  	s29 =	simm.s32 $0x0;
	[tilespmem:s28+$0xFFFFFFB0] =	vst v1  }
.LBB2_115:
0x6d0: {  	s29 =	sadd.s32 $0x8, s29;
	[tilespmem:s28+$0xFFFFFFA0] =	vst v1;
	s28 =	sadd.s32 $0x80, s28  }
0x6d1: {  	[tilespmem:s28+$0xFFFFFF90] =	vst v1;
	p1 =	slt.u32 s29, $0x38  }
0x6d2: {  	[tilespmem:s28+$0x0] =	vst v1  }
.Ltmp57:
0x6d3: {  	[tilespmem:s28+$0xFFFFFFF0] =	vst v1;
	(pc) =	sbr.rel @p1 .LBB2_115-.Ltmp57, $4  }
0x6d4: {  	[tilespmem:s28+$0xFFFFFFE0] =	vst v1  }
0x6d5: {  	[tilespmem:s28+$0xFFFFFFD0] =	vst v1  }
0x6d6: {  	[tilespmem:s28+$0xFFFFFFC0] =	vst v1  }
0x6d7: {  	[tilespmem:s28+$0xFFFFFFB0] =	vst v1  }
0x6d8: {  	[tilespmem:s28+$0xFFFFFFA0] =	vst v1;
	s28 =	simm.s32 $0x825F  }
0x6d9: {  	[tilespmem:s28+$0xFFFFFF90] =	vst v1  }
0x6da: {  	[tilespmem:s28+$0x0] =	vst v1  }
0x6db: {  	[tilespmem:s28+$0xFFFFFFF0] =	vst v1  }
0x6dc: {  	[tilespmem:s28+$0xFFFFFFE0] =	vst v1  }
0x6dd: {  	[tilespmem:s28+$0xFFFFFFD0] =	vst v1  }
0x6de: {  	[tilespmem:s28+$0xFFFFFFC0] =	vst v1  }
0x6df: {  	s29 =	simm.s32 $0x0;
	[tilespmem:s28+$0xFFFFFFB0] =	vst v1  }
.LBB2_117:
0x6e0: {  	s29 =	sadd.s32 $0x8, s29;
	[tilespmem:s28+$0xFFFFFFA0] =	vst v1;
	s28 =	sadd.s32 $0x80, s28  }
0x6e1: {  	[tilespmem:s28+$0xFFFFFF90] =	vst v1;
	p1 =	slt.u32 s29, $0x38  }
0x6e2: {  	[tilespmem:s28+$0x0] =	vst v1  }
.Ltmp58:
0x6e3: {  	[tilespmem:s28+$0xFFFFFFF0] =	vst v1;
	(pc) =	sbr.rel @p1 .LBB2_117-.Ltmp58, $4  }
0x6e4: {  	[tilespmem:s28+$0xFFFFFFE0] =	vst v1  }
0x6e5: {  	[tilespmem:s28+$0xFFFFFFD0] =	vst v1  }
0x6e6: {  	[tilespmem:s28+$0xFFFFFFC0] =	vst v1  }
0x6e7: {  	[tilespmem:s28+$0xFFFFFFB0] =	vst v1  }
0x6e8: {  	[tilespmem:s28+$0xFFFFFFA0] =	vst v1;
	s28 =	simm.s32 $0x8B00  }
0x6e9: {  	v11 =	vld [tilespmem:s28+$0x70]  }
0x6ea: {  	v13 =	vld [tilespmem:s28+$0x60]  }
0x6eb: {  	v19 =	vld [tilespmem:s28+$0xFFFFFFC0]  }
0x6ec: {  	v21 =	vld [tilespmem:s28+$0xFFFFFFD0];
	_ =	sdelay $0x1  }
0x6ed: {  	v9 =	vadd.s32 s26, v9;
	v10 =	vshll.u32 v7, $0xB;
	v12 =	vld [tilespmem:s28+$0x50]  }
0x6ee: {  	v10 =	vor.u32 v10, v9;
	v15 =	vshrl.u32 v11, $0xA  }
0x6ef: {  	v18 =	vld [tilespmem:s28+$0xFFFFFFF0];
	v11 =	vand.u32 $0x3FF, v11;
	v17 =	vshrl.u32 v13, $0xA;
	v13 =	vand.u32 $0x3FF, v13  }
0x6f0: {  	v16 =	vld [tilespmem:s28+$0x0];
	v27 =	vshrl.u32 v19, $0xA;
	v26 =	vshrl.u32 v21, $0xA;
	v21 =	vand.u32 $0x3FF, v21  }
0x6f1: {  	v23 =	vld [tilespmem:s28+$0x40];
	v28 =	vand.u32 $0x3FF, v19;
	vm0 =	veq.s32 v15, v10;
	v11 =	vadd.s32 v0, v11  }
0x6f2: {  	v15 =	vshrl.u32 v12, $0xA;
	v12 =	vand.u32 $0x3FF, v12;
	v19 =	vadd.s32 v0, v21  }
0x6f3: {  	v20 =	vld [tilespmem:s28+$0xFFFFFFE0];
	vm1 =	veq.s32 v15, v10;
	v15 =	vsel vm0, v11, v5;
	v11 =	vadd.s32 v0, v12  }
0x6f4: {  	v24 =	vld [tilespmem:s28+$0xFFFFFFA0];
	vm0 =	veq.s32 v17, v10;
	v12 =	vadd.s32 v0, v13;
	v17 =	vand.u32 $0x3FF, v18  }
0x6f5: {  	v14 =	vld [tilespmem:s28+$0x30];
	v22 =	vsel vm1, v11, v5;
	v12 =	vsel vm0, v12, v5;
	v11 =	vshrl.u32 v16, $0xA  }
0x6f6: {  	v13 =	vld [tilespmem:s28+$0xFFFFFF90];
	v16 =	vand.u32 $0x3FF, v16;
	vm1 =	veq.s32 v26, v10;
	v26 =	vshrl.u32 v23, $0xA  }
0x6f7: {  	v23 =	vand.u32 $0x3FF, v23;
	vm0 =	veq.s32 v11, v10;
	v11 =	vadd.s32 v0, v16  }
0x6f8: {  	v16 =	vshrl.u32 v18, $0xA;
	v18 =	vand.u32 $0x3FF, v20;
	v20 =	vshrl.u32 v20, $0xA  }
0x6f9: {  	v25 =	vld [tilespmem:s28+$0xFFFFFFB0];
	vm3 =	veq.s32 v26, v10;
	v26 =	vand.u32 $0x3FF, v24;
	v24 =	vshrl.u32 v24, $0xA  }
0x6fa: {  	v23 =	vadd.s32 v0, v23;
	v11 =	vsel vm0, v11, v5;
	vm0 =	veq.s32 v16, v10  }
0x6fb: {  	v16 =	vand.u32 $0x3FF, v14;
	v18 =	vadd.s32 v0, v18;
	v21 =	vshrl.u32 v13, $0xA;
	[tilespmem:v15+s4+$0x0] =	vst.idx.add.s32.msk $0xffff, v2  }
0x6fc: {  	v26 =	vadd.s32 v0, v26;
	vm5 =	veq.s32 v24, v10;
	vm4 =	veq.s32 v21, v10;
	v21 =	vld [tilespmem:s28+$0x20]  }
0x6fd: {  	v23 =	vsel vm3, v23, v5;
	v24 =	vadd.s32 v0, v16;
	v13 =	vand.u32 $0x3FF, v13;
	[tilespmem:v12+s4+$0x0] =	vst.idx.add.s32.msk $0xffff, v2  }
0x6fe: {  	v15 =	vshrl.u32 v25, $0xA;
	v12 =	vshrl.u32 v14, $0xA;
	v13 =	vadd.s32 v0, v13;
	[tilespmem:v22+s4+$0x0] =	vst.idx.add.s32.msk $0xffff, v2  }
0x6ff: {  	v22 =	vand.u32 $0x3FF, v25;
	v14 =	vld [tilespmem:s28+$0x10];
	vm3 =	veq.s32 v15, v10;
	vm2 =	veq.s32 v12, v10  }
0x700: {  	v12 =	vsel vm5, v26, v5;
	v13 =	vsel vm4, v13, v5;
	v22 =	vadd.s32 v0, v22  }
0x701: {  	s26 =	simm.s32 $0x0;
	v25 =	vld [tilespmem:s28+$0xFFFFFF80];
	s28 =	simm.s32 $0x8C00;
	v26 =	vadd.s32 v0, v28;
	vm4 =	veq.s32 v27, v10;
	v27 =	vshrl.u32 v21, $0xA  }
.LBB2_119:
0x702: {  	v16 =	vld [tilespmem:s28+$0xFFFFFFB0];
	s26 =	sadd.s32 $0x10, s26;
	v26 =	vsel vm4, v26, v5;
	vm4 =	veq.s32 v20, v10;
	v20 =	vand.u32 $0x3FF, v21  }
0x703: {  	v17 =	vadd.s32 v0, v17;
	v21 =	vld [tilespmem:s28+$0x10];
	p1 =	slt.u32 s26, $0xFF0;
	v15 =	vsel vm4, v18, v5;
	v18 =	vsel vm2, v24, v5  }
0x704: {  	v22 =	vsel vm3, v22, v5;
	v28 =	vshrl.u32 v14, $0xA;
	vm2 =	veq.s32 v27, v10;
	v24 =	vld [tilespmem:s28+$0x30]  }
0x705: {  	v14 =	vand.u32 $0x3FF, v14;
	vm3 =	veq.s32 v28, v10;
	v20 =	vadd.s32 v0, v20;
	[tilespmem:v23+s4+$0x0] =	vst.idx.add.s32.msk $0xffff, v2  }
0x706: {  	v20 =	vsel vm2, v20, v5;
	v27 =	vshrl.u32 v25, $0xA;
	v25 =	vand.u32 $0x3FF, v25;
	v23 =	vld [tilespmem:s28+$0x50]  }
0x707: {  	vm2 =	veq.s32 v27, v10;
	v25 =	vadd.s32 v0, v25;
	v27 =	vsel vm0, v17, v5;
	v28 =	vld [tilespmem:s28+$0xFFFFFF90]  }
0x708: {  	v29 =	vsel vm1, v19, v5;
	v19 =	vadd.s32 v0, v14;
	v25 =	vsel vm2, v25, v5;
	v17 =	vld [tilespmem:s28+$0x70];
	v14 =	vmovc v21  }
0x709: {  	v31 =	vsel vm3, v19, v5;
	v30 =	vld [tilespmem:s28+$0xFFFFFFA0]  }
0x70a: {  	v19 =	vld [tilespmem:s28+$0x60]  }
0x70b: {  	[tilespmem:v20+s4+$0x0] =	vst.idx.add.s32.msk $0xffff, v2  }
0x70c: {  	v32 =	vld [tilespmem:s28+$0xFFFFFFC0]  }
0x70d: {  	v20 =	vld [tilespmem:s28+$0xFFFFFFD0];
	v21 =	vshrl.u32 v17, $0xA;
	v17 =	vand.u32 $0x3FF, v17  }
0x70e: {  	v33 =	vld [tilespmem:s28+$0x0];
	vm0 =	veq.s32 v21, v10;
	v17 =	vadd.s32 v0, v17  }
0x70f: {  	v21 =	vshrl.u32 v23, $0xA;
	v23 =	vand.u32 $0x3FF, v23;
	v34 =	vld [tilespmem:s28+$0xFFFFFFE0];
	v35 =	vshrl.u32 v19, $0xA  }
0x710: {  	vm1 =	veq.s32 v21, v10;
	v19 =	vand.u32 $0x3FF, v19;
	v37 =	vsel vm0, v17, v5;
	v36 =	vld [tilespmem:s28+$0xFFFFFFF0]  }
0x711: {  	v17 =	vadd.s32 v0, v23;
	vm0 =	veq.s32 v35, v10;
	v19 =	vadd.s32 v0, v19;
	v38 =	vld [tilespmem:s28+$0x40]  }
0x712: {  	v23 =	vsel vm1, v17, v5;
	v19 =	vsel vm0, v19, v5;
	[tilespmem:v25+s4+$0x0] =	vst.idx.add.s32.msk $0xffff, v2  }
0x713: {  	v17 =	vshrl.u32 v33, $0xA;
	v25 =	vand.u32 $0x3FF, v33;
	v21 =	vld [tilespmem:s28+$0x20]  }
0x714: {  	v33 =	vshrl.u32 v32, $0xA;
	vm0 =	veq.s32 v17, v10;
	v25 =	vadd.s32 v0, v25;
	[tilespmem:v11+s4+$0x0] =	vst.idx.add.s32.msk $0xffff, v2  }
0x715: {  	v35 =	vshrl.u32 v36, $0xA;
	v17 =	vand.u32 $0x3FF, v36;
	v11 =	vsel vm0, v25, v5;
	[tilespmem:v18+s4+$0x0] =	vst.idx.add.s32.msk $0xffff, v2  }
0x716: {  	v18 =	vand.u32 $0x3FF, v34;
	v25 =	vand.u32 $0x3FF, v24;
	vm0 =	veq.s32 v35, v10;
	[tilespmem:v37+s4+$0x0] =	vst.idx.add.s32.msk $0xffff, v2  }
0x717: {  	v36 =	vand.u32 $0x3FF, v20;
	v35 =	vshrl.u32 v20, $0xA;
	v18 =	vadd.s32 v0, v18;
	[tilespmem:v27+s4+$0x0] =	vst.idx.add.s32.msk $0xffff, v2  }
0x718: {  	v20 =	vshrl.u32 v34, $0xA;
	vm1 =	veq.s32 v35, v10;
	v27 =	vshrl.u32 v38, $0xA;
	[tilespmem:v19+s4+$0x0] =	vst.idx.add.s32.msk $0xffff, v2  }
0x719: {  	v32 =	vand.u32 $0x3FF, v32;
	v19 =	vadd.s32 v0, v36;
	vm3 =	veq.s32 v27, v10;
	[tilespmem:v23+s4+$0x0] =	vst.idx.add.s32.msk $0xffff, v2  }
0x71a: {  	v34 =	vand.u32 $0x3FF, v38;
	v27 =	vshrl.u32 v16, $0xA;
	v23 =	vand.u32 $0x3FF, v30;
	[tilespmem:v29+s4+$0x0] =	vst.idx.add.s32.msk $0xffff, v2  }
0x71b: {  	v34 =	vadd.s32 v0, v34;
	v30 =	vshrl.u32 v30, $0xA;
	v29 =	vshrl.u32 v28, $0xA;
	[tilespmem:v13+s4+$0x0] =	vst.idx.add.s32.msk $0xffff, v2  }
0x71c: {  	vm4 =	veq.s32 v29, v10;
	v13 =	vadd.s32 v0, v23;
	v23 =	vshrl.u32 v24, $0xA;
	[tilespmem:v31+s4+$0x0] =	vst.idx.add.s32.msk $0xffff, v2  }
.Ltmp59:
0x71d: {  	vm5 =	veq.s32 v30, v10;
	v24 =	vand.u32 $0x3FF, v28;
	vm2 =	veq.s32 v23, v10;
	[tilespmem:v26+s4+$0x0] =	vst.idx.add.s32.msk $0xffff, v2;
	(pc) =	sbr.rel @p1 .LBB2_119-.Ltmp59, $4  }
0x71e: {  	v23 =	vadd.s32 v0, v24;
	v28 =	vsel vm5, v13, v5;
	[tilespmem:v22+s4+$0x0] =	vst.idx.add.s32.msk $0xffff, v2  }
0x71f: {  	v16 =	vand.u32 $0x3FF, v16;
	v24 =	vadd.s32 v0, v25;
	v13 =	vsel vm4, v23, v5;
	[tilespmem:v12+s4+$0x0] =	vst.idx.add.s32.msk $0xffff, v2  }
0x720: {  	v26 =	vadd.s32 v0, v32;
	v23 =	vsel vm3, v34, v5;
	v22 =	vadd.s32 v0, v16;
	v12 =	vmovc v28;
	v25 =	vld [tilespmem:s28+$0xFFFFFF80]  }
0x721: {  	vm3 =	veq.s32 v27, v10;
	vm4 =	veq.s32 v33, v10;
	v27 =	vshrl.u32 v21, $0xA;
	s28 =	sadd.s32 $0x100, s28;
	[tilespmem:v15+s4+$0x0] =	vst.idx.add.s32.msk $0xffff, v2  }
0x722: {  	_ =	sdelay $0x3  }
0x723: {  	v15 =	vand.u32 $0x3FF, v21;
	vm5 =	veq.s32 v27, v10;
	v58 =	vsel vm2, v24, v5;
	[tilespmem:v23+s4+$0x0] =	vst.idx.add.s32.msk $0xffff, v2  }
0x724: {  	v17 =	vadd.s32 v0, v17;
	v59 =	vshrl.u32 v14, $0xA;
	v19 =	vsel vm1, v19, v5;
	[tilespmem:v11+s4+$0x0] =	vst.idx.add.s32.msk $0xffff, v2  }
0x725: {  	v11 =	vsel vm4, v26, v5;
	vm15 =	veq.s32 v20, v10;
	v15 =	vadd.s32 v0, v15  }
0x726: {  	v14 =	vand.u32 $0x3FF, v14;
	[tilespmem:v13+s4+$0x0] =	vst.idx.add.s32.msk $0xffff, v2;
	v17 =	vsel vm0, v17, v5;
	v15 =	vsel vm5, v15, v5  }
0x727: {  	[tilespmem:v12+s4+$0x0] =	vst.idx.add.s32.msk $0xffff, v2;
	vm14 =	veq.s32 v59, v10;
	v14 =	vadd.s32 v0, v14;
	v16 =	vshrl.u32 v25, $0xA  }
0x728: {  	v14 =	vsel vm14, v14, v5;
	v57 =	vand.u32 $0x3FF, v25;
	vm13 =	veq.s32 v16, v10;
	[tilespmem:v58+s4+$0x0] =	vst.idx.add.s32.msk $0xffff, v2  }
0x729: {  	v16 =	vadd.s32 v0, v57;
	v10 =	vsel vm15, v18, v5;
	[tilespmem:v19+s4+$0x0] =	vst.idx.add.s32.msk $0xffff, v2  }
0x72a: {  	v16 =	vsel vm13, v16, v5;
	[tilespmem:v11+s4+$0x0] =	vst.idx.add.s32.msk $0xffff, v2  }
0x72b: {  	[tilespmem:v15+s4+$0x0] =	vst.idx.add.s32.msk $0xffff, v2;
	v15 =	vsel vm3, v22, v5  }
0x72c: {  	[tilespmem:v17+s4+$0x0] =	vst.idx.add.s32.msk $0xffff, v2  }
0x72d: {  	[tilespmem:v14+s4+$0x0] =	vst.idx.add.s32.msk $0xffff, v2  }
0x72e: {  	[tilespmem:v10+s4+$0x0] =	vst.idx.add.s32.msk $0xffff, v2  }
0x72f: {  	[tilespmem:v16+s4+$0x0] =	vst.idx.add.s32.msk $0xffff, v2  }
0x730: {  	s26 =	simm.s32 $0x0;
	[tilespmem:v15+s4+$0x0] =	vst.idx.add.s32.msk $0xffff, v2  }
0x731: {  	v10 =	vld [tilespmem:s26+$0x830]  }
0x732: {  	v11 =	vld [tilespmem:s26+$0x1051]  }
0x733: {  	v12 =	vld [tilespmem:s26+$0x1872]  }
0x734: {  	v13 =	vld [tilespmem:s26+$0x2093]  }
0x735: {  	v14 =	vld [tilespmem:s26+$0x28B4]  }
0x736: {  	v15 =	vld [tilespmem:s26+$0x30D5]  }
0x737: {  	v16 =	vld [tilespmem:s26+$0x38F6]  }
0x738: {  	v17 =	vld [tilespmem:s26+$0x4117]  }
0x739: {  	v18 =	vld [tilespmem:s26+$0x4938]  }
0x73a: {  	v19 =	vld [tilespmem:s26+$0x5159]  }
0x73b: {  	v60 =	vld [tilespmem:s26+$0x597A]  }
0x73c: {  	v21 =	vld [tilespmem:s26+$0x619B]  }
0x73d: {  	v61 =	vld [tilespmem:s26+$0x69BC]  }
0x73e: {  	v62 =	vld [tilespmem:s26+$0x71DD]  }
0x73f: {  	v63 =	vld [tilespmem:s26+$0x79FE]  }
0x740: {  	v48 =	vld [tilespmem:s26+$0x821F]  }
0x741: {  	v49 =	vld [tilespmem:s26+$0x800]  }
0x742: {  	v50 =	vld [tilespmem:s26+$0x1021]  }
0x743: {  	v28 =	vld [tilespmem:s26+$0x810]  }
0x744: {  	v29 =	vld [tilespmem:s26+$0x1031]  }
0x745: {  	v30 =	vld [tilespmem:s26+$0x820]  }
0x746: {  	v31 =	vld [tilespmem:s26+$0x1041]  }
0x747: {  	v32 =	vld [tilespmem:s26+$0x1842]  }
0x748: {  	v33 =	vld [tilespmem:s26+$0x1852]  }
0x749: {  	v34 =	vld [tilespmem:s26+$0x1862]  }
0x74a: {  	v35 =	vld [tilespmem:s26+$0x2063]  }
0x74b: {  	v36 =	vld [tilespmem:s26+$0x2073]  }
0x74c: {  	v37 =	vld [tilespmem:s26+$0x2083]  }
0x74d: {  	v38 =	vld [tilespmem:s26+$0x2884]  }
0x74e: {  	v39 =	vld [tilespmem:s26+$0x2894]  }
0x74f: {  	v40 =	vld [tilespmem:s26+$0x28A4]  }
0x750: {  	v41 =	vld [tilespmem:s26+$0x30A5]  }
0x751: {  	v42 =	vld [tilespmem:s26+$0x30B5]  }
0x752: {  	v43 =	vld [tilespmem:s26+$0x30C5]  }
0x753: {  	v44 =	vld [tilespmem:s26+$0x38C6]  }
0x754: {  	v51 =	vld [tilespmem:s26+$0x5139]  }
0x755: {  	v52 =	vld [tilespmem:s26+$0x5149];
	v10 =	vadd.s32 v10, v11  }
0x756: {  	v53 =	vld [tilespmem:s26+$0x594A];
	v10 =	vadd.s32 v12, v10  }
0x757: {  	v54 =	vld [tilespmem:s26+$0x595A];
	v10 =	vadd.s32 v13, v10  }
0x758: {  	v55 =	vld [tilespmem:s26+$0x596A];
	v10 =	vadd.s32 v14, v10  }
0x759: {  	v45 =	vld [tilespmem:s26+$0x616B];
	v10 =	vadd.s32 v15, v10  }
0x75a: {  	v58 =	vld [tilespmem:s26+$0x617B];
	v10 =	vadd.s32 v16, v10  }
0x75b: {  	v59 =	vld [tilespmem:s26+$0x618B];
	v10 =	vadd.s32 v17, v10  }
0x75c: {  	v11 =	vld [tilespmem:s26+$0x38D6];
	v10 =	vadd.s32 v18, v10  }
0x75d: {  	v12 =	vld [tilespmem:s26+$0x38E6];
	v10 =	vadd.s32 v19, v10  }
0x75e: {  	v13 =	vld [tilespmem:s26+$0x40E7];
	v10 =	vadd.s32 v60, v10  }
0x75f: {  	v56 =	vadd.s32 v28, v29;
	v14 =	vld [tilespmem:s26+$0x40F7];
	v10 =	vadd.s32 v21, v10  }
0x760: {  	v57 =	vadd.s32 v30, v31;
	v26 =	vadd.s32 v33, v56;
	v15 =	vld [tilespmem:s26+$0x4107];
	v10 =	vadd.s32 v61, v10  }
0x761: {  	v27 =	vadd.s32 v34, v57;
	v26 =	vadd.s32 v36, v26;
	v16 =	vld [tilespmem:s26+$0x4908];
	v10 =	vadd.s32 v62, v10  }
0x762: {  	v27 =	vadd.s32 v37, v27;
	v26 =	vadd.s32 v39, v26;
	v17 =	vld [tilespmem:s26+$0x4918];
	v10 =	vadd.s32 v63, v10  }
0x763: {  	v26 =	vadd.s32 v42, v26;
	v18 =	vld [tilespmem:s26+$0x4928];
	v25 =	vadd.s32 v48, v10;
	v10 =	vadd.s32 v49, v50  }
0x764: {  	v27 =	vadd.s32 v40, v27;
	v11 =	vadd.s32 v11, v26;
	v19 =	vld [tilespmem:s26+$0x5129];
	v10 =	vadd.s32 v32, v10  }
0x765: {  	v27 =	vadd.s32 v43, v27;
	v11 =	vadd.s32 v14, v11;
	v14 =	vld [tilespmem:s26+$0x71BD];
	v10 =	vadd.s32 v35, v10  }
0x766: {  	v12 =	vadd.s32 v12, v27;
	v60 =	vld [tilespmem:s26+$0x698C];
	v10 =	vadd.s32 v38, v10  }
0x767: {  	v12 =	vadd.s32 v15, v12;
	v15 =	vld [tilespmem:s26+$0x71CD];
	v10 =	vadd.s32 v41, v10  }
0x768: {  	v61 =	vld [tilespmem:s26+$0x699C];
	v10 =	vadd.s32 v44, v10  }
0x769: {  	v62 =	vld [tilespmem:s26+$0x69AC];
	v10 =	vadd.s32 v13, v10  }
0x76a: {  	v11 =	vadd.s32 v17, v11;
	v12 =	vadd.s32 v18, v12;
	v63 =	vld [tilespmem:s26+$0x71AD];
	v10 =	vadd.s32 v16, v10  }
0x76b: {  	v11 =	vadd.s32 v51, v11;
	v12 =	vadd.s32 v52, v12;
	v13 =	vadd.s32 v19, v10;
	v10 =	vld [tilespmem:s26+$0x79CE]  }
0x76c: {  	v12 =	vadd.s32 v55, v12;
	v16 =	vadd.s32 v54, v11;
	v11 =	vld [tilespmem:s26+$0x79DE];
	v13 =	vadd.s32 v53, v13  }
0x76d: {  	v17 =	vadd.s32 v59, v12;
	v12 =	vld [tilespmem:s26+$0x79EE];
	v16 =	vadd.s32 v58, v16;
	v13 =	vadd.s32 v45, v13  }
0x76e: {  	v19 =	vadd.s32 v62, v17;
	v16 =	vadd.s32 v61, v16;
	v18 =	vadd.s32 v60, v13;
	v13 =	vld [tilespmem:s26+$0x81EF]  }
0x76f: {  	s28 =	simm.s32 $0x0;
	s29 =	simm.s32 $0x100;
	[tilespmem:s26+$0x18B30] =	vst v25;
	v15 =	vadd.s32 v15, v19;
	v16 =	vadd.s32 v14, v16;
	v14 =	vld [tilespmem:s26+$0x81FF];
	v17 =	vadd.s32 v63, v18  }
.LBB2_121:
0x770: {  	s30 =	sshra.s32 s29, $0x2;
	v10 =	vadd.s32 v10, v17;
	v17 =	vld [tilespmem:s26+$0x820F]  }
0x771: {  	s28 =	sadd.s32 $0x4, s28;
	v18 =	vld [tilespmem:s30+$0x830];
	v11 =	vadd.s32 v11, v16  }
0x772: {  	p1 =	slt.u32 s28, $0x3C;
	v16 =	vld [tilespmem:s30+$0x1051];
	v12 =	vadd.s32 v12, v15  }
0x773: {  	v15 =	vld [tilespmem:s30+$0x1872];
	v10 =	vadd.s32 v13, v10  }
0x774: {  	v13 =	vld [tilespmem:s30+$0x2093];
	[tilespmem:s26+$0x18B00] =	vst v10;
	v10 =	vadd.s32 v14, v11  }
0x775: {  	v11 =	vld [tilespmem:s30+$0x28B4];
	[tilespmem:s26+$0x18B10] =	vst v10;
	v10 =	vadd.s32 v17, v12  }
0x776: {  	v12 =	vld [tilespmem:s30+$0x30D5];
	[tilespmem:s26+$0x18B20] =	vst v10;
	s26 =	smov.u32 s30  }
0x777: {  	v10 =	vadd.s32 v18, v16;
	v14 =	vld [tilespmem:s26+$0x38F6]  }
0x778: {  	v10 =	vadd.s32 v15, v10;
	v15 =	vld [tilespmem:s26+$0x4117]  }
0x779: {  	v10 =	vadd.s32 v13, v10;
	v13 =	vld [tilespmem:s26+$0x4938]  }
0x77a: {  	v10 =	vadd.s32 v11, v10;
	v11 =	vld [tilespmem:s26+$0x5159]  }
0x77b: {  	v10 =	vadd.s32 v12, v10;
	v12 =	vld [tilespmem:s26+$0x597A]  }
0x77c: {  	v10 =	vadd.s32 v14, v10;
	v14 =	vld [tilespmem:s26+$0x619B]  }
0x77d: {  	v10 =	vadd.s32 v15, v10;
	v15 =	vld [tilespmem:s26+$0x69BC]  }
0x77e: {  	v10 =	vadd.s32 v13, v10;
	v13 =	vld [tilespmem:s26+$0x71DD]  }
0x77f: {  	v10 =	vadd.s32 v11, v10;
	v11 =	vld [tilespmem:s26+$0x79FE]  }
0x780: {  	v10 =	vadd.s32 v12, v10;
	v12 =	vld [tilespmem:s26+$0x821F]  }
0x781: {  	v16 =	vld [tilespmem:s26+$0x800];
	v10 =	vadd.s32 v14, v10  }
0x782: {  	v14 =	vld [tilespmem:s26+$0x1021];
	v10 =	vadd.s32 v15, v10  }
0x783: {  	v15 =	vld [tilespmem:s26+$0x810];
	v10 =	vadd.s32 v13, v10  }
0x784: {  	v13 =	vld [tilespmem:s26+$0x1031];
	v10 =	vadd.s32 v11, v10  }
0x785: {  	v11 =	vld [tilespmem:s26+$0x820];
	v10 =	vadd.s32 v12, v10  }
0x786: {  	v12 =	vld [tilespmem:s26+$0x1041];
	[tilespmem:s26+$0x18B30] =	vst v10  }
0x787: {  	v10 =	vadd.s32 v16, v14;
	v14 =	vld [tilespmem:s26+$0x1842]  }
0x788: {  	v16 =	vld [tilespmem:s26+$0x1852]  }
0x789: {  	v13 =	vadd.s32 v15, v13;
	v15 =	vld [tilespmem:s26+$0x1862]  }
0x78a: {  	v17 =	vld [tilespmem:s26+$0x2063]  }
0x78b: {  	v18 =	vld [tilespmem:s26+$0x2073];
	v11 =	vadd.s32 v11, v12  }
0x78c: {  	v10 =	vadd.s32 v14, v10;
	v12 =	vld [tilespmem:s26+$0x2083]  }
0x78d: {  	v14 =	vld [tilespmem:s26+$0x2884];
	v13 =	vadd.s32 v16, v13  }
0x78e: {  	v16 =	vld [tilespmem:s26+$0x2894];
	v11 =	vadd.s32 v15, v11  }
0x78f: {  	v10 =	vadd.s32 v17, v10;
	v15 =	vld [tilespmem:s26+$0x28A4]  }
0x790: {  	v17 =	vld [tilespmem:s26+$0x30A5];
	v13 =	vadd.s32 v18, v13  }
0x791: {  	v18 =	vld [tilespmem:s26+$0x30B5];
	v11 =	vadd.s32 v12, v11  }
0x792: {  	v10 =	vadd.s32 v14, v10;
	v12 =	vld [tilespmem:s26+$0x30C5]  }
0x793: {  	v14 =	vld [tilespmem:s26+$0x38C6];
	v13 =	vadd.s32 v16, v13  }
0x794: {  	v16 =	vld [tilespmem:s26+$0x38D6];
	v11 =	vadd.s32 v15, v11  }
0x795: {  	v10 =	vadd.s32 v17, v10;
	v15 =	vld [tilespmem:s26+$0x38E6]  }
0x796: {  	v17 =	vld [tilespmem:s26+$0x40E7];
	v13 =	vadd.s32 v18, v13  }
0x797: {  	v18 =	vld [tilespmem:s26+$0x40F7];
	v11 =	vadd.s32 v12, v11  }
0x798: {  	v10 =	vadd.s32 v14, v10;
	v12 =	vld [tilespmem:s26+$0x4107]  }
0x799: {  	v14 =	vld [tilespmem:s26+$0x4908];
	v13 =	vadd.s32 v16, v13  }
0x79a: {  	v16 =	vld [tilespmem:s26+$0x4918];
	v11 =	vadd.s32 v15, v11  }
0x79b: {  	v10 =	vadd.s32 v17, v10;
	v15 =	vld [tilespmem:s26+$0x4928]  }
0x79c: {  	v17 =	vld [tilespmem:s26+$0x5129];
	v13 =	vadd.s32 v18, v13  }
0x79d: {  	v18 =	vld [tilespmem:s26+$0x5139];
	v11 =	vadd.s32 v12, v11  }
0x79e: {  	v10 =	vadd.s32 v14, v10;
	v12 =	vld [tilespmem:s26+$0x5149]  }
0x79f: {  	v14 =	vld [tilespmem:s26+$0x594A];
	v13 =	vadd.s32 v16, v13  }
0x7a0: {  	v16 =	vld [tilespmem:s26+$0x595A];
	v11 =	vadd.s32 v15, v11  }
0x7a1: {  	v10 =	vadd.s32 v17, v10;
	v15 =	vld [tilespmem:s26+$0x596A]  }
0x7a2: {  	v17 =	vld [tilespmem:s26+$0x616B];
	v13 =	vadd.s32 v18, v13  }
0x7a3: {  	v18 =	vld [tilespmem:s26+$0x617B];
	v11 =	vadd.s32 v12, v11  }
0x7a4: {  	v10 =	vadd.s32 v14, v10;
	v12 =	vld [tilespmem:s26+$0x618B]  }
0x7a5: {  	v14 =	vld [tilespmem:s26+$0x698C];
	v13 =	vadd.s32 v16, v13  }
0x7a6: {  	v16 =	vld [tilespmem:s26+$0x699C];
	v11 =	vadd.s32 v15, v11  }
0x7a7: {  	v10 =	vadd.s32 v17, v10;
	v15 =	vld [tilespmem:s26+$0x69AC]  }
0x7a8: {  	v17 =	vld [tilespmem:s26+$0x71AD];
	v13 =	vadd.s32 v18, v13  }
0x7a9: {  	v18 =	vld [tilespmem:s26+$0x71BD];
	v12 =	vadd.s32 v12, v11  }
0x7aa: {  	v14 =	vadd.s32 v14, v10;
	v19 =	vld [tilespmem:s26+$0x71CD]  }
.Ltmp60:
0x7ab: {  	v10 =	vld [tilespmem:s26+$0x79CE];
	v16 =	vadd.s32 v16, v13;
	(pc) =	sbr.rel @p1 .LBB2_121-.Ltmp60, $4  }
0x7ac: {  	v11 =	vld [tilespmem:s26+$0x79DE];
	v15 =	vadd.s32 v15, v12  }
0x7ad: {  	v17 =	vadd.s32 v17, v14;
	v12 =	vld [tilespmem:s26+$0x79EE]  }
0x7ae: {  	v13 =	vld [tilespmem:s26+$0x81EF];
	v16 =	vadd.s32 v18, v16  }
0x7af: {  	s29 =	sadd.s32 $0x100, s29;
	v14 =	vld [tilespmem:s26+$0x81FF];
	v15 =	vadd.s32 v19, v15  }
0x7b0: {  	v18 =	vld [tilespmem:s26+$0x820F];
	_ =	sdelay $0x1  }
0x7b1: {  	v10 =	vadd.s32 v10, v17  }
0x7b2: {  	v11 =	vadd.s32 v11, v16;
	v10 =	vadd.s32 v13, v10  }
0x7b3: {  	v12 =	vadd.s32 v12, v15;
	[tilespmem:s26+$0x18B00] =	vst v10;
	v10 =	vadd.s32 v14, v11  }
0x7b4: {  	[tilespmem:s26+$0x18B10] =	vst v10;
	v10 =	vadd.s32 v18, v12  }
0x7b5: {  	[tilespmem:s26+$0x18B20] =	vst v10  }
0x7b6: {  	s26 =	rddreg [dreg:$0x1b]  }
0x7b7: {  	[spmem:s26] =	stream.linear.scatter [tilespmem:s5], [sflag:$0x1], $0x400, $0x38;
	[tilespmem:$0x1A480] =	vst v63  }
0x7b8: {  	_ =	swait.ge [sflag:s3], $0x400  }
0x7b9: {  	[sflag:s3] =	ssyncset.done $0x0  }
0x7ba: {  	[sflag:s3] =	ssyncadd.s32 $0xFFFFFC00  }
0x7bb: {  	[bflag:$0x0] =	sbarrier.arrive $0xFFFF  }
0x7bc: {  	s30 =	sld [smem:$0x7ED];
	_ =	sdelay $0x2  }
0x7bd: {  	[tilespmem:s4], [sflag:$0x1] =	stream.linear.gather [spmem:s30], $0x40, $0x38;
	[tilespmem:$0x1A480] =	vst v63  }
0x7be: {  	_ =	swait.ge [sflag:s3], $0x40  }
0x7bf: {  	[sflag:s3] =	ssyncset.done $0x0  }
0x7c0: {  	s30 =	rddreg [dreg:$0x1c];
	[sflag:s3] =	ssyncadd.s32 $0xFFFFFFC0  }
0x7c1: {  	[tilespmem:s6], [sflag:$0x1] =	stream.linear.gather [spmem:s30], $0x40, $0x38;
	[tilespmem:$0x1A480] =	vst v63  }
0x7c2: {  	_ =	swait.ge [sflag:s3], $0x40  }
0x7c3: {  	[sflag:s3] =	ssyncset.done $0x0  }
0x7c4: {  	s30 =	rddreg [dreg:$0x1d];
	[sflag:s3] =	ssyncadd.s32 $0xFFFFFFC0  }
0x7c5: {  	[tilespmem:s7], [sflag:$0x1] =	stream.linear.gather [spmem:s30], $0x40, $0x38;
	[tilespmem:$0x1A480] =	vst v63  }
0x7c6: {  	_ =	swait.ge [sflag:s3], $0x40  }
0x7c7: {  	[sflag:s3] =	ssyncset.done $0x0  }
0x7c8: {  	s30 =	rddreg [dreg:$0x1e];
	[sflag:s3] =	ssyncadd.s32 $0xFFFFFFC0  }
0x7c9: {  	[tilespmem:s8], [sflag:$0x1] =	stream.linear.gather [spmem:s30], $0x40, $0x38;
	[tilespmem:$0x1A480] =	vst v63  }
0x7ca: {  	_ =	swait.ge [sflag:s3], $0x40  }
0x7cb: {  	[sflag:s3] =	ssyncset.done $0x0  }
0x7cc: {  	s30 =	rddreg [dreg:$0x1f];
	[sflag:s3] =	ssyncadd.s32 $0xFFFFFFC0  }
0x7cd: {  	[tilespmem:s9], [sflag:$0x1] =	stream.linear.gather [spmem:s30], $0x40, $0x38;
	[tilespmem:$0x1A480] =	vst v63  }
0x7ce: {  	_ =	swait.ge [sflag:s3], $0x40  }
0x7cf: {  	s30 =	sld [smem:$0x7E2]  }
0x7d0: {  	[sflag:s3] =	ssyncset.done $0x0  }
0x7d1: {  	[sflag:s3] =	ssyncadd.s32 $0xFFFFFFC0  }
0x7d2: {  	[tilespmem:s10], [sflag:$0x1] =	stream.linear.gather [spmem:s30], $0x40, $0x38;
	[tilespmem:$0x1A480] =	vst v63  }
0x7d3: {  	_ =	swait.ge [sflag:s3], $0x40  }
0x7d4: {  	s30 =	sld [smem:$0x7E3]  }
0x7d5: {  	[sflag:s3] =	ssyncset.done $0x0  }
0x7d6: {  	[sflag:s3] =	ssyncadd.s32 $0xFFFFFFC0  }
0x7d7: {  	[tilespmem:s11], [sflag:$0x1] =	stream.linear.gather [spmem:s30], $0x40, $0x38;
	[tilespmem:$0x1A480] =	vst v63  }
0x7d8: {  	_ =	swait.ge [sflag:s3], $0x40  }
0x7d9: {  	s30 =	sld [smem:$0x7E4]  }
0x7da: {  	[sflag:s3] =	ssyncset.done $0x0  }
0x7db: {  	[sflag:s3] =	ssyncadd.s32 $0xFFFFFFC0  }
0x7dc: {  	[tilespmem:s13], [sflag:$0x1] =	stream.linear.gather [spmem:s30], $0x40, $0x38;
	[tilespmem:$0x1A480] =	vst v63  }
0x7dd: {  	_ =	swait.ge [sflag:s3], $0x40  }
0x7de: {  	s30 =	sld [smem:$0x7E5]  }
0x7df: {  	[sflag:s3] =	ssyncset.done $0x0  }
0x7e0: {  	[sflag:s3] =	ssyncadd.s32 $0xFFFFFFC0  }
0x7e1: {  	[tilespmem:s15], [sflag:$0x1] =	stream.linear.gather [spmem:s30], $0x40, $0x38;
	[tilespmem:$0x1A480] =	vst v63  }
0x7e2: {  	_ =	swait.ge [sflag:s3], $0x40  }
0x7e3: {  	s30 =	sld [smem:$0x7E6]  }
0x7e4: {  	[sflag:s3] =	ssyncset.done $0x0  }
0x7e5: {  	[sflag:s3] =	ssyncadd.s32 $0xFFFFFFC0  }
0x7e6: {  	[tilespmem:s16], [sflag:$0x1] =	stream.linear.gather [spmem:s30], $0x40, $0x38;
	[tilespmem:$0x1A480] =	vst v63  }
0x7e7: {  	_ =	swait.ge [sflag:s3], $0x40  }
0x7e8: {  	s30 =	sld [smem:$0x7E7]  }
0x7e9: {  	[sflag:s3] =	ssyncset.done $0x0  }
0x7ea: {  	[sflag:s3] =	ssyncadd.s32 $0xFFFFFFC0  }
0x7eb: {  	[tilespmem:s17], [sflag:$0x1] =	stream.linear.gather [spmem:s30], $0x40, $0x38;
	[tilespmem:$0x1A480] =	vst v63  }
0x7ec: {  	_ =	swait.ge [sflag:s3], $0x40  }
0x7ed: {  	s30 =	sld [smem:$0x7E8]  }
0x7ee: {  	[sflag:s3] =	ssyncset.done $0x0  }
0x7ef: {  	[sflag:s3] =	ssyncadd.s32 $0xFFFFFFC0  }
0x7f0: {  	[tilespmem:s18], [sflag:$0x1] =	stream.linear.gather [spmem:s30], $0x40, $0x38;
	[tilespmem:$0x1A480] =	vst v63  }
0x7f1: {  	_ =	swait.ge [sflag:s3], $0x40  }
0x7f2: {  	s30 =	sld [smem:$0x7E9]  }
0x7f3: {  	[sflag:s3] =	ssyncset.done $0x0  }
0x7f4: {  	[sflag:s3] =	ssyncadd.s32 $0xFFFFFFC0  }
0x7f5: {  	[tilespmem:s19], [sflag:$0x1] =	stream.linear.gather [spmem:s30], $0x40, $0x38;
	[tilespmem:$0x1A480] =	vst v63  }
0x7f6: {  	_ =	swait.ge [sflag:s3], $0x40  }
0x7f7: {  	s30 =	sld [smem:$0x7EA]  }
0x7f8: {  	[sflag:s3] =	ssyncset.done $0x0  }
0x7f9: {  	[sflag:s3] =	ssyncadd.s32 $0xFFFFFFC0  }
0x7fa: {  	[tilespmem:s20], [sflag:$0x1] =	stream.linear.gather [spmem:s30], $0x40, $0x38;
	[tilespmem:$0x1A480] =	vst v63  }
0x7fb: {  	_ =	swait.ge [sflag:s3], $0x40  }
0x7fc: {  	s30 =	sld [smem:$0x7EB]  }
0x7fd: {  	[sflag:s3] =	ssyncset.done $0x0  }
0x7fe: {  	[sflag:s3] =	ssyncadd.s32 $0xFFFFFFC0  }
0x7ff: {  	[tilespmem:s21], [sflag:$0x1] =	stream.linear.gather [spmem:s30], $0x40, $0x38;
	[tilespmem:$0x1A480] =	vst v63  }
0x800: {  	_ =	swait.ge [sflag:s3], $0x40  }
0x801: {  	s30 =	sld [smem:$0x7EC]  }
0x802: {  	[sflag:s3] =	ssyncset.done $0x0  }
0x803: {  	[sflag:s3] =	ssyncadd.s32 $0xFFFFFFC0  }
0x804: {  	[tilespmem:s22], [sflag:$0x1] =	stream.linear.gather [spmem:s30], $0x40, $0x38;
	[tilespmem:$0x1A480] =	vst v63  }
0x805: {  	_ =	swait.ge [sflag:s3], $0x40  }
0x806: {  	[sflag:s3] =	ssyncset.done $0x0  }
0x807: {  	[sflag:s3] =	ssyncadd.s32 $0xFFFFFFC0  }
0x808: {  	v10 =	vld [tilespmem:$0x800]  }
0x809: {  	v11 =	vld [tilespmem:$0x1020]  }
0x80a: {  	v12 =	vld [tilespmem:$0x1840]  }
0x80b: {  	v13 =	vld [tilespmem:$0x2060]  }
0x80c: {  	v14 =	vld [tilespmem:$0x2880]  }
0x80d: {  	v15 =	vld [tilespmem:$0x30A0]  }
0x80e: {  	v16 =	vld [tilespmem:$0x38C0]  }
0x80f: {  	v17 =	vld [tilespmem:$0x40E0]  }
0x810: {  	v60 =	vld [tilespmem:$0x4900]  }
0x811: {  	v19 =	vld [tilespmem:$0x5120]  }
0x812: {  	v20 =	vld [tilespmem:$0x5940]  }
0x813: {  	v21 =	vld [tilespmem:$0x6160]  }
0x814: {  	v22 =	vld [tilespmem:$0x6980]  }
0x815: {  	v23 =	vld [tilespmem:$0x71A0]  }
0x816: {  	v24 =	vld [tilespmem:$0x79C0]  }
0x817: {  	v25 =	vld [tilespmem:$0x81E0]  }
0x818: {  	v26 =	vld [tilespmem:$0x810]  }
0x819: {  	v27 =	vld [tilespmem:$0x1030]  }
0x81a: {  	v28 =	vld [tilespmem:$0x1850]  }
0x81b: {  	v29 =	vld [tilespmem:$0x2070]  }
0x81c: {  	v30 =	vld [tilespmem:$0x2890]  }
0x81d: {  	v31 =	vld [tilespmem:$0x30B0]  }
0x81e: {  	v32 =	vld [tilespmem:$0x38D0]  }
0x81f: {  	v33 =	vld [tilespmem:$0x40F0]  }
0x820: {  	v34 =	vld [tilespmem:$0x4910]  }
0x821: {  	v35 =	vld [tilespmem:$0x5130]  }
0x822: {  	v36 =	vld [tilespmem:$0x5950]  }
0x823: {  	v37 =	vld [tilespmem:$0x6170]  }
0x824: {  	v38 =	vld [tilespmem:$0x6990]  }
0x825: {  	v39 =	vld [tilespmem:$0x71B0]  }
0x826: {  	v40 =	vld [tilespmem:$0x79D0]  }
0x827: {  	v41 =	vld [tilespmem:$0x81F0]  }
0x828: {  	v42 =	vld [tilespmem:$0x820]  }
0x829: {  	v43 =	vld [tilespmem:$0x1040]  }
0x82a: {  	v44 =	vld [tilespmem:$0x1860]  }
0x82b: {  	v45 =	vld [tilespmem:$0x2080]  }
0x82c: {  	v46 =	vld [tilespmem:$0x28A0]  }
0x82d: {  	v47 =	vld [tilespmem:$0x30C0]  }
0x82e: {  	v48 =	vld [tilespmem:$0x38E0]  }
0x82f: {  	v18 =	vld [tilespmem:$0x79E0]  }
0x830: {  	v61 =	vld [tilespmem:$0x830];
	v10 =	vadd.s32 v10, v11  }
0x831: {  	v62 =	vld [tilespmem:$0x1050];
	v10 =	vadd.s32 v12, v10  }
0x832: {  	v63 =	vld [tilespmem:$0x1870];
	v10 =	vadd.s32 v13, v10  }
0x833: {  	v49 =	vld [tilespmem:$0x2090];
	v10 =	vadd.s32 v14, v10  }
0x834: {  	v51 =	vld [tilespmem:$0x28B0];
	v10 =	vadd.s32 v15, v10  }
0x835: {  	v53 =	vld [tilespmem:$0x30D0];
	v10 =	vadd.s32 v16, v10  }
0x836: {  	v54 =	vld [tilespmem:$0x38F0];
	v10 =	vadd.s32 v17, v10  }
0x837: {  	v55 =	vld [tilespmem:$0x4110];
	v10 =	vadd.s32 v60, v10  }
0x838: {  	v56 =	vld [tilespmem:$0x4930];
	v10 =	vadd.s32 v19, v10  }
0x839: {  	v57 =	vld [tilespmem:$0x5150];
	v10 =	vadd.s32 v20, v10  }
0x83a: {  	v58 =	vld [tilespmem:$0x5970];
	v10 =	vadd.s32 v21, v10  }
0x83b: {  	v59 =	vld [tilespmem:$0x6190];
	v10 =	vadd.s32 v22, v10  }
0x83c: {  	v11 =	vld [tilespmem:$0x4100];
	v50 =	vadd.s32 v26, v27;
	v52 =	vadd.s32 v42, v43;
	v10 =	vadd.s32 v23, v10  }
0x83d: {  	v12 =	vld [tilespmem:$0x4920];
	v20 =	vadd.s32 v61, v62;
	v10 =	vadd.s32 v24, v10;
	v24 =	vadd.s32 v28, v50  }
0x83e: {  	v13 =	vld [tilespmem:$0x5140];
	v10 =	vadd.s32 v25, v10;
	v24 =	vadd.s32 v29, v24;
	v25 =	vadd.s32 v44, v52  }
0x83f: {  	v14 =	vld [tilespmem:$0x5960];
	v20 =	vadd.s32 v63, v20;
	v24 =	vadd.s32 v30, v24;
	v25 =	vadd.s32 v45, v25  }
0x840: {  	v15 =	vld [tilespmem:$0x6180];
	v20 =	vadd.s32 v49, v20;
	v24 =	vadd.s32 v31, v24;
	v25 =	vadd.s32 v46, v25  }
0x841: {  	v16 =	vld [tilespmem:$0x69A0];
	v20 =	vadd.s32 v51, v20;
	v24 =	vadd.s32 v32, v24;
	v25 =	vadd.s32 v47, v25  }
0x842: {  	v17 =	vld [tilespmem:$0x71C0];
	v20 =	vadd.s32 v53, v20;
	v24 =	vadd.s32 v33, v24;
	v25 =	vadd.s32 v48, v25  }
0x843: {  	v60 =	vld [tilespmem:$0x69B0];
	v20 =	vadd.s32 v54, v20;
	v24 =	vadd.s32 v34, v24;
	v11 =	vadd.s32 v11, v25  }
0x844: {  	v19 =	vld [tilespmem:$0x8200];
	v24 =	vadd.s32 v35, v24;
	v11 =	vadd.s32 v12, v11;
	v12 =	vadd.s32 v55, v20  }
0x845: {  	v61 =	vadd.s32 v36, v24;
	v11 =	vadd.s32 v13, v11;
	v12 =	vadd.s32 v56, v12;
	v13 =	vld [tilespmem:$0x71D0]  }
0x846: {  	v22 =	vadd.s32 v37, v61;
	v11 =	vadd.s32 v14, v11;
	v12 =	vadd.s32 v57, v12;
	v14 =	vld [tilespmem:$0x79F0]  }
0x847: {  	v22 =	vadd.s32 v38, v22;
	v11 =	vadd.s32 v15, v11;
	v12 =	vadd.s32 v58, v12;
	v15 =	vld [tilespmem:$0x8210]  }
0x848: {  	v22 =	vadd.s32 v39, v22;
	v11 =	vadd.s32 v16, v11;
	v12 =	vadd.s32 v59, v12  }
0x849: {  	v16 =	vadd.s32 v40, v22;
	v11 =	vadd.s32 v17, v11;
	v12 =	vadd.s32 v60, v12  }
0x84a: {  	[tilespmem:$0x18B00] =	vst v10;
	v10 =	vadd.s32 v41, v16;
	v11 =	vadd.s32 v18, v11;
	v12 =	vadd.s32 v13, v12  }
0x84b: {  	[tilespmem:$0x18B10] =	vst v10;
	v10 =	vadd.s32 v19, v11;
	v11 =	vadd.s32 v14, v12  }
0x84c: {  	[tilespmem:$0x18B20] =	vst v10;
	v10 =	vadd.s32 v15, v11  }
0x84d: {  	[tilespmem:$0x18B30] =	vst v10  }
0x84e: {  	[spmem:s12] =	stream.linear.scatter [tilespmem:s5], [sflag:$0x1], $0x40, $0x38;
	[tilespmem:$0x1A480] =	vst v63  }
0x84f: {  	_ =	swait.ge [sflag:s3], $0x40  }
0x850: {  	[sflag:s3] =	ssyncset.done $0x0  }
0x851: {  	[sflag:s3] =	ssyncadd.s32 $0xFFFFFFC0  }
0x852: {  	[bflag:$0x0] =	sbarrier.arrive $0xFFFF  }
0x853: {  	[tilespmem:s2], [sflag:$0x1] =	stream.linear.gather [spmem:s1], $0x400, $0x38;
	[tilespmem:$0x1A480] =	vst v63  }
0x854: {  	_ =	swait.ge [sflag:s3], $0x400  }
0x855: {  	[sflag:s3] =	ssyncset.done $0x0  }
0x856: {  	s30 =	simm.s32 $0x40;
	[sflag:s3] =	ssyncadd.s32 $0xFFFFFC00  }
0x857: {  	v10 =	vld [tilespmem:s30+$0x30]  }
0x858: {  	v11 =	vld [tilespmem:s30+$0xFFFFFFD0]  }
0x859: {  	v12 =	vld [tilespmem:s30+$0xFFFFFFE0]  }
0x85a: {  	v13 =	vld [tilespmem:s30+$0xFFFFFFF0]  }
0x85b: {  	v14 =	vld [tilespmem:s30+$0x0]  }
0x85c: {  	v15 =	vld [tilespmem:s30+$0x10];
	(xrf0) =	vadd.scan.msk.s32 $0xffff, v10  }
0x85d: {  	v16 =	vld [tilespmem:s30+$0x20];
	(xrf0) =	vadd.scan.msk.s32 $0xffff, v11  }
0x85e: {  	s29 =	simm.s32 $0xC0;
	v17 =	vld [tilespmem:s30+$0xFFFFFFC0];
	(xrf0) =	vadd.scan.msk.s32 $0xffff, v12  }
0x85f: {  	v12 =	vld [tilespmem:s29+$0x30];
	(xrf0) =	vadd.scan.msk.s32 $0xffff, v13  }
0x860: {  	v62 =	vld [tilespmem:s29+$0xFFFFFFD0];
	(xrf0) =	vadd.scan.msk.s32 $0xffff, v14  }
0x861: {  	v63 =	vld [tilespmem:s29+$0xFFFFFFE0];
	(xrf0) =	vadd.scan.msk.s32 $0xffff, v15  }
0x862: {  	s26 =	simm.s32 $0x840;
	v10 =	vld [tilespmem:s29+$0xFFFFFFF0];
	(xrf0) =	vadd.scan.msk.s32 $0xffff, v16;
	v13, _, _ =	vpop (xrf0)  }
0x863: {  	v11 =	vld [tilespmem:s29+$0x0];
	[tilespmem:s26+$0x30] =	vst v13;
	(xrf0) =	vadd.scan.msk.s32 $0xffff, v17;
	v14, _, _ =	vpop (xrf0)  }
0x864: {  	v13 =	vld [tilespmem:s29+$0x10];
	(xrf0) =	vadd.scan.msk.s32 $0xffff, v12;
	[tilespmem:s26+$0xFFFFFFD0] =	vst v14;
	v12, _, _ =	vpop (xrf0)  }
0x865: {  	v14 =	vld [tilespmem:s29+$0x20];
	(xrf0) =	vadd.scan.msk.s32 $0xffff, v62;
	[tilespmem:s26+$0xFFFFFFE0] =	vst v12;
	v15, _, _ =	vpop (xrf0)  }
0x866: {  	s28 =	simm.s32 $0x8;
	v12 =	vld [tilespmem:s29+$0xFFFFFFC0];
	s29 =	simm.s32 $0x140;
	(xrf0) =	vadd.scan.msk.s32 $0xffff, v63;
	[tilespmem:s26+$0xFFFFFFF0] =	vst v15;
	v15, _, _ =	vpop (xrf0)  }
.LBB2_123:
0x867: {  	v16 =	vld [tilespmem:s29+$0x30];
	s28 =	sadd.s32 $0x8, s28;
	(xrf0) =	vadd.scan.msk.s32 $0xffff, v10;
	[tilespmem:s26+$0x0] =	vst v15;
	v10, _, _ =	vpop (xrf0)  }
0x868: {  	v15 =	vld [tilespmem:s29+$0xFFFFFFD0];
	p1 =	slt.u32 s28, $0x38;
	(xrf0) =	vadd.scan.msk.s32 $0xffff, v11;
	[tilespmem:s26+$0x10] =	vst v10;
	v10, _, _ =	vpop (xrf0)  }
0x869: {  	v17 =	vld [tilespmem:s29+$0xFFFFFFE0];
	(xrf0) =	vadd.scan.msk.s32 $0xffff, v13;
	[tilespmem:s26+$0x20] =	vst v10;
	v11, _, _ =	vpop (xrf0)  }
.Ltmp61:
0x86a: {  	v10 =	vld [tilespmem:s29+$0xFFFFFFF0];
	(xrf0) =	vadd.scan.msk.s32 $0xffff, v14;
	v13, _, _ =	vpop (xrf0);
	[tilespmem:s26+$0xFFFFFFC0] =	vst v11;
	s26 =	sadd.s32 $0x80, s26;
	(pc) =	sbr.rel @p1 .LBB2_123-.Ltmp61, $4  }
0x86b: {  	v11 =	vld [tilespmem:s29+$0x0];
	[tilespmem:s26+$0x30] =	vst v13;
	(xrf0) =	vadd.scan.msk.s32 $0xffff, v12;
	v12, _, _ =	vpop (xrf0)  }
0x86c: {  	v13 =	vld [tilespmem:s29+$0x10];
	(xrf0) =	vadd.scan.msk.s32 $0xffff, v16;
	[tilespmem:s26+$0xFFFFFFD0] =	vst v12;
	v12, _, _ =	vpop (xrf0)  }
0x86d: {  	v14 =	vld [tilespmem:s29+$0x20];
	(xrf0) =	vadd.scan.msk.s32 $0xffff, v15;
	[tilespmem:s26+$0xFFFFFFE0] =	vst v12;
	v15, _, _ =	vpop (xrf0)  }
0x86e: {  	v12 =	vld [tilespmem:s29+$0xFFFFFFC0];
	s29 =	sadd.s32 $0x80, s29;
	(xrf0) =	vadd.scan.msk.s32 $0xffff, v17;
	[tilespmem:s26+$0xFFFFFFF0] =	vst v15;
	v15, _, _ =	vpop (xrf0)  }
0x86f: {  	(xrf0) =	vadd.scan.msk.s32 $0xffff, v10;
	[tilespmem:s26+$0x0] =	vst v15;
	v10, _, _ =	vpop (xrf0)  }
0x870: {  	(xrf0) =	vadd.scan.msk.s32 $0xffff, v11;
	[tilespmem:s26+$0x10] =	vst v10;
	v10, _, _ =	vpop (xrf0)  }
0x871: {  	(xrf0) =	vadd.scan.msk.s32 $0xffff, v13;
	[tilespmem:s26+$0x20] =	vst v10;
	v10, _, _ =	vpop (xrf0)  }
0x872: {  	s28 =	sadd.s32 $0x80, s26;
	(xrf0) =	vadd.scan.msk.s32 $0xffff, v14;
	v11, _, _ =	vpop (xrf0);
	[tilespmem:s26+$0xFFFFFFC0] =	vst v10  }
0x873: {  	[tilespmem:s28+$0x30] =	vst v11;
	(xrf0) =	vadd.scan.msk.s32 $0xffff, v12;
	v10, _, _ =	vpop (xrf0)  }
0x874: {  	[tilespmem:s28+$0xFFFFFFD0] =	vst v10;
	v10, _, _ =	vpop (xrf0)  }
0x875: {  	s26 =	simm.s32 $0x0;
	[tilespmem:s28+$0xFFFFFFE0] =	vst v10;
	v10, _, _ =	vpop (xrf0)  }
0x876: {  	v11 =	vor.u32 s26, v3;
	[tilespmem:s28+$0xFFFFFFF0] =	vst v10;
	v10, _, _ =	vpop (xrf0)  }
0x877: {  	[tilespmem:s28+$0x0] =	vst v10;
	v10, _, _ =	vpop (xrf0)  }
0x878: {  	[tilespmem:s28+$0x10] =	vst v10;
	v10, _, _ =	vpop (xrf0)  }
0x879: {  	[tilespmem:s28+$0x20] =	vst v10;
	v10, _, _ =	vpop (xrf0)  }
0x87a: {  	[tilespmem:s28+$0xFFFFFFC0] =	vst v10  }
0x87b: {  	v11 =	vld.idx.msk [tilespmem:v11+s4+$0x0], $0xffff;
	_ =	sdelay $0x4  }
0x87c: {  	(xrf0) =	vadd.scan.msk.s32 $0xffff, v11;
	_ =	sdelay $0x5  }
0x87d: {  	v10 =	vimm.s32 $0x0;
	v12, _, _ =	vpop (xrf0)  }
0x87e: {  	v6 =	vsub.s32 v6, v8;
	v8 =	vadd.s32 v10, v12  }
0x87f: {  	vm0 =	vge.s32 v8, v6  }
0x880: {  	v12 =	vmctz.xlane vm0;
	_ =	sdelay $0x1  }
0x881: {  	vm1 =	vlt.s32 v12, $0xF  }
0x882: {  	v13 =	vnsel vm1, $0xF, v12  }
0x883: {  	s28 =	simm.s32 $0x100  }
0x884: {  	v14 =	vor.u32 s28, v3  }
0x885: {  	v11 =	vsub.s32 v8, v11  }
0x886: {  	v15 =	vmpcnt.ones.xlane vm0;
	[tilespmem:$0x1A380] =	vst v11  }
0x887: {  	v16 =	vimm.s32 $0xFFFFFFFF;
	v12 =	vld.idx.msk [tilespmem:v13+s23+$0x0], $0xffff  }
0x888: {  	vm0 =	vgt.s32 v15, $0x0;
	vm1 =	vlt.s32 v16, $0x0;
	[tilespmem:$0x1A400] =	vst v8  }
0x889: {  	vm0 =	vmand vm1, vm0;
	v8 =	vadd.s32 s26, v13;
	v11 =	vld.idx.msk [tilespmem:v14+s4+$0x0], $0xffff  }
0x88a: {  	s28 =	simm.s32 $0x200;
	v8 =	vsel vm0, v8, v16;
	v13 =	vld.idx.msk [tilespmem:v4+s24+$0x0], $0xffff  }
.LBB2_125:
0x88b: {  	p1 =	sne.s32 s28, $0x300  }
0x88c: {  	s26 =	sadd.s32 $0x10, s26;
	s29 =	smov.u32 s28;
	s28 =	sadd.s32 $0x100, s28;
	v10 =	vsel vm0, v12, v10  }
0x88d: {  	_ = 	snop  }
0x88e: {  	(xrf0) =	vadd.scan.msk.s32 $0xffff, v11;
	_ =	sdelay $0x5  }
0x88f: {  	v12, _, _ =	vpop (xrf0)  }
0x890: {  	v13 =	vadd.s32 v13, v12  }
0x891: {  	vm0 =	vge.s32 v13, v6;
	v11 =	vsub.s32 v13, v11  }
0x892: {  	v12 =	vmpcnt.ones.xlane vm0;
	v14 =	vmctz.xlane vm0;
	_ =	sdelay $0x1  }
0x893: {  	vm0 =	vlt.s32 v14, $0xF;
	vm1 =	vgt.s32 v12, $0x0  }
0x894: {  	v12 =	vnsel vm0, $0xF, v14;
	vm0 =	vlt.s32 v8, $0x0  }
0x895: {  	vm0 =	vmand vm0, vm1;
	v14 =	vadd.s32 s26, v12  }
0x896: {  	v15 =	vor.u32 s29, v3;
	v8 =	vsel vm0, v14, v8;
	_ =	sdelay $0x1  }
.Ltmp62:
0x897: {  	[tilespmem:$0x1A380] =	vst v11;
	(pc) =	sbr.rel @p1 .LBB2_125-.Ltmp62, $4  }
0x898: {  	v12 =	vld.idx.msk [tilespmem:v12+s23+$0x0], $0xffff  }
0x899: {  	[tilespmem:$0x1A400] =	vst v13  }
0x89a: {  	v11 =	vld.idx.msk [tilespmem:v15+s4+$0x0], $0xffff  }
0x89b: {  	v13 =	vld.idx.msk [tilespmem:v4+s24+$0x0], $0xffff  }
0x89c: {  	_ =	sdelay $0x2  }
0x89d: {  	(xrf0) =	vadd.scan.msk.s32 $0xffff, v11;
	_ =	sdelay $0x5  }
0x89e: {  	v14, _, _ =	vpop (xrf0)  }
0x89f: {  	v13 =	vadd.s32 v13, v14  }
0x8a0: {  	vm1 =	vge.s32 v13, v6  }
0x8a1: {  	v58 =	vmctz.xlane vm1  }
0x8a2: {  	v15 =	vmpcnt.ones.xlane vm1  }
0x8a3: {  	vm12 =	vlt.s32 v58, $0xF  }
0x8a4: {  	s26 =	sadd.s32 $0x10, s26;
	vm13 =	vlt.s32 v8, $0x0;
	vm2 =	vgt.s32 v15, $0x0;
	v14 =	vnsel vm12, $0xF, v58  }
0x8a5: {  	vm1 =	vmand vm13, vm2;
	v59 =	vadd.s32 s26, v14  }
0x8a6: {  	v60 =	vsel vm1, v59, v8  }
0x8a7: {  	vm14 =	vgt.s32 v60, $0x0  }
0x8a8: {  	v8 =	vnsel vm14, $0x0, v60  }
0x8a9: {  	v8 =	vor.u32 $0x80000000, v8  }
0x8aa: {  	(xrf0) =	vmax.scan.msk.u32 $0xffff, v8;
	_ =	sdelay $0x5  }
0x8ab: {  	v8, _, _ =	vpop (xrf0)  }
0x8ac: {  	(v2sf) =	vpush v8, $0xF;
	_ =	sdelay $0xd  }
0x8ad: {  	v61 =	vsub.s32 v13, v11  }
0x8ae: {  	[tilespmem:$0x1A380] =	vst v61;
	s29 =	spop (v2sf)  }
0x8af: {  	v8 =	vld.idx.msk [tilespmem:v14+s23+$0x0], $0xffff;
	[tilespmem:$0x1A400] =	vst v13;
	s26 =	sshll.u32 s29, $0x4  }
0x8b0: {  	v62 =	vld [tilespmem:s26+$0x800];
	_ =	sdelay $0x2  }
0x8b1: {  	v10 =	vsel vm0, v12, v10  }
0x8b2: {  	v8 =	vsel vm1, v8, v10  }
0x8b3: {  	v8 =	vadd.s32 v8, v62  }
0x8b4: {  	v63 =	vld [tilespmem:s26+$0x0];
	vm15 =	vge.s32 v8, v6  }
0x8b5: {  	v6 =	vmctz.xlane vm15;
	_ =	sdelay $0x1  }
0x8b6: {  	vm0 =	vlt.s32 @!p0 v6, $0xF  }
0x8b7: {  	v7 =	vshll.u32 @!p0 v7, $0x15;
	v9 =	vshll.u32 @!p0 v9, $0xA;
	v6 =	vnsel @!p0 vm0, $0xF, v6  }
0x8b8: {  	v7 =	vor.u32 @!p0 v7, v9;
	v8 =	vsub.s32 v8, v63;
	v6 =	vadd.s32 @!p0 s26, v6  }
0x8b9: {  	[tilespmem:$0x1A380] =	vst v8;
	v6 =	vor.u32 @!p0 v6, v7  }
0x8ba: {  	s28 =	simm.s32 @!p0 $0x8A00;
	s29 =	rddreg [dreg:$0x8];
	s26 =	simm.s32 @!p0 $0x0;
	[tilespmem:$0x8A00] =	vst @!p0 v6  }
0x8bb: {  	[hbm4b:s29+s26] =	stream.linear.scatter @!p0 [tilespmem:s28], [sflag:$0x1], $0x80, $0x38;
	[tilespmem:$0x1A480] =	vst v63  }
0x8bc: {  	s26 =	simm.s32 @!p0 $0x1  }
0x8bd: {  	_ =	swait.ge @!p0 [sflag:s26], $0x80  }
0x8be: {  	s30 =	sld [smem:$0x7F0];
	_ =	sdelay $0x1  }
0x8bf: {  	s25 =	sadd.s32 $0x1, s25  }
0x8c0: {  	p1 =	sne.s32 s25, s30  }
.Ltmp63:
0x8c1: {  	_ = 	snop;
	(pc) =	sbr.rel @p1 .LBB2_1-.Ltmp63, $4  }
.Ltmp64:
0x8c2: {  	_ = 	snop;
	(pc) =	sbr.rel @!p1 .LBB2_127-.Ltmp64, $4  }
0x8c3: {  	_ = 	snop  }
0x8c4: {  	[sflag:s26] =	ssyncset.done @!p0 $0x0  }
0x8c5: {  	[sflag:s26] =	ssyncadd.s32 @!p0 $0xFFFFFF80  }
0x8c6: {  	_ = 	snop  }
.LBB2_40:
.Ltmp65:
0x8c7: {  	(pc) =	sbr.rel .LBB2_44-.Ltmp65, $2  }
0x8c8: {  	_ =	sdelay $0x2  }
0x8c9: {  	v9 =	vimm.s32 $0x0;
	s28 =	simm.s32 $0x0;
	v12 =	vimm.s32 $0x0  }
.LBB2_42:
.Ltmp66:
0x8ca: {  	(pc) =	sbr.rel .LBB2_44-.Ltmp66, $2  }
0x8cb: {  	_ =	sdelay $0x2  }
0x8cc: {  	v9 =	vimm.s32 $0x0;
	s28 =	simm.s32 $0x0  }
.LBB2_127:
0x8cd: {  	_ =	sfence.sel $0x180000  }
0x8ce: {  	[bflag:$0x0] =	sbarrier.arrive $0xFFFF  }
0x8cf: {  	_ =	strace $0x90000047  }
0x8d0: {  	s0 =	stileid.u32;
	[bflag:$0x2] =	sbarrier.arrive $0xFFFF  }
0x8d1: {  	p0 =	sne.s32 s0, $0x0;
	s0 =	rddreg [dreg:$0x6]  }
0x8d2: {  	s0 =	sadd.s32 @!p0 $0x100000, s0  }
0x8d3: {  	[sflag:s0] =	ssyncadd.tile.s32 @!p0 $0x1;
	_ =	shalt  }
.Lfunc_end2:
_tile_overlayer_lowered:
.L_overlay_start_2:
0x8d4: {  	(tag) =	ssettag $0x2  }
0x8d5: {  	s0 =	rddreg [dreg:$0x0];
	s2 =	stileid.u32  }
0x8d6: {  	s1 =	rddreg [dreg:$0x1];
	p0 =	sne.s32 s2, $0x0  }
0x8d7: {  	s3 =	rddreg [dreg:$0x2];
	[bflag:$0x3] =	sbarrier.arrive $0xFFFF;
	s2 =	simm.s32 @!p0 $0x1C01  }
0x8d8: {  	[timem:s3], [sflag:s2] =	dma.local @!p0 [hbm:s0], s1  }
0x8d9: {  	s0 =	simm.s32 @!p0 $0x1  }
0x8da: {  	_ =	swait.ge @!p0 [sflag:s0], s1  }
0x8db: {  	s1 =	ssub.s32 @!p0 $0x0, s1;
	[sflag:s0] =	ssyncset.done @!p0 $0x0  }
0x8dc: {  	[sflag:s0] =	ssyncadd.s32 @!p0 s1  }
0x8dd: {  	[bflag:$0x3] =	sbarrier.arrive $0xFFFF  }
0x8de: {  	_ =	shalt  }

</sc_bundles>
